<compile_context>
chip_gen: v7x
topology: tpu7x:2x2x1
jax: 0.10.2.dev20260603
libtpu: 0.0.44.dev20260713+nightly
codegen_flags: <defaults>
</compile_context>

<pallas_src>
import functools

import jax
import jax.numpy as jnp
from jax import lax
from jax.experimental import pallas as pl
from jax.experimental.pallas import tpu as pltpu
from jax.experimental.pallas import tpu_sc as plsc

K = 16384
C = 1000
ALPHA = 0.1
SIGMA = 0.01

LOGN = 14

NC = 2
NS = 16
NW = NC * NS
RPW = K // NW
CHUNK = 32
NCHUNK = RPW // CHUNK
L = 16


def _sc_gather_body(flat_hbm, lab_hbm, out_hbm, lab_v, idx_v, r_v, sem):
    wid = lax.axis_index("s") * NC + lax.axis_index("c")
    base = wid * RPW
    pltpu.sync_copy(lab_hbm.at[pl.ds(base, RPW)], lab_v)

    iota16 = lax.broadcasted_iota(jnp.int32, (L,), 0)
    for v in range(RPW // L):
        off = v * L
        li = lab_v[pl.ds(off, L)]
        idx_v[pl.ds(off, L)] = (base + off + iota16) * C + li

    for g in range(RPW // 128):
        pltpu.async_copy(
            flat_hbm.at[idx_v.at[pl.ds(g * 128, 128)]],
            r_v.at[pl.ds(g * 128, 128)],
            sem,
        ).wait()

    pltpu.sync_copy(r_v, out_hbm.at[pl.ds(base, RPW)])


@functools.partial(jax.jit, static_argnums=())
def _sc_gather(smx_flat, labels):
    mesh = plsc.VectorSubcoreMesh(core_axis_name="c", subcore_axis_name="s")
    return pl.kernel(
        _sc_gather_body,
        mesh=mesh,
        out_type=jax.ShapeDtypeStruct((K,), jnp.float32),
        scratch_types=[
            pltpu.VMEM((RPW,), jnp.int32),
            pltpu.VMEM((RPW,), jnp.int32),
            pltpu.VMEM((RPW,), jnp.float32),
            pltpu.SemaphoreType.DMA,
        ],
    )(smx_flat, labels)


def _sortnet_body(r_ref, w_ref, out_ref):
    key = r_ref[:, :]
    val = jax.nn.sigmoid(w_ref[:, :])
    ssum = jnp.sum(val)

    ri = jax.lax.broadcasted_iota(jnp.int32, (128, 128), 0)
    ci = jax.lax.broadcasted_iota(jnp.int32, (128, 128), 1)
    ii = ri * 128 + ci
    bit0_i = [1 - ((ii >> s) & 1) for s in range(LOGN)]
    lo_bs = [b == 1 for b in bit0_i]
    ones_i = jnp.full((128, 128), 1, jnp.int32)

    for p in range(1, LOGN + 1):
        up_i = bit0_i[p] if p < LOGN else ones_i
        for s in range(p - 1, -1, -1):
            d = 1 << s
            if d < 128:
                axis, dist = 1, d
            else:
                axis, dist = 0, d >> 7
            lo_i = bit0_i[s]
            lo_b = lo_bs[s]
            kf = pltpu.roll(key, 128 - dist, axis)
            kb = pltpu.roll(key, dist, axis)
            keyB = jnp.where(lo_b, kf, kb)
            vf = pltpu.roll(val, 128 - dist, axis)
            vb = pltpu.roll(val, dist, axis)
            valB = jnp.where(lo_b, vf, vb)
            wm_i = 1 - (lo_i ^ up_i)
            le_i = jnp.where(key <= keyB, 1, 0)
            lt_i = jnp.where(key < keyB, 1, 0)
            cmp_i = jnp.where(lo_b, le_i, lt_i)
            take_b = cmp_i == wm_i
            key = jnp.where(take_b, key, keyB)
            val = jnp.where(take_b, val, valB)

    w = val * (1.0 / (ssum + 1.0))

    x = w
    for s in (1, 2, 4, 8, 16, 32, 64):
        sh = pltpu.roll(x, s, 1)
        x = x + jnp.where(ci >= s, sh, 0.0)
    row_tot = jnp.sum(w, axis=1, keepdims=True)
    ri1 = jax.lax.broadcasted_iota(jnp.int32, (128, 1), 0)
    y = row_tot
    for s in (1, 2, 4, 8, 16, 32, 64):
        sh = pltpu.roll(y, s, 0)
        y = y + jnp.where(ri1 >= s, sh, 0.0)
    c = x + (y - row_tot)

    resi = c - (1.0 - ALPHA)
    xx = -(resi * resi) * (1.0 / SIGMA)
    m = jnp.max(xx)
    e = jnp.exp(xx - m)
    se = jnp.sum(e)
    num = jnp.sum(key * e)
    out_ref[:, :] = jnp.full((1, 1), num / se, jnp.float32)


def kernel(cal_smx, cal_labels, weights):
    r_flat = _sc_gather(cal_smx.reshape(K * C), cal_labels.astype(jnp.int32))

    out = pl.pallas_call(
        _sortnet_body,
        in_specs=[
            pl.BlockSpec((128, 128), lambda: (0, 0)),
            pl.BlockSpec((128, 128), lambda: (0, 0)),
        ],
        out_specs=pl.BlockSpec((1, 1), lambda: (0, 0)),
        out_shape=jax.ShapeDtypeStruct((1, 1), jnp.float32),
    )(r_flat.reshape(128, 128), weights.reshape(128, 128))

    q = out[0, 0]
    return (q, q)


def _x6_body(smx_hbm, lab_hbm, out_hbm, chk_v, lab_v, idx_v, g_v, r_v, sem):
    wid = lax.axis_index("s") * NC + lax.axis_index("c")
    base = wid * RPW
    pltpu.sync_copy(lab_hbm.at[pl.ds(base, RPW)], lab_v)
    pltpu.sync_copy(smx_hbm.at[pl.ds(base, 8)], chk_v)
    iota16 = lax.broadcasted_iota(jnp.int32, (L,), 0)
    for v in range(RPW // L):
        off = v * L
        li = lab_v[pl.ds(off, L)]
        idx_v[pl.ds(off, L)] = li + iota16
    for g in range(RPW // 128):
        pltpu.async_copy(
            lab_hbm.at[idx_v.at[pl.ds(g * 128, 128)]],
            g_v.at[pl.ds(g * 128, 128)],
            sem,
        ).wait()
    for v in range(RPW // L):
        off = v * L
        r_v[pl.ds(off, L)] = g_v[pl.ds(off, L)].astype(jnp.float32)
    pltpu.sync_copy(r_v, out_hbm.at[pl.ds(base, RPW)])


def _x6_gather(smx, labels):
    mesh = plsc.VectorSubcoreMesh(core_axis_name="c", subcore_axis_name="s")
    return pl.kernel(
        _x6_body,
        mesh=mesh,
        out_type=jax.ShapeDtypeStruct((K,), jnp.float32),
        scratch_types=[
            pltpu.VMEM((8, C), jnp.float32),
            pltpu.VMEM((RPW,), jnp.int32),
            pltpu.VMEM((RPW,), jnp.int32),
            pltpu.VMEM((RPW,), jnp.int32),
            pltpu.VMEM((RPW,), jnp.float32),
            pltpu.SemaphoreType.DMA,
        ],
    )(smx, labels)


def kernel(cal_smx, cal_labels, weights):
    r_flat = _x6_gather(cal_smx, cal_labels.astype(jnp.int32))
    out = pl.pallas_call(
        _sortnet_body,
        in_specs=[
            pl.BlockSpec((128, 128), lambda: (0, 0)),
            pl.BlockSpec((128, 128), lambda: (0, 0)),
        ],
        out_specs=pl.BlockSpec((1, 1), lambda: (0, 0)),
        out_shape=jax.ShapeDtypeStruct((1, 1), jnp.float32),
    )(r_flat.reshape(128, 128), weights.reshape(128, 128))
    q = out[0, 0]
    return (q, q)

# --- scband reference (transcript-rebuilt; emitter-appended) ---
"""Pipeline reference for scband-nex-model-60413009985788 (READ-ONLY COPY).

The authoritative reference and input builder live on the scoring server;
editing this copy changes nothing except your own understanding.
"""

import jax, jax.numpy as jnp
import numpy as np

K = 16384
C = 1000
ALPHA = 0.1
SIGMA = 0.01


def setup_inputs(seed: int = 0) -> dict:
    key = jax.random.key(seed)
    k1, k2 = jax.random.split(key)
    cal_smx = jax.random.normal(k1, (K, C), dtype=jnp.float32)
    cal_labels = jax.random.randint(k2, (K,), 0, C)
    # learned parameter: weights initialized as rho ** arange(k, 0, -1)
    weights = jnp.asarray(0.99 ** np.arange(K, 0, -1), dtype=jnp.float32)
    return {"cal_smx": cal_smx, "cal_labels": cal_labels, "weights": weights}


def reference(cal_smx, cal_labels, weights):
    n = cal_smx.shape[0]
    # cal_labels is 1-D -> used directly (matches torch branch for 1-D labels)
    R = cal_smx[jnp.arange(n), cal_labels]
    ord_R = jnp.argsort(R)
    R_sort = R[ord_R]
    weights_sig = jax.nn.sigmoid(weights)
    weights_normalized = weights_sig / (jnp.sum(weights_sig) + 1.0)
    weights_cumsum = jnp.cumsum(weights_normalized[ord_R], axis=0)
    weights_cumsum_resi = weights_cumsum - (1.0 - ALPHA)
    soft_weight = jax.nn.softmax(-(weights_cumsum_resi ** 2) / SIGMA, axis=0)
    qhat = jnp.sum(R_sort * soft_weight)
    return (qhat, qhat)

if __name__ == "__main__":
    import jax
    _d = setup_inputs()
    print(jax.jit(kernel)(*tuple(_d.values())))

</pallas_src>

<mosaic_0001>
#map = affine_map<(d0, d1) -> (0, 0)>
#map1 = affine_map<(d0, d1) -> (0)>
module attributes {stable_mosaic.version = 14 : i64} {
  func.func @_x6_body(%arg0: i32, %arg1: i32, %arg2: memref<16384x1000xf32, #tpu.memory_space<hbm>>, %arg3: memref<16384xi32, #tpu.memory_space<hbm>>, %arg4: memref<16384xf32, #tpu.memory_space<hbm>>, %arg5: memref<8x1000xf32, #tpu.memory_space<vmem>>, %arg6: memref<512xi32, #tpu.memory_space<vmem>>, %arg7: memref<512xi32, #tpu.memory_space<vmem>>, %arg8: memref<512xi32, #tpu.memory_space<vmem>>, %arg9: memref<512xf32, #tpu.memory_space<vmem>>, %arg10: memref<!tpu.dma_semaphore, #tpu.memory_space<semaphore_mem>>) attributes {dimension_semantics = [#tpu.dimension_semantics<core_parallel>, #tpu.dimension_semantics<subcore_parallel>], iteration_bounds = array<i64: 2, 16>, scalar_prefetch = 0 : i64, scratch_operands = 6 : i64, tpu.core_type = #tpu.core_type<sc_vector_subcore>, window_params = [{transform_indices = #map}, {transform_indices = #map1}, {transform_indices = #map1}]} {
    %mul3A = arith.constant 2 : i32
    %mul3A_0 = arith.muli %arg1, %mul3A : i32
    %add3A = arith.addi %mul3A_0, %arg0 : i32
    %mul3A_1 = arith.constant 512 : i32
    %mul3A_2 = arith.muli %add3A, %mul3A_1 : i32
    "tpu.region"() ({
      %run_scoped3A = tpu.sem_alloc : memref<!tpu.dma_semaphore, #tpu.memory_space<semaphore_mem>>
      %dma_start3A_558 = tpu.memref_slice %arg3[%mul3A_2] : memref<16384xi32, #tpu.memory_space<hbm>> -> memref<512xi32, #tpu.memory_space<hbm>>
      %dma_start3A_559 = tpu.memref_slice %arg3[%mul3A_2] : memref<16384xi32, #tpu.memory_space<hbm>> -> memref<512xi32, #tpu.memory_space<hbm>>
      tpu.enqueue_dma source(%dma_start3A_559 : memref<512xi32, #tpu.memory_space<hbm>>) target(%arg6 : memref<512xi32, #tpu.memory_space<vmem>>) target_semaphore(%run_scoped3A : memref<!tpu.dma_semaphore, #tpu.memory_space<semaphore_mem>>)
      %dma_wait3A_560 = tpu.memref_slice %arg3[%mul3A_2] : memref<16384xi32, #tpu.memory_space<hbm>> -> memref<512xi32, #tpu.memory_space<hbm>>
      %dma_wait3A_561 = tpu.memref_slice %arg3[%mul3A_2] : memref<16384xi32, #tpu.memory_space<hbm>> -> memref<512xi32, #tpu.memory_space<hbm>>
      tpu.wait_dma2 semaphore(%run_scoped3A : memref<!tpu.dma_semaphore, #tpu.memory_space<semaphore_mem>>) src(%dma_wait3A_561 : memref<512xi32, #tpu.memory_space<hbm>>) dst(%arg6 : memref<512xi32, #tpu.memory_space<vmem>>)
      tpu.yield
    }) : () -> ()
    "tpu.region"() ({
      %run_scoped3A = tpu.sem_alloc : memref<!tpu.dma_semaphore, #tpu.memory_space<semaphore_mem>>
      %dma_start3A_558 = arith.constant 0 : i32
      %dma_start3A_559 = tpu.memref_slice %arg2[%mul3A_2, %dma_start3A_558] : memref<16384x1000xf32, #tpu.memory_space<hbm>> -> memref<8x1000xf32, #tpu.memory_space<hbm>>
      %dma_start3A_560 = arith.constant 0 : i32
      %dma_start3A_561 = tpu.memref_slice %arg2[%mul3A_2, %dma_start3A_560] : memref<16384x1000xf32, #tpu.memory_space<hbm>> -> memref<8x1000xf32, #tpu.memory_space<hbm>>
      tpu.enqueue_dma source(%dma_start3A_561 : memref<8x1000xf32, #tpu.memory_space<hbm>>) target(%arg5 : memref<8x1000xf32, #tpu.memory_space<vmem>>) target_semaphore(%run_scoped3A : memref<!tpu.dma_semaphore, #tpu.memory_space<semaphore_mem>>)
      %dma_wait3A_562 = arith.constant 0 : i32
      %dma_wait3A_563 = tpu.memref_slice %arg2[%mul3A_2, %dma_wait3A_562] : memref<16384x1000xf32, #tpu.memory_space<hbm>> -> memref<8x1000xf32, #tpu.memory_space<hbm>>
      %dma_wait3A_564 = arith.constant 0 : i32
      %dma_wait3A_565 = tpu.memref_slice %arg2[%mul3A_2, %dma_wait3A_564] : memref<16384x1000xf32, #tpu.memory_space<hbm>> -> memref<8x1000xf32, #tpu.memory_space<hbm>>
      tpu.wait_dma2 semaphore(%run_scoped3A : memref<!tpu.dma_semaphore, #tpu.memory_space<semaphore_mem>>) src(%dma_wait3A_565 : memref<8x1000xf32, #tpu.memory_space<hbm>>) dst(%arg5 : memref<8x1000xf32, #tpu.memory_space<vmem>>)
      tpu.yield
    }) : () -> ()
    %iota3A = tpu.iota {dimensions = array<i32: 0>} : vector<16xi32>
    %get3A = arith.constant 0 : index
    %get3A_3 = tpu.vector_load %arg6[%get3A] {strides = array<i32>} : memref<512xi32, #tpu.memory_space<vmem>>, vector<16xi32>,
    %get3A_4 = vector.shape_cast %get3A_3 : vector<16xi32> to vector<16xi32>
    %add3A_5 = arith.addi %get3A_4, %iota3A : vector<16xi32>
    %swap3A = arith.constant 0 : index
    %swap3A_6 = tpu.vector_load %arg7[%swap3A] {strides = array<i32>} : memref<512xi32, #tpu.memory_space<vmem>>, vector<16xi32>,
    %swap3A_7 = vector.shape_cast %swap3A_6 : vector<16xi32> to vector<16xi32>
    %swap3A_8 = vector.shape_cast %add3A_5 : vector<16xi32> to vector<16xi32>
    tpu.vector_store %arg7[%swap3A], %swap3A_8 {strides = array<i32>} : memref<512xi32, #tpu.memory_space<vmem>>, vector<16xi32>,
    %get3A_9 = arith.constant 16 : index
    %get3A_10 = tpu.vector_load %arg6[%get3A_9] {strides = array<i32>} : memref<512xi32, #tpu.memory_space<vmem>>, vector<16xi32>,
    %get3A_11 = vector.shape_cast %get3A_10 : vector<16xi32> to vector<16xi32>
    %add3A_12 = arith.addi %get3A_11, %iota3A : vector<16xi32>
    %swap3A_13 = arith.constant 16 : index
    %swap3A_14 = tpu.vector_load %arg7[%swap3A_13] {strides = array<i32>} : memref<512xi32, #tpu.memory_space<vmem>>, vector<16xi32>,
    %swap3A_15 = vector.shape_cast %swap3A_14 : vector<16xi32> to vector<16xi32>
    %swap3A_16 = vector.shape_cast %add3A_12 : vector<16xi32> to vector<16xi32>
    tpu.vector_store %arg7[%swap3A_13], %swap3A_16 {strides = array<i32>} : memref<512xi32, #tpu.memory_space<vmem>>, vector<16xi32>,
    %get3A_17 = arith.constant 32 : index
    %get3A_18 = tpu.vector_load %arg6[%get3A_17] {strides = array<i32>} : memref<512xi32, #tpu.memory_space<vmem>>, vector<16xi32>,
    %get3A_19 = vector.shape_cast %get3A_18 : vector<16xi32> to vector<16xi32>
    %add3A_20 = arith.addi %get3A_19, %iota3A : vector<16xi32>
    %swap3A_21 = arith.constant 32 : index
    %swap3A_22 = tpu.vector_load %arg7[%swap3A_21] {strides = array<i32>} : memref<512xi32, #tpu.memory_space<vmem>>, vector<16xi32>,
    %swap3A_23 = vector.shape_cast %swap3A_22 : vector<16xi32> to vector<16xi32>
    %swap3A_24 = vector.shape_cast %add3A_20 : vector<16xi32> to vector<16xi32>
    tpu.vector_store %arg7[%swap3A_21], %swap3A_24 {strides = array<i32>} : memref<512xi32, #tpu.memory_space<vmem>>, vector<16xi32>,
    %get3A_25 = arith.constant 48 : index
    %get3A_26 = tpu.vector_load %arg6[%get3A_25] {strides = array<i32>} : memref<512xi32, #tpu.memory_space<vmem>>, vector<16xi32>,
    %get3A_27 = vector.shape_cast %get3A_26 : vector<16xi32> to vector<16xi32>
    %add3A_28 = arith.addi %get3A_27, %iota3A : vector<16xi32>
    %swap3A_29 = arith.constant 48 : index
    %swap3A_30 = tpu.vector_load %arg7[%swap3A_29] {strides = array<i32>} : memref<512xi32, #tpu.memory_space<vmem>>, vector<16xi32>,
    %swap3A_31 = vector.shape_cast %swap3A_30 : vector<16xi32> to vector<16xi32>
    %swap3A_32 = vector.shape_cast %add3A_28 : vector<16xi32> to vector<16xi32>
    tpu.vector_store %arg7[%swap3A_29], %swap3A_32 {strides = array<i32>} : memref<512xi32, #tpu.memory_space<vmem>>, vector<16xi32>,
    %get3A_33 = arith.constant 64 : index
    %get3A_34 = tpu.vector_load %arg6[%get3A_33] {strides = array<i32>} : memref<512xi32, #tpu.memory_space<vmem>>, vector<16xi32>,
    %get3A_35 = vector.shape_cast %get3A_34 : vector<16xi32> to vector<16xi32>
    %add3A_36 = arith.addi %get3A_35, %iota3A : vector<16xi32>
    %swap3A_37 = arith.constant 64 : index
    %swap3A_38 = tpu.vector_load %arg7[%swap3A_37] {strides = array<i32>} : memref<512xi32, #tpu.memory_space<vmem>>, vector<16xi32>,
    %swap3A_39 = vector.shape_cast %swap3A_38 : vector<16xi32> to vector<16xi32>
    %swap3A_40 = vector.shape_cast %add3A_36 : vector<16xi32> to vector<16xi32>
    tpu.vector_store %arg7[%swap3A_37], %swap3A_40 {strides = array<i32>} : memref<512xi32, #tpu.memory_space<vmem>>, vector<16xi32>,
    %get3A_41 = arith.constant 80 : index
    %get3A_42 = tpu.vector_load %arg6[%get3A_41] {strides = array<i32>} : memref<512xi32, #tpu.memory_space<vmem>>, vector<16xi32>,
    %get3A_43 = vector.shape_cast %get3A_42 : vector<16xi32> to vector<16xi32>
    %add3A_44 = arith.addi %get3A_43, %iota3A : vector<16xi32>
    %swap3A_45 = arith.constant 80 : index
    %swap3A_46 = tpu.vector_load %arg7[%swap3A_45] {strides = array<i32>} : memref<512xi32, #tpu.memory_space<vmem>>, vector<16xi32>,
    %swap3A_47 = vector.shape_cast %swap3A_46 : vector<16xi32> to vector<16xi32>
    %swap3A_48 = vector.shape_cast %add3A_44 : vector<16xi32> to vector<16xi32>
    tpu.vector_store %arg7[%swap3A_45], %swap3A_48 {strides = array<i32>} : memref<512xi32, #tpu.memory_space<vmem>>, vector<16xi32>,
    %get3A_49 = arith.constant 96 : index
    %get3A_50 = tpu.vector_load %arg6[%get3A_49] {strides = array<i32>} : memref<512xi32, #tpu.memory_space<vmem>>, vector<16xi32>,
    %get3A_51 = vector.shape_cast %get3A_50 : vector<16xi32> to vector<16xi32>
    %add3A_52 = arith.addi %get3A_51, %iota3A : vector<16xi32>
    %swap3A_53 = arith.constant 96 : index
    %swap3A_54 = tpu.vector_load %arg7[%swap3A_53] {strides = array<i32>} : memref<512xi32, #tpu.memory_space<vmem>>, vector<16xi32>,
    %swap3A_55 = vector.shape_cast %swap3A_54 : vector<16xi32> to vector<16xi32>
    %swap3A_56 = vector.shape_cast %add3A_52 : vector<16xi32> to vector<16xi32>
    tpu.vector_store %arg7[%swap3A_53], %swap3A_56 {strides = array<i32>} : memref<512xi32, #tpu.memory_space<vmem>>, vector<16xi32>,
    %get3A_57 = arith.constant 112 : index
    %get3A_58 = tpu.vector_load %arg6[%get3A_57] {strides = array<i32>} : memref<512xi32, #tpu.memory_space<vmem>>, vector<16xi32>,
    %get3A_59 = vector.shape_cast %get3A_58 : vector<16xi32> to vector<16xi32>
    %add3A_60 = arith.addi %get3A_59, %iota3A : vector<16xi32>
    %swap3A_61 = arith.constant 112 : index
    %swap3A_62 = tpu.vector_load %arg7[%swap3A_61] {strides = array<i32>} : memref<512xi32, #tpu.memory_space<vmem>>, vector<16xi32>,
    %swap3A_63 = vector.shape_cast %swap3A_62 : vector<16xi32> to vector<16xi32>
    %swap3A_64 = vector.shape_cast %add3A_60 : vector<16xi32> to vector<16xi32>
    tpu.vector_store %arg7[%swap3A_61], %swap3A_64 {strides = array<i32>} : memref<512xi32, #tpu.memory_space<vmem>>, vector<16xi32>,
    %get3A_65 = arith.constant 128 : index
    %get3A_66 = tpu.vector_load %arg6[%get3A_65] {strides = array<i32>} : memref<512xi32, #tpu.memory_space<vmem>>, vector<16xi32>,
    %get3A_67 = vector.shape_cast %get3A_66 : vector<16xi32> to vector<16xi32>
    %add3A_68 = arith.addi %get3A_67, %iota3A : vector<16xi32>
    %swap3A_69 = arith.constant 128 : index
    %swap3A_70 = tpu.vector_load %arg7[%swap3A_69] {strides = array<i32>} : memref<512xi32, #tpu.memory_space<vmem>>, vector<16xi32>,
    %swap3A_71 = vector.shape_cast %swap3A_70 : vector<16xi32> to vector<16xi32>
    %swap3A_72 = vector.shape_cast %add3A_68 : vector<16xi32> to vector<16xi32>
    tpu.vector_store %arg7[%swap3A_69], %swap3A_72 {strides = array<i32>} : memref<512xi32, #tpu.memory_space<vmem>>, vector<16xi32>,
    %get3A_73 = arith.constant 144 : index
    %get3A_74 = tpu.vector_load %arg6[%get3A_73] {strides = array<i32>} : memref<512xi32, #tpu.memory_space<vmem>>, vector<16xi32>,
    %get3A_75 = vector.shape_cast %get3A_74 : vector<16xi32> to vector<16xi32>
    %add3A_76 = arith.addi %get3A_75, %iota3A : vector<16xi32>
    %swap3A_77 = arith.constant 144 : index
    %swap3A_78 = tpu.vector_load %arg7[%swap3A_77] {strides = array<i32>} : memref<512xi32, #tpu.memory_space<vmem>>, vector<16xi32>,
    %swap3A_79 = vector.shape_cast %swap3A_78 : vector<16xi32> to vector<16xi32>
    %swap3A_80 = vector.shape_cast %add3A_76 : vector<16xi32> to vector<16xi32>
    tpu.vector_store %arg7[%swap3A_77], %swap3A_80 {strides = array<i32>} : memref<512xi32, #tpu.memory_space<vmem>>, vector<16xi32>,
    %get3A_81 = arith.constant 160 : index
    %get3A_82 = tpu.vector_load %arg6[%get3A_81] {strides = array<i32>} : memref<512xi32, #tpu.memory_space<vmem>>, vector<16xi32>,
    %get3A_83 = vector.shape_cast %get3A_82 : vector<16xi32> to vector<16xi32>
    %add3A_84 = arith.addi %get3A_83, %iota3A : vector<16xi32>
    %swap3A_85 = arith.constant 160 : index
    %swap3A_86 = tpu.vector_load %arg7[%swap3A_85] {strides = array<i32>} : memref<512xi32, #tpu.memory_space<vmem>>, vector<16xi32>,
    %swap3A_87 = vector.shape_cast %swap3A_86 : vector<16xi32> to vector<16xi32>
    %swap3A_88 = vector.shape_cast %add3A_84 : vector<16xi32> to vector<16xi32>
    tpu.vector_store %arg7[%swap3A_85], %swap3A_88 {strides = array<i32>} : memref<512xi32, #tpu.memory_space<vmem>>, vector<16xi32>,
    %get3A_89 = arith.constant 176 : index
    %get3A_90 = tpu.vector_load %arg6[%get3A_89] {strides = array<i32>} : memref<512xi32, #tpu.memory_space<vmem>>, vector<16xi32>,
    %get3A_91 = vector.shape_cast %get3A_90 : vector<16xi32> to vector<16xi32>
    %add3A_92 = arith.addi %get3A_91, %iota3A : vector<16xi32>
    %swap3A_93 = arith.constant 176 : index
    %swap3A_94 = tpu.vector_load %arg7[%swap3A_93] {strides = array<i32>} : memref<512xi32, #tpu.memory_space<vmem>>, vector<16xi32>,
    %swap3A_95 = vector.shape_cast %swap3A_94 : vector<16xi32> to vector<16xi32>
    %swap3A_96 = vector.shape_cast %add3A_92 : vector<16xi32> to vector<16xi32>
    tpu.vector_store %arg7[%swap3A_93], %swap3A_96 {strides = array<i32>} : memref<512xi32, #tpu.memory_space<vmem>>, vector<16xi32>,
    %get3A_97 = arith.constant 192 : index
    %get3A_98 = tpu.vector_load %arg6[%get3A_97] {strides = array<i32>} : memref<512xi32, #tpu.memory_space<vmem>>, vector<16xi32>,
    %get3A_99 = vector.shape_cast %get3A_98 : vector<16xi32> to vector<16xi32>
    %add3A_100 = arith.addi %get3A_99, %iota3A : vector<16xi32>
    %swap3A_101 = arith.constant 192 : index
    %swap3A_102 = tpu.vector_load %arg7[%swap3A_101] {strides = array<i32>} : memref<512xi32, #tpu.memory_space<vmem>>, vector<16xi32>,
    %swap3A_103 = vector.shape_cast %swap3A_102 : vector<16xi32> to vector<16xi32>
    %swap3A_104 = vector.shape_cast %add3A_100 : vector<16xi32> to vector<16xi32>
    tpu.vector_store %arg7[%swap3A_101], %swap3A_104 {strides = array<i32>} : memref<512xi32, #tpu.memory_space<vmem>>, vector<16xi32>,
    %get3A_105 = arith.constant 208 : index
    %get3A_106 = tpu.vector_load %arg6[%get3A_105] {strides = array<i32>} : memref<512xi32, #tpu.memory_space<vmem>>, vector<16xi32>,
    %get3A_107 = vector.shape_cast %get3A_106 : vector<16xi32> to vector<16xi32>
    %add3A_108 = arith.addi %get3A_107, %iota3A : vector<16xi32>
    %swap3A_109 = arith.constant 208 : index
    %swap3A_110 = tpu.vector_load %arg7[%swap3A_109] {strides = array<i32>} : memref<512xi32, #tpu.memory_space<vmem>>, vector<16xi32>,
    %swap3A_111 = vector.shape_cast %swap3A_110 : vector<16xi32> to vector<16xi32>
    %swap3A_112 = vector.shape_cast %add3A_108 : vector<16xi32> to vector<16xi32>
    tpu.vector_store %arg7[%swap3A_109], %swap3A_112 {strides = array<i32>} : memref<512xi32, #tpu.memory_space<vmem>>, vector<16xi32>,
    %get3A_113 = arith.constant 224 : index
    %get3A_114 = tpu.vector_load %arg6[%get3A_113] {strides = array<i32>} : memref<512xi32, #tpu.memory_space<vmem>>, vector<16xi32>,
    %get3A_115 = vector.shape_cast %get3A_114 : vector<16xi32> to vector<16xi32>
    %add3A_116 = arith.addi %get3A_115, %iota3A : vector<16xi32>
    %swap3A_117 = arith.constant 224 : index
    %swap3A_118 = tpu.vector_load %arg7[%swap3A_117] {strides = array<i32>} : memref<512xi32, #tpu.memory_space<vmem>>, vector<16xi32>,
    %swap3A_119 = vector.shape_cast %swap3A_118 : vector<16xi32> to vector<16xi32>
    %swap3A_120 = vector.shape_cast %add3A_116 : vector<16xi32> to vector<16xi32>
    tpu.vector_store %arg7[%swap3A_117], %swap3A_120 {strides = array<i32>} : memref<512xi32, #tpu.memory_space<vmem>>, vector<16xi32>,
    %get3A_121 = arith.constant 240 : index
    %get3A_122 = tpu.vector_load %arg6[%get3A_121] {strides = array<i32>} : memref<512xi32, #tpu.memory_space<vmem>>, vector<16xi32>,
    %get3A_123 = vector.shape_cast %get3A_122 : vector<16xi32> to vector<16xi32>
    %add3A_124 = arith.addi %get3A_123, %iota3A : vector<16xi32>
    %swap3A_125 = arith.constant 240 : index
    %swap3A_126 = tpu.vector_load %arg7[%swap3A_125] {strides = array<i32>} : memref<512xi32, #tpu.memory_space<vmem>>, vector<16xi32>,
    %swap3A_127 = vector.shape_cast %swap3A_126 : vector<16xi32> to vector<16xi32>
    %swap3A_128 = vector.shape_cast %add3A_124 : vector<16xi32> to vector<16xi32>
    tpu.vector_store %arg7[%swap3A_125], %swap3A_128 {strides = array<i32>} : memref<512xi32, #tpu.memory_space<vmem>>, vector<16xi32>,
    %get3A_129 = arith.constant 256 : index
    %get3A_130 = tpu.vector_load %arg6[%get3A_129] {strides = array<i32>} : memref<512xi32, #tpu.memory_space<vmem>>, vector<16xi32>,
    %get3A_131 = vector.shape_cast %get3A_130 : vector<16xi32> to vector<16xi32>
    %add3A_132 = arith.addi %get3A_131, %iota3A : vector<16xi32>
    %swap3A_133 = arith.constant 256 : index
    %swap3A_134 = tpu.vector_load %arg7[%swap3A_133] {strides = array<i32>} : memref<512xi32, #tpu.memory_space<vmem>>, vector<16xi32>,
    %swap3A_135 = vector.shape_cast %swap3A_134 : vector<16xi32> to vector<16xi32>
    %swap3A_136 = vector.shape_cast %add3A_132 : vector<16xi32> to vector<16xi32>
    tpu.vector_store %arg7[%swap3A_133], %swap3A_136 {strides = array<i32>} : memref<512xi32, #tpu.memory_space<vmem>>, vector<16xi32>,
    %get3A_137 = arith.constant 272 : index
    %get3A_138 = tpu.vector_load %arg6[%get3A_137] {strides = array<i32>} : memref<512xi32, #tpu.memory_space<vmem>>, vector<16xi32>,
    %get3A_139 = vector.shape_cast %get3A_138 : vector<16xi32> to vector<16xi32>
    %add3A_140 = arith.addi %get3A_139, %iota3A : vector<16xi32>
    %swap3A_141 = arith.constant 272 : index
    %swap3A_142 = tpu.vector_load %arg7[%swap3A_141] {strides = array<i32>} : memref<512xi32, #tpu.memory_space<vmem>>, vector<16xi32>,
    %swap3A_143 = vector.shape_cast %swap3A_142 : vector<16xi32> to vector<16xi32>
    %swap3A_144 = vector.shape_cast %add3A_140 : vector<16xi32> to vector<16xi32>
    tpu.vector_store %arg7[%swap3A_141], %swap3A_144 {strides = array<i32>} : memref<512xi32, #tpu.memory_space<vmem>>, vector<16xi32>,
    %get3A_145 = arith.constant 288 : index
    %get3A_146 = tpu.vector_load %arg6[%get3A_145] {strides = array<i32>} : memref<512xi32, #tpu.memory_space<vmem>>, vector<16xi32>,
    %get3A_147 = vector.shape_cast %get3A_146 : vector<16xi32> to vector<16xi32>
    %add3A_148 = arith.addi %get3A_147, %iota3A : vector<16xi32>
    %swap3A_149 = arith.constant 288 : index
    %swap3A_150 = tpu.vector_load %arg7[%swap3A_149] {strides = array<i32>} : memref<512xi32, #tpu.memory_space<vmem>>, vector<16xi32>,
    %swap3A_151 = vector.shape_cast %swap3A_150 : vector<16xi32> to vector<16xi32>
    %swap3A_152 = vector.shape_cast %add3A_148 : vector<16xi32> to vector<16xi32>
    tpu.vector_store %arg7[%swap3A_149], %swap3A_152 {strides = array<i32>} : memref<512xi32, #tpu.memory_space<vmem>>, vector<16xi32>,
    %get3A_153 = arith.constant 304 : index
    %get3A_154 = tpu.vector_load %arg6[%get3A_153] {strides = array<i32>} : memref<512xi32, #tpu.memory_space<vmem>>, vector<16xi32>,
    %get3A_155 = vector.shape_cast %get3A_154 : vector<16xi32> to vector<16xi32>
    %add3A_156 = arith.addi %get3A_155, %iota3A : vector<16xi32>
    %swap3A_157 = arith.constant 304 : index
    %swap3A_158 = tpu.vector_load %arg7[%swap3A_157] {strides = array<i32>} : memref<512xi32, #tpu.memory_space<vmem>>, vector<16xi32>,
    %swap3A_159 = vector.shape_cast %swap3A_158 : vector<16xi32> to vector<16xi32>
    %swap3A_160 = vector.shape_cast %add3A_156 : vector<16xi32> to vector<16xi32>
    tpu.vector_store %arg7[%swap3A_157], %swap3A_160 {strides = array<i32>} : memref<512xi32, #tpu.memory_space<vmem>>, vector<16xi32>,
    %get3A_161 = arith.constant 320 : index
    %get3A_162 = tpu.vector_load %arg6[%get3A_161] {strides = array<i32>} : memref<512xi32, #tpu.memory_space<vmem>>, vector<16xi32>,
    %get3A_163 = vector.shape_cast %get3A_162 : vector<16xi32> to vector<16xi32>
    %add3A_164 = arith.addi %get3A_163, %iota3A : vector<16xi32>
    %swap3A_165 = arith.constant 320 : index
    %swap3A_166 = tpu.vector_load %arg7[%swap3A_165] {strides = array<i32>} : memref<512xi32, #tpu.memory_space<vmem>>, vector<16xi32>,
    %swap3A_167 = vector.shape_cast %swap3A_166 : vector<16xi32> to vector<16xi32>
    %swap3A_168 = vector.shape_cast %add3A_164 : vector<16xi32> to vector<16xi32>
    tpu.vector_store %arg7[%swap3A_165], %swap3A_168 {strides = array<i32>} : memref<512xi32, #tpu.memory_space<vmem>>, vector<16xi32>,
    %get3A_169 = arith.constant 336 : index
    %get3A_170 = tpu.vector_load %arg6[%get3A_169] {strides = array<i32>} : memref<512xi32, #tpu.memory_space<vmem>>, vector<16xi32>,
    %get3A_171 = vector.shape_cast %get3A_170 : vector<16xi32> to vector<16xi32>
    %add3A_172 = arith.addi %get3A_171, %iota3A : vector<16xi32>
    %swap3A_173 = arith.constant 336 : index
    %swap3A_174 = tpu.vector_load %arg7[%swap3A_173] {strides = array<i32>} : memref<512xi32, #tpu.memory_space<vmem>>, vector<16xi32>,
    %swap3A_175 = vector.shape_cast %swap3A_174 : vector<16xi32> to vector<16xi32>
    %swap3A_176 = vector.shape_cast %add3A_172 : vector<16xi32> to vector<16xi32>
    tpu.vector_store %arg7[%swap3A_173], %swap3A_176 {strides = array<i32>} : memref<512xi32, #tpu.memory_space<vmem>>, vector<16xi32>,
    %get3A_177 = arith.constant 352 : index
    %get3A_178 = tpu.vector_load %arg6[%get3A_177] {strides = array<i32>} : memref<512xi32, #tpu.memory_space<vmem>>, vector<16xi32>,
    %get3A_179 = vector.shape_cast %get3A_178 : vector<16xi32> to vector<16xi32>
    %add3A_180 = arith.addi %get3A_179, %iota3A : vector<16xi32>
    %swap3A_181 = arith.constant 352 : index
    %swap3A_182 = tpu.vector_load %arg7[%swap3A_181] {strides = array<i32>} : memref<512xi32, #tpu.memory_space<vmem>>, vector<16xi32>,
    %swap3A_183 = vector.shape_cast %swap3A_182 : vector<16xi32> to vector<16xi32>
    %swap3A_184 = vector.shape_cast %add3A_180 : vector<16xi32> to vector<16xi32>
    tpu.vector_store %arg7[%swap3A_181], %swap3A_184 {strides = array<i32>} : memref<512xi32, #tpu.memory_space<vmem>>, vector<16xi32>,
    %get3A_185 = arith.constant 368 : index
    %get3A_186 = tpu.vector_load %arg6[%get3A_185] {strides = array<i32>} : memref<512xi32, #tpu.memory_space<vmem>>, vector<16xi32>,
    %get3A_187 = vector.shape_cast %get3A_186 : vector<16xi32> to vector<16xi32>
    %add3A_188 = arith.addi %get3A_187, %iota3A : vector<16xi32>
    %swap3A_189 = arith.constant 368 : index
    %swap3A_190 = tpu.vector_load %arg7[%swap3A_189] {strides = array<i32>} : memref<512xi32, #tpu.memory_space<vmem>>, vector<16xi32>,
    %swap3A_191 = vector.shape_cast %swap3A_190 : vector<16xi32> to vector<16xi32>
    %swap3A_192 = vector.shape_cast %add3A_188 : vector<16xi32> to vector<16xi32>
    tpu.vector_store %arg7[%swap3A_189], %swap3A_192 {strides = array<i32>} : memref<512xi32, #tpu.memory_space<vmem>>, vector<16xi32>,
    %get3A_193 = arith.constant 384 : index
    %get3A_194 = tpu.vector_load %arg6[%get3A_193] {strides = array<i32>} : memref<512xi32, #tpu.memory_space<vmem>>, vector<16xi32>,
    %get3A_195 = vector.shape_cast %get3A_194 : vector<16xi32> to vector<16xi32>
    %add3A_196 = arith.addi %get3A_195, %iota3A : vector<16xi32>
    %swap3A_197 = arith.constant 384 : index
    %swap3A_198 = tpu.vector_load %arg7[%swap3A_197] {strides = array<i32>} : memref<512xi32, #tpu.memory_space<vmem>>, vector<16xi32>,
    %swap3A_199 = vector.shape_cast %swap3A_198 : vector<16xi32> to vector<16xi32>
    %swap3A_200 = vector.shape_cast %add3A_196 : vector<16xi32> to vector<16xi32>
    tpu.vector_store %arg7[%swap3A_197], %swap3A_200 {strides = array<i32>} : memref<512xi32, #tpu.memory_space<vmem>>, vector<16xi32>,
    %get3A_201 = arith.constant 400 : index
    %get3A_202 = tpu.vector_load %arg6[%get3A_201] {strides = array<i32>} : memref<512xi32, #tpu.memory_space<vmem>>, vector<16xi32>,
    %get3A_203 = vector.shape_cast %get3A_202 : vector<16xi32> to vector<16xi32>
    %add3A_204 = arith.addi %get3A_203, %iota3A : vector<16xi32>
    %swap3A_205 = arith.constant 400 : index
    %swap3A_206 = tpu.vector_load %arg7[%swap3A_205] {strides = array<i32>} : memref<512xi32, #tpu.memory_space<vmem>>, vector<16xi32>,
    %swap3A_207 = vector.shape_cast %swap3A_206 : vector<16xi32> to vector<16xi32>
    %swap3A_208 = vector.shape_cast %add3A_204 : vector<16xi32> to vector<16xi32>
    tpu.vector_store %arg7[%swap3A_205], %swap3A_208 {strides = array<i32>} : memref<512xi32, #tpu.memory_space<vmem>>, vector<16xi32>,
    %get3A_209 = arith.constant 416 : index
    %get3A_210 = tpu.vector_load %arg6[%get3A_209] {strides = array<i32>} : memref<512xi32, #tpu.memory_space<vmem>>, vector<16xi32>,
    %get3A_211 = vector.shape_cast %get3A_210 : vector<16xi32> to vector<16xi32>
    %add3A_212 = arith.addi %get3A_211, %iota3A : vector<16xi32>
    %swap3A_213 = arith.constant 416 : index
    %swap3A_214 = tpu.vector_load %arg7[%swap3A_213] {strides = array<i32>} : memref<512xi32, #tpu.memory_space<vmem>>, vector<16xi32>,
    %swap3A_215 = vector.shape_cast %swap3A_214 : vector<16xi32> to vector<16xi32>
    %swap3A_216 = vector.shape_cast %add3A_212 : vector<16xi32> to vector<16xi32>
    tpu.vector_store %arg7[%swap3A_213], %swap3A_216 {strides = array<i32>} : memref<512xi32, #tpu.memory_space<vmem>>, vector<16xi32>,
    %get3A_217 = arith.constant 432 : index
    %get3A_218 = tpu.vector_load %arg6[%get3A_217] {strides = array<i32>} : memref<512xi32, #tpu.memory_space<vmem>>, vector<16xi32>,
    %get3A_219 = vector.shape_cast %get3A_218 : vector<16xi32> to vector<16xi32>
    %add3A_220 = arith.addi %get3A_219, %iota3A : vector<16xi32>
    %swap3A_221 = arith.constant 432 : index
    %swap3A_222 = tpu.vector_load %arg7[%swap3A_221] {strides = array<i32>} : memref<512xi32, #tpu.memory_space<vmem>>, vector<16xi32>,
    %swap3A_223 = vector.shape_cast %swap3A_222 : vector<16xi32> to vector<16xi32>
    %swap3A_224 = vector.shape_cast %add3A_220 : vector<16xi32> to vector<16xi32>
    tpu.vector_store %arg7[%swap3A_221], %swap3A_224 {strides = array<i32>} : memref<512xi32, #tpu.memory_space<vmem>>, vector<16xi32>,
    %get3A_225 = arith.constant 448 : index
    %get3A_226 = tpu.vector_load %arg6[%get3A_225] {strides = array<i32>} : memref<512xi32, #tpu.memory_space<vmem>>, vector<16xi32>,
    %get3A_227 = vector.shape_cast %get3A_226 : vector<16xi32> to vector<16xi32>
    %add3A_228 = arith.addi %get3A_227, %iota3A : vector<16xi32>
    %swap3A_229 = arith.constant 448 : index
    %swap3A_230 = tpu.vector_load %arg7[%swap3A_229] {strides = array<i32>} : memref<512xi32, #tpu.memory_space<vmem>>, vector<16xi32>,
    %swap3A_231 = vector.shape_cast %swap3A_230 : vector<16xi32> to vector<16xi32>
    %swap3A_232 = vector.shape_cast %add3A_228 : vector<16xi32> to vector<16xi32>
    tpu.vector_store %arg7[%swap3A_229], %swap3A_232 {strides = array<i32>} : memref<512xi32, #tpu.memory_space<vmem>>, vector<16xi32>,
    %get3A_233 = arith.constant 464 : index
    %get3A_234 = tpu.vector_load %arg6[%get3A_233] {strides = array<i32>} : memref<512xi32, #tpu.memory_space<vmem>>, vector<16xi32>,
    %get3A_235 = vector.shape_cast %get3A_234 : vector<16xi32> to vector<16xi32>
    %add3A_236 = arith.addi %get3A_235, %iota3A : vector<16xi32>
    %swap3A_237 = arith.constant 464 : index
    %swap3A_238 = tpu.vector_load %arg7[%swap3A_237] {strides = array<i32>} : memref<512xi32, #tpu.memory_space<vmem>>, vector<16xi32>,
    %swap3A_239 = vector.shape_cast %swap3A_238 : vector<16xi32> to vector<16xi32>
    %swap3A_240 = vector.shape_cast %add3A_236 : vector<16xi32> to vector<16xi32>
    tpu.vector_store %arg7[%swap3A_237], %swap3A_240 {strides = array<i32>} : memref<512xi32, #tpu.memory_space<vmem>>, vector<16xi32>,
    %get3A_241 = arith.constant 480 : index
    %get3A_242 = tpu.vector_load %arg6[%get3A_241] {strides = array<i32>} : memref<512xi32, #tpu.memory_space<vmem>>, vector<16xi32>,
    %get3A_243 = vector.shape_cast %get3A_242 : vector<16xi32> to vector<16xi32>
    %add3A_244 = arith.addi %get3A_243, %iota3A : vector<16xi32>
    %swap3A_245 = arith.constant 480 : index
    %swap3A_246 = tpu.vector_load %arg7[%swap3A_245] {strides = array<i32>} : memref<512xi32, #tpu.memory_space<vmem>>, vector<16xi32>,
    %swap3A_247 = vector.shape_cast %swap3A_246 : vector<16xi32> to vector<16xi32>
    %swap3A_248 = vector.shape_cast %add3A_244 : vector<16xi32> to vector<16xi32>
    tpu.vector_store %arg7[%swap3A_245], %swap3A_248 {strides = array<i32>} : memref<512xi32, #tpu.memory_space<vmem>>, vector<16xi32>,
    %get3A_249 = arith.constant 496 : index
    %get3A_250 = tpu.vector_load %arg6[%get3A_249] {strides = array<i32>} : memref<512xi32, #tpu.memory_space<vmem>>, vector<16xi32>,
    %get3A_251 = vector.shape_cast %get3A_250 : vector<16xi32> to vector<16xi32>
    %add3A_252 = arith.addi %get3A_251, %iota3A : vector<16xi32>
    %swap3A_253 = arith.constant 496 : index
    %swap3A_254 = tpu.vector_load %arg7[%swap3A_253] {strides = array<i32>} : memref<512xi32, #tpu.memory_space<vmem>>, vector<16xi32>,
    %swap3A_255 = vector.shape_cast %swap3A_254 : vector<16xi32> to vector<16xi32>
    %swap3A_256 = vector.shape_cast %add3A_252 : vector<16xi32> to vector<16xi32>
    tpu.vector_store %arg7[%swap3A_253], %swap3A_256 {strides = array<i32>} : memref<512xi32, #tpu.memory_space<vmem>>, vector<16xi32>,
    %dma_start3A = arith.constant 0 : i32
    %dma_start3A_257 = tpu.memref_slice %arg8[%dma_start3A] : memref<512xi32, #tpu.memory_space<vmem>> -> memref<128xi32, #tpu.memory_space<vmem>>
    %dma_start3A_258 = arith.constant 0 : i32
    %dma_start3A_259 = tpu.memref_slice %arg7[%dma_start3A_258] : memref<512xi32, #tpu.memory_space<vmem>> -> memref<128xi32, #tpu.memory_space<vmem>>
    %dma_start3A_260 = arith.constant 0 : i32
    %dma_start3A_261 = tpu.memref_slice %arg3[%dma_start3A_260] : memref<16384xi32, #tpu.memory_space<hbm>> -> memref<16384xi32, #tpu.memory_space<hbm>>
    tpu.enqueue_indirect_dma source(%dma_start3A_261 : memref<16384xi32, #tpu.memory_space<hbm>>) target(%dma_start3A_257 : memref<128xi32, #tpu.memory_space<vmem>>) offsets(%dma_start3A_259 : memref<128xi32, #tpu.memory_space<vmem>>) semaphore(%arg10 : memref<!tpu.dma_semaphore, #tpu.memory_space<semaphore_mem>>)
    %dma_wait3A = arith.constant 0 : i32
    %dma_wait3A_262 = tpu.memref_slice %arg8[%dma_wait3A] : memref<512xi32, #tpu.memory_space<vmem>> -> memref<128xi32, #tpu.memory_space<vmem>>
    %dma_wait3A_263 = arith.constant 0 : i32
    %dma_wait3A_264 = tpu.memref_slice %arg7[%dma_wait3A_263] : memref<512xi32, #tpu.memory_space<vmem>> -> memref<128xi32, #tpu.memory_space<vmem>>
    %dma_wait3A_265 = arith.constant 0 : i32
    %dma_wait3A_266 = tpu.memref_slice %arg3[%dma_wait3A_265] : memref<16384xi32, #tpu.memory_space<hbm>> -> memref<16384xi32, #tpu.memory_space<hbm>>
    tpu.wait_indirect_dma semaphore(%arg10 : memref<!tpu.dma_semaphore, #tpu.memory_space<semaphore_mem>>) src(%dma_wait3A_266 : memref<16384xi32, #tpu.memory_space<hbm>>) dst(%dma_wait3A_262 : memref<128xi32, #tpu.memory_space<vmem>>)
    %dma_start3A_267 = arith.constant 128 : i32
    %dma_start3A_268 = tpu.memref_slice %arg8[%dma_start3A_267] : memref<512xi32, #tpu.memory_space<vmem>> -> memref<128xi32, #tpu.memory_space<vmem>>
    %dma_start3A_269 = arith.constant 128 : i32
    %dma_start3A_270 = tpu.memref_slice %arg7[%dma_start3A_269] : memref<512xi32, #tpu.memory_space<vmem>> -> memref<128xi32, #tpu.memory_space<vmem>>
    %dma_start3A_271 = arith.constant 0 : i32
    %dma_start3A_272 = tpu.memref_slice %arg3[%dma_start3A_271] : memref<16384xi32, #tpu.memory_space<hbm>> -> memref<16384xi32, #tpu.memory_space<hbm>>
    tpu.enqueue_indirect_dma source(%dma_start3A_272 : memref<16384xi32, #tpu.memory_space<hbm>>) target(%dma_start3A_268 : memref<128xi32, #tpu.memory_space<vmem>>) offsets(%dma_start3A_270 : memref<128xi32, #tpu.memory_space<vmem>>) semaphore(%arg10 : memref<!tpu.dma_semaphore, #tpu.memory_space<semaphore_mem>>)
    %dma_wait3A_273 = arith.constant 128 : i32
    %dma_wait3A_274 = tpu.memref_slice %arg8[%dma_wait3A_273] : memref<512xi32, #tpu.memory_space<vmem>> -> memref<128xi32, #tpu.memory_space<vmem>>
    %dma_wait3A_275 = arith.constant 128 : i32
    %dma_wait3A_276 = tpu.memref_slice %arg7[%dma_wait3A_275] : memref<512xi32, #tpu.memory_space<vmem>> -> memref<128xi32, #tpu.memory_space<vmem>>
    %dma_wait3A_277 = arith.constant 0 : i32
    %dma_wait3A_278 = tpu.memref_slice %arg3[%dma_wait3A_277] : memref<16384xi32, #tpu.memory_space<hbm>> -> memref<16384xi32, #tpu.memory_space<hbm>>
    tpu.wait_indirect_dma semaphore(%arg10 : memref<!tpu.dma_semaphore, #tpu.memory_space<semaphore_mem>>) src(%dma_wait3A_278 : memref<16384xi32, #tpu.memory_space<hbm>>) dst(%dma_wait3A_274 : memref<128xi32, #tpu.memory_space<vmem>>)
    %dma_start3A_279 = arith.constant 256 : i32
    %dma_start3A_280 = tpu.memref_slice %arg8[%dma_start3A_279] : memref<512xi32, #tpu.memory_space<vmem>> -> memref<128xi32, #tpu.memory_space<vmem>>
    %dma_start3A_281 = arith.constant 256 : i32
    %dma_start3A_282 = tpu.memref_slice %arg7[%dma_start3A_281] : memref<512xi32, #tpu.memory_space<vmem>> -> memref<128xi32, #tpu.memory_space<vmem>>
    %dma_start3A_283 = arith.constant 0 : i32
    %dma_start3A_284 = tpu.memref_slice %arg3[%dma_start3A_283] : memref<16384xi32, #tpu.memory_space<hbm>> -> memref<16384xi32, #tpu.memory_space<hbm>>
    tpu.enqueue_indirect_dma source(%dma_start3A_284 : memref<16384xi32, #tpu.memory_space<hbm>>) target(%dma_start3A_280 : memref<128xi32, #tpu.memory_space<vmem>>) offsets(%dma_start3A_282 : memref<128xi32, #tpu.memory_space<vmem>>) semaphore(%arg10 : memref<!tpu.dma_semaphore, #tpu.memory_space<semaphore_mem>>)
    %dma_wait3A_285 = arith.constant 256 : i32
    %dma_wait3A_286 = tpu.memref_slice %arg8[%dma_wait3A_285] : memref<512xi32, #tpu.memory_space<vmem>> -> memref<128xi32, #tpu.memory_space<vmem>>
    %dma_wait3A_287 = arith.constant 256 : i32
    %dma_wait3A_288 = tpu.memref_slice %arg7[%dma_wait3A_287] : memref<512xi32, #tpu.memory_space<vmem>> -> memref<128xi32, #tpu.memory_space<vmem>>
    %dma_wait3A_289 = arith.constant 0 : i32
    %dma_wait3A_290 = tpu.memref_slice %arg3[%dma_wait3A_289] : memref<16384xi32, #tpu.memory_space<hbm>> -> memref<16384xi32, #tpu.memory_space<hbm>>
    tpu.wait_indirect_dma semaphore(%arg10 : memref<!tpu.dma_semaphore, #tpu.memory_space<semaphore_mem>>) src(%dma_wait3A_290 : memref<16384xi32, #tpu.memory_space<hbm>>) dst(%dma_wait3A_286 : memref<128xi32, #tpu.memory_space<vmem>>)
    %dma_start3A_291 = arith.constant 384 : i32
    %dma_start3A_292 = tpu.memref_slice %arg8[%dma_start3A_291] : memref<512xi32, #tpu.memory_space<vmem>> -> memref<128xi32, #tpu.memory_space<vmem>>
    %dma_start3A_293 = arith.constant 384 : i32
    %dma_start3A_294 = tpu.memref_slice %arg7[%dma_start3A_293] : memref<512xi32, #tpu.memory_space<vmem>> -> memref<128xi32, #tpu.memory_space<vmem>>
    %dma_start3A_295 = arith.constant 0 : i32
    %dma_start3A_296 = tpu.memref_slice %arg3[%dma_start3A_295] : memref<16384xi32, #tpu.memory_space<hbm>> -> memref<16384xi32, #tpu.memory_space<hbm>>
    tpu.enqueue_indirect_dma source(%dma_start3A_296 : memref<16384xi32, #tpu.memory_space<hbm>>) target(%dma_start3A_292 : memref<128xi32, #tpu.memory_space<vmem>>) offsets(%dma_start3A_294 : memref<128xi32, #tpu.memory_space<vmem>>) semaphore(%arg10 : memref<!tpu.dma_semaphore, #tpu.memory_space<semaphore_mem>>)
    %dma_wait3A_297 = arith.constant 384 : i32
    %dma_wait3A_298 = tpu.memref_slice %arg8[%dma_wait3A_297] : memref<512xi32, #tpu.memory_space<vmem>> -> memref<128xi32, #tpu.memory_space<vmem>>
    %dma_wait3A_299 = arith.constant 384 : i32
    %dma_wait3A_300 = tpu.memref_slice %arg7[%dma_wait3A_299] : memref<512xi32, #tpu.memory_space<vmem>> -> memref<128xi32, #tpu.memory_space<vmem>>
    %dma_wait3A_301 = arith.constant 0 : i32
    %dma_wait3A_302 = tpu.memref_slice %arg3[%dma_wait3A_301] : memref<16384xi32, #tpu.memory_space<hbm>> -> memref<16384xi32, #tpu.memory_space<hbm>>
    tpu.wait_indirect_dma semaphore(%arg10 : memref<!tpu.dma_semaphore, #tpu.memory_space<semaphore_mem>>) src(%dma_wait3A_302 : memref<16384xi32, #tpu.memory_space<hbm>>) dst(%dma_wait3A_298 : memref<128xi32, #tpu.memory_space<vmem>>)
    %get3A_303 = arith.constant 0 : index
    %get3A_304 = tpu.vector_load %arg8[%get3A_303] {strides = array<i32>} : memref<512xi32, #tpu.memory_space<vmem>>, vector<16xi32>,
    %get3A_305 = vector.shape_cast %get3A_304 : vector<16xi32> to vector<16xi32>
    %convert_element_type3A = arith.sitofp %get3A_305 : vector<16xi32> to vector<16xf32>
    %swap3A_306 = arith.constant 0 : index
    %swap3A_307 = tpu.vector_load %arg9[%swap3A_306] {strides = array<i32>} : memref<512xf32, #tpu.memory_space<vmem>>, vector<16xf32>,
    %swap3A_308 = vector.shape_cast %swap3A_307 : vector<16xf32> to vector<16xf32>
    %swap3A_309 = vector.shape_cast %convert_element_type3A : vector<16xf32> to vector<16xf32>
    tpu.vector_store %arg9[%swap3A_306], %swap3A_309 {strides = array<i32>} : memref<512xf32, #tpu.memory_space<vmem>>, vector<16xf32>,
    %get3A_310 = arith.constant 16 : index
    %get3A_311 = tpu.vector_load %arg8[%get3A_310] {strides = array<i32>} : memref<512xi32, #tpu.memory_space<vmem>>, vector<16xi32>,
    %get3A_312 = vector.shape_cast %get3A_311 : vector<16xi32> to vector<16xi32>
    %convert_element_type3A_313 = arith.sitofp %get3A_312 : vector<16xi32> to vector<16xf32>
    %swap3A_314 = arith.constant 16 : index
    %swap3A_315 = tpu.vector_load %arg9[%swap3A_314] {strides = array<i32>} : memref<512xf32, #tpu.memory_space<vmem>>, vector<16xf32>,
    %swap3A_316 = vector.shape_cast %swap3A_315 : vector<16xf32> to vector<16xf32>
    %swap3A_317 = vector.shape_cast %convert_element_type3A_313 : vector<16xf32> to vector<16xf32>
    tpu.vector_store %arg9[%swap3A_314], %swap3A_317 {strides = array<i32>} : memref<512xf32, #tpu.memory_space<vmem>>, vector<16xf32>,
    %get3A_318 = arith.constant 32 : index
    %get3A_319 = tpu.vector_load %arg8[%get3A_318] {strides = array<i32>} : memref<512xi32, #tpu.memory_space<vmem>>, vector<16xi32>,
    %get3A_320 = vector.shape_cast %get3A_319 : vector<16xi32> to vector<16xi32>
    %convert_element_type3A_321 = arith.sitofp %get3A_320 : vector<16xi32> to vector<16xf32>
    %swap3A_322 = arith.constant 32 : index
    %swap3A_323 = tpu.vector_load %arg9[%swap3A_322] {strides = array<i32>} : memref<512xf32, #tpu.memory_space<vmem>>, vector<16xf32>,
    %swap3A_324 = vector.shape_cast %swap3A_323 : vector<16xf32> to vector<16xf32>
    %swap3A_325 = vector.shape_cast %convert_element_type3A_321 : vector<16xf32> to vector<16xf32>
    tpu.vector_store %arg9[%swap3A_322], %swap3A_325 {strides = array<i32>} : memref<512xf32, #tpu.memory_space<vmem>>, vector<16xf32>,
    %get3A_326 = arith.constant 48 : index
    %get3A_327 = tpu.vector_load %arg8[%get3A_326] {strides = array<i32>} : memref<512xi32, #tpu.memory_space<vmem>>, vector<16xi32>,
    %get3A_328 = vector.shape_cast %get3A_327 : vector<16xi32> to vector<16xi32>
    %convert_element_type3A_329 = arith.sitofp %get3A_328 : vector<16xi32> to vector<16xf32>
    %swap3A_330 = arith.constant 48 : index
    %swap3A_331 = tpu.vector_load %arg9[%swap3A_330] {strides = array<i32>} : memref<512xf32, #tpu.memory_space<vmem>>, vector<16xf32>,
    %swap3A_332 = vector.shape_cast %swap3A_331 : vector<16xf32> to vector<16xf32>
    %swap3A_333 = vector.shape_cast %convert_element_type3A_329 : vector<16xf32> to vector<16xf32>
    tpu.vector_store %arg9[%swap3A_330], %swap3A_333 {strides = array<i32>} : memref<512xf32, #tpu.memory_space<vmem>>, vector<16xf32>,
    %get3A_334 = arith.constant 64 : index
    %get3A_335 = tpu.vector_load %arg8[%get3A_334] {strides = array<i32>} : memref<512xi32, #tpu.memory_space<vmem>>, vector<16xi32>,
    %get3A_336 = vector.shape_cast %get3A_335 : vector<16xi32> to vector<16xi32>
    %convert_element_type3A_337 = arith.sitofp %get3A_336 : vector<16xi32> to vector<16xf32>
    %swap3A_338 = arith.constant 64 : index
    %swap3A_339 = tpu.vector_load %arg9[%swap3A_338] {strides = array<i32>} : memref<512xf32, #tpu.memory_space<vmem>>, vector<16xf32>,
    %swap3A_340 = vector.shape_cast %swap3A_339 : vector<16xf32> to vector<16xf32>
    %swap3A_341 = vector.shape_cast %convert_element_type3A_337 : vector<16xf32> to vector<16xf32>
    tpu.vector_store %arg9[%swap3A_338], %swap3A_341 {strides = array<i32>} : memref<512xf32, #tpu.memory_space<vmem>>, vector<16xf32>,
    %get3A_342 = arith.constant 80 : index
    %get3A_343 = tpu.vector_load %arg8[%get3A_342] {strides = array<i32>} : memref<512xi32, #tpu.memory_space<vmem>>, vector<16xi32>,
    %get3A_344 = vector.shape_cast %get3A_343 : vector<16xi32> to vector<16xi32>
    %convert_element_type3A_345 = arith.sitofp %get3A_344 : vector<16xi32> to vector<16xf32>
    %swap3A_346 = arith.constant 80 : index
    %swap3A_347 = tpu.vector_load %arg9[%swap3A_346] {strides = array<i32>} : memref<512xf32, #tpu.memory_space<vmem>>, vector<16xf32>,
    %swap3A_348 = vector.shape_cast %swap3A_347 : vector<16xf32> to vector<16xf32>
    %swap3A_349 = vector.shape_cast %convert_element_type3A_345 : vector<16xf32> to vector<16xf32>
    tpu.vector_store %arg9[%swap3A_346], %swap3A_349 {strides = array<i32>} : memref<512xf32, #tpu.memory_space<vmem>>, vector<16xf32>,
    %get3A_350 = arith.constant 96 : index
    %get3A_351 = tpu.vector_load %arg8[%get3A_350] {strides = array<i32>} : memref<512xi32, #tpu.memory_space<vmem>>, vector<16xi32>,
    %get3A_352 = vector.shape_cast %get3A_351 : vector<16xi32> to vector<16xi32>
    %convert_element_type3A_353 = arith.sitofp %get3A_352 : vector<16xi32> to vector<16xf32>
    %swap3A_354 = arith.constant 96 : index
    %swap3A_355 = tpu.vector_load %arg9[%swap3A_354] {strides = array<i32>} : memref<512xf32, #tpu.memory_space<vmem>>, vector<16xf32>,
    %swap3A_356 = vector.shape_cast %swap3A_355 : vector<16xf32> to vector<16xf32>
    %swap3A_357 = vector.shape_cast %convert_element_type3A_353 : vector<16xf32> to vector<16xf32>
    tpu.vector_store %arg9[%swap3A_354], %swap3A_357 {strides = array<i32>} : memref<512xf32, #tpu.memory_space<vmem>>, vector<16xf32>,
    %get3A_358 = arith.constant 112 : index
    %get3A_359 = tpu.vector_load %arg8[%get3A_358] {strides = array<i32>} : memref<512xi32, #tpu.memory_space<vmem>>, vector<16xi32>,
    %get3A_360 = vector.shape_cast %get3A_359 : vector<16xi32> to vector<16xi32>
    %convert_element_type3A_361 = arith.sitofp %get3A_360 : vector<16xi32> to vector<16xf32>
    %swap3A_362 = arith.constant 112 : index
    %swap3A_363 = tpu.vector_load %arg9[%swap3A_362] {strides = array<i32>} : memref<512xf32, #tpu.memory_space<vmem>>, vector<16xf32>,
    %swap3A_364 = vector.shape_cast %swap3A_363 : vector<16xf32> to vector<16xf32>
    %swap3A_365 = vector.shape_cast %convert_element_type3A_361 : vector<16xf32> to vector<16xf32>
    tpu.vector_store %arg9[%swap3A_362], %swap3A_365 {strides = array<i32>} : memref<512xf32, #tpu.memory_space<vmem>>, vector<16xf32>,
    %get3A_366 = arith.constant 128 : index
    %get3A_367 = tpu.vector_load %arg8[%get3A_366] {strides = array<i32>} : memref<512xi32, #tpu.memory_space<vmem>>, vector<16xi32>,
    %get3A_368 = vector.shape_cast %get3A_367 : vector<16xi32> to vector<16xi32>
    %convert_element_type3A_369 = arith.sitofp %get3A_368 : vector<16xi32> to vector<16xf32>
    %swap3A_370 = arith.constant 128 : index
    %swap3A_371 = tpu.vector_load %arg9[%swap3A_370] {strides = array<i32>} : memref<512xf32, #tpu.memory_space<vmem>>, vector<16xf32>,
    %swap3A_372 = vector.shape_cast %swap3A_371 : vector<16xf32> to vector<16xf32>
    %swap3A_373 = vector.shape_cast %convert_element_type3A_369 : vector<16xf32> to vector<16xf32>
    tpu.vector_store %arg9[%swap3A_370], %swap3A_373 {strides = array<i32>} : memref<512xf32, #tpu.memory_space<vmem>>, vector<16xf32>,
    %get3A_374 = arith.constant 144 : index
    %get3A_375 = tpu.vector_load %arg8[%get3A_374] {strides = array<i32>} : memref<512xi32, #tpu.memory_space<vmem>>, vector<16xi32>,
    %get3A_376 = vector.shape_cast %get3A_375 : vector<16xi32> to vector<16xi32>
    %convert_element_type3A_377 = arith.sitofp %get3A_376 : vector<16xi32> to vector<16xf32>
    %swap3A_378 = arith.constant 144 : index
    %swap3A_379 = tpu.vector_load %arg9[%swap3A_378] {strides = array<i32>} : memref<512xf32, #tpu.memory_space<vmem>>, vector<16xf32>,
    %swap3A_380 = vector.shape_cast %swap3A_379 : vector<16xf32> to vector<16xf32>
    %swap3A_381 = vector.shape_cast %convert_element_type3A_377 : vector<16xf32> to vector<16xf32>
    tpu.vector_store %arg9[%swap3A_378], %swap3A_381 {strides = array<i32>} : memref<512xf32, #tpu.memory_space<vmem>>, vector<16xf32>,
    %get3A_382 = arith.constant 160 : index
    %get3A_383 = tpu.vector_load %arg8[%get3A_382] {strides = array<i32>} : memref<512xi32, #tpu.memory_space<vmem>>, vector<16xi32>,
    %get3A_384 = vector.shape_cast %get3A_383 : vector<16xi32> to vector<16xi32>
    %convert_element_type3A_385 = arith.sitofp %get3A_384 : vector<16xi32> to vector<16xf32>
    %swap3A_386 = arith.constant 160 : index
    %swap3A_387 = tpu.vector_load %arg9[%swap3A_386] {strides = array<i32>} : memref<512xf32, #tpu.memory_space<vmem>>, vector<16xf32>,
    %swap3A_388 = vector.shape_cast %swap3A_387 : vector<16xf32> to vector<16xf32>
    %swap3A_389 = vector.shape_cast %convert_element_type3A_385 : vector<16xf32> to vector<16xf32>
    tpu.vector_store %arg9[%swap3A_386], %swap3A_389 {strides = array<i32>} : memref<512xf32, #tpu.memory_space<vmem>>, vector<16xf32>,
    %get3A_390 = arith.constant 176 : index
    %get3A_391 = tpu.vector_load %arg8[%get3A_390] {strides = array<i32>} : memref<512xi32, #tpu.memory_space<vmem>>, vector<16xi32>,
    %get3A_392 = vector.shape_cast %get3A_391 : vector<16xi32> to vector<16xi32>
    %convert_element_type3A_393 = arith.sitofp %get3A_392 : vector<16xi32> to vector<16xf32>
    %swap3A_394 = arith.constant 176 : index
    %swap3A_395 = tpu.vector_load %arg9[%swap3A_394] {strides = array<i32>} : memref<512xf32, #tpu.memory_space<vmem>>, vector<16xf32>,
    %swap3A_396 = vector.shape_cast %swap3A_395 : vector<16xf32> to vector<16xf32>
    %swap3A_397 = vector.shape_cast %convert_element_type3A_393 : vector<16xf32> to vector<16xf32>
    tpu.vector_store %arg9[%swap3A_394], %swap3A_397 {strides = array<i32>} : memref<512xf32, #tpu.memory_space<vmem>>, vector<16xf32>,
    %get3A_398 = arith.constant 192 : index
    %get3A_399 = tpu.vector_load %arg8[%get3A_398] {strides = array<i32>} : memref<512xi32, #tpu.memory_space<vmem>>, vector<16xi32>,
    %get3A_400 = vector.shape_cast %get3A_399 : vector<16xi32> to vector<16xi32>
    %convert_element_type3A_401 = arith.sitofp %get3A_400 : vector<16xi32> to vector<16xf32>
    %swap3A_402 = arith.constant 192 : index
    %swap3A_403 = tpu.vector_load %arg9[%swap3A_402] {strides = array<i32>} : memref<512xf32, #tpu.memory_space<vmem>>, vector<16xf32>,
    %swap3A_404 = vector.shape_cast %swap3A_403 : vector<16xf32> to vector<16xf32>
    %swap3A_405 = vector.shape_cast %convert_element_type3A_401 : vector<16xf32> to vector<16xf32>
    tpu.vector_store %arg9[%swap3A_402], %swap3A_405 {strides = array<i32>} : memref<512xf32, #tpu.memory_space<vmem>>, vector<16xf32>,
    %get3A_406 = arith.constant 208 : index
    %get3A_407 = tpu.vector_load %arg8[%get3A_406] {strides = array<i32>} : memref<512xi32, #tpu.memory_space<vmem>>, vector<16xi32>,
    %get3A_408 = vector.shape_cast %get3A_407 : vector<16xi32> to vector<16xi32>
    %convert_element_type3A_409 = arith.sitofp %get3A_408 : vector<16xi32> to vector<16xf32>
    %swap3A_410 = arith.constant 208 : index
    %swap3A_411 = tpu.vector_load %arg9[%swap3A_410] {strides = array<i32>} : memref<512xf32, #tpu.memory_space<vmem>>, vector<16xf32>,
    %swap3A_412 = vector.shape_cast %swap3A_411 : vector<16xf32> to vector<16xf32>
    %swap3A_413 = vector.shape_cast %convert_element_type3A_409 : vector<16xf32> to vector<16xf32>
    tpu.vector_store %arg9[%swap3A_410], %swap3A_413 {strides = array<i32>} : memref<512xf32, #tpu.memory_space<vmem>>, vector<16xf32>,
    %get3A_414 = arith.constant 224 : index
    %get3A_415 = tpu.vector_load %arg8[%get3A_414] {strides = array<i32>} : memref<512xi32, #tpu.memory_space<vmem>>, vector<16xi32>,
    %get3A_416 = vector.shape_cast %get3A_415 : vector<16xi32> to vector<16xi32>
    %convert_element_type3A_417 = arith.sitofp %get3A_416 : vector<16xi32> to vector<16xf32>
    %swap3A_418 = arith.constant 224 : index
    %swap3A_419 = tpu.vector_load %arg9[%swap3A_418] {strides = array<i32>} : memref<512xf32, #tpu.memory_space<vmem>>, vector<16xf32>,
    %swap3A_420 = vector.shape_cast %swap3A_419 : vector<16xf32> to vector<16xf32>
    %swap3A_421 = vector.shape_cast %convert_element_type3A_417 : vector<16xf32> to vector<16xf32>
    tpu.vector_store %arg9[%swap3A_418], %swap3A_421 {strides = array<i32>} : memref<512xf32, #tpu.memory_space<vmem>>, vector<16xf32>,
    %get3A_422 = arith.constant 240 : index
    %get3A_423 = tpu.vector_load %arg8[%get3A_422] {strides = array<i32>} : memref<512xi32, #tpu.memory_space<vmem>>, vector<16xi32>,
    %get3A_424 = vector.shape_cast %get3A_423 : vector<16xi32> to vector<16xi32>
    %convert_element_type3A_425 = arith.sitofp %get3A_424 : vector<16xi32> to vector<16xf32>
    %swap3A_426 = arith.constant 240 : index
    %swap3A_427 = tpu.vector_load %arg9[%swap3A_426] {strides = array<i32>} : memref<512xf32, #tpu.memory_space<vmem>>, vector<16xf32>,
    %swap3A_428 = vector.shape_cast %swap3A_427 : vector<16xf32> to vector<16xf32>
    %swap3A_429 = vector.shape_cast %convert_element_type3A_425 : vector<16xf32> to vector<16xf32>
    tpu.vector_store %arg9[%swap3A_426], %swap3A_429 {strides = array<i32>} : memref<512xf32, #tpu.memory_space<vmem>>, vector<16xf32>,
    %get3A_430 = arith.constant 256 : index
    %get3A_431 = tpu.vector_load %arg8[%get3A_430] {strides = array<i32>} : memref<512xi32, #tpu.memory_space<vmem>>, vector<16xi32>,
    %get3A_432 = vector.shape_cast %get3A_431 : vector<16xi32> to vector<16xi32>
    %convert_element_type3A_433 = arith.sitofp %get3A_432 : vector<16xi32> to vector<16xf32>
    %swap3A_434 = arith.constant 256 : index
    %swap3A_435 = tpu.vector_load %arg9[%swap3A_434] {strides = array<i32>} : memref<512xf32, #tpu.memory_space<vmem>>, vector<16xf32>,
    %swap3A_436 = vector.shape_cast %swap3A_435 : vector<16xf32> to vector<16xf32>
    %swap3A_437 = vector.shape_cast %convert_element_type3A_433 : vector<16xf32> to vector<16xf32>
    tpu.vector_store %arg9[%swap3A_434], %swap3A_437 {strides = array<i32>} : memref<512xf32, #tpu.memory_space<vmem>>, vector<16xf32>,
    %get3A_438 = arith.constant 272 : index
    %get3A_439 = tpu.vector_load %arg8[%get3A_438] {strides = array<i32>} : memref<512xi32, #tpu.memory_space<vmem>>, vector<16xi32>,
    %get3A_440 = vector.shape_cast %get3A_439 : vector<16xi32> to vector<16xi32>
    %convert_element_type3A_441 = arith.sitofp %get3A_440 : vector<16xi32> to vector<16xf32>
    %swap3A_442 = arith.constant 272 : index
    %swap3A_443 = tpu.vector_load %arg9[%swap3A_442] {strides = array<i32>} : memref<512xf32, #tpu.memory_space<vmem>>, vector<16xf32>,
    %swap3A_444 = vector.shape_cast %swap3A_443 : vector<16xf32> to vector<16xf32>
    %swap3A_445 = vector.shape_cast %convert_element_type3A_441 : vector<16xf32> to vector<16xf32>
    tpu.vector_store %arg9[%swap3A_442], %swap3A_445 {strides = array<i32>} : memref<512xf32, #tpu.memory_space<vmem>>, vector<16xf32>,
    %get3A_446 = arith.constant 288 : index
    %get3A_447 = tpu.vector_load %arg8[%get3A_446] {strides = array<i32>} : memref<512xi32, #tpu.memory_space<vmem>>, vector<16xi32>,
    %get3A_448 = vector.shape_cast %get3A_447 : vector<16xi32> to vector<16xi32>
    %convert_element_type3A_449 = arith.sitofp %get3A_448 : vector<16xi32> to vector<16xf32>
    %swap3A_450 = arith.constant 288 : index
    %swap3A_451 = tpu.vector_load %arg9[%swap3A_450] {strides = array<i32>} : memref<512xf32, #tpu.memory_space<vmem>>, vector<16xf32>,
    %swap3A_452 = vector.shape_cast %swap3A_451 : vector<16xf32> to vector<16xf32>
    %swap3A_453 = vector.shape_cast %convert_element_type3A_449 : vector<16xf32> to vector<16xf32>
    tpu.vector_store %arg9[%swap3A_450], %swap3A_453 {strides = array<i32>} : memref<512xf32, #tpu.memory_space<vmem>>, vector<16xf32>,
    %get3A_454 = arith.constant 304 : index
    %get3A_455 = tpu.vector_load %arg8[%get3A_454] {strides = array<i32>} : memref<512xi32, #tpu.memory_space<vmem>>, vector<16xi32>,
    %get3A_456 = vector.shape_cast %get3A_455 : vector<16xi32> to vector<16xi32>
    %convert_element_type3A_457 = arith.sitofp %get3A_456 : vector<16xi32> to vector<16xf32>
    %swap3A_458 = arith.constant 304 : index
    %swap3A_459 = tpu.vector_load %arg9[%swap3A_458] {strides = array<i32>} : memref<512xf32, #tpu.memory_space<vmem>>, vector<16xf32>,
    %swap3A_460 = vector.shape_cast %swap3A_459 : vector<16xf32> to vector<16xf32>
    %swap3A_461 = vector.shape_cast %convert_element_type3A_457 : vector<16xf32> to vector<16xf32>
    tpu.vector_store %arg9[%swap3A_458], %swap3A_461 {strides = array<i32>} : memref<512xf32, #tpu.memory_space<vmem>>, vector<16xf32>,
    %get3A_462 = arith.constant 320 : index
    %get3A_463 = tpu.vector_load %arg8[%get3A_462] {strides = array<i32>} : memref<512xi32, #tpu.memory_space<vmem>>, vector<16xi32>,
    %get3A_464 = vector.shape_cast %get3A_463 : vector<16xi32> to vector<16xi32>
    %convert_element_type3A_465 = arith.sitofp %get3A_464 : vector<16xi32> to vector<16xf32>
    %swap3A_466 = arith.constant 320 : index
    %swap3A_467 = tpu.vector_load %arg9[%swap3A_466] {strides = array<i32>} : memref<512xf32, #tpu.memory_space<vmem>>, vector<16xf32>,
    %swap3A_468 = vector.shape_cast %swap3A_467 : vector<16xf32> to vector<16xf32>
    %swap3A_469 = vector.shape_cast %convert_element_type3A_465 : vector<16xf32> to vector<16xf32>
    tpu.vector_store %arg9[%swap3A_466], %swap3A_469 {strides = array<i32>} : memref<512xf32, #tpu.memory_space<vmem>>, vector<16xf32>,
    %get3A_470 = arith.constant 336 : index
    %get3A_471 = tpu.vector_load %arg8[%get3A_470] {strides = array<i32>} : memref<512xi32, #tpu.memory_space<vmem>>, vector<16xi32>,
    %get3A_472 = vector.shape_cast %get3A_471 : vector<16xi32> to vector<16xi32>
    %convert_element_type3A_473 = arith.sitofp %get3A_472 : vector<16xi32> to vector<16xf32>
    %swap3A_474 = arith.constant 336 : index
    %swap3A_475 = tpu.vector_load %arg9[%swap3A_474] {strides = array<i32>} : memref<512xf32, #tpu.memory_space<vmem>>, vector<16xf32>,
    %swap3A_476 = vector.shape_cast %swap3A_475 : vector<16xf32> to vector<16xf32>
    %swap3A_477 = vector.shape_cast %convert_element_type3A_473 : vector<16xf32> to vector<16xf32>
    tpu.vector_store %arg9[%swap3A_474], %swap3A_477 {strides = array<i32>} : memref<512xf32, #tpu.memory_space<vmem>>, vector<16xf32>,
    %get3A_478 = arith.constant 352 : index
    %get3A_479 = tpu.vector_load %arg8[%get3A_478] {strides = array<i32>} : memref<512xi32, #tpu.memory_space<vmem>>, vector<16xi32>,
    %get3A_480 = vector.shape_cast %get3A_479 : vector<16xi32> to vector<16xi32>
    %convert_element_type3A_481 = arith.sitofp %get3A_480 : vector<16xi32> to vector<16xf32>
    %swap3A_482 = arith.constant 352 : index
    %swap3A_483 = tpu.vector_load %arg9[%swap3A_482] {strides = array<i32>} : memref<512xf32, #tpu.memory_space<vmem>>, vector<16xf32>,
    %swap3A_484 = vector.shape_cast %swap3A_483 : vector<16xf32> to vector<16xf32>
    %swap3A_485 = vector.shape_cast %convert_element_type3A_481 : vector<16xf32> to vector<16xf32>
    tpu.vector_store %arg9[%swap3A_482], %swap3A_485 {strides = array<i32>} : memref<512xf32, #tpu.memory_space<vmem>>, vector<16xf32>,
    %get3A_486 = arith.constant 368 : index
    %get3A_487 = tpu.vector_load %arg8[%get3A_486] {strides = array<i32>} : memref<512xi32, #tpu.memory_space<vmem>>, vector<16xi32>,
    %get3A_488 = vector.shape_cast %get3A_487 : vector<16xi32> to vector<16xi32>
    %convert_element_type3A_489 = arith.sitofp %get3A_488 : vector<16xi32> to vector<16xf32>
    %swap3A_490 = arith.constant 368 : index
    %swap3A_491 = tpu.vector_load %arg9[%swap3A_490] {strides = array<i32>} : memref<512xf32, #tpu.memory_space<vmem>>, vector<16xf32>,
    %swap3A_492 = vector.shape_cast %swap3A_491 : vector<16xf32> to vector<16xf32>
    %swap3A_493 = vector.shape_cast %convert_element_type3A_489 : vector<16xf32> to vector<16xf32>
    tpu.vector_store %arg9[%swap3A_490], %swap3A_493 {strides = array<i32>} : memref<512xf32, #tpu.memory_space<vmem>>, vector<16xf32>,
    %get3A_494 = arith.constant 384 : index
    %get3A_495 = tpu.vector_load %arg8[%get3A_494] {strides = array<i32>} : memref<512xi32, #tpu.memory_space<vmem>>, vector<16xi32>,
    %get3A_496 = vector.shape_cast %get3A_495 : vector<16xi32> to vector<16xi32>
    %convert_element_type3A_497 = arith.sitofp %get3A_496 : vector<16xi32> to vector<16xf32>
    %swap3A_498 = arith.constant 384 : index
    %swap3A_499 = tpu.vector_load %arg9[%swap3A_498] {strides = array<i32>} : memref<512xf32, #tpu.memory_space<vmem>>, vector<16xf32>,
    %swap3A_500 = vector.shape_cast %swap3A_499 : vector<16xf32> to vector<16xf32>
    %swap3A_501 = vector.shape_cast %convert_element_type3A_497 : vector<16xf32> to vector<16xf32>
    tpu.vector_store %arg9[%swap3A_498], %swap3A_501 {strides = array<i32>} : memref<512xf32, #tpu.memory_space<vmem>>, vector<16xf32>,
    %get3A_502 = arith.constant 400 : index
    %get3A_503 = tpu.vector_load %arg8[%get3A_502] {strides = array<i32>} : memref<512xi32, #tpu.memory_space<vmem>>, vector<16xi32>,
    %get3A_504 = vector.shape_cast %get3A_503 : vector<16xi32> to vector<16xi32>
    %convert_element_type3A_505 = arith.sitofp %get3A_504 : vector<16xi32> to vector<16xf32>
    %swap3A_506 = arith.constant 400 : index
    %swap3A_507 = tpu.vector_load %arg9[%swap3A_506] {strides = array<i32>} : memref<512xf32, #tpu.memory_space<vmem>>, vector<16xf32>,
    %swap3A_508 = vector.shape_cast %swap3A_507 : vector<16xf32> to vector<16xf32>
    %swap3A_509 = vector.shape_cast %convert_element_type3A_505 : vector<16xf32> to vector<16xf32>
    tpu.vector_store %arg9[%swap3A_506], %swap3A_509 {strides = array<i32>} : memref<512xf32, #tpu.memory_space<vmem>>, vector<16xf32>,
    %get3A_510 = arith.constant 416 : index
    %get3A_511 = tpu.vector_load %arg8[%get3A_510] {strides = array<i32>} : memref<512xi32, #tpu.memory_space<vmem>>, vector<16xi32>,
    %get3A_512 = vector.shape_cast %get3A_511 : vector<16xi32> to vector<16xi32>
    %convert_element_type3A_513 = arith.sitofp %get3A_512 : vector<16xi32> to vector<16xf32>
    %swap3A_514 = arith.constant 416 : index
    %swap3A_515 = tpu.vector_load %arg9[%swap3A_514] {strides = array<i32>} : memref<512xf32, #tpu.memory_space<vmem>>, vector<16xf32>,
    %swap3A_516 = vector.shape_cast %swap3A_515 : vector<16xf32> to vector<16xf32>
    %swap3A_517 = vector.shape_cast %convert_element_type3A_513 : vector<16xf32> to vector<16xf32>
    tpu.vector_store %arg9[%swap3A_514], %swap3A_517 {strides = array<i32>} : memref<512xf32, #tpu.memory_space<vmem>>, vector<16xf32>,
    %get3A_518 = arith.constant 432 : index
    %get3A_519 = tpu.vector_load %arg8[%get3A_518] {strides = array<i32>} : memref<512xi32, #tpu.memory_space<vmem>>, vector<16xi32>,
    %get3A_520 = vector.shape_cast %get3A_519 : vector<16xi32> to vector<16xi32>
    %convert_element_type3A_521 = arith.sitofp %get3A_520 : vector<16xi32> to vector<16xf32>
    %swap3A_522 = arith.constant 432 : index
    %swap3A_523 = tpu.vector_load %arg9[%swap3A_522] {strides = array<i32>} : memref<512xf32, #tpu.memory_space<vmem>>, vector<16xf32>,
    %swap3A_524 = vector.shape_cast %swap3A_523 : vector<16xf32> to vector<16xf32>
    %swap3A_525 = vector.shape_cast %convert_element_type3A_521 : vector<16xf32> to vector<16xf32>
    tpu.vector_store %arg9[%swap3A_522], %swap3A_525 {strides = array<i32>} : memref<512xf32, #tpu.memory_space<vmem>>, vector<16xf32>,
    %get3A_526 = arith.constant 448 : index
    %get3A_527 = tpu.vector_load %arg8[%get3A_526] {strides = array<i32>} : memref<512xi32, #tpu.memory_space<vmem>>, vector<16xi32>,
    %get3A_528 = vector.shape_cast %get3A_527 : vector<16xi32> to vector<16xi32>
    %convert_element_type3A_529 = arith.sitofp %get3A_528 : vector<16xi32> to vector<16xf32>
    %swap3A_530 = arith.constant 448 : index
    %swap3A_531 = tpu.vector_load %arg9[%swap3A_530] {strides = array<i32>} : memref<512xf32, #tpu.memory_space<vmem>>, vector<16xf32>,
    %swap3A_532 = vector.shape_cast %swap3A_531 : vector<16xf32> to vector<16xf32>
    %swap3A_533 = vector.shape_cast %convert_element_type3A_529 : vector<16xf32> to vector<16xf32>
    tpu.vector_store %arg9[%swap3A_530], %swap3A_533 {strides = array<i32>} : memref<512xf32, #tpu.memory_space<vmem>>, vector<16xf32>,
    %get3A_534 = arith.constant 464 : index
    %get3A_535 = tpu.vector_load %arg8[%get3A_534] {strides = array<i32>} : memref<512xi32, #tpu.memory_space<vmem>>, vector<16xi32>,
    %get3A_536 = vector.shape_cast %get3A_535 : vector<16xi32> to vector<16xi32>
    %convert_element_type3A_537 = arith.sitofp %get3A_536 : vector<16xi32> to vector<16xf32>
    %swap3A_538 = arith.constant 464 : index
    %swap3A_539 = tpu.vector_load %arg9[%swap3A_538] {strides = array<i32>} : memref<512xf32, #tpu.memory_space<vmem>>, vector<16xf32>,
    %swap3A_540 = vector.shape_cast %swap3A_539 : vector<16xf32> to vector<16xf32>
    %swap3A_541 = vector.shape_cast %convert_element_type3A_537 : vector<16xf32> to vector<16xf32>
    tpu.vector_store %arg9[%swap3A_538], %swap3A_541 {strides = array<i32>} : memref<512xf32, #tpu.memory_space<vmem>>, vector<16xf32>,
    %get3A_542 = arith.constant 480 : index
    %get3A_543 = tpu.vector_load %arg8[%get3A_542] {strides = array<i32>} : memref<512xi32, #tpu.memory_space<vmem>>, vector<16xi32>,
    %get3A_544 = vector.shape_cast %get3A_543 : vector<16xi32> to vector<16xi32>
    %convert_element_type3A_545 = arith.sitofp %get3A_544 : vector<16xi32> to vector<16xf32>
    %swap3A_546 = arith.constant 480 : index
    %swap3A_547 = tpu.vector_load %arg9[%swap3A_546] {strides = array<i32>} : memref<512xf32, #tpu.memory_space<vmem>>, vector<16xf32>,
    %swap3A_548 = vector.shape_cast %swap3A_547 : vector<16xf32> to vector<16xf32>
    %swap3A_549 = vector.shape_cast %convert_element_type3A_545 : vector<16xf32> to vector<16xf32>
    tpu.vector_store %arg9[%swap3A_546], %swap3A_549 {strides = array<i32>} : memref<512xf32, #tpu.memory_space<vmem>>, vector<16xf32>,
    %get3A_550 = arith.constant 496 : index
    %get3A_551 = tpu.vector_load %arg8[%get3A_550] {strides = array<i32>} : memref<512xi32, #tpu.memory_space<vmem>>, vector<16xi32>,
    %get3A_552 = vector.shape_cast %get3A_551 : vector<16xi32> to vector<16xi32>
    %convert_element_type3A_553 = arith.sitofp %get3A_552 : vector<16xi32> to vector<16xf32>
    %swap3A_554 = arith.constant 496 : index
    %swap3A_555 = tpu.vector_load %arg9[%swap3A_554] {strides = array<i32>} : memref<512xf32, #tpu.memory_space<vmem>>, vector<16xf32>,
    %swap3A_556 = vector.shape_cast %swap3A_555 : vector<16xf32> to vector<16xf32>
    %swap3A_557 = vector.shape_cast %convert_element_type3A_553 : vector<16xf32> to vector<16xf32>
    tpu.vector_store %arg9[%swap3A_554], %swap3A_557 {strides = array<i32>} : memref<512xf32, #tpu.memory_space<vmem>>, vector<16xf32>,
    "tpu.region"() ({
      %run_scoped3A = tpu.sem_alloc : memref<!tpu.dma_semaphore, #tpu.memory_space<semaphore_mem>>
      %dma_start3A_558 = tpu.memref_slice %arg4[%mul3A_2] : memref<16384xf32, #tpu.memory_space<hbm>> -> memref<512xf32, #tpu.memory_space<hbm>>
      %dma_start3A_559 = tpu.memref_slice %arg4[%mul3A_2] : memref<16384xf32, #tpu.memory_space<hbm>> -> memref<512xf32, #tpu.memory_space<hbm>>
      tpu.enqueue_dma source(%arg9 : memref<512xf32, #tpu.memory_space<vmem>>) target(%dma_start3A_559 : memref<512xf32, #tpu.memory_space<hbm>>) target_semaphore(%run_scoped3A : memref<!tpu.dma_semaphore, #tpu.memory_space<semaphore_mem>>)
      %dma_wait3A_560 = tpu.memref_slice %arg4[%mul3A_2] : memref<16384xf32, #tpu.memory_space<hbm>> -> memref<512xf32, #tpu.memory_space<hbm>>
      %dma_wait3A_561 = tpu.memref_slice %arg4[%mul3A_2] : memref<16384xf32, #tpu.memory_space<hbm>> -> memref<512xf32, #tpu.memory_space<hbm>>
      tpu.wait_dma2 semaphore(%run_scoped3A : memref<!tpu.dma_semaphore, #tpu.memory_space<semaphore_mem>>) src(%arg9 : memref<512xf32, #tpu.memory_space<vmem>>) dst(%dma_wait3A_561 : memref<512xf32, #tpu.memory_space<hbm>>)
      tpu.yield
    }) : () -> ()
    return
  }
}

module attributes {stable_mosaic.version = 14 : i64} {
  func.func @_sortnet_body(%arg0: memref<128x128xf32, #tpu.memory_space<vmem>>, %arg1: memref<128x128xf32, #tpu.memory_space<vmem>>, %arg2: memref<1x1xf32, #tpu.memory_space<vmem>>) attributes {dimension_semantics = [], scalar_prefetch = 0 : i64, scratch_operands = 0 : i64, tpu.core_type = #tpu.core_type<tc>} {
    %get3A = arith.constant 0 : index
    %get3A_0 = arith.constant 0 : index
    %get3A_1 = vector.load %arg0[%get3A, %get3A_0] : memref<128x128xf32, #tpu.memory_space<vmem>>, vector<128x128xf32>
    %get3A_2 = arith.constant 0 : index
    %get3A_3 = arith.constant 0 : index
    %get3A_4 = vector.load %arg1[%get3A_2, %get3A_3] : memref<128x128xf32, #tpu.memory_space<vmem>>, vector<128x128xf32>
    %logistic3A = arith.negf %get3A_4 : vector<128x128xf32>
    %logistic3A_5 = math.exp %logistic3A : vector<128x128xf32>
    %logistic3A_6 = arith.constant 1.000000e+00 : f32
    %logistic3A_7 = vector.broadcast %logistic3A_6 : f32 to vector<128x128xf32>
    %logistic3A_8 = arith.addf %logistic3A_7, %logistic3A_5 : vector<128x128xf32>
    %logistic3A_9 = arith.divf %logistic3A_7, %logistic3A_8 : vector<128x128xf32>
    %reduce_sum3A = vector.shape_cast %logistic3A_9 : vector<128x128xf32> to vector<1x128x128xf32>
    %reduce_sum3A_10 = arith.constant dense<0.000000e+00> : vector<1xf32>
    %reduce_sum3A_11 = vector.multi_reduction <add>, %reduce_sum3A, %reduce_sum3A_10 [1, 2] : vector<1x128x128xf32> to vector<1xf32>
    %reduce_sum3A_12 = vector.shape_cast %reduce_sum3A_11 : vector<1xf32> to vector<1x1x1xf32>
    %reduce_sum3A_13 = vector.extract %reduce_sum3A_12[0, 0, 0] : f32 from vector<1x1x1xf32>
    %iota3A = tpu.iota {dimensions = array<i32: 0>} : vector<128x128xi32>
    %iota3A_14 = tpu.iota {dimensions = array<i32: 1>} : vector<128x128xi32>
    %mul3A = arith.constant 128 : i32
    %mul3A_15 = vector.broadcast %mul3A : i32 to vector<128x128xi32>
    %mul3A_16 = arith.muli %iota3A, %mul3A_15 : vector<128x128xi32>
    %add3A = arith.addi %mul3A_16, %iota3A_14 : vector<128x128xi32>
    %shift_right_arithmetic3A = arith.constant 0 : i32
    %shift_right_arithmetic3A_17 = vector.broadcast %shift_right_arithmetic3A : i32 to vector<128x128xi32>
    %shift_right_arithmetic3A_18 = arith.shrsi %add3A, %shift_right_arithmetic3A_17 : vector<128x128xi32>
    %and3A = arith.constant 1 : i32
    %and3A_19 = vector.broadcast %and3A : i32 to vector<128x128xi32>
    %and3A_20 = arith.andi %shift_right_arithmetic3A_18, %and3A_19 : vector<128x128xi32>
    %sub3A = arith.constant 1 : i32
    %sub3A_21 = vector.broadcast %sub3A : i32 to vector<128x128xi32>
    %sub3A_22 = arith.subi %sub3A_21, %and3A_20 : vector<128x128xi32>
    %shift_right_arithmetic3A_23 = arith.constant 1 : i32
    %shift_right_arithmetic3A_24 = vector.broadcast %shift_right_arithmetic3A_23 : i32 to vector<128x128xi32>
    %shift_right_arithmetic3A_25 = arith.shrsi %add3A, %shift_right_arithmetic3A_24 : vector<128x128xi32>
    %and3A_26 = arith.constant 1 : i32
    %and3A_27 = vector.broadcast %and3A_26 : i32 to vector<128x128xi32>
    %and3A_28 = arith.andi %shift_right_arithmetic3A_25, %and3A_27 : vector<128x128xi32>
    %sub3A_29 = arith.constant 1 : i32
    %sub3A_30 = vector.broadcast %sub3A_29 : i32 to vector<128x128xi32>
    %sub3A_31 = arith.subi %sub3A_30, %and3A_28 : vector<128x128xi32>
    %shift_right_arithmetic3A_32 = arith.constant 2 : i32
    %shift_right_arithmetic3A_33 = vector.broadcast %shift_right_arithmetic3A_32 : i32 to vector<128x128xi32>
    %shift_right_arithmetic3A_34 = arith.shrsi %add3A, %shift_right_arithmetic3A_33 : vector<128x128xi32>
    %and3A_35 = arith.constant 1 : i32
    %and3A_36 = vector.broadcast %and3A_35 : i32 to vector<128x128xi32>
    %and3A_37 = arith.andi %shift_right_arithmetic3A_34, %and3A_36 : vector<128x128xi32>
    %sub3A_38 = arith.constant 1 : i32
    %sub3A_39 = vector.broadcast %sub3A_38 : i32 to vector<128x128xi32>
    %sub3A_40 = arith.subi %sub3A_39, %and3A_37 : vector<128x128xi32>
    %shift_right_arithmetic3A_41 = arith.constant 3 : i32
    %shift_right_arithmetic3A_42 = vector.broadcast %shift_right_arithmetic3A_41 : i32 to vector<128x128xi32>
    %shift_right_arithmetic3A_43 = arith.shrsi %add3A, %shift_right_arithmetic3A_42 : vector<128x128xi32>
    %and3A_44 = arith.constant 1 : i32
    %and3A_45 = vector.broadcast %and3A_44 : i32 to vector<128x128xi32>
    %and3A_46 = arith.andi %shift_right_arithmetic3A_43, %and3A_45 : vector<128x128xi32>
    %sub3A_47 = arith.constant 1 : i32
    %sub3A_48 = vector.broadcast %sub3A_47 : i32 to vector<128x128xi32>
    %sub3A_49 = arith.subi %sub3A_48, %and3A_46 : vector<128x128xi32>
    %shift_right_arithmetic3A_50 = arith.constant 4 : i32
    %shift_right_arithmetic3A_51 = vector.broadcast %shift_right_arithmetic3A_50 : i32 to vector<128x128xi32>
    %shift_right_arithmetic3A_52 = arith.shrsi %add3A, %shift_right_arithmetic3A_51 : vector<128x128xi32>
    %and3A_53 = arith.constant 1 : i32
    %and3A_54 = vector.broadcast %and3A_53 : i32 to vector<128x128xi32>
    %and3A_55 = arith.andi %shift_right_arithmetic3A_52, %and3A_54 : vector<128x128xi32>
    %sub3A_56 = arith.constant 1 : i32
    %sub3A_57 = vector.broadcast %sub3A_56 : i32 to vector<128x128xi32>
    %sub3A_58 = arith.subi %sub3A_57, %and3A_55 : vector<128x128xi32>
    %shift_right_arithmetic3A_59 = arith.constant 5 : i32
    %shift_right_arithmetic3A_60 = vector.broadcast %shift_right_arithmetic3A_59 : i32 to vector<128x128xi32>
    %shift_right_arithmetic3A_61 = arith.shrsi %add3A, %shift_right_arithmetic3A_60 : vector<128x128xi32>
    %and3A_62 = arith.constant 1 : i32
    %and3A_63 = vector.broadcast %and3A_62 : i32 to vector<128x128xi32>
    %and3A_64 = arith.andi %shift_right_arithmetic3A_61, %and3A_63 : vector<128x128xi32>
    %sub3A_65 = arith.constant 1 : i32
    %sub3A_66 = vector.broadcast %sub3A_65 : i32 to vector<128x128xi32>
    %sub3A_67 = arith.subi %sub3A_66, %and3A_64 : vector<128x128xi32>
    %shift_right_arithmetic3A_68 = arith.constant 6 : i32
    %shift_right_arithmetic3A_69 = vector.broadcast %shift_right_arithmetic3A_68 : i32 to vector<128x128xi32>
    %shift_right_arithmetic3A_70 = arith.shrsi %add3A, %shift_right_arithmetic3A_69 : vector<128x128xi32>
    %and3A_71 = arith.constant 1 : i32
    %and3A_72 = vector.broadcast %and3A_71 : i32 to vector<128x128xi32>
    %and3A_73 = arith.andi %shift_right_arithmetic3A_70, %and3A_72 : vector<128x128xi32>
    %sub3A_74 = arith.constant 1 : i32
    %sub3A_75 = vector.broadcast %sub3A_74 : i32 to vector<128x128xi32>
    %sub3A_76 = arith.subi %sub3A_75, %and3A_73 : vector<128x128xi32>
    %shift_right_arithmetic3A_77 = arith.constant 7 : i32
    %shift_right_arithmetic3A_78 = vector.broadcast %shift_right_arithmetic3A_77 : i32 to vector<128x128xi32>
    %shift_right_arithmetic3A_79 = arith.shrsi %add3A, %shift_right_arithmetic3A_78 : vector<128x128xi32>
    %and3A_80 = arith.constant 1 : i32
    %and3A_81 = vector.broadcast %and3A_80 : i32 to vector<128x128xi32>
    %and3A_82 = arith.andi %shift_right_arithmetic3A_79, %and3A_81 : vector<128x128xi32>
    %sub3A_83 = arith.constant 1 : i32
    %sub3A_84 = vector.broadcast %sub3A_83 : i32 to vector<128x128xi32>
    %sub3A_85 = arith.subi %sub3A_84, %and3A_82 : vector<128x128xi32>
    %shift_right_arithmetic3A_86 = arith.constant 8 : i32
    %shift_right_arithmetic3A_87 = vector.broadcast %shift_right_arithmetic3A_86 : i32 to vector<128x128xi32>
    %shift_right_arithmetic3A_88 = arith.shrsi %add3A, %shift_right_arithmetic3A_87 : vector<128x128xi32>
    %and3A_89 = arith.constant 1 : i32
    %and3A_90 = vector.broadcast %and3A_89 : i32 to vector<128x128xi32>
    %and3A_91 = arith.andi %shift_right_arithmetic3A_88, %and3A_90 : vector<128x128xi32>
    %sub3A_92 = arith.constant 1 : i32
    %sub3A_93 = vector.broadcast %sub3A_92 : i32 to vector<128x128xi32>
    %sub3A_94 = arith.subi %sub3A_93, %and3A_91 : vector<128x128xi32>
    %shift_right_arithmetic3A_95 = arith.constant 9 : i32
    %shift_right_arithmetic3A_96 = vector.broadcast %shift_right_arithmetic3A_95 : i32 to vector<128x128xi32>
    %shift_right_arithmetic3A_97 = arith.shrsi %add3A, %shift_right_arithmetic3A_96 : vector<128x128xi32>
    %and3A_98 = arith.constant 1 : i32
    %and3A_99 = vector.broadcast %and3A_98 : i32 to vector<128x128xi32>
    %and3A_100 = arith.andi %shift_right_arithmetic3A_97, %and3A_99 : vector<128x128xi32>
    %sub3A_101 = arith.constant 1 : i32
    %sub3A_102 = vector.broadcast %sub3A_101 : i32 to vector<128x128xi32>
    %sub3A_103 = arith.subi %sub3A_102, %and3A_100 : vector<128x128xi32>
    %shift_right_arithmetic3A_104 = arith.constant 10 : i32
    %shift_right_arithmetic3A_105 = vector.broadcast %shift_right_arithmetic3A_104 : i32 to vector<128x128xi32>
    %shift_right_arithmetic3A_106 = arith.shrsi %add3A, %shift_right_arithmetic3A_105 : vector<128x128xi32>
    %and3A_107 = arith.constant 1 : i32
    %and3A_108 = vector.broadcast %and3A_107 : i32 to vector<128x128xi32>
    %and3A_109 = arith.andi %shift_right_arithmetic3A_106, %and3A_108 : vector<128x128xi32>
    %sub3A_110 = arith.constant 1 : i32
    %sub3A_111 = vector.broadcast %sub3A_110 : i32 to vector<128x128xi32>
    %sub3A_112 = arith.subi %sub3A_111, %and3A_109 : vector<128x128xi32>
    %shift_right_arithmetic3A_113 = arith.constant 11 : i32
    %shift_right_arithmetic3A_114 = vector.broadcast %shift_right_arithmetic3A_113 : i32 to vector<128x128xi32>
    %shift_right_arithmetic3A_115 = arith.shrsi %add3A, %shift_right_arithmetic3A_114 : vector<128x128xi32>
    %and3A_116 = arith.constant 1 : i32
    %and3A_117 = vector.broadcast %and3A_116 : i32 to vector<128x128xi32>
    %and3A_118 = arith.andi %shift_right_arithmetic3A_115, %and3A_117 : vector<128x128xi32>
    %sub3A_119 = arith.constant 1 : i32
    %sub3A_120 = vector.broadcast %sub3A_119 : i32 to vector<128x128xi32>
    %sub3A_121 = arith.subi %sub3A_120, %and3A_118 : vector<128x128xi32>
    %shift_right_arithmetic3A_122 = arith.constant 12 : i32
    %shift_right_arithmetic3A_123 = vector.broadcast %shift_right_arithmetic3A_122 : i32 to vector<128x128xi32>
    %shift_right_arithmetic3A_124 = arith.shrsi %add3A, %shift_right_arithmetic3A_123 : vector<128x128xi32>
    %and3A_125 = arith.constant 1 : i32
    %and3A_126 = vector.broadcast %and3A_125 : i32 to vector<128x128xi32>
    %and3A_127 = arith.andi %shift_right_arithmetic3A_124, %and3A_126 : vector<128x128xi32>
    %sub3A_128 = arith.constant 1 : i32
    %sub3A_129 = vector.broadcast %sub3A_128 : i32 to vector<128x128xi32>
    %sub3A_130 = arith.subi %sub3A_129, %and3A_127 : vector<128x128xi32>
    %shift_right_arithmetic3A_131 = arith.constant 13 : i32
    %shift_right_arithmetic3A_132 = vector.broadcast %shift_right_arithmetic3A_131 : i32 to vector<128x128xi32>
    %shift_right_arithmetic3A_133 = arith.shrsi %add3A, %shift_right_arithmetic3A_132 : vector<128x128xi32>
    %and3A_134 = arith.constant 1 : i32
    %and3A_135 = vector.broadcast %and3A_134 : i32 to vector<128x128xi32>
    %and3A_136 = arith.andi %shift_right_arithmetic3A_133, %and3A_135 : vector<128x128xi32>
    %sub3A_137 = arith.constant 1 : i32
    %sub3A_138 = vector.broadcast %sub3A_137 : i32 to vector<128x128xi32>
    %sub3A_139 = arith.subi %sub3A_138, %and3A_136 : vector<128x128xi32>
    %eq3A = arith.constant 1 : i32
    %eq3A_140 = vector.broadcast %eq3A : i32 to vector<128x128xi32>
    %eq3A_141 = arith.cmpi eq, %sub3A_22, %eq3A_140 : vector<128x128xi32>
    %eq3A_142 = arith.constant 1 : i32
    %eq3A_143 = vector.broadcast %eq3A_142 : i32 to vector<128x128xi32>
    %eq3A_144 = arith.cmpi eq, %sub3A_31, %eq3A_143 : vector<128x128xi32>
    %eq3A_145 = arith.constant 1 : i32
    %eq3A_146 = vector.broadcast %eq3A_145 : i32 to vector<128x128xi32>
    %eq3A_147 = arith.cmpi eq, %sub3A_40, %eq3A_146 : vector<128x128xi32>
    %eq3A_148 = arith.constant 1 : i32
    %eq3A_149 = vector.broadcast %eq3A_148 : i32 to vector<128x128xi32>
    %eq3A_150 = arith.cmpi eq, %sub3A_49, %eq3A_149 : vector<128x128xi32>
    %eq3A_151 = arith.constant 1 : i32
    %eq3A_152 = vector.broadcast %eq3A_151 : i32 to vector<128x128xi32>
    %eq3A_153 = arith.cmpi eq, %sub3A_58, %eq3A_152 : vector<128x128xi32>
    %eq3A_154 = arith.constant 1 : i32
    %eq3A_155 = vector.broadcast %eq3A_154 : i32 to vector<128x128xi32>
    %eq3A_156 = arith.cmpi eq, %sub3A_67, %eq3A_155 : vector<128x128xi32>
    %eq3A_157 = arith.constant 1 : i32
    %eq3A_158 = vector.broadcast %eq3A_157 : i32 to vector<128x128xi32>
    %eq3A_159 = arith.cmpi eq, %sub3A_76, %eq3A_158 : vector<128x128xi32>
    %eq3A_160 = arith.constant 1 : i32
    %eq3A_161 = vector.broadcast %eq3A_160 : i32 to vector<128x128xi32>
    %eq3A_162 = arith.cmpi eq, %sub3A_85, %eq3A_161 : vector<128x128xi32>
    %eq3A_163 = arith.constant 1 : i32
    %eq3A_164 = vector.broadcast %eq3A_163 : i32 to vector<128x128xi32>
    %eq3A_165 = arith.cmpi eq, %sub3A_94, %eq3A_164 : vector<128x128xi32>
    %eq3A_166 = arith.constant 1 : i32
    %eq3A_167 = vector.broadcast %eq3A_166 : i32 to vector<128x128xi32>
    %eq3A_168 = arith.cmpi eq, %sub3A_103, %eq3A_167 : vector<128x128xi32>
    %eq3A_169 = arith.constant 1 : i32
    %eq3A_170 = vector.broadcast %eq3A_169 : i32 to vector<128x128xi32>
    %eq3A_171 = arith.cmpi eq, %sub3A_112, %eq3A_170 : vector<128x128xi32>
    %eq3A_172 = arith.constant 1 : i32
    %eq3A_173 = vector.broadcast %eq3A_172 : i32 to vector<128x128xi32>
    %eq3A_174 = arith.cmpi eq, %sub3A_121, %eq3A_173 : vector<128x128xi32>
    %eq3A_175 = arith.constant 1 : i32
    %eq3A_176 = vector.broadcast %eq3A_175 : i32 to vector<128x128xi32>
    %eq3A_177 = arith.cmpi eq, %sub3A_130, %eq3A_176 : vector<128x128xi32>
    %eq3A_178 = arith.constant 1 : i32
    %eq3A_179 = vector.broadcast %eq3A_178 : i32 to vector<128x128xi32>
    %eq3A_180 = arith.cmpi eq, %sub3A_139, %eq3A_179 : vector<128x128xi32>
    %broadcast_in_dim3A = arith.constant 1 : i32
    %broadcast_in_dim3A_181 = vector.broadcast %broadcast_in_dim3A : i32 to vector<128x128xi32>
    %roll3A = arith.constant 127 : i32
    %roll3A_182 = tpu.dynamic_rotate %get3A_1 by %roll3A dim 1 : vector<128x128xf32>, i32 -> vector<128x128xf32>
    %roll3A_183 = arith.constant 1 : i32
    %roll3A_184 = tpu.dynamic_rotate %get3A_1 by %roll3A_183 dim 1 : vector<128x128xf32>, i32 -> vector<128x128xf32>
    %select_n3A = arith.select %eq3A_141, %roll3A_182, %roll3A_184 : vector<128x128xi1>, vector<128x128xf32>
    %roll3A_185 = arith.constant 127 : i32
    %roll3A_186 = tpu.dynamic_rotate %logistic3A_9 by %roll3A_185 dim 1 : vector<128x128xf32>, i32 -> vector<128x128xf32>
    %roll3A_187 = arith.constant 1 : i32
    %roll3A_188 = tpu.dynamic_rotate %logistic3A_9 by %roll3A_187 dim 1 : vector<128x128xf32>, i32 -> vector<128x128xf32>
    %select_n3A_189 = arith.select %eq3A_141, %roll3A_186, %roll3A_188 : vector<128x128xi1>, vector<128x128xf32>
    %xor3A = arith.xori %sub3A_22, %sub3A_31 : vector<128x128xi32>
    %sub3A_190 = arith.constant 1 : i32
    %sub3A_191 = vector.broadcast %sub3A_190 : i32 to vector<128x128xi32>
    %sub3A_192 = arith.subi %sub3A_191, %xor3A : vector<128x128xi32>
    %le3A = arith.cmpf ole, %get3A_1, %select_n3A : vector<128x128xf32>
    %jit3A = arith.constant 1 : i32
    %jit3A_193 = arith.constant 0 : i32
    %broadcast_in_dim3A_194 = vector.broadcast %jit3A : i32 to vector<128x128xi32>
    %broadcast_in_dim3A_195 = vector.broadcast %jit3A_193 : i32 to vector<128x128xi32>
    %select_n3A_196 = arith.select %le3A, %broadcast_in_dim3A_194, %broadcast_in_dim3A_195 : vector<128x128xi1>, vector<128x128xi32>
    %lt3A = arith.cmpf olt, %get3A_1, %select_n3A : vector<128x128xf32>
    %jit3A_197 = arith.constant 1 : i32
    %jit3A_198 = arith.constant 0 : i32
    %broadcast_in_dim3A_199 = vector.broadcast %jit3A_197 : i32 to vector<128x128xi32>
    %broadcast_in_dim3A_200 = vector.broadcast %jit3A_198 : i32 to vector<128x128xi32>
    %select_n3A_201 = arith.select %lt3A, %broadcast_in_dim3A_199, %broadcast_in_dim3A_200 : vector<128x128xi1>, vector<128x128xi32>
    %select_n3A_202 = arith.select %eq3A_141, %select_n3A_196, %select_n3A_201 : vector<128x128xi1>, vector<128x128xi32>
    %eq3A_203 = arith.cmpi eq, %select_n3A_202, %sub3A_192 : vector<128x128xi32>
    %select_n3A_204 = arith.select %eq3A_203, %get3A_1, %select_n3A : vector<128x128xi1>, vector<128x128xf32>
    %select_n3A_205 = arith.select %eq3A_203, %logistic3A_9, %select_n3A_189 : vector<128x128xi1>, vector<128x128xf32>
    %roll3A_206 = arith.constant 126 : i32
    %roll3A_207 = tpu.dynamic_rotate %select_n3A_204 by %roll3A_206 dim 1 : vector<128x128xf32>, i32 -> vector<128x128xf32>
    %roll3A_208 = arith.constant 2 : i32
    %roll3A_209 = tpu.dynamic_rotate %select_n3A_204 by %roll3A_208 dim 1 : vector<128x128xf32>, i32 -> vector<128x128xf32>
    %select_n3A_210 = arith.select %eq3A_144, %roll3A_207, %roll3A_209 : vector<128x128xi1>, vector<128x128xf32>
    %roll3A_211 = arith.constant 126 : i32
    %roll3A_212 = tpu.dynamic_rotate %select_n3A_205 by %roll3A_211 dim 1 : vector<128x128xf32>, i32 -> vector<128x128xf32>
    %roll3A_213 = arith.constant 2 : i32
    %roll3A_214 = tpu.dynamic_rotate %select_n3A_205 by %roll3A_213 dim 1 : vector<128x128xf32>, i32 -> vector<128x128xf32>
    %select_n3A_215 = arith.select %eq3A_144, %roll3A_212, %roll3A_214 : vector<128x128xi1>, vector<128x128xf32>
    %xor3A_216 = arith.xori %sub3A_31, %sub3A_40 : vector<128x128xi32>
    %sub3A_217 = arith.constant 1 : i32
    %sub3A_218 = vector.broadcast %sub3A_217 : i32 to vector<128x128xi32>
    %sub3A_219 = arith.subi %sub3A_218, %xor3A_216 : vector<128x128xi32>
    %le3A_220 = arith.cmpf ole, %select_n3A_204, %select_n3A_210 : vector<128x128xf32>
    %jit3A_221 = arith.constant 1 : i32
    %jit3A_222 = arith.constant 0 : i32
    %broadcast_in_dim3A_223 = vector.broadcast %jit3A_221 : i32 to vector<128x128xi32>
    %broadcast_in_dim3A_224 = vector.broadcast %jit3A_222 : i32 to vector<128x128xi32>
    %select_n3A_225 = arith.select %le3A_220, %broadcast_in_dim3A_223, %broadcast_in_dim3A_224 : vector<128x128xi1>, vector<128x128xi32>
    %lt3A_226 = arith.cmpf olt, %select_n3A_204, %select_n3A_210 : vector<128x128xf32>
    %jit3A_227 = arith.constant 1 : i32
    %jit3A_228 = arith.constant 0 : i32
    %broadcast_in_dim3A_229 = vector.broadcast %jit3A_227 : i32 to vector<128x128xi32>
    %broadcast_in_dim3A_230 = vector.broadcast %jit3A_228 : i32 to vector<128x128xi32>
    %select_n3A_231 = arith.select %lt3A_226, %broadcast_in_dim3A_229, %broadcast_in_dim3A_230 : vector<128x128xi1>, vector<128x128xi32>
    %select_n3A_232 = arith.select %eq3A_144, %select_n3A_225, %select_n3A_231 : vector<128x128xi1>, vector<128x128xi32>
    %eq3A_233 = arith.cmpi eq, %select_n3A_232, %sub3A_219 : vector<128x128xi32>
    %select_n3A_234 = arith.select %eq3A_233, %select_n3A_204, %select_n3A_210 : vector<128x128xi1>, vector<128x128xf32>
    %select_n3A_235 = arith.select %eq3A_233, %select_n3A_205, %select_n3A_215 : vector<128x128xi1>, vector<128x128xf32>
    %roll3A_236 = arith.constant 127 : i32
    %roll3A_237 = tpu.dynamic_rotate %select_n3A_234 by %roll3A_236 dim 1 : vector<128x128xf32>, i32 -> vector<128x128xf32>
    %roll3A_238 = arith.constant 1 : i32
    %roll3A_239 = tpu.dynamic_rotate %select_n3A_234 by %roll3A_238 dim 1 : vector<128x128xf32>, i32 -> vector<128x128xf32>
    %select_n3A_240 = arith.select %eq3A_141, %roll3A_237, %roll3A_239 : vector<128x128xi1>, vector<128x128xf32>
    %roll3A_241 = arith.constant 127 : i32
    %roll3A_242 = tpu.dynamic_rotate %select_n3A_235 by %roll3A_241 dim 1 : vector<128x128xf32>, i32 -> vector<128x128xf32>
    %roll3A_243 = arith.constant 1 : i32
    %roll3A_244 = tpu.dynamic_rotate %select_n3A_235 by %roll3A_243 dim 1 : vector<128x128xf32>, i32 -> vector<128x128xf32>
    %select_n3A_245 = arith.select %eq3A_141, %roll3A_242, %roll3A_244 : vector<128x128xi1>, vector<128x128xf32>
    %xor3A_246 = arith.xori %sub3A_22, %sub3A_40 : vector<128x128xi32>
    %sub3A_247 = arith.constant 1 : i32
    %sub3A_248 = vector.broadcast %sub3A_247 : i32 to vector<128x128xi32>
    %sub3A_249 = arith.subi %sub3A_248, %xor3A_246 : vector<128x128xi32>
    %le3A_250 = arith.cmpf ole, %select_n3A_234, %select_n3A_240 : vector<128x128xf32>
    %jit3A_251 = arith.constant 1 : i32
    %jit3A_252 = arith.constant 0 : i32
    %broadcast_in_dim3A_253 = vector.broadcast %jit3A_251 : i32 to vector<128x128xi32>
    %broadcast_in_dim3A_254 = vector.broadcast %jit3A_252 : i32 to vector<128x128xi32>
    %select_n3A_255 = arith.select %le3A_250, %broadcast_in_dim3A_253, %broadcast_in_dim3A_254 : vector<128x128xi1>, vector<128x128xi32>
    %lt3A_256 = arith.cmpf olt, %select_n3A_234, %select_n3A_240 : vector<128x128xf32>
    %jit3A_257 = arith.constant 1 : i32
    %jit3A_258 = arith.constant 0 : i32
    %broadcast_in_dim3A_259 = vector.broadcast %jit3A_257 : i32 to vector<128x128xi32>
    %broadcast_in_dim3A_260 = vector.broadcast %jit3A_258 : i32 to vector<128x128xi32>
    %select_n3A_261 = arith.select %lt3A_256, %broadcast_in_dim3A_259, %broadcast_in_dim3A_260 : vector<128x128xi1>, vector<128x128xi32>
    %select_n3A_262 = arith.select %eq3A_141, %select_n3A_255, %select_n3A_261 : vector<128x128xi1>, vector<128x128xi32>
    %eq3A_263 = arith.cmpi eq, %select_n3A_262, %sub3A_249 : vector<128x128xi32>
    %select_n3A_264 = arith.select %eq3A_263, %select_n3A_234, %select_n3A_240 : vector<128x128xi1>, vector<128x128xf32>
    %select_n3A_265 = arith.select %eq3A_263, %select_n3A_235, %select_n3A_245 : vector<128x128xi1>, vector<128x128xf32>
    %roll3A_266 = arith.constant 124 : i32
    %roll3A_267 = tpu.dynamic_rotate %select_n3A_264 by %roll3A_266 dim 1 : vector<128x128xf32>, i32 -> vector<128x128xf32>
    %roll3A_268 = arith.constant 4 : i32
    %roll3A_269 = tpu.dynamic_rotate %select_n3A_264 by %roll3A_268 dim 1 : vector<128x128xf32>, i32 -> vector<128x128xf32>
    %select_n3A_270 = arith.select %eq3A_147, %roll3A_267, %roll3A_269 : vector<128x128xi1>, vector<128x128xf32>
    %roll3A_271 = arith.constant 124 : i32
    %roll3A_272 = tpu.dynamic_rotate %select_n3A_265 by %roll3A_271 dim 1 : vector<128x128xf32>, i32 -> vector<128x128xf32>
    %roll3A_273 = arith.constant 4 : i32
    %roll3A_274 = tpu.dynamic_rotate %select_n3A_265 by %roll3A_273 dim 1 : vector<128x128xf32>, i32 -> vector<128x128xf32>
    %select_n3A_275 = arith.select %eq3A_147, %roll3A_272, %roll3A_274 : vector<128x128xi1>, vector<128x128xf32>
    %xor3A_276 = arith.xori %sub3A_40, %sub3A_49 : vector<128x128xi32>
    %sub3A_277 = arith.constant 1 : i32
    %sub3A_278 = vector.broadcast %sub3A_277 : i32 to vector<128x128xi32>
    %sub3A_279 = arith.subi %sub3A_278, %xor3A_276 : vector<128x128xi32>
    %le3A_280 = arith.cmpf ole, %select_n3A_264, %select_n3A_270 : vector<128x128xf32>
    %jit3A_281 = arith.constant 1 : i32
    %jit3A_282 = arith.constant 0 : i32
    %broadcast_in_dim3A_283 = vector.broadcast %jit3A_281 : i32 to vector<128x128xi32>
    %broadcast_in_dim3A_284 = vector.broadcast %jit3A_282 : i32 to vector<128x128xi32>
    %select_n3A_285 = arith.select %le3A_280, %broadcast_in_dim3A_283, %broadcast_in_dim3A_284 : vector<128x128xi1>, vector<128x128xi32>
    %lt3A_286 = arith.cmpf olt, %select_n3A_264, %select_n3A_270 : vector<128x128xf32>
    %jit3A_287 = arith.constant 1 : i32
    %jit3A_288 = arith.constant 0 : i32
    %broadcast_in_dim3A_289 = vector.broadcast %jit3A_287 : i32 to vector<128x128xi32>
    %broadcast_in_dim3A_290 = vector.broadcast %jit3A_288 : i32 to vector<128x128xi32>
    %select_n3A_291 = arith.select %lt3A_286, %broadcast_in_dim3A_289, %broadcast_in_dim3A_290 : vector<128x128xi1>, vector<128x128xi32>
    %select_n3A_292 = arith.select %eq3A_147, %select_n3A_285, %select_n3A_291 : vector<128x128xi1>, vector<128x128xi32>
    %eq3A_293 = arith.cmpi eq, %select_n3A_292, %sub3A_279 : vector<128x128xi32>
    %select_n3A_294 = arith.select %eq3A_293, %select_n3A_264, %select_n3A_270 : vector<128x128xi1>, vector<128x128xf32>
    %select_n3A_295 = arith.select %eq3A_293, %select_n3A_265, %select_n3A_275 : vector<128x128xi1>, vector<128x128xf32>
    %roll3A_296 = arith.constant 126 : i32
    %roll3A_297 = tpu.dynamic_rotate %select_n3A_294 by %roll3A_296 dim 1 : vector<128x128xf32>, i32 -> vector<128x128xf32>
    %roll3A_298 = arith.constant 2 : i32
    %roll3A_299 = tpu.dynamic_rotate %select_n3A_294 by %roll3A_298 dim 1 : vector<128x128xf32>, i32 -> vector<128x128xf32>
    %select_n3A_300 = arith.select %eq3A_144, %roll3A_297, %roll3A_299 : vector<128x128xi1>, vector<128x128xf32>
    %roll3A_301 = arith.constant 126 : i32
    %roll3A_302 = tpu.dynamic_rotate %select_n3A_295 by %roll3A_301 dim 1 : vector<128x128xf32>, i32 -> vector<128x128xf32>
    %roll3A_303 = arith.constant 2 : i32
    %roll3A_304 = tpu.dynamic_rotate %select_n3A_295 by %roll3A_303 dim 1 : vector<128x128xf32>, i32 -> vector<128x128xf32>
    %select_n3A_305 = arith.select %eq3A_144, %roll3A_302, %roll3A_304 : vector<128x128xi1>, vector<128x128xf32>
    %xor3A_306 = arith.xori %sub3A_31, %sub3A_49 : vector<128x128xi32>
    %sub3A_307 = arith.constant 1 : i32
    %sub3A_308 = vector.broadcast %sub3A_307 : i32 to vector<128x128xi32>
    %sub3A_309 = arith.subi %sub3A_308, %xor3A_306 : vector<128x128xi32>
    %le3A_310 = arith.cmpf ole, %select_n3A_294, %select_n3A_300 : vector<128x128xf32>
    %jit3A_311 = arith.constant 1 : i32
    %jit3A_312 = arith.constant 0 : i32
    %broadcast_in_dim3A_313 = vector.broadcast %jit3A_311 : i32 to vector<128x128xi32>
    %broadcast_in_dim3A_314 = vector.broadcast %jit3A_312 : i32 to vector<128x128xi32>
    %select_n3A_315 = arith.select %le3A_310, %broadcast_in_dim3A_313, %broadcast_in_dim3A_314 : vector<128x128xi1>, vector<128x128xi32>
    %lt3A_316 = arith.cmpf olt, %select_n3A_294, %select_n3A_300 : vector<128x128xf32>
    %jit3A_317 = arith.constant 1 : i32
    %jit3A_318 = arith.constant 0 : i32
    %broadcast_in_dim3A_319 = vector.broadcast %jit3A_317 : i32 to vector<128x128xi32>
    %broadcast_in_dim3A_320 = vector.broadcast %jit3A_318 : i32 to vector<128x128xi32>
    %select_n3A_321 = arith.select %lt3A_316, %broadcast_in_dim3A_319, %broadcast_in_dim3A_320 : vector<128x128xi1>, vector<128x128xi32>
    %select_n3A_322 = arith.select %eq3A_144, %select_n3A_315, %select_n3A_321 : vector<128x128xi1>, vector<128x128xi32>
    %eq3A_323 = arith.cmpi eq, %select_n3A_322, %sub3A_309 : vector<128x128xi32>
    %select_n3A_324 = arith.select %eq3A_323, %select_n3A_294, %select_n3A_300 : vector<128x128xi1>, vector<128x128xf32>
    %select_n3A_325 = arith.select %eq3A_323, %select_n3A_295, %select_n3A_305 : vector<128x128xi1>, vector<128x128xf32>
    %roll3A_326 = arith.constant 127 : i32
    %roll3A_327 = tpu.dynamic_rotate %select_n3A_324 by %roll3A_326 dim 1 : vector<128x128xf32>, i32 -> vector<128x128xf32>
    %roll3A_328 = arith.constant 1 : i32
    %roll3A_329 = tpu.dynamic_rotate %select_n3A_324 by %roll3A_328 dim 1 : vector<128x128xf32>, i32 -> vector<128x128xf32>
    %select_n3A_330 = arith.select %eq3A_141, %roll3A_327, %roll3A_329 : vector<128x128xi1>, vector<128x128xf32>
    %roll3A_331 = arith.constant 127 : i32
    %roll3A_332 = tpu.dynamic_rotate %select_n3A_325 by %roll3A_331 dim 1 : vector<128x128xf32>, i32 -> vector<128x128xf32>
    %roll3A_333 = arith.constant 1 : i32
    %roll3A_334 = tpu.dynamic_rotate %select_n3A_325 by %roll3A_333 dim 1 : vector<128x128xf32>, i32 -> vector<128x128xf32>
    %select_n3A_335 = arith.select %eq3A_141, %roll3A_332, %roll3A_334 : vector<128x128xi1>, vector<128x128xf32>
    %xor3A_336 = arith.xori %sub3A_22, %sub3A_49 : vector<128x128xi32>
    %sub3A_337 = arith.constant 1 : i32
    %sub3A_338 = vector.broadcast %sub3A_337 : i32 to vector<128x128xi32>
    %sub3A_339 = arith.subi %sub3A_338, %xor3A_336 : vector<128x128xi32>
    %le3A_340 = arith.cmpf ole, %select_n3A_324, %select_n3A_330 : vector<128x128xf32>
    %jit3A_341 = arith.constant 1 : i32
    %jit3A_342 = arith.constant 0 : i32
    %broadcast_in_dim3A_343 = vector.broadcast %jit3A_341 : i32 to vector<128x128xi32>
    %broadcast_in_dim3A_344 = vector.broadcast %jit3A_342 : i32 to vector<128x128xi32>
    %select_n3A_345 = arith.select %le3A_340, %broadcast_in_dim3A_343, %broadcast_in_dim3A_344 : vector<128x128xi1>, vector<128x128xi32>
    %lt3A_346 = arith.cmpf olt, %select_n3A_324, %select_n3A_330 : vector<128x128xf32>
    %jit3A_347 = arith.constant 1 : i32
    %jit3A_348 = arith.constant 0 : i32
    %broadcast_in_dim3A_349 = vector.broadcast %jit3A_347 : i32 to vector<128x128xi32>
    %broadcast_in_dim3A_350 = vector.broadcast %jit3A_348 : i32 to vector<128x128xi32>
    %select_n3A_351 = arith.select %lt3A_346, %broadcast_in_dim3A_349, %broadcast_in_dim3A_350 : vector<128x128xi1>, vector<128x128xi32>
    %select_n3A_352 = arith.select %eq3A_141, %select_n3A_345, %select_n3A_351 : vector<128x128xi1>, vector<128x128xi32>
    %eq3A_353 = arith.cmpi eq, %select_n3A_352, %sub3A_339 : vector<128x128xi32>
    %select_n3A_354 = arith.select %eq3A_353, %select_n3A_324, %select_n3A_330 : vector<128x128xi1>, vector<128x128xf32>
    %select_n3A_355 = arith.select %eq3A_353, %select_n3A_325, %select_n3A_335 : vector<128x128xi1>, vector<128x128xf32>
    %roll3A_356 = arith.constant 120 : i32
    %roll3A_357 = tpu.dynamic_rotate %select_n3A_354 by %roll3A_356 dim 1 : vector<128x128xf32>, i32 -> vector<128x128xf32>
    %roll3A_358 = arith.constant 8 : i32
    %roll3A_359 = tpu.dynamic_rotate %select_n3A_354 by %roll3A_358 dim 1 : vector<128x128xf32>, i32 -> vector<128x128xf32>
    %select_n3A_360 = arith.select %eq3A_150, %roll3A_357, %roll3A_359 : vector<128x128xi1>, vector<128x128xf32>
    %roll3A_361 = arith.constant 120 : i32
    %roll3A_362 = tpu.dynamic_rotate %select_n3A_355 by %roll3A_361 dim 1 : vector<128x128xf32>, i32 -> vector<128x128xf32>
    %roll3A_363 = arith.constant 8 : i32
    %roll3A_364 = tpu.dynamic_rotate %select_n3A_355 by %roll3A_363 dim 1 : vector<128x128xf32>, i32 -> vector<128x128xf32>
    %select_n3A_365 = arith.select %eq3A_150, %roll3A_362, %roll3A_364 : vector<128x128xi1>, vector<128x128xf32>
    %xor3A_366 = arith.xori %sub3A_49, %sub3A_58 : vector<128x128xi32>
    %sub3A_367 = arith.constant 1 : i32
    %sub3A_368 = vector.broadcast %sub3A_367 : i32 to vector<128x128xi32>
    %sub3A_369 = arith.subi %sub3A_368, %xor3A_366 : vector<128x128xi32>
    %le3A_370 = arith.cmpf ole, %select_n3A_354, %select_n3A_360 : vector<128x128xf32>
    %jit3A_371 = arith.constant 1 : i32
    %jit3A_372 = arith.constant 0 : i32
    %broadcast_in_dim3A_373 = vector.broadcast %jit3A_371 : i32 to vector<128x128xi32>
    %broadcast_in_dim3A_374 = vector.broadcast %jit3A_372 : i32 to vector<128x128xi32>
    %select_n3A_375 = arith.select %le3A_370, %broadcast_in_dim3A_373, %broadcast_in_dim3A_374 : vector<128x128xi1>, vector<128x128xi32>
    %lt3A_376 = arith.cmpf olt, %select_n3A_354, %select_n3A_360 : vector<128x128xf32>
    %jit3A_377 = arith.constant 1 : i32
    %jit3A_378 = arith.constant 0 : i32
    %broadcast_in_dim3A_379 = vector.broadcast %jit3A_377 : i32 to vector<128x128xi32>
    %broadcast_in_dim3A_380 = vector.broadcast %jit3A_378 : i32 to vector<128x128xi32>
    %select_n3A_381 = arith.select %lt3A_376, %broadcast_in_dim3A_379, %broadcast_in_dim3A_380 : vector<128x128xi1>, vector<128x128xi32>
    %select_n3A_382 = arith.select %eq3A_150, %select_n3A_375, %select_n3A_381 : vector<128x128xi1>, vector<128x128xi32>
    %eq3A_383 = arith.cmpi eq, %select_n3A_382, %sub3A_369 : vector<128x128xi32>
    %select_n3A_384 = arith.select %eq3A_383, %select_n3A_354, %select_n3A_360 : vector<128x128xi1>, vector<128x128xf32>
    %select_n3A_385 = arith.select %eq3A_383, %select_n3A_355, %select_n3A_365 : vector<128x128xi1>, vector<128x128xf32>
    %roll3A_386 = arith.constant 124 : i32
    %roll3A_387 = tpu.dynamic_rotate %select_n3A_384 by %roll3A_386 dim 1 : vector<128x128xf32>, i32 -> vector<128x128xf32>
    %roll3A_388 = arith.constant 4 : i32
    %roll3A_389 = tpu.dynamic_rotate %select_n3A_384 by %roll3A_388 dim 1 : vector<128x128xf32>, i32 -> vector<128x128xf32>
    %select_n3A_390 = arith.select %eq3A_147, %roll3A_387, %roll3A_389 : vector<128x128xi1>, vector<128x128xf32>
    %roll3A_391 = arith.constant 124 : i32
    %roll3A_392 = tpu.dynamic_rotate %select_n3A_385 by %roll3A_391 dim 1 : vector<128x128xf32>, i32 -> vector<128x128xf32>
    %roll3A_393 = arith.constant 4 : i32
    %roll3A_394 = tpu.dynamic_rotate %select_n3A_385 by %roll3A_393 dim 1 : vector<128x128xf32>, i32 -> vector<128x128xf32>
    %select_n3A_395 = arith.select %eq3A_147, %roll3A_392, %roll3A_394 : vector<128x128xi1>, vector<128x128xf32>
    %xor3A_396 = arith.xori %sub3A_40, %sub3A_58 : vector<128x128xi32>
    %sub3A_397 = arith.constant 1 : i32
    %sub3A_398 = vector.broadcast %sub3A_397 : i32 to vector<128x128xi32>
    %sub3A_399 = arith.subi %sub3A_398, %xor3A_396 : vector<128x128xi32>
    %le3A_400 = arith.cmpf ole, %select_n3A_384, %select_n3A_390 : vector<128x128xf32>
    %jit3A_401 = arith.constant 1 : i32
    %jit3A_402 = arith.constant 0 : i32
    %broadcast_in_dim3A_403 = vector.broadcast %jit3A_401 : i32 to vector<128x128xi32>
    %broadcast_in_dim3A_404 = vector.broadcast %jit3A_402 : i32 to vector<128x128xi32>
    %select_n3A_405 = arith.select %le3A_400, %broadcast_in_dim3A_403, %broadcast_in_dim3A_404 : vector<128x128xi1>, vector<128x128xi32>
    %lt3A_406 = arith.cmpf olt, %select_n3A_384, %select_n3A_390 : vector<128x128xf32>
    %jit3A_407 = arith.constant 1 : i32
    %jit3A_408 = arith.constant 0 : i32
    %broadcast_in_dim3A_409 = vector.broadcast %jit3A_407 : i32 to vector<128x128xi32>
    %broadcast_in_dim3A_410 = vector.broadcast %jit3A_408 : i32 to vector<128x128xi32>
    %select_n3A_411 = arith.select %lt3A_406, %broadcast_in_dim3A_409, %broadcast_in_dim3A_410 : vector<128x128xi1>, vector<128x128xi32>
    %select_n3A_412 = arith.select %eq3A_147, %select_n3A_405, %select_n3A_411 : vector<128x128xi1>, vector<128x128xi32>
    %eq3A_413 = arith.cmpi eq, %select_n3A_412, %sub3A_399 : vector<128x128xi32>
    %select_n3A_414 = arith.select %eq3A_413, %select_n3A_384, %select_n3A_390 : vector<128x128xi1>, vector<128x128xf32>
    %select_n3A_415 = arith.select %eq3A_413, %select_n3A_385, %select_n3A_395 : vector<128x128xi1>, vector<128x128xf32>
    %roll3A_416 = arith.constant 126 : i32
    %roll3A_417 = tpu.dynamic_rotate %select_n3A_414 by %roll3A_416 dim 1 : vector<128x128xf32>, i32 -> vector<128x128xf32>
    %roll3A_418 = arith.constant 2 : i32
    %roll3A_419 = tpu.dynamic_rotate %select_n3A_414 by %roll3A_418 dim 1 : vector<128x128xf32>, i32 -> vector<128x128xf32>
    %select_n3A_420 = arith.select %eq3A_144, %roll3A_417, %roll3A_419 : vector<128x128xi1>, vector<128x128xf32>
    %roll3A_421 = arith.constant 126 : i32
    %roll3A_422 = tpu.dynamic_rotate %select_n3A_415 by %roll3A_421 dim 1 : vector<128x128xf32>, i32 -> vector<128x128xf32>
    %roll3A_423 = arith.constant 2 : i32
    %roll3A_424 = tpu.dynamic_rotate %select_n3A_415 by %roll3A_423 dim 1 : vector<128x128xf32>, i32 -> vector<128x128xf32>
    %select_n3A_425 = arith.select %eq3A_144, %roll3A_422, %roll3A_424 : vector<128x128xi1>, vector<128x128xf32>
    %xor3A_426 = arith.xori %sub3A_31, %sub3A_58 : vector<128x128xi32>
    %sub3A_427 = arith.constant 1 : i32
    %sub3A_428 = vector.broadcast %sub3A_427 : i32 to vector<128x128xi32>
    %sub3A_429 = arith.subi %sub3A_428, %xor3A_426 : vector<128x128xi32>
    %le3A_430 = arith.cmpf ole, %select_n3A_414, %select_n3A_420 : vector<128x128xf32>
    %jit3A_431 = arith.constant 1 : i32
    %jit3A_432 = arith.constant 0 : i32
    %broadcast_in_dim3A_433 = vector.broadcast %jit3A_431 : i32 to vector<128x128xi32>
    %broadcast_in_dim3A_434 = vector.broadcast %jit3A_432 : i32 to vector<128x128xi32>
    %select_n3A_435 = arith.select %le3A_430, %broadcast_in_dim3A_433, %broadcast_in_dim3A_434 : vector<128x128xi1>, vector<128x128xi32>
    %lt3A_436 = arith.cmpf olt, %select_n3A_414, %select_n3A_420 : vector<128x128xf32>
    %jit3A_437 = arith.constant 1 : i32
    %jit3A_438 = arith.constant 0 : i32
    %broadcast_in_dim3A_439 = vector.broadcast %jit3A_437 : i32 to vector<128x128xi32>
    %broadcast_in_dim3A_440 = vector.broadcast %jit3A_438 : i32 to vector<128x128xi32>
    %select_n3A_441 = arith.select %lt3A_436, %broadcast_in_dim3A_439, %broadcast_in_dim3A_440 : vector<128x128xi1>, vector<128x128xi32>
    %select_n3A_442 = arith.select %eq3A_144, %select_n3A_435, %select_n3A_441 : vector<128x128xi1>, vector<128x128xi32>
    %eq3A_443 = arith.cmpi eq, %select_n3A_442, %sub3A_429 : vector<128x128xi32>
    %select_n3A_444 = arith.select %eq3A_443, %select_n3A_414, %select_n3A_420 : vector<128x128xi1>, vector<128x128xf32>
    %select_n3A_445 = arith.select %eq3A_443, %select_n3A_415, %select_n3A_425 : vector<128x128xi1>, vector<128x128xf32>
    %roll3A_446 = arith.constant 127 : i32
    %roll3A_447 = tpu.dynamic_rotate %select_n3A_444 by %roll3A_446 dim 1 : vector<128x128xf32>, i32 -> vector<128x128xf32>
    %roll3A_448 = arith.constant 1 : i32
    %roll3A_449 = tpu.dynamic_rotate %select_n3A_444 by %roll3A_448 dim 1 : vector<128x128xf32>, i32 -> vector<128x128xf32>
    %select_n3A_450 = arith.select %eq3A_141, %roll3A_447, %roll3A_449 : vector<128x128xi1>, vector<128x128xf32>
    %roll3A_451 = arith.constant 127 : i32
    %roll3A_452 = tpu.dynamic_rotate %select_n3A_445 by %roll3A_451 dim 1 : vector<128x128xf32>, i32 -> vector<128x128xf32>
    %roll3A_453 = arith.constant 1 : i32
    %roll3A_454 = tpu.dynamic_rotate %select_n3A_445 by %roll3A_453 dim 1 : vector<128x128xf32>, i32 -> vector<128x128xf32>
    %select_n3A_455 = arith.select %eq3A_141, %roll3A_452, %roll3A_454 : vector<128x128xi1>, vector<128x128xf32>
    %xor3A_456 = arith.xori %sub3A_22, %sub3A_58 : vector<128x128xi32>
    %sub3A_457 = arith.constant 1 : i32
    %sub3A_458 = vector.broadcast %sub3A_457 : i32 to vector<128x128xi32>
    %sub3A_459 = arith.subi %sub3A_458, %xor3A_456 : vector<128x128xi32>
    %le3A_460 = arith.cmpf ole, %select_n3A_444, %select_n3A_450 : vector<128x128xf32>
    %jit3A_461 = arith.constant 1 : i32
    %jit3A_462 = arith.constant 0 : i32
    %broadcast_in_dim3A_463 = vector.broadcast %jit3A_461 : i32 to vector<128x128xi32>
    %broadcast_in_dim3A_464 = vector.broadcast %jit3A_462 : i32 to vector<128x128xi32>
    %select_n3A_465 = arith.select %le3A_460, %broadcast_in_dim3A_463, %broadcast_in_dim3A_464 : vector<128x128xi1>, vector<128x128xi32>
    %lt3A_466 = arith.cmpf olt, %select_n3A_444, %select_n3A_450 : vector<128x128xf32>
    %jit3A_467 = arith.constant 1 : i32
    %jit3A_468 = arith.constant 0 : i32
    %broadcast_in_dim3A_469 = vector.broadcast %jit3A_467 : i32 to vector<128x128xi32>
    %broadcast_in_dim3A_470 = vector.broadcast %jit3A_468 : i32 to vector<128x128xi32>
    %select_n3A_471 = arith.select %lt3A_466, %broadcast_in_dim3A_469, %broadcast_in_dim3A_470 : vector<128x128xi1>, vector<128x128xi32>
    %select_n3A_472 = arith.select %eq3A_141, %select_n3A_465, %select_n3A_471 : vector<128x128xi1>, vector<128x128xi32>
    %eq3A_473 = arith.cmpi eq, %select_n3A_472, %sub3A_459 : vector<128x128xi32>
    %select_n3A_474 = arith.select %eq3A_473, %select_n3A_444, %select_n3A_450 : vector<128x128xi1>, vector<128x128xf32>
    %select_n3A_475 = arith.select %eq3A_473, %select_n3A_445, %select_n3A_455 : vector<128x128xi1>, vector<128x128xf32>
    %roll3A_476 = arith.constant 112 : i32
    %roll3A_477 = tpu.dynamic_rotate %select_n3A_474 by %roll3A_476 dim 1 : vector<128x128xf32>, i32 -> vector<128x128xf32>
    %roll3A_478 = arith.constant 16 : i32
    %roll3A_479 = tpu.dynamic_rotate %select_n3A_474 by %roll3A_478 dim 1 : vector<128x128xf32>, i32 -> vector<128x128xf32>
    %select_n3A_480 = arith.select %eq3A_153, %roll3A_477, %roll3A_479 : vector<128x128xi1>, vector<128x128xf32>
    %roll3A_481 = arith.constant 112 : i32
    %roll3A_482 = tpu.dynamic_rotate %select_n3A_475 by %roll3A_481 dim 1 : vector<128x128xf32>, i32 -> vector<128x128xf32>
    %roll3A_483 = arith.constant 16 : i32
    %roll3A_484 = tpu.dynamic_rotate %select_n3A_475 by %roll3A_483 dim 1 : vector<128x128xf32>, i32 -> vector<128x128xf32>
    %select_n3A_485 = arith.select %eq3A_153, %roll3A_482, %roll3A_484 : vector<128x128xi1>, vector<128x128xf32>
    %xor3A_486 = arith.xori %sub3A_58, %sub3A_67 : vector<128x128xi32>
    %sub3A_487 = arith.constant 1 : i32
    %sub3A_488 = vector.broadcast %sub3A_487 : i32 to vector<128x128xi32>
    %sub3A_489 = arith.subi %sub3A_488, %xor3A_486 : vector<128x128xi32>
    %le3A_490 = arith.cmpf ole, %select_n3A_474, %select_n3A_480 : vector<128x128xf32>
    %jit3A_491 = arith.constant 1 : i32
    %jit3A_492 = arith.constant 0 : i32
    %broadcast_in_dim3A_493 = vector.broadcast %jit3A_491 : i32 to vector<128x128xi32>
    %broadcast_in_dim3A_494 = vector.broadcast %jit3A_492 : i32 to vector<128x128xi32>
    %select_n3A_495 = arith.select %le3A_490, %broadcast_in_dim3A_493, %broadcast_in_dim3A_494 : vector<128x128xi1>, vector<128x128xi32>
    %lt3A_496 = arith.cmpf olt, %select_n3A_474, %select_n3A_480 : vector<128x128xf32>
    %jit3A_497 = arith.constant 1 : i32
    %jit3A_498 = arith.constant 0 : i32
    %broadcast_in_dim3A_499 = vector.broadcast %jit3A_497 : i32 to vector<128x128xi32>
    %broadcast_in_dim3A_500 = vector.broadcast %jit3A_498 : i32 to vector<128x128xi32>
    %select_n3A_501 = arith.select %lt3A_496, %broadcast_in_dim3A_499, %broadcast_in_dim3A_500 : vector<128x128xi1>, vector<128x128xi32>
    %select_n3A_502 = arith.select %eq3A_153, %select_n3A_495, %select_n3A_501 : vector<128x128xi1>, vector<128x128xi32>
    %eq3A_503 = arith.cmpi eq, %select_n3A_502, %sub3A_489 : vector<128x128xi32>
    %select_n3A_504 = arith.select %eq3A_503, %select_n3A_474, %select_n3A_480 : vector<128x128xi1>, vector<128x128xf32>
    %select_n3A_505 = arith.select %eq3A_503, %select_n3A_475, %select_n3A_485 : vector<128x128xi1>, vector<128x128xf32>
    %roll3A_506 = arith.constant 120 : i32
    %roll3A_507 = tpu.dynamic_rotate %select_n3A_504 by %roll3A_506 dim 1 : vector<128x128xf32>, i32 -> vector<128x128xf32>
    %roll3A_508 = arith.constant 8 : i32
    %roll3A_509 = tpu.dynamic_rotate %select_n3A_504 by %roll3A_508 dim 1 : vector<128x128xf32>, i32 -> vector<128x128xf32>
    %select_n3A_510 = arith.select %eq3A_150, %roll3A_507, %roll3A_509 : vector<128x128xi1>, vector<128x128xf32>
    %roll3A_511 = arith.constant 120 : i32
    %roll3A_512 = tpu.dynamic_rotate %select_n3A_505 by %roll3A_511 dim 1 : vector<128x128xf32>, i32 -> vector<128x128xf32>
    %roll3A_513 = arith.constant 8 : i32
    %roll3A_514 = tpu.dynamic_rotate %select_n3A_505 by %roll3A_513 dim 1 : vector<128x128xf32>, i32 -> vector<128x128xf32>
    %select_n3A_515 = arith.select %eq3A_150, %roll3A_512, %roll3A_514 : vector<128x128xi1>, vector<128x128xf32>
    %xor3A_516 = arith.xori %sub3A_49, %sub3A_67 : vector<128x128xi32>
    %sub3A_517 = arith.constant 1 : i32
    %sub3A_518 = vector.broadcast %sub3A_517 : i32 to vector<128x128xi32>
    %sub3A_519 = arith.subi %sub3A_518, %xor3A_516 : vector<128x128xi32>
    %le3A_520 = arith.cmpf ole, %select_n3A_504, %select_n3A_510 : vector<128x128xf32>
    %jit3A_521 = arith.constant 1 : i32
    %jit3A_522 = arith.constant 0 : i32
    %broadcast_in_dim3A_523 = vector.broadcast %jit3A_521 : i32 to vector<128x128xi32>
    %broadcast_in_dim3A_524 = vector.broadcast %jit3A_522 : i32 to vector<128x128xi32>
    %select_n3A_525 = arith.select %le3A_520, %broadcast_in_dim3A_523, %broadcast_in_dim3A_524 : vector<128x128xi1>, vector<128x128xi32>
    %lt3A_526 = arith.cmpf olt, %select_n3A_504, %select_n3A_510 : vector<128x128xf32>
    %jit3A_527 = arith.constant 1 : i32
    %jit3A_528 = arith.constant 0 : i32
    %broadcast_in_dim3A_529 = vector.broadcast %jit3A_527 : i32 to vector<128x128xi32>
    %broadcast_in_dim3A_530 = vector.broadcast %jit3A_528 : i32 to vector<128x128xi32>
    %select_n3A_531 = arith.select %lt3A_526, %broadcast_in_dim3A_529, %broadcast_in_dim3A_530 : vector<128x128xi1>, vector<128x128xi32>
    %select_n3A_532 = arith.select %eq3A_150, %select_n3A_525, %select_n3A_531 : vector<128x128xi1>, vector<128x128xi32>
    %eq3A_533 = arith.cmpi eq, %select_n3A_532, %sub3A_519 : vector<128x128xi32>
    %select_n3A_534 = arith.select %eq3A_533, %select_n3A_504, %select_n3A_510 : vector<128x128xi1>, vector<128x128xf32>
    %select_n3A_535 = arith.select %eq3A_533, %select_n3A_505, %select_n3A_515 : vector<128x128xi1>, vector<128x128xf32>
    %roll3A_536 = arith.constant 124 : i32
    %roll3A_537 = tpu.dynamic_rotate %select_n3A_534 by %roll3A_536 dim 1 : vector<128x128xf32>, i32 -> vector<128x128xf32>
    %roll3A_538 = arith.constant 4 : i32
    %roll3A_539 = tpu.dynamic_rotate %select_n3A_534 by %roll3A_538 dim 1 : vector<128x128xf32>, i32 -> vector<128x128xf32>
    %select_n3A_540 = arith.select %eq3A_147, %roll3A_537, %roll3A_539 : vector<128x128xi1>, vector<128x128xf32>
    %roll3A_541 = arith.constant 124 : i32
    %roll3A_542 = tpu.dynamic_rotate %select_n3A_535 by %roll3A_541 dim 1 : vector<128x128xf32>, i32 -> vector<128x128xf32>
    %roll3A_543 = arith.constant 4 : i32
    %roll3A_544 = tpu.dynamic_rotate %select_n3A_535 by %roll3A_543 dim 1 : vector<128x128xf32>, i32 -> vector<128x128xf32>
    %select_n3A_545 = arith.select %eq3A_147, %roll3A_542, %roll3A_544 : vector<128x128xi1>, vector<128x128xf32>
    %xor3A_546 = arith.xori %sub3A_40, %sub3A_67 : vector<128x128xi32>
    %sub3A_547 = arith.constant 1 : i32
    %sub3A_548 = vector.broadcast %sub3A_547 : i32 to vector<128x128xi32>
    %sub3A_549 = arith.subi %sub3A_548, %xor3A_546 : vector<128x128xi32>
    %le3A_550 = arith.cmpf ole, %select_n3A_534, %select_n3A_540 : vector<128x128xf32>
    %jit3A_551 = arith.constant 1 : i32
    %jit3A_552 = arith.constant 0 : i32
    %broadcast_in_dim3A_553 = vector.broadcast %jit3A_551 : i32 to vector<128x128xi32>
    %broadcast_in_dim3A_554 = vector.broadcast %jit3A_552 : i32 to vector<128x128xi32>
    %select_n3A_555 = arith.select %le3A_550, %broadcast_in_dim3A_553, %broadcast_in_dim3A_554 : vector<128x128xi1>, vector<128x128xi32>
    %lt3A_556 = arith.cmpf olt, %select_n3A_534, %select_n3A_540 : vector<128x128xf32>
    %jit3A_557 = arith.constant 1 : i32
    %jit3A_558 = arith.constant 0 : i32
    %broadcast_in_dim3A_559 = vector.broadcast %jit3A_557 : i32 to vector<128x128xi32>
    %broadcast_in_dim3A_560 = vector.broadcast %jit3A_558 : i32 to vector<128x128xi32>
    %select_n3A_561 = arith.select %lt3A_556, %broadcast_in_dim3A_559, %broadcast_in_dim3A_560 : vector<128x128xi1>, vector<128x128xi32>
    %select_n3A_562 = arith.select %eq3A_147, %select_n3A_555, %select_n3A_561 : vector<128x128xi1>, vector<128x128xi32>
    %eq3A_563 = arith.cmpi eq, %select_n3A_562, %sub3A_549 : vector<128x128xi32>
    %select_n3A_564 = arith.select %eq3A_563, %select_n3A_534, %select_n3A_540 : vector<128x128xi1>, vector<128x128xf32>
    %select_n3A_565 = arith.select %eq3A_563, %select_n3A_535, %select_n3A_545 : vector<128x128xi1>, vector<128x128xf32>
    %roll3A_566 = arith.constant 126 : i32
    %roll3A_567 = tpu.dynamic_rotate %select_n3A_564 by %roll3A_566 dim 1 : vector<128x128xf32>, i32 -> vector<128x128xf32>
    %roll3A_568 = arith.constant 2 : i32
    %roll3A_569 = tpu.dynamic_rotate %select_n3A_564 by %roll3A_568 dim 1 : vector<128x128xf32>, i32 -> vector<128x128xf32>
    %select_n3A_570 = arith.select %eq3A_144, %roll3A_567, %roll3A_569 : vector<128x128xi1>, vector<128x128xf32>
    %roll3A_571 = arith.constant 126 : i32
    %roll3A_572 = tpu.dynamic_rotate %select_n3A_565 by %roll3A_571 dim 1 : vector<128x128xf32>, i32 -> vector<128x128xf32>
    %roll3A_573 = arith.constant 2 : i32
    %roll3A_574 = tpu.dynamic_rotate %select_n3A_565 by %roll3A_573 dim 1 : vector<128x128xf32>, i32 -> vector<128x128xf32>
    %select_n3A_575 = arith.select %eq3A_144, %roll3A_572, %roll3A_574 : vector<128x128xi1>, vector<128x128xf32>
    %xor3A_576 = arith.xori %sub3A_31, %sub3A_67 : vector<128x128xi32>
    %sub3A_577 = arith.constant 1 : i32
    %sub3A_578 = vector.broadcast %sub3A_577 : i32 to vector<128x128xi32>
    %sub3A_579 = arith.subi %sub3A_578, %xor3A_576 : vector<128x128xi32>
    %le3A_580 = arith.cmpf ole, %select_n3A_564, %select_n3A_570 : vector<128x128xf32>
    %jit3A_581 = arith.constant 1 : i32
    %jit3A_582 = arith.constant 0 : i32
    %broadcast_in_dim3A_583 = vector.broadcast %jit3A_581 : i32 to vector<128x128xi32>
    %broadcast_in_dim3A_584 = vector.broadcast %jit3A_582 : i32 to vector<128x128xi32>
    %select_n3A_585 = arith.select %le3A_580, %broadcast_in_dim3A_583, %broadcast_in_dim3A_584 : vector<128x128xi1>, vector<128x128xi32>
    %lt3A_586 = arith.cmpf olt, %select_n3A_564, %select_n3A_570 : vector<128x128xf32>
    %jit3A_587 = arith.constant 1 : i32
    %jit3A_588 = arith.constant 0 : i32
    %broadcast_in_dim3A_589 = vector.broadcast %jit3A_587 : i32 to vector<128x128xi32>
    %broadcast_in_dim3A_590 = vector.broadcast %jit3A_588 : i32 to vector<128x128xi32>
    %select_n3A_591 = arith.select %lt3A_586, %broadcast_in_dim3A_589, %broadcast_in_dim3A_590 : vector<128x128xi1>, vector<128x128xi32>
    %select_n3A_592 = arith.select %eq3A_144, %select_n3A_585, %select_n3A_591 : vector<128x128xi1>, vector<128x128xi32>
    %eq3A_593 = arith.cmpi eq, %select_n3A_592, %sub3A_579 : vector<128x128xi32>
    %select_n3A_594 = arith.select %eq3A_593, %select_n3A_564, %select_n3A_570 : vector<128x128xi1>, vector<128x128xf32>
    %select_n3A_595 = arith.select %eq3A_593, %select_n3A_565, %select_n3A_575 : vector<128x128xi1>, vector<128x128xf32>
    %roll3A_596 = arith.constant 127 : i32
    %roll3A_597 = tpu.dynamic_rotate %select_n3A_594 by %roll3A_596 dim 1 : vector<128x128xf32>, i32 -> vector<128x128xf32>
    %roll3A_598 = arith.constant 1 : i32
    %roll3A_599 = tpu.dynamic_rotate %select_n3A_594 by %roll3A_598 dim 1 : vector<128x128xf32>, i32 -> vector<128x128xf32>
    %select_n3A_600 = arith.select %eq3A_141, %roll3A_597, %roll3A_599 : vector<128x128xi1>, vector<128x128xf32>
    %roll3A_601 = arith.constant 127 : i32
    %roll3A_602 = tpu.dynamic_rotate %select_n3A_595 by %roll3A_601 dim 1 : vector<128x128xf32>, i32 -> vector<128x128xf32>
    %roll3A_603 = arith.constant 1 : i32
    %roll3A_604 = tpu.dynamic_rotate %select_n3A_595 by %roll3A_603 dim 1 : vector<128x128xf32>, i32 -> vector<128x128xf32>
    %select_n3A_605 = arith.select %eq3A_141, %roll3A_602, %roll3A_604 : vector<128x128xi1>, vector<128x128xf32>
    %xor3A_606 = arith.xori %sub3A_22, %sub3A_67 : vector<128x128xi32>
    %sub3A_607 = arith.constant 1 : i32
    %sub3A_608 = vector.broadcast %sub3A_607 : i32 to vector<128x128xi32>
    %sub3A_609 = arith.subi %sub3A_608, %xor3A_606 : vector<128x128xi32>
    %le3A_610 = arith.cmpf ole, %select_n3A_594, %select_n3A_600 : vector<128x128xf32>
    %jit3A_611 = arith.constant 1 : i32
    %jit3A_612 = arith.constant 0 : i32
    %broadcast_in_dim3A_613 = vector.broadcast %jit3A_611 : i32 to vector<128x128xi32>
    %broadcast_in_dim3A_614 = vector.broadcast %jit3A_612 : i32 to vector<128x128xi32>
    %select_n3A_615 = arith.select %le3A_610, %broadcast_in_dim3A_613, %broadcast_in_dim3A_614 : vector<128x128xi1>, vector<128x128xi32>
    %lt3A_616 = arith.cmpf olt, %select_n3A_594, %select_n3A_600 : vector<128x128xf32>
    %jit3A_617 = arith.constant 1 : i32
    %jit3A_618 = arith.constant 0 : i32
    %broadcast_in_dim3A_619 = vector.broadcast %jit3A_617 : i32 to vector<128x128xi32>
    %broadcast_in_dim3A_620 = vector.broadcast %jit3A_618 : i32 to vector<128x128xi32>
    %select_n3A_621 = arith.select %lt3A_616, %broadcast_in_dim3A_619, %broadcast_in_dim3A_620 : vector<128x128xi1>, vector<128x128xi32>
    %select_n3A_622 = arith.select %eq3A_141, %select_n3A_615, %select_n3A_621 : vector<128x128xi1>, vector<128x128xi32>
    %eq3A_623 = arith.cmpi eq, %select_n3A_622, %sub3A_609 : vector<128x128xi32>
    %select_n3A_624 = arith.select %eq3A_623, %select_n3A_594, %select_n3A_600 : vector<128x128xi1>, vector<128x128xf32>
    %select_n3A_625 = arith.select %eq3A_623, %select_n3A_595, %select_n3A_605 : vector<128x128xi1>, vector<128x128xf32>
    %roll3A_626 = arith.constant 96 : i32
    %roll3A_627 = tpu.dynamic_rotate %select_n3A_624 by %roll3A_626 dim 1 : vector<128x128xf32>, i32 -> vector<128x128xf32>
    %roll3A_628 = arith.constant 32 : i32
    %roll3A_629 = tpu.dynamic_rotate %select_n3A_624 by %roll3A_628 dim 1 : vector<128x128xf32>, i32 -> vector<128x128xf32>
    %select_n3A_630 = arith.select %eq3A_156, %roll3A_627, %roll3A_629 : vector<128x128xi1>, vector<128x128xf32>
    %roll3A_631 = arith.constant 96 : i32
    %roll3A_632 = tpu.dynamic_rotate %select_n3A_625 by %roll3A_631 dim 1 : vector<128x128xf32>, i32 -> vector<128x128xf32>
    %roll3A_633 = arith.constant 32 : i32
    %roll3A_634 = tpu.dynamic_rotate %select_n3A_625 by %roll3A_633 dim 1 : vector<128x128xf32>, i32 -> vector<128x128xf32>
    %select_n3A_635 = arith.select %eq3A_156, %roll3A_632, %roll3A_634 : vector<128x128xi1>, vector<128x128xf32>
    %xor3A_636 = arith.xori %sub3A_67, %sub3A_76 : vector<128x128xi32>
    %sub3A_637 = arith.constant 1 : i32
    %sub3A_638 = vector.broadcast %sub3A_637 : i32 to vector<128x128xi32>
    %sub3A_639 = arith.subi %sub3A_638, %xor3A_636 : vector<128x128xi32>
    %le3A_640 = arith.cmpf ole, %select_n3A_624, %select_n3A_630 : vector<128x128xf32>
    %jit3A_641 = arith.constant 1 : i32
    %jit3A_642 = arith.constant 0 : i32
    %broadcast_in_dim3A_643 = vector.broadcast %jit3A_641 : i32 to vector<128x128xi32>
    %broadcast_in_dim3A_644 = vector.broadcast %jit3A_642 : i32 to vector<128x128xi32>
    %select_n3A_645 = arith.select %le3A_640, %broadcast_in_dim3A_643, %broadcast_in_dim3A_644 : vector<128x128xi1>, vector<128x128xi32>
    %lt3A_646 = arith.cmpf olt, %select_n3A_624, %select_n3A_630 : vector<128x128xf32>
    %jit3A_647 = arith.constant 1 : i32
    %jit3A_648 = arith.constant 0 : i32
    %broadcast_in_dim3A_649 = vector.broadcast %jit3A_647 : i32 to vector<128x128xi32>
    %broadcast_in_dim3A_650 = vector.broadcast %jit3A_648 : i32 to vector<128x128xi32>
    %select_n3A_651 = arith.select %lt3A_646, %broadcast_in_dim3A_649, %broadcast_in_dim3A_650 : vector<128x128xi1>, vector<128x128xi32>
    %select_n3A_652 = arith.select %eq3A_156, %select_n3A_645, %select_n3A_651 : vector<128x128xi1>, vector<128x128xi32>
    %eq3A_653 = arith.cmpi eq, %select_n3A_652, %sub3A_639 : vector<128x128xi32>
    %select_n3A_654 = arith.select %eq3A_653, %select_n3A_624, %select_n3A_630 : vector<128x128xi1>, vector<128x128xf32>
    %select_n3A_655 = arith.select %eq3A_653, %select_n3A_625, %select_n3A_635 : vector<128x128xi1>, vector<128x128xf32>
    %roll3A_656 = arith.constant 112 : i32
    %roll3A_657 = tpu.dynamic_rotate %select_n3A_654 by %roll3A_656 dim 1 : vector<128x128xf32>, i32 -> vector<128x128xf32>
    %roll3A_658 = arith.constant 16 : i32
    %roll3A_659 = tpu.dynamic_rotate %select_n3A_654 by %roll3A_658 dim 1 : vector<128x128xf32>, i32 -> vector<128x128xf32>
    %select_n3A_660 = arith.select %eq3A_153, %roll3A_657, %roll3A_659 : vector<128x128xi1>, vector<128x128xf32>
    %roll3A_661 = arith.constant 112 : i32
    %roll3A_662 = tpu.dynamic_rotate %select_n3A_655 by %roll3A_661 dim 1 : vector<128x128xf32>, i32 -> vector<128x128xf32>
    %roll3A_663 = arith.constant 16 : i32
    %roll3A_664 = tpu.dynamic_rotate %select_n3A_655 by %roll3A_663 dim 1 : vector<128x128xf32>, i32 -> vector<128x128xf32>
    %select_n3A_665 = arith.select %eq3A_153, %roll3A_662, %roll3A_664 : vector<128x128xi1>, vector<128x128xf32>
    %xor3A_666 = arith.xori %sub3A_58, %sub3A_76 : vector<128x128xi32>
    %sub3A_667 = arith.constant 1 : i32
    %sub3A_668 = vector.broadcast %sub3A_667 : i32 to vector<128x128xi32>
    %sub3A_669 = arith.subi %sub3A_668, %xor3A_666 : vector<128x128xi32>
    %le3A_670 = arith.cmpf ole, %select_n3A_654, %select_n3A_660 : vector<128x128xf32>
    %jit3A_671 = arith.constant 1 : i32
    %jit3A_672 = arith.constant 0 : i32
    %broadcast_in_dim3A_673 = vector.broadcast %jit3A_671 : i32 to vector<128x128xi32>
    %broadcast_in_dim3A_674 = vector.broadcast %jit3A_672 : i32 to vector<128x128xi32>
    %select_n3A_675 = arith.select %le3A_670, %broadcast_in_dim3A_673, %broadcast_in_dim3A_674 : vector<128x128xi1>, vector<128x128xi32>
    %lt3A_676 = arith.cmpf olt, %select_n3A_654, %select_n3A_660 : vector<128x128xf32>
    %jit3A_677 = arith.constant 1 : i32
    %jit3A_678 = arith.constant 0 : i32
    %broadcast_in_dim3A_679 = vector.broadcast %jit3A_677 : i32 to vector<128x128xi32>
    %broadcast_in_dim3A_680 = vector.broadcast %jit3A_678 : i32 to vector<128x128xi32>
    %select_n3A_681 = arith.select %lt3A_676, %broadcast_in_dim3A_679, %broadcast_in_dim3A_680 : vector<128x128xi1>, vector<128x128xi32>
    %select_n3A_682 = arith.select %eq3A_153, %select_n3A_675, %select_n3A_681 : vector<128x128xi1>, vector<128x128xi32>
    %eq3A_683 = arith.cmpi eq, %select_n3A_682, %sub3A_669 : vector<128x128xi32>
    %select_n3A_684 = arith.select %eq3A_683, %select_n3A_654, %select_n3A_660 : vector<128x128xi1>, vector<128x128xf32>
    %select_n3A_685 = arith.select %eq3A_683, %select_n3A_655, %select_n3A_665 : vector<128x128xi1>, vector<128x128xf32>
    %roll3A_686 = arith.constant 120 : i32
    %roll3A_687 = tpu.dynamic_rotate %select_n3A_684 by %roll3A_686 dim 1 : vector<128x128xf32>, i32 -> vector<128x128xf32>
    %roll3A_688 = arith.constant 8 : i32
    %roll3A_689 = tpu.dynamic_rotate %select_n3A_684 by %roll3A_688 dim 1 : vector<128x128xf32>, i32 -> vector<128x128xf32>
    %select_n3A_690 = arith.select %eq3A_150, %roll3A_687, %roll3A_689 : vector<128x128xi1>, vector<128x128xf32>
    %roll3A_691 = arith.constant 120 : i32
    %roll3A_692 = tpu.dynamic_rotate %select_n3A_685 by %roll3A_691 dim 1 : vector<128x128xf32>, i32 -> vector<128x128xf32>
    %roll3A_693 = arith.constant 8 : i32
    %roll3A_694 = tpu.dynamic_rotate %select_n3A_685 by %roll3A_693 dim 1 : vector<128x128xf32>, i32 -> vector<128x128xf32>
    %select_n3A_695 = arith.select %eq3A_150, %roll3A_692, %roll3A_694 : vector<128x128xi1>, vector<128x128xf32>
    %xor3A_696 = arith.xori %sub3A_49, %sub3A_76 : vector<128x128xi32>
    %sub3A_697 = arith.constant 1 : i32
    %sub3A_698 = vector.broadcast %sub3A_697 : i32 to vector<128x128xi32>
    %sub3A_699 = arith.subi %sub3A_698, %xor3A_696 : vector<128x128xi32>
    %le3A_700 = arith.cmpf ole, %select_n3A_684, %select_n3A_690 : vector<128x128xf32>
    %jit3A_701 = arith.constant 1 : i32
    %jit3A_702 = arith.constant 0 : i32
    %broadcast_in_dim3A_703 = vector.broadcast %jit3A_701 : i32 to vector<128x128xi32>
    %broadcast_in_dim3A_704 = vector.broadcast %jit3A_702 : i32 to vector<128x128xi32>
    %select_n3A_705 = arith.select %le3A_700, %broadcast_in_dim3A_703, %broadcast_in_dim3A_704 : vector<128x128xi1>, vector<128x128xi32>
    %lt3A_706 = arith.cmpf olt, %select_n3A_684, %select_n3A_690 : vector<128x128xf32>
    %jit3A_707 = arith.constant 1 : i32
    %jit3A_708 = arith.constant 0 : i32
    %broadcast_in_dim3A_709 = vector.broadcast %jit3A_707 : i32 to vector<128x128xi32>
    %broadcast_in_dim3A_710 = vector.broadcast %jit3A_708 : i32 to vector<128x128xi32>
    %select_n3A_711 = arith.select %lt3A_706, %broadcast_in_dim3A_709, %broadcast_in_dim3A_710 : vector<128x128xi1>, vector<128x128xi32>
    %select_n3A_712 = arith.select %eq3A_150, %select_n3A_705, %select_n3A_711 : vector<128x128xi1>, vector<128x128xi32>
    %eq3A_713 = arith.cmpi eq, %select_n3A_712, %sub3A_699 : vector<128x128xi32>
    %select_n3A_714 = arith.select %eq3A_713, %select_n3A_684, %select_n3A_690 : vector<128x128xi1>, vector<128x128xf32>
    %select_n3A_715 = arith.select %eq3A_713, %select_n3A_685, %select_n3A_695 : vector<128x128xi1>, vector<128x128xf32>
    %roll3A_716 = arith.constant 124 : i32
    %roll3A_717 = tpu.dynamic_rotate %select_n3A_714 by %roll3A_716 dim 1 : vector<128x128xf32>, i32 -> vector<128x128xf32>
    %roll3A_718 = arith.constant 4 : i32
    %roll3A_719 = tpu.dynamic_rotate %select_n3A_714 by %roll3A_718 dim 1 : vector<128x128xf32>, i32 -> vector<128x128xf32>
    %select_n3A_720 = arith.select %eq3A_147, %roll3A_717, %roll3A_719 : vector<128x128xi1>, vector<128x128xf32>
    %roll3A_721 = arith.constant 124 : i32
    %roll3A_722 = tpu.dynamic_rotate %select_n3A_715 by %roll3A_721 dim 1 : vector<128x128xf32>, i32 -> vector<128x128xf32>
    %roll3A_723 = arith.constant 4 : i32
    %roll3A_724 = tpu.dynamic_rotate %select_n3A_715 by %roll3A_723 dim 1 : vector<128x128xf32>, i32 -> vector<128x128xf32>
    %select_n3A_725 = arith.select %eq3A_147, %roll3A_722, %roll3A_724 : vector<128x128xi1>, vector<128x128xf32>
    %xor3A_726 = arith.xori %sub3A_40, %sub3A_76 : vector<128x128xi32>
    %sub3A_727 = arith.constant 1 : i32
    %sub3A_728 = vector.broadcast %sub3A_727 : i32 to vector<128x128xi32>
    %sub3A_729 = arith.subi %sub3A_728, %xor3A_726 : vector<128x128xi32>
    %le3A_730 = arith.cmpf ole, %select_n3A_714, %select_n3A_720 : vector<128x128xf32>
    %jit3A_731 = arith.constant 1 : i32
    %jit3A_732 = arith.constant 0 : i32
    %broadcast_in_dim3A_733 = vector.broadcast %jit3A_731 : i32 to vector<128x128xi32>
    %broadcast_in_dim3A_734 = vector.broadcast %jit3A_732 : i32 to vector<128x128xi32>
    %select_n3A_735 = arith.select %le3A_730, %broadcast_in_dim3A_733, %broadcast_in_dim3A_734 : vector<128x128xi1>, vector<128x128xi32>
    %lt3A_736 = arith.cmpf olt, %select_n3A_714, %select_n3A_720 : vector<128x128xf32>
    %jit3A_737 = arith.constant 1 : i32
    %jit3A_738 = arith.constant 0 : i32
    %broadcast_in_dim3A_739 = vector.broadcast %jit3A_737 : i32 to vector<128x128xi32>
    %broadcast_in_dim3A_740 = vector.broadcast %jit3A_738 : i32 to vector<128x128xi32>
    %select_n3A_741 = arith.select %lt3A_736, %broadcast_in_dim3A_739, %broadcast_in_dim3A_740 : vector<128x128xi1>, vector<128x128xi32>
    %select_n3A_742 = arith.select %eq3A_147, %select_n3A_735, %select_n3A_741 : vector<128x128xi1>, vector<128x128xi32>
    %eq3A_743 = arith.cmpi eq, %select_n3A_742, %sub3A_729 : vector<128x128xi32>
    %select_n3A_744 = arith.select %eq3A_743, %select_n3A_714, %select_n3A_720 : vector<128x128xi1>, vector<128x128xf32>
    %select_n3A_745 = arith.select %eq3A_743, %select_n3A_715, %select_n3A_725 : vector<128x128xi1>, vector<128x128xf32>
    %roll3A_746 = arith.constant 126 : i32
    %roll3A_747 = tpu.dynamic_rotate %select_n3A_744 by %roll3A_746 dim 1 : vector<128x128xf32>, i32 -> vector<128x128xf32>
    %roll3A_748 = arith.constant 2 : i32
    %roll3A_749 = tpu.dynamic_rotate %select_n3A_744 by %roll3A_748 dim 1 : vector<128x128xf32>, i32 -> vector<128x128xf32>
    %select_n3A_750 = arith.select %eq3A_144, %roll3A_747, %roll3A_749 : vector<128x128xi1>, vector<128x128xf32>
    %roll3A_751 = arith.constant 126 : i32
    %roll3A_752 = tpu.dynamic_rotate %select_n3A_745 by %roll3A_751 dim 1 : vector<128x128xf32>, i32 -> vector<128x128xf32>
    %roll3A_753 = arith.constant 2 : i32
    %roll3A_754 = tpu.dynamic_rotate %select_n3A_745 by %roll3A_753 dim 1 : vector<128x128xf32>, i32 -> vector<128x128xf32>
    %select_n3A_755 = arith.select %eq3A_144, %roll3A_752, %roll3A_754 : vector<128x128xi1>, vector<128x128xf32>
    %xor3A_756 = arith.xori %sub3A_31, %sub3A_76 : vector<128x128xi32>
    %sub3A_757 = arith.constant 1 : i32
    %sub3A_758 = vector.broadcast %sub3A_757 : i32 to vector<128x128xi32>
    %sub3A_759 = arith.subi %sub3A_758, %xor3A_756 : vector<128x128xi32>
    %le3A_760 = arith.cmpf ole, %select_n3A_744, %select_n3A_750 : vector<128x128xf32>
    %jit3A_761 = arith.constant 1 : i32
    %jit3A_762 = arith.constant 0 : i32
    %broadcast_in_dim3A_763 = vector.broadcast %jit3A_761 : i32 to vector<128x128xi32>
    %broadcast_in_dim3A_764 = vector.broadcast %jit3A_762 : i32 to vector<128x128xi32>
    %select_n3A_765 = arith.select %le3A_760, %broadcast_in_dim3A_763, %broadcast_in_dim3A_764 : vector<128x128xi1>, vector<128x128xi32>
    %lt3A_766 = arith.cmpf olt, %select_n3A_744, %select_n3A_750 : vector<128x128xf32>
    %jit3A_767 = arith.constant 1 : i32
    %jit3A_768 = arith.constant 0 : i32
    %broadcast_in_dim3A_769 = vector.broadcast %jit3A_767 : i32 to vector<128x128xi32>
    %broadcast_in_dim3A_770 = vector.broadcast %jit3A_768 : i32 to vector<128x128xi32>
    %select_n3A_771 = arith.select %lt3A_766, %broadcast_in_dim3A_769, %broadcast_in_dim3A_770 : vector<128x128xi1>, vector<128x128xi32>
    %select_n3A_772 = arith.select %eq3A_144, %select_n3A_765, %select_n3A_771 : vector<128x128xi1>, vector<128x128xi32>
    %eq3A_773 = arith.cmpi eq, %select_n3A_772, %sub3A_759 : vector<128x128xi32>
    %select_n3A_774 = arith.select %eq3A_773, %select_n3A_744, %select_n3A_750 : vector<128x128xi1>, vector<128x128xf32>
    %select_n3A_775 = arith.select %eq3A_773, %select_n3A_745, %select_n3A_755 : vector<128x128xi1>, vector<128x128xf32>
    %roll3A_776 = arith.constant 127 : i32
    %roll3A_777 = tpu.dynamic_rotate %select_n3A_774 by %roll3A_776 dim 1 : vector<128x128xf32>, i32 -> vector<128x128xf32>
    %roll3A_778 = arith.constant 1 : i32
    %roll3A_779 = tpu.dynamic_rotate %select_n3A_774 by %roll3A_778 dim 1 : vector<128x128xf32>, i32 -> vector<128x128xf32>
    %select_n3A_780 = arith.select %eq3A_141, %roll3A_777, %roll3A_779 : vector<128x128xi1>, vector<128x128xf32>
    %roll3A_781 = arith.constant 127 : i32
    %roll3A_782 = tpu.dynamic_rotate %select_n3A_775 by %roll3A_781 dim 1 : vector<128x128xf32>, i32 -> vector<128x128xf32>
    %roll3A_783 = arith.constant 1 : i32
    %roll3A_784 = tpu.dynamic_rotate %select_n3A_775 by %roll3A_783 dim 1 : vector<128x128xf32>, i32 -> vector<128x128xf32>
    %select_n3A_785 = arith.select %eq3A_141, %roll3A_782, %roll3A_784 : vector<128x128xi1>, vector<128x128xf32>
    %xor3A_786 = arith.xori %sub3A_22, %sub3A_76 : vector<128x128xi32>
    %sub3A_787 = arith.constant 1 : i32
    %sub3A_788 = vector.broadcast %sub3A_787 : i32 to vector<128x128xi32>
    %sub3A_789 = arith.subi %sub3A_788, %xor3A_786 : vector<128x128xi32>
    %le3A_790 = arith.cmpf ole, %select_n3A_774, %select_n3A_780 : vector<128x128xf32>
    %jit3A_791 = arith.constant 1 : i32
    %jit3A_792 = arith.constant 0 : i32
    %broadcast_in_dim3A_793 = vector.broadcast %jit3A_791 : i32 to vector<128x128xi32>
    %broadcast_in_dim3A_794 = vector.broadcast %jit3A_792 : i32 to vector<128x128xi32>
    %select_n3A_795 = arith.select %le3A_790, %broadcast_in_dim3A_793, %broadcast_in_dim3A_794 : vector<128x128xi1>, vector<128x128xi32>
    %lt3A_796 = arith.cmpf olt, %select_n3A_774, %select_n3A_780 : vector<128x128xf32>
    %jit3A_797 = arith.constant 1 : i32
    %jit3A_798 = arith.constant 0 : i32
    %broadcast_in_dim3A_799 = vector.broadcast %jit3A_797 : i32 to vector<128x128xi32>
    %broadcast_in_dim3A_800 = vector.broadcast %jit3A_798 : i32 to vector<128x128xi32>
    %select_n3A_801 = arith.select %lt3A_796, %broadcast_in_dim3A_799, %broadcast_in_dim3A_800 : vector<128x128xi1>, vector<128x128xi32>
    %select_n3A_802 = arith.select %eq3A_141, %select_n3A_795, %select_n3A_801 : vector<128x128xi1>, vector<128x128xi32>
    %eq3A_803 = arith.cmpi eq, %select_n3A_802, %sub3A_789 : vector<128x128xi32>
    %select_n3A_804 = arith.select %eq3A_803, %select_n3A_774, %select_n3A_780 : vector<128x128xi1>, vector<128x128xf32>
    %select_n3A_805 = arith.select %eq3A_803, %select_n3A_775, %select_n3A_785 : vector<128x128xi1>, vector<128x128xf32>
    %roll3A_806 = arith.constant 64 : i32
    %roll3A_807 = tpu.dynamic_rotate %select_n3A_804 by %roll3A_806 dim 1 : vector<128x128xf32>, i32 -> vector<128x128xf32>
    %roll3A_808 = arith.constant 64 : i32
    %roll3A_809 = tpu.dynamic_rotate %select_n3A_804 by %roll3A_808 dim 1 : vector<128x128xf32>, i32 -> vector<128x128xf32>
    %select_n3A_810 = arith.select %eq3A_159, %roll3A_807, %roll3A_809 : vector<128x128xi1>, vector<128x128xf32>
    %roll3A_811 = arith.constant 64 : i32
    %roll3A_812 = tpu.dynamic_rotate %select_n3A_805 by %roll3A_811 dim 1 : vector<128x128xf32>, i32 -> vector<128x128xf32>
    %roll3A_813 = arith.constant 64 : i32
    %roll3A_814 = tpu.dynamic_rotate %select_n3A_805 by %roll3A_813 dim 1 : vector<128x128xf32>, i32 -> vector<128x128xf32>
    %select_n3A_815 = arith.select %eq3A_159, %roll3A_812, %roll3A_814 : vector<128x128xi1>, vector<128x128xf32>
    %xor3A_816 = arith.xori %sub3A_76, %sub3A_85 : vector<128x128xi32>
    %sub3A_817 = arith.constant 1 : i32
    %sub3A_818 = vector.broadcast %sub3A_817 : i32 to vector<128x128xi32>
    %sub3A_819 = arith.subi %sub3A_818, %xor3A_816 : vector<128x128xi32>
    %le3A_820 = arith.cmpf ole, %select_n3A_804, %select_n3A_810 : vector<128x128xf32>
    %jit3A_821 = arith.constant 1 : i32
    %jit3A_822 = arith.constant 0 : i32
    %broadcast_in_dim3A_823 = vector.broadcast %jit3A_821 : i32 to vector<128x128xi32>
    %broadcast_in_dim3A_824 = vector.broadcast %jit3A_822 : i32 to vector<128x128xi32>
    %select_n3A_825 = arith.select %le3A_820, %broadcast_in_dim3A_823, %broadcast_in_dim3A_824 : vector<128x128xi1>, vector<128x128xi32>
    %lt3A_826 = arith.cmpf olt, %select_n3A_804, %select_n3A_810 : vector<128x128xf32>
    %jit3A_827 = arith.constant 1 : i32
    %jit3A_828 = arith.constant 0 : i32
    %broadcast_in_dim3A_829 = vector.broadcast %jit3A_827 : i32 to vector<128x128xi32>
    %broadcast_in_dim3A_830 = vector.broadcast %jit3A_828 : i32 to vector<128x128xi32>
    %select_n3A_831 = arith.select %lt3A_826, %broadcast_in_dim3A_829, %broadcast_in_dim3A_830 : vector<128x128xi1>, vector<128x128xi32>
    %select_n3A_832 = arith.select %eq3A_159, %select_n3A_825, %select_n3A_831 : vector<128x128xi1>, vector<128x128xi32>
    %eq3A_833 = arith.cmpi eq, %select_n3A_832, %sub3A_819 : vector<128x128xi32>
    %select_n3A_834 = arith.select %eq3A_833, %select_n3A_804, %select_n3A_810 : vector<128x128xi1>, vector<128x128xf32>
    %select_n3A_835 = arith.select %eq3A_833, %select_n3A_805, %select_n3A_815 : vector<128x128xi1>, vector<128x128xf32>
    %roll3A_836 = arith.constant 96 : i32
    %roll3A_837 = tpu.dynamic_rotate %select_n3A_834 by %roll3A_836 dim 1 : vector<128x128xf32>, i32 -> vector<128x128xf32>
    %roll3A_838 = arith.constant 32 : i32
    %roll3A_839 = tpu.dynamic_rotate %select_n3A_834 by %roll3A_838 dim 1 : vector<128x128xf32>, i32 -> vector<128x128xf32>
    %select_n3A_840 = arith.select %eq3A_156, %roll3A_837, %roll3A_839 : vector<128x128xi1>, vector<128x128xf32>
    %roll3A_841 = arith.constant 96 : i32
    %roll3A_842 = tpu.dynamic_rotate %select_n3A_835 by %roll3A_841 dim 1 : vector<128x128xf32>, i32 -> vector<128x128xf32>
    %roll3A_843 = arith.constant 32 : i32
    %roll3A_844 = tpu.dynamic_rotate %select_n3A_835 by %roll3A_843 dim 1 : vector<128x128xf32>, i32 -> vector<128x128xf32>
    %select_n3A_845 = arith.select %eq3A_156, %roll3A_842, %roll3A_844 : vector<128x128xi1>, vector<128x128xf32>
    %xor3A_846 = arith.xori %sub3A_67, %sub3A_85 : vector<128x128xi32>
    %sub3A_847 = arith.constant 1 : i32
    %sub3A_848 = vector.broadcast %sub3A_847 : i32 to vector<128x128xi32>
    %sub3A_849 = arith.subi %sub3A_848, %xor3A_846 : vector<128x128xi32>
    %le3A_850 = arith.cmpf ole, %select_n3A_834, %select_n3A_840 : vector<128x128xf32>
    %jit3A_851 = arith.constant 1 : i32
    %jit3A_852 = arith.constant 0 : i32
    %broadcast_in_dim3A_853 = vector.broadcast %jit3A_851 : i32 to vector<128x128xi32>
    %broadcast_in_dim3A_854 = vector.broadcast %jit3A_852 : i32 to vector<128x128xi32>
    %select_n3A_855 = arith.select %le3A_850, %broadcast_in_dim3A_853, %broadcast_in_dim3A_854 : vector<128x128xi1>, vector<128x128xi32>
    %lt3A_856 = arith.cmpf olt, %select_n3A_834, %select_n3A_840 : vector<128x128xf32>
    %jit3A_857 = arith.constant 1 : i32
    %jit3A_858 = arith.constant 0 : i32
    %broadcast_in_dim3A_859 = vector.broadcast %jit3A_857 : i32 to vector<128x128xi32>
    %broadcast_in_dim3A_860 = vector.broadcast %jit3A_858 : i32 to vector<128x128xi32>
    %select_n3A_861 = arith.select %lt3A_856, %broadcast_in_dim3A_859, %broadcast_in_dim3A_860 : vector<128x128xi1>, vector<128x128xi32>
    %select_n3A_862 = arith.select %eq3A_156, %select_n3A_855, %select_n3A_861 : vector<128x128xi1>, vector<128x128xi32>
    %eq3A_863 = arith.cmpi eq, %select_n3A_862, %sub3A_849 : vector<128x128xi32>
    %select_n3A_864 = arith.select %eq3A_863, %select_n3A_834, %select_n3A_840 : vector<128x128xi1>, vector<128x128xf32>
    %select_n3A_865 = arith.select %eq3A_863, %select_n3A_835, %select_n3A_845 : vector<128x128xi1>, vector<128x128xf32>
    %roll3A_866 = arith.constant 112 : i32
    %roll3A_867 = tpu.dynamic_rotate %select_n3A_864 by %roll3A_866 dim 1 : vector<128x128xf32>, i32 -> vector<128x128xf32>
    %roll3A_868 = arith.constant 16 : i32
    %roll3A_869 = tpu.dynamic_rotate %select_n3A_864 by %roll3A_868 dim 1 : vector<128x128xf32>, i32 -> vector<128x128xf32>
    %select_n3A_870 = arith.select %eq3A_153, %roll3A_867, %roll3A_869 : vector<128x128xi1>, vector<128x128xf32>
    %roll3A_871 = arith.constant 112 : i32
    %roll3A_872 = tpu.dynamic_rotate %select_n3A_865 by %roll3A_871 dim 1 : vector<128x128xf32>, i32 -> vector<128x128xf32>
    %roll3A_873 = arith.constant 16 : i32
    %roll3A_874 = tpu.dynamic_rotate %select_n3A_865 by %roll3A_873 dim 1 : vector<128x128xf32>, i32 -> vector<128x128xf32>
    %select_n3A_875 = arith.select %eq3A_153, %roll3A_872, %roll3A_874 : vector<128x128xi1>, vector<128x128xf32>
    %xor3A_876 = arith.xori %sub3A_58, %sub3A_85 : vector<128x128xi32>
    %sub3A_877 = arith.constant 1 : i32
    %sub3A_878 = vector.broadcast %sub3A_877 : i32 to vector<128x128xi32>
    %sub3A_879 = arith.subi %sub3A_878, %xor3A_876 : vector<128x128xi32>
    %le3A_880 = arith.cmpf ole, %select_n3A_864, %select_n3A_870 : vector<128x128xf32>
    %jit3A_881 = arith.constant 1 : i32
    %jit3A_882 = arith.constant 0 : i32
    %broadcast_in_dim3A_883 = vector.broadcast %jit3A_881 : i32 to vector<128x128xi32>
    %broadcast_in_dim3A_884 = vector.broadcast %jit3A_882 : i32 to vector<128x128xi32>
    %select_n3A_885 = arith.select %le3A_880, %broadcast_in_dim3A_883, %broadcast_in_dim3A_884 : vector<128x128xi1>, vector<128x128xi32>
    %lt3A_886 = arith.cmpf olt, %select_n3A_864, %select_n3A_870 : vector<128x128xf32>
    %jit3A_887 = arith.constant 1 : i32
    %jit3A_888 = arith.constant 0 : i32
    %broadcast_in_dim3A_889 = vector.broadcast %jit3A_887 : i32 to vector<128x128xi32>
    %broadcast_in_dim3A_890 = vector.broadcast %jit3A_888 : i32 to vector<128x128xi32>
    %select_n3A_891 = arith.select %lt3A_886, %broadcast_in_dim3A_889, %broadcast_in_dim3A_890 : vector<128x128xi1>, vector<128x128xi32>
    %select_n3A_892 = arith.select %eq3A_153, %select_n3A_885, %select_n3A_891 : vector<128x128xi1>, vector<128x128xi32>
    %eq3A_893 = arith.cmpi eq, %select_n3A_892, %sub3A_879 : vector<128x128xi32>
    %select_n3A_894 = arith.select %eq3A_893, %select_n3A_864, %select_n3A_870 : vector<128x128xi1>, vector<128x128xf32>
    %select_n3A_895 = arith.select %eq3A_893, %select_n3A_865, %select_n3A_875 : vector<128x128xi1>, vector<128x128xf32>
    %roll3A_896 = arith.constant 120 : i32
    %roll3A_897 = tpu.dynamic_rotate %select_n3A_894 by %roll3A_896 dim 1 : vector<128x128xf32>, i32 -> vector<128x128xf32>
    %roll3A_898 = arith.constant 8 : i32
    %roll3A_899 = tpu.dynamic_rotate %select_n3A_894 by %roll3A_898 dim 1 : vector<128x128xf32>, i32 -> vector<128x128xf32>
    %select_n3A_900 = arith.select %eq3A_150, %roll3A_897, %roll3A_899 : vector<128x128xi1>, vector<128x128xf32>
    %roll3A_901 = arith.constant 120 : i32
    %roll3A_902 = tpu.dynamic_rotate %select_n3A_895 by %roll3A_901 dim 1 : vector<128x128xf32>, i32 -> vector<128x128xf32>
    %roll3A_903 = arith.constant 8 : i32
    %roll3A_904 = tpu.dynamic_rotate %select_n3A_895 by %roll3A_903 dim 1 : vector<128x128xf32>, i32 -> vector<128x128xf32>
    %select_n3A_905 = arith.select %eq3A_150, %roll3A_902, %roll3A_904 : vector<128x128xi1>, vector<128x128xf32>
    %xor3A_906 = arith.xori %sub3A_49, %sub3A_85 : vector<128x128xi32>
    %sub3A_907 = arith.constant 1 : i32
    %sub3A_908 = vector.broadcast %sub3A_907 : i32 to vector<128x128xi32>
    %sub3A_909 = arith.subi %sub3A_908, %xor3A_906 : vector<128x128xi32>
    %le3A_910 = arith.cmpf ole, %select_n3A_894, %select_n3A_900 : vector<128x128xf32>
    %jit3A_911 = arith.constant 1 : i32
    %jit3A_912 = arith.constant 0 : i32
    %broadcast_in_dim3A_913 = vector.broadcast %jit3A_911 : i32 to vector<128x128xi32>
    %broadcast_in_dim3A_914 = vector.broadcast %jit3A_912 : i32 to vector<128x128xi32>
    %select_n3A_915 = arith.select %le3A_910, %broadcast_in_dim3A_913, %broadcast_in_dim3A_914 : vector<128x128xi1>, vector<128x128xi32>
    %lt3A_916 = arith.cmpf olt, %select_n3A_894, %select_n3A_900 : vector<128x128xf32>
    %jit3A_917 = arith.constant 1 : i32
    %jit3A_918 = arith.constant 0 : i32
    %broadcast_in_dim3A_919 = vector.broadcast %jit3A_917 : i32 to vector<128x128xi32>
    %broadcast_in_dim3A_920 = vector.broadcast %jit3A_918 : i32 to vector<128x128xi32>
    %select_n3A_921 = arith.select %lt3A_916, %broadcast_in_dim3A_919, %broadcast_in_dim3A_920 : vector<128x128xi1>, vector<128x128xi32>
    %select_n3A_922 = arith.select %eq3A_150, %select_n3A_915, %select_n3A_921 : vector<128x128xi1>, vector<128x128xi32>
    %eq3A_923 = arith.cmpi eq, %select_n3A_922, %sub3A_909 : vector<128x128xi32>
    %select_n3A_924 = arith.select %eq3A_923, %select_n3A_894, %select_n3A_900 : vector<128x128xi1>, vector<128x128xf32>
    %select_n3A_925 = arith.select %eq3A_923, %select_n3A_895, %select_n3A_905 : vector<128x128xi1>, vector<128x128xf32>
    %roll3A_926 = arith.constant 124 : i32
    %roll3A_927 = tpu.dynamic_rotate %select_n3A_924 by %roll3A_926 dim 1 : vector<128x128xf32>, i32 -> vector<128x128xf32>
    %roll3A_928 = arith.constant 4 : i32
    %roll3A_929 = tpu.dynamic_rotate %select_n3A_924 by %roll3A_928 dim 1 : vector<128x128xf32>, i32 -> vector<128x128xf32>
    %select_n3A_930 = arith.select %eq3A_147, %roll3A_927, %roll3A_929 : vector<128x128xi1>, vector<128x128xf32>
    %roll3A_931 = arith.constant 124 : i32
    %roll3A_932 = tpu.dynamic_rotate %select_n3A_925 by %roll3A_931 dim 1 : vector<128x128xf32>, i32 -> vector<128x128xf32>
    %roll3A_933 = arith.constant 4 : i32
    %roll3A_934 = tpu.dynamic_rotate %select_n3A_925 by %roll3A_933 dim 1 : vector<128x128xf32>, i32 -> vector<128x128xf32>
    %select_n3A_935 = arith.select %eq3A_147, %roll3A_932, %roll3A_934 : vector<128x128xi1>, vector<128x128xf32>
    %xor3A_936 = arith.xori %sub3A_40, %sub3A_85 : vector<128x128xi32>
    %sub3A_937 = arith.constant 1 : i32
    %sub3A_938 = vector.broadcast %sub3A_937 : i32 to vector<128x128xi32>
    %sub3A_939 = arith.subi %sub3A_938, %xor3A_936 : vector<128x128xi32>
    %le3A_940 = arith.cmpf ole, %select_n3A_924, %select_n3A_930 : vector<128x128xf32>
    %jit3A_941 = arith.constant 1 : i32
    %jit3A_942 = arith.constant 0 : i32
    %broadcast_in_dim3A_943 = vector.broadcast %jit3A_941 : i32 to vector<128x128xi32>
    %broadcast_in_dim3A_944 = vector.broadcast %jit3A_942 : i32 to vector<128x128xi32>
    %select_n3A_945 = arith.select %le3A_940, %broadcast_in_dim3A_943, %broadcast_in_dim3A_944 : vector<128x128xi1>, vector<128x128xi32>
    %lt3A_946 = arith.cmpf olt, %select_n3A_924, %select_n3A_930 : vector<128x128xf32>
    %jit3A_947 = arith.constant 1 : i32
    %jit3A_948 = arith.constant 0 : i32
    %broadcast_in_dim3A_949 = vector.broadcast %jit3A_947 : i32 to vector<128x128xi32>
    %broadcast_in_dim3A_950 = vector.broadcast %jit3A_948 : i32 to vector<128x128xi32>
    %select_n3A_951 = arith.select %lt3A_946, %broadcast_in_dim3A_949, %broadcast_in_dim3A_950 : vector<128x128xi1>, vector<128x128xi32>
    %select_n3A_952 = arith.select %eq3A_147, %select_n3A_945, %select_n3A_951 : vector<128x128xi1>, vector<128x128xi32>
    %eq3A_953 = arith.cmpi eq, %select_n3A_952, %sub3A_939 : vector<128x128xi32>
    %select_n3A_954 = arith.select %eq3A_953, %select_n3A_924, %select_n3A_930 : vector<128x128xi1>, vector<128x128xf32>
    %select_n3A_955 = arith.select %eq3A_953, %select_n3A_925, %select_n3A_935 : vector<128x128xi1>, vector<128x128xf32>
    %roll3A_956 = arith.constant 126 : i32
    %roll3A_957 = tpu.dynamic_rotate %select_n3A_954 by %roll3A_956 dim 1 : vector<128x128xf32>, i32 -> vector<128x128xf32>
    %roll3A_958 = arith.constant 2 : i32
    %roll3A_959 = tpu.dynamic_rotate %select_n3A_954 by %roll3A_958 dim 1 : vector<128x128xf32>, i32 -> vector<128x128xf32>
    %select_n3A_960 = arith.select %eq3A_144, %roll3A_957, %roll3A_959 : vector<128x128xi1>, vector<128x128xf32>
    %roll3A_961 = arith.constant 126 : i32
    %roll3A_962 = tpu.dynamic_rotate %select_n3A_955 by %roll3A_961 dim 1 : vector<128x128xf32>, i32 -> vector<128x128xf32>
    %roll3A_963 = arith.constant 2 : i32
    %roll3A_964 = tpu.dynamic_rotate %select_n3A_955 by %roll3A_963 dim 1 : vector<128x128xf32>, i32 -> vector<128x128xf32>
    %select_n3A_965 = arith.select %eq3A_144, %roll3A_962, %roll3A_964 : vector<128x128xi1>, vector<128x128xf32>
    %xor3A_966 = arith.xori %sub3A_31, %sub3A_85 : vector<128x128xi32>
    %sub3A_967 = arith.constant 1 : i32
    %sub3A_968 = vector.broadcast %sub3A_967 : i32 to vector<128x128xi32>
    %sub3A_969 = arith.subi %sub3A_968, %xor3A_966 : vector<128x128xi32>
    %le3A_970 = arith.cmpf ole, %select_n3A_954, %select_n3A_960 : vector<128x128xf32>
    %jit3A_971 = arith.constant 1 : i32
    %jit3A_972 = arith.constant 0 : i32
    %broadcast_in_dim3A_973 = vector.broadcast %jit3A_971 : i32 to vector<128x128xi32>
    %broadcast_in_dim3A_974 = vector.broadcast %jit3A_972 : i32 to vector<128x128xi32>
    %select_n3A_975 = arith.select %le3A_970, %broadcast_in_dim3A_973, %broadcast_in_dim3A_974 : vector<128x128xi1>, vector<128x128xi32>
    %lt3A_976 = arith.cmpf olt, %select_n3A_954, %select_n3A_960 : vector<128x128xf32>
    %jit3A_977 = arith.constant 1 : i32
    %jit3A_978 = arith.constant 0 : i32
    %broadcast_in_dim3A_979 = vector.broadcast %jit3A_977 : i32 to vector<128x128xi32>
    %broadcast_in_dim3A_980 = vector.broadcast %jit3A_978 : i32 to vector<128x128xi32>
    %select_n3A_981 = arith.select %lt3A_976, %broadcast_in_dim3A_979, %broadcast_in_dim3A_980 : vector<128x128xi1>, vector<128x128xi32>
    %select_n3A_982 = arith.select %eq3A_144, %select_n3A_975, %select_n3A_981 : vector<128x128xi1>, vector<128x128xi32>
    %eq3A_983 = arith.cmpi eq, %select_n3A_982, %sub3A_969 : vector<128x128xi32>
    %select_n3A_984 = arith.select %eq3A_983, %select_n3A_954, %select_n3A_960 : vector<128x128xi1>, vector<128x128xf32>
    %select_n3A_985 = arith.select %eq3A_983, %select_n3A_955, %select_n3A_965 : vector<128x128xi1>, vector<128x128xf32>
    %roll3A_986 = arith.constant 127 : i32
    %roll3A_987 = tpu.dynamic_rotate %select_n3A_984 by %roll3A_986 dim 1 : vector<128x128xf32>, i32 -> vector<128x128xf32>
    %roll3A_988 = arith.constant 1 : i32
    %roll3A_989 = tpu.dynamic_rotate %select_n3A_984 by %roll3A_988 dim 1 : vector<128x128xf32>, i32 -> vector<128x128xf32>
    %select_n3A_990 = arith.select %eq3A_141, %roll3A_987, %roll3A_989 : vector<128x128xi1>, vector<128x128xf32>
    %roll3A_991 = arith.constant 127 : i32
    %roll3A_992 = tpu.dynamic_rotate %select_n3A_985 by %roll3A_991 dim 1 : vector<128x128xf32>, i32 -> vector<128x128xf32>
    %roll3A_993 = arith.constant 1 : i32
    %roll3A_994 = tpu.dynamic_rotate %select_n3A_985 by %roll3A_993 dim 1 : vector<128x128xf32>, i32 -> vector<128x128xf32>
    %select_n3A_995 = arith.select %eq3A_141, %roll3A_992, %roll3A_994 : vector<128x128xi1>, vector<128x128xf32>
    %xor3A_996 = arith.xori %sub3A_22, %sub3A_85 : vector<128x128xi32>
    %sub3A_997 = arith.constant 1 : i32
    %sub3A_998 = vector.broadcast %sub3A_997 : i32 to vector<128x128xi32>
    %sub3A_999 = arith.subi %sub3A_998, %xor3A_996 : vector<128x128xi32>
    %le3A_1000 = arith.cmpf ole, %select_n3A_984, %select_n3A_990 : vector<128x128xf32>
    %jit3A_1001 = arith.constant 1 : i32
    %jit3A_1002 = arith.constant 0 : i32
    %broadcast_in_dim3A_1003 = vector.broadcast %jit3A_1001 : i32 to vector<128x128xi32>
    %broadcast_in_dim3A_1004 = vector.broadcast %jit3A_1002 : i32 to vector<128x128xi32>
    %select_n3A_1005 = arith.select %le3A_1000, %broadcast_in_dim3A_1003, %broadcast_in_dim3A_1004 : vector<128x128xi1>, vector<128x128xi32>
    %lt3A_1006 = arith.cmpf olt, %select_n3A_984, %select_n3A_990 : vector<128x128xf32>
    %jit3A_1007 = arith.constant 1 : i32
    %jit3A_1008 = arith.constant 0 : i32
    %broadcast_in_dim3A_1009 = vector.broadcast %jit3A_1007 : i32 to vector<128x128xi32>
    %broadcast_in_dim3A_1010 = vector.broadcast %jit3A_1008 : i32 to vector<128x128xi32>
    %select_n3A_1011 = arith.select %lt3A_1006, %broadcast_in_dim3A_1009, %broadcast_in_dim3A_1010 : vector<128x128xi1>, vector<128x128xi32>
    %select_n3A_1012 = arith.select %eq3A_141, %select_n3A_1005, %select_n3A_1011 : vector<128x128xi1>, vector<128x128xi32>
    %eq3A_1013 = arith.cmpi eq, %select_n3A_1012, %sub3A_999 : vector<128x128xi32>
    %select_n3A_1014 = arith.select %eq3A_1013, %select_n3A_984, %select_n3A_990 : vector<128x128xi1>, vector<128x128xf32>
    %select_n3A_1015 = arith.select %eq3A_1013, %select_n3A_985, %select_n3A_995 : vector<128x128xi1>, vector<128x128xf32>
    %roll3A_1016 = arith.constant 127 : i32
    %roll3A_1017 = tpu.dynamic_rotate %select_n3A_1014 by %roll3A_1016 dim 0 : vector<128x128xf32>, i32 -> vector<128x128xf32>
    %roll3A_1018 = arith.constant 1 : i32
    %roll3A_1019 = tpu.dynamic_rotate %select_n3A_1014 by %roll3A_1018 dim 0 : vector<128x128xf32>, i32 -> vector<128x128xf32>
    %select_n3A_1020 = arith.select %eq3A_162, %roll3A_1017, %roll3A_1019 : vector<128x128xi1>, vector<128x128xf32>
    %roll3A_1021 = arith.constant 127 : i32
    %roll3A_1022 = tpu.dynamic_rotate %select_n3A_1015 by %roll3A_1021 dim 0 : vector<128x128xf32>, i32 -> vector<128x128xf32>
    %roll3A_1023 = arith.constant 1 : i32
    %roll3A_1024 = tpu.dynamic_rotate %select_n3A_1015 by %roll3A_1023 dim 0 : vector<128x128xf32>, i32 -> vector<128x128xf32>
    %select_n3A_1025 = arith.select %eq3A_162, %roll3A_1022, %roll3A_1024 : vector<128x128xi1>, vector<128x128xf32>
    %xor3A_1026 = arith.xori %sub3A_85, %sub3A_94 : vector<128x128xi32>
    %sub3A_1027 = arith.constant 1 : i32
    %sub3A_1028 = vector.broadcast %sub3A_1027 : i32 to vector<128x128xi32>
    %sub3A_1029 = arith.subi %sub3A_1028, %xor3A_1026 : vector<128x128xi32>
    %le3A_1030 = arith.cmpf ole, %select_n3A_1014, %select_n3A_1020 : vector<128x128xf32>
    %jit3A_1031 = arith.constant 1 : i32
    %jit3A_1032 = arith.constant 0 : i32
    %broadcast_in_dim3A_1033 = vector.broadcast %jit3A_1031 : i32 to vector<128x128xi32>
    %broadcast_in_dim3A_1034 = vector.broadcast %jit3A_1032 : i32 to vector<128x128xi32>
    %select_n3A_1035 = arith.select %le3A_1030, %broadcast_in_dim3A_1033, %broadcast_in_dim3A_1034 : vector<128x128xi1>, vector<128x128xi32>
    %lt3A_1036 = arith.cmpf olt, %select_n3A_1014, %select_n3A_1020 : vector<128x128xf32>
    %jit3A_1037 = arith.constant 1 : i32
    %jit3A_1038 = arith.constant 0 : i32
    %broadcast_in_dim3A_1039 = vector.broadcast %jit3A_1037 : i32 to vector<128x128xi32>
    %broadcast_in_dim3A_1040 = vector.broadcast %jit3A_1038 : i32 to vector<128x128xi32>
    %select_n3A_1041 = arith.select %lt3A_1036, %broadcast_in_dim3A_1039, %broadcast_in_dim3A_1040 : vector<128x128xi1>, vector<128x128xi32>
    %select_n3A_1042 = arith.select %eq3A_162, %select_n3A_1035, %select_n3A_1041 : vector<128x128xi1>, vector<128x128xi32>
    %eq3A_1043 = arith.cmpi eq, %select_n3A_1042, %sub3A_1029 : vector<128x128xi32>
    %select_n3A_1044 = arith.select %eq3A_1043, %select_n3A_1014, %select_n3A_1020 : vector<128x128xi1>, vector<128x128xf32>
    %select_n3A_1045 = arith.select %eq3A_1043, %select_n3A_1015, %select_n3A_1025 : vector<128x128xi1>, vector<128x128xf32>
    %roll3A_1046 = arith.constant 64 : i32
    %roll3A_1047 = tpu.dynamic_rotate %select_n3A_1044 by %roll3A_1046 dim 1 : vector<128x128xf32>, i32 -> vector<128x128xf32>
    %roll3A_1048 = arith.constant 64 : i32
    %roll3A_1049 = tpu.dynamic_rotate %select_n3A_1044 by %roll3A_1048 dim 1 : vector<128x128xf32>, i32 -> vector<128x128xf32>
    %select_n3A_1050 = arith.select %eq3A_159, %roll3A_1047, %roll3A_1049 : vector<128x128xi1>, vector<128x128xf32>
    %roll3A_1051 = arith.constant 64 : i32
    %roll3A_1052 = tpu.dynamic_rotate %select_n3A_1045 by %roll3A_1051 dim 1 : vector<128x128xf32>, i32 -> vector<128x128xf32>
    %roll3A_1053 = arith.constant 64 : i32
    %roll3A_1054 = tpu.dynamic_rotate %select_n3A_1045 by %roll3A_1053 dim 1 : vector<128x128xf32>, i32 -> vector<128x128xf32>
    %select_n3A_1055 = arith.select %eq3A_159, %roll3A_1052, %roll3A_1054 : vector<128x128xi1>, vector<128x128xf32>
    %xor3A_1056 = arith.xori %sub3A_76, %sub3A_94 : vector<128x128xi32>
    %sub3A_1057 = arith.constant 1 : i32
    %sub3A_1058 = vector.broadcast %sub3A_1057 : i32 to vector<128x128xi32>
    %sub3A_1059 = arith.subi %sub3A_1058, %xor3A_1056 : vector<128x128xi32>
    %le3A_1060 = arith.cmpf ole, %select_n3A_1044, %select_n3A_1050 : vector<128x128xf32>
    %jit3A_1061 = arith.constant 1 : i32
    %jit3A_1062 = arith.constant 0 : i32
    %broadcast_in_dim3A_1063 = vector.broadcast %jit3A_1061 : i32 to vector<128x128xi32>
    %broadcast_in_dim3A_1064 = vector.broadcast %jit3A_1062 : i32 to vector<128x128xi32>
    %select_n3A_1065 = arith.select %le3A_1060, %broadcast_in_dim3A_1063, %broadcast_in_dim3A_1064 : vector<128x128xi1>, vector<128x128xi32>
    %lt3A_1066 = arith.cmpf olt, %select_n3A_1044, %select_n3A_1050 : vector<128x128xf32>
    %jit3A_1067 = arith.constant 1 : i32
    %jit3A_1068 = arith.constant 0 : i32
    %broadcast_in_dim3A_1069 = vector.broadcast %jit3A_1067 : i32 to vector<128x128xi32>
    %broadcast_in_dim3A_1070 = vector.broadcast %jit3A_1068 : i32 to vector<128x128xi32>
    %select_n3A_1071 = arith.select %lt3A_1066, %broadcast_in_dim3A_1069, %broadcast_in_dim3A_1070 : vector<128x128xi1>, vector<128x128xi32>
    %select_n3A_1072 = arith.select %eq3A_159, %select_n3A_1065, %select_n3A_1071 : vector<128x128xi1>, vector<128x128xi32>
    %eq3A_1073 = arith.cmpi eq, %select_n3A_1072, %sub3A_1059 : vector<128x128xi32>
    %select_n3A_1074 = arith.select %eq3A_1073, %select_n3A_1044, %select_n3A_1050 : vector<128x128xi1>, vector<128x128xf32>
    %select_n3A_1075 = arith.select %eq3A_1073, %select_n3A_1045, %select_n3A_1055 : vector<128x128xi1>, vector<128x128xf32>
    %roll3A_1076 = arith.constant 96 : i32
    %roll3A_1077 = tpu.dynamic_rotate %select_n3A_1074 by %roll3A_1076 dim 1 : vector<128x128xf32>, i32 -> vector<128x128xf32>
    %roll3A_1078 = arith.constant 32 : i32
    %roll3A_1079 = tpu.dynamic_rotate %select_n3A_1074 by %roll3A_1078 dim 1 : vector<128x128xf32>, i32 -> vector<128x128xf32>
    %select_n3A_1080 = arith.select %eq3A_156, %roll3A_1077, %roll3A_1079 : vector<128x128xi1>, vector<128x128xf32>
    %roll3A_1081 = arith.constant 96 : i32
    %roll3A_1082 = tpu.dynamic_rotate %select_n3A_1075 by %roll3A_1081 dim 1 : vector<128x128xf32>, i32 -> vector<128x128xf32>
    %roll3A_1083 = arith.constant 32 : i32
    %roll3A_1084 = tpu.dynamic_rotate %select_n3A_1075 by %roll3A_1083 dim 1 : vector<128x128xf32>, i32 -> vector<128x128xf32>
    %select_n3A_1085 = arith.select %eq3A_156, %roll3A_1082, %roll3A_1084 : vector<128x128xi1>, vector<128x128xf32>
    %xor3A_1086 = arith.xori %sub3A_67, %sub3A_94 : vector<128x128xi32>
    %sub3A_1087 = arith.constant 1 : i32
    %sub3A_1088 = vector.broadcast %sub3A_1087 : i32 to vector<128x128xi32>
    %sub3A_1089 = arith.subi %sub3A_1088, %xor3A_1086 : vector<128x128xi32>
    %le3A_1090 = arith.cmpf ole, %select_n3A_1074, %select_n3A_1080 : vector<128x128xf32>
    %jit3A_1091 = arith.constant 1 : i32
    %jit3A_1092 = arith.constant 0 : i32
    %broadcast_in_dim3A_1093 = vector.broadcast %jit3A_1091 : i32 to vector<128x128xi32>
    %broadcast_in_dim3A_1094 = vector.broadcast %jit3A_1092 : i32 to vector<128x128xi32>
    %select_n3A_1095 = arith.select %le3A_1090, %broadcast_in_dim3A_1093, %broadcast_in_dim3A_1094 : vector<128x128xi1>, vector<128x128xi32>
    %lt3A_1096 = arith.cmpf olt, %select_n3A_1074, %select_n3A_1080 : vector<128x128xf32>
    %jit3A_1097 = arith.constant 1 : i32
    %jit3A_1098 = arith.constant 0 : i32
    %broadcast_in_dim3A_1099 = vector.broadcast %jit3A_1097 : i32 to vector<128x128xi32>
    %broadcast_in_dim3A_1100 = vector.broadcast %jit3A_1098 : i32 to vector<128x128xi32>
    %select_n3A_1101 = arith.select %lt3A_1096, %broadcast_in_dim3A_1099, %broadcast_in_dim3A_1100 : vector<128x128xi1>, vector<128x128xi32>
    %select_n3A_1102 = arith.select %eq3A_156, %select_n3A_1095, %select_n3A_1101 : vector<128x128xi1>, vector<128x128xi32>
    %eq3A_1103 = arith.cmpi eq, %select_n3A_1102, %sub3A_1089 : vector<128x128xi32>
    %select_n3A_1104 = arith.select %eq3A_1103, %select_n3A_1074, %select_n3A_1080 : vector<128x128xi1>, vector<128x128xf32>
    %select_n3A_1105 = arith.select %eq3A_1103, %select_n3A_1075, %select_n3A_1085 : vector<128x128xi1>, vector<128x128xf32>
    %roll3A_1106 = arith.constant 112 : i32
    %roll3A_1107 = tpu.dynamic_rotate %select_n3A_1104 by %roll3A_1106 dim 1 : vector<128x128xf32>, i32 -> vector<128x128xf32>
    %roll3A_1108 = arith.constant 16 : i32
    %roll3A_1109 = tpu.dynamic_rotate %select_n3A_1104 by %roll3A_1108 dim 1 : vector<128x128xf32>, i32 -> vector<128x128xf32>
    %select_n3A_1110 = arith.select %eq3A_153, %roll3A_1107, %roll3A_1109 : vector<128x128xi1>, vector<128x128xf32>
    %roll3A_1111 = arith.constant 112 : i32
    %roll3A_1112 = tpu.dynamic_rotate %select_n3A_1105 by %roll3A_1111 dim 1 : vector<128x128xf32>, i32 -> vector<128x128xf32>
    %roll3A_1113 = arith.constant 16 : i32
    %roll3A_1114 = tpu.dynamic_rotate %select_n3A_1105 by %roll3A_1113 dim 1 : vector<128x128xf32>, i32 -> vector<128x128xf32>
    %select_n3A_1115 = arith.select %eq3A_153, %roll3A_1112, %roll3A_1114 : vector<128x128xi1>, vector<128x128xf32>
    %xor3A_1116 = arith.xori %sub3A_58, %sub3A_94 : vector<128x128xi32>
    %sub3A_1117 = arith.constant 1 : i32
    %sub3A_1118 = vector.broadcast %sub3A_1117 : i32 to vector<128x128xi32>
    %sub3A_1119 = arith.subi %sub3A_1118, %xor3A_1116 : vector<128x128xi32>
    %le3A_1120 = arith.cmpf ole, %select_n3A_1104, %select_n3A_1110 : vector<128x128xf32>
    %jit3A_1121 = arith.constant 1 : i32
    %jit3A_1122 = arith.constant 0 : i32
    %broadcast_in_dim3A_1123 = vector.broadcast %jit3A_1121 : i32 to vector<128x128xi32>
    %broadcast_in_dim3A_1124 = vector.broadcast %jit3A_1122 : i32 to vector<128x128xi32>
    %select_n3A_1125 = arith.select %le3A_1120, %broadcast_in_dim3A_1123, %broadcast_in_dim3A_1124 : vector<128x128xi1>, vector<128x128xi32>
    %lt3A_1126 = arith.cmpf olt, %select_n3A_1104, %select_n3A_1110 : vector<128x128xf32>
    %jit3A_1127 = arith.constant 1 : i32
    %jit3A_1128 = arith.constant 0 : i32
    %broadcast_in_dim3A_1129 = vector.broadcast %jit3A_1127 : i32 to vector<128x128xi32>
    %broadcast_in_dim3A_1130 = vector.broadcast %jit3A_1128 : i32 to vector<128x128xi32>
    %select_n3A_1131 = arith.select %lt3A_1126, %broadcast_in_dim3A_1129, %broadcast_in_dim3A_1130 : vector<128x128xi1>, vector<128x128xi32>
    %select_n3A_1132 = arith.select %eq3A_153, %select_n3A_1125, %select_n3A_1131 : vector<128x128xi1>, vector<128x128xi32>
    %eq3A_1133 = arith.cmpi eq, %select_n3A_1132, %sub3A_1119 : vector<128x128xi32>
    %select_n3A_1134 = arith.select %eq3A_1133, %select_n3A_1104, %select_n3A_1110 : vector<128x128xi1>, vector<128x128xf32>
    %select_n3A_1135 = arith.select %eq3A_1133, %select_n3A_1105, %select_n3A_1115 : vector<128x128xi1>, vector<128x128xf32>
    %roll3A_1136 = arith.constant 120 : i32
    %roll3A_1137 = tpu.dynamic_rotate %select_n3A_1134 by %roll3A_1136 dim 1 : vector<128x128xf32>, i32 -> vector<128x128xf32>
    %roll3A_1138 = arith.constant 8 : i32
    %roll3A_1139 = tpu.dynamic_rotate %select_n3A_1134 by %roll3A_1138 dim 1 : vector<128x128xf32>, i32 -> vector<128x128xf32>
    %select_n3A_1140 = arith.select %eq3A_150, %roll3A_1137, %roll3A_1139 : vector<128x128xi1>, vector<128x128xf32>
    %roll3A_1141 = arith.constant 120 : i32
    %roll3A_1142 = tpu.dynamic_rotate %select_n3A_1135 by %roll3A_1141 dim 1 : vector<128x128xf32>, i32 -> vector<128x128xf32>
    %roll3A_1143 = arith.constant 8 : i32
    %roll3A_1144 = tpu.dynamic_rotate %select_n3A_1135 by %roll3A_1143 dim 1 : vector<128x128xf32>, i32 -> vector<128x128xf32>
    %select_n3A_1145 = arith.select %eq3A_150, %roll3A_1142, %roll3A_1144 : vector<128x128xi1>, vector<128x128xf32>
    %xor3A_1146 = arith.xori %sub3A_49, %sub3A_94 : vector<128x128xi32>
    %sub3A_1147 = arith.constant 1 : i32
    %sub3A_1148 = vector.broadcast %sub3A_1147 : i32 to vector<128x128xi32>
    %sub3A_1149 = arith.subi %sub3A_1148, %xor3A_1146 : vector<128x128xi32>
    %le3A_1150 = arith.cmpf ole, %select_n3A_1134, %select_n3A_1140 : vector<128x128xf32>
    %jit3A_1151 = arith.constant 1 : i32
    %jit3A_1152 = arith.constant 0 : i32
    %broadcast_in_dim3A_1153 = vector.broadcast %jit3A_1151 : i32 to vector<128x128xi32>
    %broadcast_in_dim3A_1154 = vector.broadcast %jit3A_1152 : i32 to vector<128x128xi32>
    %select_n3A_1155 = arith.select %le3A_1150, %broadcast_in_dim3A_1153, %broadcast_in_dim3A_1154 : vector<128x128xi1>, vector<128x128xi32>
    %lt3A_1156 = arith.cmpf olt, %select_n3A_1134, %select_n3A_1140 : vector<128x128xf32>
    %jit3A_1157 = arith.constant 1 : i32
    %jit3A_1158 = arith.constant 0 : i32
    %broadcast_in_dim3A_1159 = vector.broadcast %jit3A_1157 : i32 to vector<128x128xi32>
    %broadcast_in_dim3A_1160 = vector.broadcast %jit3A_1158 : i32 to vector<128x128xi32>
    %select_n3A_1161 = arith.select %lt3A_1156, %broadcast_in_dim3A_1159, %broadcast_in_dim3A_1160 : vector<128x128xi1>, vector<128x128xi32>
    %select_n3A_1162 = arith.select %eq3A_150, %select_n3A_1155, %select_n3A_1161 : vector<128x128xi1>, vector<128x128xi32>
    %eq3A_1163 = arith.cmpi eq, %select_n3A_1162, %sub3A_1149 : vector<128x128xi32>
    %select_n3A_1164 = arith.select %eq3A_1163, %select_n3A_1134, %select_n3A_1140 : vector<128x128xi1>, vector<128x128xf32>
    %select_n3A_1165 = arith.select %eq3A_1163, %select_n3A_1135, %select_n3A_1145 : vector<128x128xi1>, vector<128x128xf32>
    %roll3A_1166 = arith.constant 124 : i32
    %roll3A_1167 = tpu.dynamic_rotate %select_n3A_1164 by %roll3A_1166 dim 1 : vector<128x128xf32>, i32 -> vector<128x128xf32>
    %roll3A_1168 = arith.constant 4 : i32
    %roll3A_1169 = tpu.dynamic_rotate %select_n3A_1164 by %roll3A_1168 dim 1 : vector<128x128xf32>, i32 -> vector<128x128xf32>
    %select_n3A_1170 = arith.select %eq3A_147, %roll3A_1167, %roll3A_1169 : vector<128x128xi1>, vector<128x128xf32>
    %roll3A_1171 = arith.constant 124 : i32
    %roll3A_1172 = tpu.dynamic_rotate %select_n3A_1165 by %roll3A_1171 dim 1 : vector<128x128xf32>, i32 -> vector<128x128xf32>
    %roll3A_1173 = arith.constant 4 : i32
    %roll3A_1174 = tpu.dynamic_rotate %select_n3A_1165 by %roll3A_1173 dim 1 : vector<128x128xf32>, i32 -> vector<128x128xf32>
    %select_n3A_1175 = arith.select %eq3A_147, %roll3A_1172, %roll3A_1174 : vector<128x128xi1>, vector<128x128xf32>
    %xor3A_1176 = arith.xori %sub3A_40, %sub3A_94 : vector<128x128xi32>
    %sub3A_1177 = arith.constant 1 : i32
    %sub3A_1178 = vector.broadcast %sub3A_1177 : i32 to vector<128x128xi32>
    %sub3A_1179 = arith.subi %sub3A_1178, %xor3A_1176 : vector<128x128xi32>
    %le3A_1180 = arith.cmpf ole, %select_n3A_1164, %select_n3A_1170 : vector<128x128xf32>
    %jit3A_1181 = arith.constant 1 : i32
    %jit3A_1182 = arith.constant 0 : i32
    %broadcast_in_dim3A_1183 = vector.broadcast %jit3A_1181 : i32 to vector<128x128xi32>
    %broadcast_in_dim3A_1184 = vector.broadcast %jit3A_1182 : i32 to vector<128x128xi32>
    %select_n3A_1185 = arith.select %le3A_1180, %broadcast_in_dim3A_1183, %broadcast_in_dim3A_1184 : vector<128x128xi1>, vector<128x128xi32>
    %lt3A_1186 = arith.cmpf olt, %select_n3A_1164, %select_n3A_1170 : vector<128x128xf32>
    %jit3A_1187 = arith.constant 1 : i32
    %jit3A_1188 = arith.constant 0 : i32
    %broadcast_in_dim3A_1189 = vector.broadcast %jit3A_1187 : i32 to vector<128x128xi32>
    %broadcast_in_dim3A_1190 = vector.broadcast %jit3A_1188 : i32 to vector<128x128xi32>
    %select_n3A_1191 = arith.select %lt3A_1186, %broadcast_in_dim3A_1189, %broadcast_in_dim3A_1190 : vector<128x128xi1>, vector<128x128xi32>
    %select_n3A_1192 = arith.select %eq3A_147, %select_n3A_1185, %select_n3A_1191 : vector<128x128xi1>, vector<128x128xi32>
    %eq3A_1193 = arith.cmpi eq, %select_n3A_1192, %sub3A_1179 : vector<128x128xi32>
    %select_n3A_1194 = arith.select %eq3A_1193, %select_n3A_1164, %select_n3A_1170 : vector<128x128xi1>, vector<128x128xf32>
    %select_n3A_1195 = arith.select %eq3A_1193, %select_n3A_1165, %select_n3A_1175 : vector<128x128xi1>, vector<128x128xf32>
    %roll3A_1196 = arith.constant 126 : i32
    %roll3A_1197 = tpu.dynamic_rotate %select_n3A_1194 by %roll3A_1196 dim 1 : vector<128x128xf32>, i32 -> vector<128x128xf32>
    %roll3A_1198 = arith.constant 2 : i32
    %roll3A_1199 = tpu.dynamic_rotate %select_n3A_1194 by %roll3A_1198 dim 1 : vector<128x128xf32>, i32 -> vector<128x128xf32>
    %select_n3A_1200 = arith.select %eq3A_144, %roll3A_1197, %roll3A_1199 : vector<128x128xi1>, vector<128x128xf32>
    %roll3A_1201 = arith.constant 126 : i32
    %roll3A_1202 = tpu.dynamic_rotate %select_n3A_1195 by %roll3A_1201 dim 1 : vector<128x128xf32>, i32 -> vector<128x128xf32>
    %roll3A_1203 = arith.constant 2 : i32
    %roll3A_1204 = tpu.dynamic_rotate %select_n3A_1195 by %roll3A_1203 dim 1 : vector<128x128xf32>, i32 -> vector<128x128xf32>
    %select_n3A_1205 = arith.select %eq3A_144, %roll3A_1202, %roll3A_1204 : vector<128x128xi1>, vector<128x128xf32>
    %xor3A_1206 = arith.xori %sub3A_31, %sub3A_94 : vector<128x128xi32>
    %sub3A_1207 = arith.constant 1 : i32
    %sub3A_1208 = vector.broadcast %sub3A_1207 : i32 to vector<128x128xi32>
    %sub3A_1209 = arith.subi %sub3A_1208, %xor3A_1206 : vector<128x128xi32>
    %le3A_1210 = arith.cmpf ole, %select_n3A_1194, %select_n3A_1200 : vector<128x128xf32>
    %jit3A_1211 = arith.constant 1 : i32
    %jit3A_1212 = arith.constant 0 : i32
    %broadcast_in_dim3A_1213 = vector.broadcast %jit3A_1211 : i32 to vector<128x128xi32>
    %broadcast_in_dim3A_1214 = vector.broadcast %jit3A_1212 : i32 to vector<128x128xi32>
    %select_n3A_1215 = arith.select %le3A_1210, %broadcast_in_dim3A_1213, %broadcast_in_dim3A_1214 : vector<128x128xi1>, vector<128x128xi32>
    %lt3A_1216 = arith.cmpf olt, %select_n3A_1194, %select_n3A_1200 : vector<128x128xf32>
    %jit3A_1217 = arith.constant 1 : i32
    %jit3A_1218 = arith.constant 0 : i32
    %broadcast_in_dim3A_1219 = vector.broadcast %jit3A_1217 : i32 to vector<128x128xi32>
    %broadcast_in_dim3A_1220 = vector.broadcast %jit3A_1218 : i32 to vector<128x128xi32>
    %select_n3A_1221 = arith.select %lt3A_1216, %broadcast_in_dim3A_1219, %broadcast_in_dim3A_1220 : vector<128x128xi1>, vector<128x128xi32>
    %select_n3A_1222 = arith.select %eq3A_144, %select_n3A_1215, %select_n3A_1221 : vector<128x128xi1>, vector<128x128xi32>
    %eq3A_1223 = arith.cmpi eq, %select_n3A_1222, %sub3A_1209 : vector<128x128xi32>
    %select_n3A_1224 = arith.select %eq3A_1223, %select_n3A_1194, %select_n3A_1200 : vector<128x128xi1>, vector<128x128xf32>
    %select_n3A_1225 = arith.select %eq3A_1223, %select_n3A_1195, %select_n3A_1205 : vector<128x128xi1>, vector<128x128xf32>
    %roll3A_1226 = arith.constant 127 : i32
    %roll3A_1227 = tpu.dynamic_rotate %select_n3A_1224 by %roll3A_1226 dim 1 : vector<128x128xf32>, i32 -> vector<128x128xf32>
    %roll3A_1228 = arith.constant 1 : i32
    %roll3A_1229 = tpu.dynamic_rotate %select_n3A_1224 by %roll3A_1228 dim 1 : vector<128x128xf32>, i32 -> vector<128x128xf32>
    %select_n3A_1230 = arith.select %eq3A_141, %roll3A_1227, %roll3A_1229 : vector<128x128xi1>, vector<128x128xf32>
    %roll3A_1231 = arith.constant 127 : i32
    %roll3A_1232 = tpu.dynamic_rotate %select_n3A_1225 by %roll3A_1231 dim 1 : vector<128x128xf32>, i32 -> vector<128x128xf32>
    %roll3A_1233 = arith.constant 1 : i32
    %roll3A_1234 = tpu.dynamic_rotate %select_n3A_1225 by %roll3A_1233 dim 1 : vector<128x128xf32>, i32 -> vector<128x128xf32>
    %select_n3A_1235 = arith.select %eq3A_141, %roll3A_1232, %roll3A_1234 : vector<128x128xi1>, vector<128x128xf32>
    %xor3A_1236 = arith.xori %sub3A_22, %sub3A_94 : vector<128x128xi32>
    %sub3A_1237 = arith.constant 1 : i32
    %sub3A_1238 = vector.broadcast %sub3A_1237 : i32 to vector<128x128xi32>
    %sub3A_1239 = arith.subi %sub3A_1238, %xor3A_1236 : vector<128x128xi32>
    %le3A_1240 = arith.cmpf ole, %select_n3A_1224, %select_n3A_1230 : vector<128x128xf32>
    %jit3A_1241 = arith.constant 1 : i32
    %jit3A_1242 = arith.constant 0 : i32
    %broadcast_in_dim3A_1243 = vector.broadcast %jit3A_1241 : i32 to vector<128x128xi32>
    %broadcast_in_dim3A_1244 = vector.broadcast %jit3A_1242 : i32 to vector<128x128xi32>
    %select_n3A_1245 = arith.select %le3A_1240, %broadcast_in_dim3A_1243, %broadcast_in_dim3A_1244 : vector<128x128xi1>, vector<128x128xi32>
    %lt3A_1246 = arith.cmpf olt, %select_n3A_1224, %select_n3A_1230 : vector<128x128xf32>
    %jit3A_1247 = arith.constant 1 : i32
    %jit3A_1248 = arith.constant 0 : i32
    %broadcast_in_dim3A_1249 = vector.broadcast %jit3A_1247 : i32 to vector<128x128xi32>
    %broadcast_in_dim3A_1250 = vector.broadcast %jit3A_1248 : i32 to vector<128x128xi32>
    %select_n3A_1251 = arith.select %lt3A_1246, %broadcast_in_dim3A_1249, %broadcast_in_dim3A_1250 : vector<128x128xi1>, vector<128x128xi32>
    %select_n3A_1252 = arith.select %eq3A_141, %select_n3A_1245, %select_n3A_1251 : vector<128x128xi1>, vector<128x128xi32>
    %eq3A_1253 = arith.cmpi eq, %select_n3A_1252, %sub3A_1239 : vector<128x128xi32>
    %select_n3A_1254 = arith.select %eq3A_1253, %select_n3A_1224, %select_n3A_1230 : vector<128x128xi1>, vector<128x128xf32>
    %select_n3A_1255 = arith.select %eq3A_1253, %select_n3A_1225, %select_n3A_1235 : vector<128x128xi1>, vector<128x128xf32>
    %roll3A_1256 = arith.constant 126 : i32
    %roll3A_1257 = tpu.dynamic_rotate %select_n3A_1254 by %roll3A_1256 dim 0 : vector<128x128xf32>, i32 -> vector<128x128xf32>
    %roll3A_1258 = arith.constant 2 : i32
    %roll3A_1259 = tpu.dynamic_rotate %select_n3A_1254 by %roll3A_1258 dim 0 : vector<128x128xf32>, i32 -> vector<128x128xf32>
    %select_n3A_1260 = arith.select %eq3A_165, %roll3A_1257, %roll3A_1259 : vector<128x128xi1>, vector<128x128xf32>
    %roll3A_1261 = arith.constant 126 : i32
    %roll3A_1262 = tpu.dynamic_rotate %select_n3A_1255 by %roll3A_1261 dim 0 : vector<128x128xf32>, i32 -> vector<128x128xf32>
    %roll3A_1263 = arith.constant 2 : i32
    %roll3A_1264 = tpu.dynamic_rotate %select_n3A_1255 by %roll3A_1263 dim 0 : vector<128x128xf32>, i32 -> vector<128x128xf32>
    %select_n3A_1265 = arith.select %eq3A_165, %roll3A_1262, %roll3A_1264 : vector<128x128xi1>, vector<128x128xf32>
    %xor3A_1266 = arith.xori %sub3A_94, %sub3A_103 : vector<128x128xi32>
    %sub3A_1267 = arith.constant 1 : i32
    %sub3A_1268 = vector.broadcast %sub3A_1267 : i32 to vector<128x128xi32>
    %sub3A_1269 = arith.subi %sub3A_1268, %xor3A_1266 : vector<128x128xi32>
    %le3A_1270 = arith.cmpf ole, %select_n3A_1254, %select_n3A_1260 : vector<128x128xf32>
    %jit3A_1271 = arith.constant 1 : i32
    %jit3A_1272 = arith.constant 0 : i32
    %broadcast_in_dim3A_1273 = vector.broadcast %jit3A_1271 : i32 to vector<128x128xi32>
    %broadcast_in_dim3A_1274 = vector.broadcast %jit3A_1272 : i32 to vector<128x128xi32>
    %select_n3A_1275 = arith.select %le3A_1270, %broadcast_in_dim3A_1273, %broadcast_in_dim3A_1274 : vector<128x128xi1>, vector<128x128xi32>
    %lt3A_1276 = arith.cmpf olt, %select_n3A_1254, %select_n3A_1260 : vector<128x128xf32>
    %jit3A_1277 = arith.constant 1 : i32
    %jit3A_1278 = arith.constant 0 : i32
    %broadcast_in_dim3A_1279 = vector.broadcast %jit3A_1277 : i32 to vector<128x128xi32>
    %broadcast_in_dim3A_1280 = vector.broadcast %jit3A_1278 : i32 to vector<128x128xi32>
    %select_n3A_1281 = arith.select %lt3A_1276, %broadcast_in_dim3A_1279, %broadcast_in_dim3A_1280 : vector<128x128xi1>, vector<128x128xi32>
    %select_n3A_1282 = arith.select %eq3A_165, %select_n3A_1275, %select_n3A_1281 : vector<128x128xi1>, vector<128x128xi32>
    %eq3A_1283 = arith.cmpi eq, %select_n3A_1282, %sub3A_1269 : vector<128x128xi32>
    %select_n3A_1284 = arith.select %eq3A_1283, %select_n3A_1254, %select_n3A_1260 : vector<128x128xi1>, vector<128x128xf32>
    %select_n3A_1285 = arith.select %eq3A_1283, %select_n3A_1255, %select_n3A_1265 : vector<128x128xi1>, vector<128x128xf32>
    %roll3A_1286 = arith.constant 127 : i32
    %roll3A_1287 = tpu.dynamic_rotate %select_n3A_1284 by %roll3A_1286 dim 0 : vector<128x128xf32>, i32 -> vector<128x128xf32>
    %roll3A_1288 = arith.constant 1 : i32
    %roll3A_1289 = tpu.dynamic_rotate %select_n3A_1284 by %roll3A_1288 dim 0 : vector<128x128xf32>, i32 -> vector<128x128xf32>
    %select_n3A_1290 = arith.select %eq3A_162, %roll3A_1287, %roll3A_1289 : vector<128x128xi1>, vector<128x128xf32>
    %roll3A_1291 = arith.constant 127 : i32
    %roll3A_1292 = tpu.dynamic_rotate %select_n3A_1285 by %roll3A_1291 dim 0 : vector<128x128xf32>, i32 -> vector<128x128xf32>
    %roll3A_1293 = arith.constant 1 : i32
    %roll3A_1294 = tpu.dynamic_rotate %select_n3A_1285 by %roll3A_1293 dim 0 : vector<128x128xf32>, i32 -> vector<128x128xf32>
    %select_n3A_1295 = arith.select %eq3A_162, %roll3A_1292, %roll3A_1294 : vector<128x128xi1>, vector<128x128xf32>
    %xor3A_1296 = arith.xori %sub3A_85, %sub3A_103 : vector<128x128xi32>
    %sub3A_1297 = arith.constant 1 : i32
    %sub3A_1298 = vector.broadcast %sub3A_1297 : i32 to vector<128x128xi32>
    %sub3A_1299 = arith.subi %sub3A_1298, %xor3A_1296 : vector<128x128xi32>
    %le3A_1300 = arith.cmpf ole, %select_n3A_1284, %select_n3A_1290 : vector<128x128xf32>
    %jit3A_1301 = arith.constant 1 : i32
    %jit3A_1302 = arith.constant 0 : i32
    %broadcast_in_dim3A_1303 = vector.broadcast %jit3A_1301 : i32 to vector<128x128xi32>
    %broadcast_in_dim3A_1304 = vector.broadcast %jit3A_1302 : i32 to vector<128x128xi32>
    %select_n3A_1305 = arith.select %le3A_1300, %broadcast_in_dim3A_1303, %broadcast_in_dim3A_1304 : vector<128x128xi1>, vector<128x128xi32>
    %lt3A_1306 = arith.cmpf olt, %select_n3A_1284, %select_n3A_1290 : vector<128x128xf32>
    %jit3A_1307 = arith.constant 1 : i32
    %jit3A_1308 = arith.constant 0 : i32
    %broadcast_in_dim3A_1309 = vector.broadcast %jit3A_1307 : i32 to vector<128x128xi32>
    %broadcast_in_dim3A_1310 = vector.broadcast %jit3A_1308 : i32 to vector<128x128xi32>
    %select_n3A_1311 = arith.select %lt3A_1306, %broadcast_in_dim3A_1309, %broadcast_in_dim3A_1310 : vector<128x128xi1>, vector<128x128xi32>
    %select_n3A_1312 = arith.select %eq3A_162, %select_n3A_1305, %select_n3A_1311 : vector<128x128xi1>, vector<128x128xi32>
    %eq3A_1313 = arith.cmpi eq, %select_n3A_1312, %sub3A_1299 : vector<128x128xi32>
    %select_n3A_1314 = arith.select %eq3A_1313, %select_n3A_1284, %select_n3A_1290 : vector<128x128xi1>, vector<128x128xf32>
    %select_n3A_1315 = arith.select %eq3A_1313, %select_n3A_1285, %select_n3A_1295 : vector<128x128xi1>, vector<128x128xf32>
    %roll3A_1316 = arith.constant 64 : i32
    %roll3A_1317 = tpu.dynamic_rotate %select_n3A_1314 by %roll3A_1316 dim 1 : vector<128x128xf32>, i32 -> vector<128x128xf32>
    %roll3A_1318 = arith.constant 64 : i32
    %roll3A_1319 = tpu.dynamic_rotate %select_n3A_1314 by %roll3A_1318 dim 1 : vector<128x128xf32>, i32 -> vector<128x128xf32>
    %select_n3A_1320 = arith.select %eq3A_159, %roll3A_1317, %roll3A_1319 : vector<128x128xi1>, vector<128x128xf32>
    %roll3A_1321 = arith.constant 64 : i32
    %roll3A_1322 = tpu.dynamic_rotate %select_n3A_1315 by %roll3A_1321 dim 1 : vector<128x128xf32>, i32 -> vector<128x128xf32>
    %roll3A_1323 = arith.constant 64 : i32
    %roll3A_1324 = tpu.dynamic_rotate %select_n3A_1315 by %roll3A_1323 dim 1 : vector<128x128xf32>, i32 -> vector<128x128xf32>
    %select_n3A_1325 = arith.select %eq3A_159, %roll3A_1322, %roll3A_1324 : vector<128x128xi1>, vector<128x128xf32>
    %xor3A_1326 = arith.xori %sub3A_76, %sub3A_103 : vector<128x128xi32>
    %sub3A_1327 = arith.constant 1 : i32
    %sub3A_1328 = vector.broadcast %sub3A_1327 : i32 to vector<128x128xi32>
    %sub3A_1329 = arith.subi %sub3A_1328, %xor3A_1326 : vector<128x128xi32>
    %le3A_1330 = arith.cmpf ole, %select_n3A_1314, %select_n3A_1320 : vector<128x128xf32>
    %jit3A_1331 = arith.constant 1 : i32
    %jit3A_1332 = arith.constant 0 : i32
    %broadcast_in_dim3A_1333 = vector.broadcast %jit3A_1331 : i32 to vector<128x128xi32>
    %broadcast_in_dim3A_1334 = vector.broadcast %jit3A_1332 : i32 to vector<128x128xi32>
    %select_n3A_1335 = arith.select %le3A_1330, %broadcast_in_dim3A_1333, %broadcast_in_dim3A_1334 : vector<128x128xi1>, vector<128x128xi32>
    %lt3A_1336 = arith.cmpf olt, %select_n3A_1314, %select_n3A_1320 : vector<128x128xf32>
    %jit3A_1337 = arith.constant 1 : i32
    %jit3A_1338 = arith.constant 0 : i32
    %broadcast_in_dim3A_1339 = vector.broadcast %jit3A_1337 : i32 to vector<128x128xi32>
    %broadcast_in_dim3A_1340 = vector.broadcast %jit3A_1338 : i32 to vector<128x128xi32>
    %select_n3A_1341 = arith.select %lt3A_1336, %broadcast_in_dim3A_1339, %broadcast_in_dim3A_1340 : vector<128x128xi1>, vector<128x128xi32>
    %select_n3A_1342 = arith.select %eq3A_159, %select_n3A_1335, %select_n3A_1341 : vector<128x128xi1>, vector<128x128xi32>
    %eq3A_1343 = arith.cmpi eq, %select_n3A_1342, %sub3A_1329 : vector<128x128xi32>
    %select_n3A_1344 = arith.select %eq3A_1343, %select_n3A_1314, %select_n3A_1320 : vector<128x128xi1>, vector<128x128xf32>
    %select_n3A_1345 = arith.select %eq3A_1343, %select_n3A_1315, %select_n3A_1325 : vector<128x128xi1>, vector<128x128xf32>
    %roll3A_1346 = arith.constant 96 : i32
    %roll3A_1347 = tpu.dynamic_rotate %select_n3A_1344 by %roll3A_1346 dim 1 : vector<128x128xf32>, i32 -> vector<128x128xf32>
    %roll3A_1348 = arith.constant 32 : i32
    %roll3A_1349 = tpu.dynamic_rotate %select_n3A_1344 by %roll3A_1348 dim 1 : vector<128x128xf32>, i32 -> vector<128x128xf32>
    %select_n3A_1350 = arith.select %eq3A_156, %roll3A_1347, %roll3A_1349 : vector<128x128xi1>, vector<128x128xf32>
    %roll3A_1351 = arith.constant 96 : i32
    %roll3A_1352 = tpu.dynamic_rotate %select_n3A_1345 by %roll3A_1351 dim 1 : vector<128x128xf32>, i32 -> vector<128x128xf32>
    %roll3A_1353 = arith.constant 32 : i32
    %roll3A_1354 = tpu.dynamic_rotate %select_n3A_1345 by %roll3A_1353 dim 1 : vector<128x128xf32>, i32 -> vector<128x128xf32>
    %select_n3A_1355 = arith.select %eq3A_156, %roll3A_1352, %roll3A_1354 : vector<128x128xi1>, vector<128x128xf32>
    %xor3A_1356 = arith.xori %sub3A_67, %sub3A_103 : vector<128x128xi32>
    %sub3A_1357 = arith.constant 1 : i32
    %sub3A_1358 = vector.broadcast %sub3A_1357 : i32 to vector<128x128xi32>
    %sub3A_1359 = arith.subi %sub3A_1358, %xor3A_1356 : vector<128x128xi32>
    %le3A_1360 = arith.cmpf ole, %select_n3A_1344, %select_n3A_1350 : vector<128x128xf32>
    %jit3A_1361 = arith.constant 1 : i32
    %jit3A_1362 = arith.constant 0 : i32
    %broadcast_in_dim3A_1363 = vector.broadcast %jit3A_1361 : i32 to vector<128x128xi32>
    %broadcast_in_dim3A_1364 = vector.broadcast %jit3A_1362 : i32 to vector<128x128xi32>
    %select_n3A_1365 = arith.select %le3A_1360, %broadcast_in_dim3A_1363, %broadcast_in_dim3A_1364 : vector<128x128xi1>, vector<128x128xi32>
    %lt3A_1366 = arith.cmpf olt, %select_n3A_1344, %select_n3A_1350 : vector<128x128xf32>
    %jit3A_1367 = arith.constant 1 : i32
    %jit3A_1368 = arith.constant 0 : i32
    %broadcast_in_dim3A_1369 = vector.broadcast %jit3A_1367 : i32 to vector<128x128xi32>
    %broadcast_in_dim3A_1370 = vector.broadcast %jit3A_1368 : i32 to vector<128x128xi32>
    %select_n3A_1371 = arith.select %lt3A_1366, %broadcast_in_dim3A_1369, %broadcast_in_dim3A_1370 : vector<128x128xi1>, vector<128x128xi32>
    %select_n3A_1372 = arith.select %eq3A_156, %select_n3A_1365, %select_n3A_1371 : vector<128x128xi1>, vector<128x128xi32>
    %eq3A_1373 = arith.cmpi eq, %select_n3A_1372, %sub3A_1359 : vector<128x128xi32>
    %select_n3A_1374 = arith.select %eq3A_1373, %select_n3A_1344, %select_n3A_1350 : vector<128x128xi1>, vector<128x128xf32>
    %select_n3A_1375 = arith.select %eq3A_1373, %select_n3A_1345, %select_n3A_1355 : vector<128x128xi1>, vector<128x128xf32>
    %roll3A_1376 = arith.constant 112 : i32
    %roll3A_1377 = tpu.dynamic_rotate %select_n3A_1374 by %roll3A_1376 dim 1 : vector<128x128xf32>, i32 -> vector<128x128xf32>
    %roll3A_1378 = arith.constant 16 : i32
    %roll3A_1379 = tpu.dynamic_rotate %select_n3A_1374 by %roll3A_1378 dim 1 : vector<128x128xf32>, i32 -> vector<128x128xf32>
    %select_n3A_1380 = arith.select %eq3A_153, %roll3A_1377, %roll3A_1379 : vector<128x128xi1>, vector<128x128xf32>
    %roll3A_1381 = arith.constant 112 : i32
    %roll3A_1382 = tpu.dynamic_rotate %select_n3A_1375 by %roll3A_1381 dim 1 : vector<128x128xf32>, i32 -> vector<128x128xf32>
    %roll3A_1383 = arith.constant 16 : i32
    %roll3A_1384 = tpu.dynamic_rotate %select_n3A_1375 by %roll3A_1383 dim 1 : vector<128x128xf32>, i32 -> vector<128x128xf32>
    %select_n3A_1385 = arith.select %eq3A_153, %roll3A_1382, %roll3A_1384 : vector<128x128xi1>, vector<128x128xf32>
    %xor3A_1386 = arith.xori %sub3A_58, %sub3A_103 : vector<128x128xi32>
    %sub3A_1387 = arith.constant 1 : i32
    %sub3A_1388 = vector.broadcast %sub3A_1387 : i32 to vector<128x128xi32>
    %sub3A_1389 = arith.subi %sub3A_1388, %xor3A_1386 : vector<128x128xi32>
    %le3A_1390 = arith.cmpf ole, %select_n3A_1374, %select_n3A_1380 : vector<128x128xf32>
    %jit3A_1391 = arith.constant 1 : i32
    %jit3A_1392 = arith.constant 0 : i32
    %broadcast_in_dim3A_1393 = vector.broadcast %jit3A_1391 : i32 to vector<128x128xi32>
    %broadcast_in_dim3A_1394 = vector.broadcast %jit3A_1392 : i32 to vector<128x128xi32>
    %select_n3A_1395 = arith.select %le3A_1390, %broadcast_in_dim3A_1393, %broadcast_in_dim3A_1394 : vector<128x128xi1>, vector<128x128xi32>
    %lt3A_1396 = arith.cmpf olt, %select_n3A_1374, %select_n3A_1380 : vector<128x128xf32>
    %jit3A_1397 = arith.constant 1 : i32
    %jit3A_1398 = arith.constant 0 : i32
    %broadcast_in_dim3A_1399 = vector.broadcast %jit3A_1397 : i32 to vector<128x128xi32>
    %broadcast_in_dim3A_1400 = vector.broadcast %jit3A_1398 : i32 to vector<128x128xi32>
    %select_n3A_1401 = arith.select %lt3A_1396, %broadcast_in_dim3A_1399, %broadcast_in_dim3A_1400 : vector<128x128xi1>, vector<128x128xi32>
    %select_n3A_1402 = arith.select %eq3A_153, %select_n3A_1395, %select_n3A_1401 : vector<128x128xi1>, vector<128x128xi32>
    %eq3A_1403 = arith.cmpi eq, %select_n3A_1402, %sub3A_1389 : vector<128x128xi32>
    %select_n3A_1404 = arith.select %eq3A_1403, %select_n3A_1374, %select_n3A_1380 : vector<128x128xi1>, vector<128x128xf32>
    %select_n3A_1405 = arith.select %eq3A_1403, %select_n3A_1375, %select_n3A_1385 : vector<128x128xi1>, vector<128x128xf32>
    %roll3A_1406 = arith.constant 120 : i32
    %roll3A_1407 = tpu.dynamic_rotate %select_n3A_1404 by %roll3A_1406 dim 1 : vector<128x128xf32>, i32 -> vector<128x128xf32>
    %roll3A_1408 = arith.constant 8 : i32
    %roll3A_1409 = tpu.dynamic_rotate %select_n3A_1404 by %roll3A_1408 dim 1 : vector<128x128xf32>, i32 -> vector<128x128xf32>
    %select_n3A_1410 = arith.select %eq3A_150, %roll3A_1407, %roll3A_1409 : vector<128x128xi1>, vector<128x128xf32>
    %roll3A_1411 = arith.constant 120 : i32
    %roll3A_1412 = tpu.dynamic_rotate %select_n3A_1405 by %roll3A_1411 dim 1 : vector<128x128xf32>, i32 -> vector<128x128xf32>
    %roll3A_1413 = arith.constant 8 : i32
    %roll3A_1414 = tpu.dynamic_rotate %select_n3A_1405 by %roll3A_1413 dim 1 : vector<128x128xf32>, i32 -> vector<128x128xf32>
    %select_n3A_1415 = arith.select %eq3A_150, %roll3A_1412, %roll3A_1414 : vector<128x128xi1>, vector<128x128xf32>
    %xor3A_1416 = arith.xori %sub3A_49, %sub3A_103 : vector<128x128xi32>
    %sub3A_1417 = arith.constant 1 : i32
    %sub3A_1418 = vector.broadcast %sub3A_1417 : i32 to vector<128x128xi32>
    %sub3A_1419 = arith.subi %sub3A_1418, %xor3A_1416 : vector<128x128xi32>
    %le3A_1420 = arith.cmpf ole, %select_n3A_1404, %select_n3A_1410 : vector<128x128xf32>
    %jit3A_1421 = arith.constant 1 : i32
    %jit3A_1422 = arith.constant 0 : i32
    %broadcast_in_dim3A_1423 = vector.broadcast %jit3A_1421 : i32 to vector<128x128xi32>
    %broadcast_in_dim3A_1424 = vector.broadcast %jit3A_1422 : i32 to vector<128x128xi32>
    %select_n3A_1425 = arith.select %le3A_1420, %broadcast_in_dim3A_1423, %broadcast_in_dim3A_1424 : vector<128x128xi1>, vector<128x128xi32>
    %lt3A_1426 = arith.cmpf olt, %select_n3A_1404, %select_n3A_1410 : vector<128x128xf32>
    %jit3A_1427 = arith.constant 1 : i32
    %jit3A_1428 = arith.constant 0 : i32
    %broadcast_in_dim3A_1429 = vector.broadcast %jit3A_1427 : i32 to vector<128x128xi32>
    %broadcast_in_dim3A_1430 = vector.broadcast %jit3A_1428 : i32 to vector<128x128xi32>
    %select_n3A_1431 = arith.select %lt3A_1426, %broadcast_in_dim3A_1429, %broadcast_in_dim3A_1430 : vector<128x128xi1>, vector<128x128xi32>
    %select_n3A_1432 = arith.select %eq3A_150, %select_n3A_1425, %select_n3A_1431 : vector<128x128xi1>, vector<128x128xi32>
    %eq3A_1433 = arith.cmpi eq, %select_n3A_1432, %sub3A_1419 : vector<128x128xi32>
    %select_n3A_1434 = arith.select %eq3A_1433, %select_n3A_1404, %select_n3A_1410 : vector<128x128xi1>, vector<128x128xf32>
    %select_n3A_1435 = arith.select %eq3A_1433, %select_n3A_1405, %select_n3A_1415 : vector<128x128xi1>, vector<128x128xf32>
    %roll3A_1436 = arith.constant 124 : i32
    %roll3A_1437 = tpu.dynamic_rotate %select_n3A_1434 by %roll3A_1436 dim 1 : vector<128x128xf32>, i32 -> vector<128x128xf32>
    %roll3A_1438 = arith.constant 4 : i32
    %roll3A_1439 = tpu.dynamic_rotate %select_n3A_1434 by %roll3A_1438 dim 1 : vector<128x128xf32>, i32 -> vector<128x128xf32>
    %select_n3A_1440 = arith.select %eq3A_147, %roll3A_1437, %roll3A_1439 : vector<128x128xi1>, vector<128x128xf32>
    %roll3A_1441 = arith.constant 124 : i32
    %roll3A_1442 = tpu.dynamic_rotate %select_n3A_1435 by %roll3A_1441 dim 1 : vector<128x128xf32>, i32 -> vector<128x128xf32>
    %roll3A_1443 = arith.constant 4 : i32
    %roll3A_1444 = tpu.dynamic_rotate %select_n3A_1435 by %roll3A_1443 dim 1 : vector<128x128xf32>, i32 -> vector<128x128xf32>
    %select_n3A_1445 = arith.select %eq3A_147, %roll3A_1442, %roll3A_1444 : vector<128x128xi1>, vector<128x128xf32>
    %xor3A_1446 = arith.xori %sub3A_40, %sub3A_103 : vector<128x128xi32>
    %sub3A_1447 = arith.constant 1 : i32
    %sub3A_1448 = vector.broadcast %sub3A_1447 : i32 to vector<128x128xi32>
    %sub3A_1449 = arith.subi %sub3A_1448, %xor3A_1446 : vector<128x128xi32>
    %le3A_1450 = arith.cmpf ole, %select_n3A_1434, %select_n3A_1440 : vector<128x128xf32>
    %jit3A_1451 = arith.constant 1 : i32
    %jit3A_1452 = arith.constant 0 : i32
    %broadcast_in_dim3A_1453 = vector.broadcast %jit3A_1451 : i32 to vector<128x128xi32>
    %broadcast_in_dim3A_1454 = vector.broadcast %jit3A_1452 : i32 to vector<128x128xi32>
    %select_n3A_1455 = arith.select %le3A_1450, %broadcast_in_dim3A_1453, %broadcast_in_dim3A_1454 : vector<128x128xi1>, vector<128x128xi32>
    %lt3A_1456 = arith.cmpf olt, %select_n3A_1434, %select_n3A_1440 : vector<128x128xf32>
    %jit3A_1457 = arith.constant 1 : i32
    %jit3A_1458 = arith.constant 0 : i32
    %broadcast_in_dim3A_1459 = vector.broadcast %jit3A_1457 : i32 to vector<128x128xi32>
    %broadcast_in_dim3A_1460 = vector.broadcast %jit3A_1458 : i32 to vector<128x128xi32>
    %select_n3A_1461 = arith.select %lt3A_1456, %broadcast_in_dim3A_1459, %broadcast_in_dim3A_1460 : vector<128x128xi1>, vector<128x128xi32>
    %select_n3A_1462 = arith.select %eq3A_147, %select_n3A_1455, %select_n3A_1461 : vector<128x128xi1>, vector<128x128xi32>
    %eq3A_1463 = arith.cmpi eq, %select_n3A_1462, %sub3A_1449 : vector<128x128xi32>
    %select_n3A_1464 = arith.select %eq3A_1463, %select_n3A_1434, %select_n3A_1440 : vector<128x128xi1>, vector<128x128xf32>
    %select_n3A_1465 = arith.select %eq3A_1463, %select_n3A_1435, %select_n3A_1445 : vector<128x128xi1>, vector<128x128xf32>
    %roll3A_1466 = arith.constant 126 : i32
    %roll3A_1467 = tpu.dynamic_rotate %select_n3A_1464 by %roll3A_1466 dim 1 : vector<128x128xf32>, i32 -> vector<128x128xf32>
    %roll3A_1468 = arith.constant 2 : i32
    %roll3A_1469 = tpu.dynamic_rotate %select_n3A_1464 by %roll3A_1468 dim 1 : vector<128x128xf32>, i32 -> vector<128x128xf32>
    %select_n3A_1470 = arith.select %eq3A_144, %roll3A_1467, %roll3A_1469 : vector<128x128xi1>, vector<128x128xf32>
    %roll3A_1471 = arith.constant 126 : i32
    %roll3A_1472 = tpu.dynamic_rotate %select_n3A_1465 by %roll3A_1471 dim 1 : vector<128x128xf32>, i32 -> vector<128x128xf32>
    %roll3A_1473 = arith.constant 2 : i32
    %roll3A_1474 = tpu.dynamic_rotate %select_n3A_1465 by %roll3A_1473 dim 1 : vector<128x128xf32>, i32 -> vector<128x128xf32>
    %select_n3A_1475 = arith.select %eq3A_144, %roll3A_1472, %roll3A_1474 : vector<128x128xi1>, vector<128x128xf32>
    %xor3A_1476 = arith.xori %sub3A_31, %sub3A_103 : vector<128x128xi32>
    %sub3A_1477 = arith.constant 1 : i32
    %sub3A_1478 = vector.broadcast %sub3A_1477 : i32 to vector<128x128xi32>
    %sub3A_1479 = arith.subi %sub3A_1478, %xor3A_1476 : vector<128x128xi32>
    %le3A_1480 = arith.cmpf ole, %select_n3A_1464, %select_n3A_1470 : vector<128x128xf32>
    %jit3A_1481 = arith.constant 1 : i32
    %jit3A_1482 = arith.constant 0 : i32
    %broadcast_in_dim3A_1483 = vector.broadcast %jit3A_1481 : i32 to vector<128x128xi32>
    %broadcast_in_dim3A_1484 = vector.broadcast %jit3A_1482 : i32 to vector<128x128xi32>
    %select_n3A_1485 = arith.select %le3A_1480, %broadcast_in_dim3A_1483, %broadcast_in_dim3A_1484 : vector<128x128xi1>, vector<128x128xi32>
    %lt3A_1486 = arith.cmpf olt, %select_n3A_1464, %select_n3A_1470 : vector<128x128xf32>
    %jit3A_1487 = arith.constant 1 : i32
    %jit3A_1488 = arith.constant 0 : i32
    %broadcast_in_dim3A_1489 = vector.broadcast %jit3A_1487 : i32 to vector<128x128xi32>
    %broadcast_in_dim3A_1490 = vector.broadcast %jit3A_1488 : i32 to vector<128x128xi32>
    %select_n3A_1491 = arith.select %lt3A_1486, %broadcast_in_dim3A_1489, %broadcast_in_dim3A_1490 : vector<128x128xi1>, vector<128x128xi32>
    %select_n3A_1492 = arith.select %eq3A_144, %select_n3A_1485, %select_n3A_1491 : vector<128x128xi1>, vector<128x128xi32>
    %eq3A_1493 = arith.cmpi eq, %select_n3A_1492, %sub3A_1479 : vector<128x128xi32>
    %select_n3A_1494 = arith.select %eq3A_1493, %select_n3A_1464, %select_n3A_1470 : vector<128x128xi1>, vector<128x128xf32>
    %select_n3A_1495 = arith.select %eq3A_1493, %select_n3A_1465, %select_n3A_1475 : vector<128x128xi1>, vector<128x128xf32>
    %roll3A_1496 = arith.constant 127 : i32
    %roll3A_1497 = tpu.dynamic_rotate %select_n3A_1494 by %roll3A_1496 dim 1 : vector<128x128xf32>, i32 -> vector<128x128xf32>
    %roll3A_1498 = arith.constant 1 : i32
    %roll3A_1499 = tpu.dynamic_rotate %select_n3A_1494 by %roll3A_1498 dim 1 : vector<128x128xf32>, i32 -> vector<128x128xf32>
    %select_n3A_1500 = arith.select %eq3A_141, %roll3A_1497, %roll3A_1499 : vector<128x128xi1>, vector<128x128xf32>
    %roll3A_1501 = arith.constant 127 : i32
    %roll3A_1502 = tpu.dynamic_rotate %select_n3A_1495 by %roll3A_1501 dim 1 : vector<128x128xf32>, i32 -> vector<128x128xf32>
    %roll3A_1503 = arith.constant 1 : i32
    %roll3A_1504 = tpu.dynamic_rotate %select_n3A_1495 by %roll3A_1503 dim 1 : vector<128x128xf32>, i32 -> vector<128x128xf32>
    %select_n3A_1505 = arith.select %eq3A_141, %roll3A_1502, %roll3A_1504 : vector<128x128xi1>, vector<128x128xf32>
    %xor3A_1506 = arith.xori %sub3A_22, %sub3A_103 : vector<128x128xi32>
    %sub3A_1507 = arith.constant 1 : i32
    %sub3A_1508 = vector.broadcast %sub3A_1507 : i32 to vector<128x128xi32>
    %sub3A_1509 = arith.subi %sub3A_1508, %xor3A_1506 : vector<128x128xi32>
    %le3A_1510 = arith.cmpf ole, %select_n3A_1494, %select_n3A_1500 : vector<128x128xf32>
    %jit3A_1511 = arith.constant 1 : i32
    %jit3A_1512 = arith.constant 0 : i32
    %broadcast_in_dim3A_1513 = vector.broadcast %jit3A_1511 : i32 to vector<128x128xi32>
    %broadcast_in_dim3A_1514 = vector.broadcast %jit3A_1512 : i32 to vector<128x128xi32>
    %select_n3A_1515 = arith.select %le3A_1510, %broadcast_in_dim3A_1513, %broadcast_in_dim3A_1514 : vector<128x128xi1>, vector<128x128xi32>
    %lt3A_1516 = arith.cmpf olt, %select_n3A_1494, %select_n3A_1500 : vector<128x128xf32>
    %jit3A_1517 = arith.constant 1 : i32
    %jit3A_1518 = arith.constant 0 : i32
    %broadcast_in_dim3A_1519 = vector.broadcast %jit3A_1517 : i32 to vector<128x128xi32>
    %broadcast_in_dim3A_1520 = vector.broadcast %jit3A_1518 : i32 to vector<128x128xi32>
    %select_n3A_1521 = arith.select %lt3A_1516, %broadcast_in_dim3A_1519, %broadcast_in_dim3A_1520 : vector<128x128xi1>, vector<128x128xi32>
    %select_n3A_1522 = arith.select %eq3A_141, %select_n3A_1515, %select_n3A_1521 : vector<128x128xi1>, vector<128x128xi32>
    %eq3A_1523 = arith.cmpi eq, %select_n3A_1522, %sub3A_1509 : vector<128x128xi32>
    %select_n3A_1524 = arith.select %eq3A_1523, %select_n3A_1494, %select_n3A_1500 : vector<128x128xi1>, vector<128x128xf32>
    %select_n3A_1525 = arith.select %eq3A_1523, %select_n3A_1495, %select_n3A_1505 : vector<128x128xi1>, vector<128x128xf32>
    %roll3A_1526 = arith.constant 124 : i32
    %roll3A_1527 = tpu.dynamic_rotate %select_n3A_1524 by %roll3A_1526 dim 0 : vector<128x128xf32>, i32 -> vector<128x128xf32>
    %roll3A_1528 = arith.constant 4 : i32
    %roll3A_1529 = tpu.dynamic_rotate %select_n3A_1524 by %roll3A_1528 dim 0 : vector<128x128xf32>, i32 -> vector<128x128xf32>
    %select_n3A_1530 = arith.select %eq3A_168, %roll3A_1527, %roll3A_1529 : vector<128x128xi1>, vector<128x128xf32>
    %roll3A_1531 = arith.constant 124 : i32
    %roll3A_1532 = tpu.dynamic_rotate %select_n3A_1525 by %roll3A_1531 dim 0 : vector<128x128xf32>, i32 -> vector<128x128xf32>
    %roll3A_1533 = arith.constant 4 : i32
    %roll3A_1534 = tpu.dynamic_rotate %select_n3A_1525 by %roll3A_1533 dim 0 : vector<128x128xf32>, i32 -> vector<128x128xf32>
    %select_n3A_1535 = arith.select %eq3A_168, %roll3A_1532, %roll3A_1534 : vector<128x128xi1>, vector<128x128xf32>
    %xor3A_1536 = arith.xori %sub3A_103, %sub3A_112 : vector<128x128xi32>
    %sub3A_1537 = arith.constant 1 : i32
    %sub3A_1538 = vector.broadcast %sub3A_1537 : i32 to vector<128x128xi32>
    %sub3A_1539 = arith.subi %sub3A_1538, %xor3A_1536 : vector<128x128xi32>
    %le3A_1540 = arith.cmpf ole, %select_n3A_1524, %select_n3A_1530 : vector<128x128xf32>
    %jit3A_1541 = arith.constant 1 : i32
    %jit3A_1542 = arith.constant 0 : i32
    %broadcast_in_dim3A_1543 = vector.broadcast %jit3A_1541 : i32 to vector<128x128xi32>
    %broadcast_in_dim3A_1544 = vector.broadcast %jit3A_1542 : i32 to vector<128x128xi32>
    %select_n3A_1545 = arith.select %le3A_1540, %broadcast_in_dim3A_1543, %broadcast_in_dim3A_1544 : vector<128x128xi1>, vector<128x128xi32>
    %lt3A_1546 = arith.cmpf olt, %select_n3A_1524, %select_n3A_1530 : vector<128x128xf32>
    %jit3A_1547 = arith.constant 1 : i32
    %jit3A_1548 = arith.constant 0 : i32
    %broadcast_in_dim3A_1549 = vector.broadcast %jit3A_1547 : i32 to vector<128x128xi32>
    %broadcast_in_dim3A_1550 = vector.broadcast %jit3A_1548 : i32 to vector<128x128xi32>
    %select_n3A_1551 = arith.select %lt3A_1546, %broadcast_in_dim3A_1549, %broadcast_in_dim3A_1550 : vector<128x128xi1>, vector<128x128xi32>
    %select_n3A_1552 = arith.select %eq3A_168, %select_n3A_1545, %select_n3A_1551 : vector<128x128xi1>, vector<128x128xi32>
    %eq3A_1553 = arith.cmpi eq, %select_n3A_1552, %sub3A_1539 : vector<128x128xi32>
    %select_n3A_1554 = arith.select %eq3A_1553, %select_n3A_1524, %select_n3A_1530 : vector<128x128xi1>, vector<128x128xf32>
    %select_n3A_1555 = arith.select %eq3A_1553, %select_n3A_1525, %select_n3A_1535 : vector<128x128xi1>, vector<128x128xf32>
    %roll3A_1556 = arith.constant 126 : i32
    %roll3A_1557 = tpu.dynamic_rotate %select_n3A_1554 by %roll3A_1556 dim 0 : vector<128x128xf32>, i32 -> vector<128x128xf32>
    %roll3A_1558 = arith.constant 2 : i32
    %roll3A_1559 = tpu.dynamic_rotate %select_n3A_1554 by %roll3A_1558 dim 0 : vector<128x128xf32>, i32 -> vector<128x128xf32>
    %select_n3A_1560 = arith.select %eq3A_165, %roll3A_1557, %roll3A_1559 : vector<128x128xi1>, vector<128x128xf32>
    %roll3A_1561 = arith.constant 126 : i32
    %roll3A_1562 = tpu.dynamic_rotate %select_n3A_1555 by %roll3A_1561 dim 0 : vector<128x128xf32>, i32 -> vector<128x128xf32>
    %roll3A_1563 = arith.constant 2 : i32
    %roll3A_1564 = tpu.dynamic_rotate %select_n3A_1555 by %roll3A_1563 dim 0 : vector<128x128xf32>, i32 -> vector<128x128xf32>
    %select_n3A_1565 = arith.select %eq3A_165, %roll3A_1562, %roll3A_1564 : vector<128x128xi1>, vector<128x128xf32>
    %xor3A_1566 = arith.xori %sub3A_94, %sub3A_112 : vector<128x128xi32>
    %sub3A_1567 = arith.constant 1 : i32
    %sub3A_1568 = vector.broadcast %sub3A_1567 : i32 to vector<128x128xi32>
    %sub3A_1569 = arith.subi %sub3A_1568, %xor3A_1566 : vector<128x128xi32>
    %le3A_1570 = arith.cmpf ole, %select_n3A_1554, %select_n3A_1560 : vector<128x128xf32>
    %jit3A_1571 = arith.constant 1 : i32
    %jit3A_1572 = arith.constant 0 : i32
    %broadcast_in_dim3A_1573 = vector.broadcast %jit3A_1571 : i32 to vector<128x128xi32>
    %broadcast_in_dim3A_1574 = vector.broadcast %jit3A_1572 : i32 to vector<128x128xi32>
    %select_n3A_1575 = arith.select %le3A_1570, %broadcast_in_dim3A_1573, %broadcast_in_dim3A_1574 : vector<128x128xi1>, vector<128x128xi32>
    %lt3A_1576 = arith.cmpf olt, %select_n3A_1554, %select_n3A_1560 : vector<128x128xf32>
    %jit3A_1577 = arith.constant 1 : i32
    %jit3A_1578 = arith.constant 0 : i32
    %broadcast_in_dim3A_1579 = vector.broadcast %jit3A_1577 : i32 to vector<128x128xi32>
    %broadcast_in_dim3A_1580 = vector.broadcast %jit3A_1578 : i32 to vector<128x128xi32>
    %select_n3A_1581 = arith.select %lt3A_1576, %broadcast_in_dim3A_1579, %broadcast_in_dim3A_1580 : vector<128x128xi1>, vector<128x128xi32>
    %select_n3A_1582 = arith.select %eq3A_165, %select_n3A_1575, %select_n3A_1581 : vector<128x128xi1>, vector<128x128xi32>
    %eq3A_1583 = arith.cmpi eq, %select_n3A_1582, %sub3A_1569 : vector<128x128xi32>
    %select_n3A_1584 = arith.select %eq3A_1583, %select_n3A_1554, %select_n3A_1560 : vector<128x128xi1>, vector<128x128xf32>
    %select_n3A_1585 = arith.select %eq3A_1583, %select_n3A_1555, %select_n3A_1565 : vector<128x128xi1>, vector<128x128xf32>
    %roll3A_1586 = arith.constant 127 : i32
    %roll3A_1587 = tpu.dynamic_rotate %select_n3A_1584 by %roll3A_1586 dim 0 : vector<128x128xf32>, i32 -> vector<128x128xf32>
    %roll3A_1588 = arith.constant 1 : i32
    %roll3A_1589 = tpu.dynamic_rotate %select_n3A_1584 by %roll3A_1588 dim 0 : vector<128x128xf32>, i32 -> vector<128x128xf32>
    %select_n3A_1590 = arith.select %eq3A_162, %roll3A_1587, %roll3A_1589 : vector<128x128xi1>, vector<128x128xf32>
    %roll3A_1591 = arith.constant 127 : i32
    %roll3A_1592 = tpu.dynamic_rotate %select_n3A_1585 by %roll3A_1591 dim 0 : vector<128x128xf32>, i32 -> vector<128x128xf32>
    %roll3A_1593 = arith.constant 1 : i32
    %roll3A_1594 = tpu.dynamic_rotate %select_n3A_1585 by %roll3A_1593 dim 0 : vector<128x128xf32>, i32 -> vector<128x128xf32>
    %select_n3A_1595 = arith.select %eq3A_162, %roll3A_1592, %roll3A_1594 : vector<128x128xi1>, vector<128x128xf32>
    %xor3A_1596 = arith.xori %sub3A_85, %sub3A_112 : vector<128x128xi32>
    %sub3A_1597 = arith.constant 1 : i32
    %sub3A_1598 = vector.broadcast %sub3A_1597 : i32 to vector<128x128xi32>
    %sub3A_1599 = arith.subi %sub3A_1598, %xor3A_1596 : vector<128x128xi32>
    %le3A_1600 = arith.cmpf ole, %select_n3A_1584, %select_n3A_1590 : vector<128x128xf32>
    %jit3A_1601 = arith.constant 1 : i32
    %jit3A_1602 = arith.constant 0 : i32
    %broadcast_in_dim3A_1603 = vector.broadcast %jit3A_1601 : i32 to vector<128x128xi32>
    %broadcast_in_dim3A_1604 = vector.broadcast %jit3A_1602 : i32 to vector<128x128xi32>
    %select_n3A_1605 = arith.select %le3A_1600, %broadcast_in_dim3A_1603, %broadcast_in_dim3A_1604 : vector<128x128xi1>, vector<128x128xi32>
    %lt3A_1606 = arith.cmpf olt, %select_n3A_1584, %select_n3A_1590 : vector<128x128xf32>
    %jit3A_1607 = arith.constant 1 : i32
    %jit3A_1608 = arith.constant 0 : i32
    %broadcast_in_dim3A_1609 = vector.broadcast %jit3A_1607 : i32 to vector<128x128xi32>
    %broadcast_in_dim3A_1610 = vector.broadcast %jit3A_1608 : i32 to vector<128x128xi32>
    %select_n3A_1611 = arith.select %lt3A_1606, %broadcast_in_dim3A_1609, %broadcast_in_dim3A_1610 : vector<128x128xi1>, vector<128x128xi32>
    %select_n3A_1612 = arith.select %eq3A_162, %select_n3A_1605, %select_n3A_1611 : vector<128x128xi1>, vector<128x128xi32>
    %eq3A_1613 = arith.cmpi eq, %select_n3A_1612, %sub3A_1599 : vector<128x128xi32>
    %select_n3A_1614 = arith.select %eq3A_1613, %select_n3A_1584, %select_n3A_1590 : vector<128x128xi1>, vector<128x128xf32>
    %select_n3A_1615 = arith.select %eq3A_1613, %select_n3A_1585, %select_n3A_1595 : vector<128x128xi1>, vector<128x128xf32>
    %roll3A_1616 = arith.constant 64 : i32
    %roll3A_1617 = tpu.dynamic_rotate %select_n3A_1614 by %roll3A_1616 dim 1 : vector<128x128xf32>, i32 -> vector<128x128xf32>
    %roll3A_1618 = arith.constant 64 : i32
    %roll3A_1619 = tpu.dynamic_rotate %select_n3A_1614 by %roll3A_1618 dim 1 : vector<128x128xf32>, i32 -> vector<128x128xf32>
    %select_n3A_1620 = arith.select %eq3A_159, %roll3A_1617, %roll3A_1619 : vector<128x128xi1>, vector<128x128xf32>
    %roll3A_1621 = arith.constant 64 : i32
    %roll3A_1622 = tpu.dynamic_rotate %select_n3A_1615 by %roll3A_1621 dim 1 : vector<128x128xf32>, i32 -> vector<128x128xf32>
    %roll3A_1623 = arith.constant 64 : i32
    %roll3A_1624 = tpu.dynamic_rotate %select_n3A_1615 by %roll3A_1623 dim 1 : vector<128x128xf32>, i32 -> vector<128x128xf32>
    %select_n3A_1625 = arith.select %eq3A_159, %roll3A_1622, %roll3A_1624 : vector<128x128xi1>, vector<128x128xf32>
    %xor3A_1626 = arith.xori %sub3A_76, %sub3A_112 : vector<128x128xi32>
    %sub3A_1627 = arith.constant 1 : i32
    %sub3A_1628 = vector.broadcast %sub3A_1627 : i32 to vector<128x128xi32>
    %sub3A_1629 = arith.subi %sub3A_1628, %xor3A_1626 : vector<128x128xi32>
    %le3A_1630 = arith.cmpf ole, %select_n3A_1614, %select_n3A_1620 : vector<128x128xf32>
    %jit3A_1631 = arith.constant 1 : i32
    %jit3A_1632 = arith.constant 0 : i32
    %broadcast_in_dim3A_1633 = vector.broadcast %jit3A_1631 : i32 to vector<128x128xi32>
    %broadcast_in_dim3A_1634 = vector.broadcast %jit3A_1632 : i32 to vector<128x128xi32>
    %select_n3A_1635 = arith.select %le3A_1630, %broadcast_in_dim3A_1633, %broadcast_in_dim3A_1634 : vector<128x128xi1>, vector<128x128xi32>
    %lt3A_1636 = arith.cmpf olt, %select_n3A_1614, %select_n3A_1620 : vector<128x128xf32>
    %jit3A_1637 = arith.constant 1 : i32
    %jit3A_1638 = arith.constant 0 : i32
    %broadcast_in_dim3A_1639 = vector.broadcast %jit3A_1637 : i32 to vector<128x128xi32>
    %broadcast_in_dim3A_1640 = vector.broadcast %jit3A_1638 : i32 to vector<128x128xi32>
    %select_n3A_1641 = arith.select %lt3A_1636, %broadcast_in_dim3A_1639, %broadcast_in_dim3A_1640 : vector<128x128xi1>, vector<128x128xi32>
    %select_n3A_1642 = arith.select %eq3A_159, %select_n3A_1635, %select_n3A_1641 : vector<128x128xi1>, vector<128x128xi32>
    %eq3A_1643 = arith.cmpi eq, %select_n3A_1642, %sub3A_1629 : vector<128x128xi32>
    %select_n3A_1644 = arith.select %eq3A_1643, %select_n3A_1614, %select_n3A_1620 : vector<128x128xi1>, vector<128x128xf32>
    %select_n3A_1645 = arith.select %eq3A_1643, %select_n3A_1615, %select_n3A_1625 : vector<128x128xi1>, vector<128x128xf32>
    %roll3A_1646 = arith.constant 96 : i32
    %roll3A_1647 = tpu.dynamic_rotate %select_n3A_1644 by %roll3A_1646 dim 1 : vector<128x128xf32>, i32 -> vector<128x128xf32>
    %roll3A_1648 = arith.constant 32 : i32
    %roll3A_1649 = tpu.dynamic_rotate %select_n3A_1644 by %roll3A_1648 dim 1 : vector<128x128xf32>, i32 -> vector<128x128xf32>
    %select_n3A_1650 = arith.select %eq3A_156, %roll3A_1647, %roll3A_1649 : vector<128x128xi1>, vector<128x128xf32>
    %roll3A_1651 = arith.constant 96 : i32
    %roll3A_1652 = tpu.dynamic_rotate %select_n3A_1645 by %roll3A_1651 dim 1 : vector<128x128xf32>, i32 -> vector<128x128xf32>
    %roll3A_1653 = arith.constant 32 : i32
    %roll3A_1654 = tpu.dynamic_rotate %select_n3A_1645 by %roll3A_1653 dim 1 : vector<128x128xf32>, i32 -> vector<128x128xf32>
    %select_n3A_1655 = arith.select %eq3A_156, %roll3A_1652, %roll3A_1654 : vector<128x128xi1>, vector<128x128xf32>
    %xor3A_1656 = arith.xori %sub3A_67, %sub3A_112 : vector<128x128xi32>
    %sub3A_1657 = arith.constant 1 : i32
    %sub3A_1658 = vector.broadcast %sub3A_1657 : i32 to vector<128x128xi32>
    %sub3A_1659 = arith.subi %sub3A_1658, %xor3A_1656 : vector<128x128xi32>
    %le3A_1660 = arith.cmpf ole, %select_n3A_1644, %select_n3A_1650 : vector<128x128xf32>
    %jit3A_1661 = arith.constant 1 : i32
    %jit3A_1662 = arith.constant 0 : i32
    %broadcast_in_dim3A_1663 = vector.broadcast %jit3A_1661 : i32 to vector<128x128xi32>
    %broadcast_in_dim3A_1664 = vector.broadcast %jit3A_1662 : i32 to vector<128x128xi32>
    %select_n3A_1665 = arith.select %le3A_1660, %broadcast_in_dim3A_1663, %broadcast_in_dim3A_1664 : vector<128x128xi1>, vector<128x128xi32>
    %lt3A_1666 = arith.cmpf olt, %select_n3A_1644, %select_n3A_1650 : vector<128x128xf32>
    %jit3A_1667 = arith.constant 1 : i32
    %jit3A_1668 = arith.constant 0 : i32
    %broadcast_in_dim3A_1669 = vector.broadcast %jit3A_1667 : i32 to vector<128x128xi32>
    %broadcast_in_dim3A_1670 = vector.broadcast %jit3A_1668 : i32 to vector<128x128xi32>
    %select_n3A_1671 = arith.select %lt3A_1666, %broadcast_in_dim3A_1669, %broadcast_in_dim3A_1670 : vector<128x128xi1>, vector<128x128xi32>
    %select_n3A_1672 = arith.select %eq3A_156, %select_n3A_1665, %select_n3A_1671 : vector<128x128xi1>, vector<128x128xi32>
    %eq3A_1673 = arith.cmpi eq, %select_n3A_1672, %sub3A_1659 : vector<128x128xi32>
    %select_n3A_1674 = arith.select %eq3A_1673, %select_n3A_1644, %select_n3A_1650 : vector<128x128xi1>, vector<128x128xf32>
    %select_n3A_1675 = arith.select %eq3A_1673, %select_n3A_1645, %select_n3A_1655 : vector<128x128xi1>, vector<128x128xf32>
    %roll3A_1676 = arith.constant 112 : i32
    %roll3A_1677 = tpu.dynamic_rotate %select_n3A_1674 by %roll3A_1676 dim 1 : vector<128x128xf32>, i32 -> vector<128x128xf32>
    %roll3A_1678 = arith.constant 16 : i32
    %roll3A_1679 = tpu.dynamic_rotate %select_n3A_1674 by %roll3A_1678 dim 1 : vector<128x128xf32>, i32 -> vector<128x128xf32>
    %select_n3A_1680 = arith.select %eq3A_153, %roll3A_1677, %roll3A_1679 : vector<128x128xi1>, vector<128x128xf32>
    %roll3A_1681 = arith.constant 112 : i32
    %roll3A_1682 = tpu.dynamic_rotate %select_n3A_1675 by %roll3A_1681 dim 1 : vector<128x128xf32>, i32 -> vector<128x128xf32>
    %roll3A_1683 = arith.constant 16 : i32
    %roll3A_1684 = tpu.dynamic_rotate %select_n3A_1675 by %roll3A_1683 dim 1 : vector<128x128xf32>, i32 -> vector<128x128xf32>
    %select_n3A_1685 = arith.select %eq3A_153, %roll3A_1682, %roll3A_1684 : vector<128x128xi1>, vector<128x128xf32>
    %xor3A_1686 = arith.xori %sub3A_58, %sub3A_112 : vector<128x128xi32>
    %sub3A_1687 = arith.constant 1 : i32
    %sub3A_1688 = vector.broadcast %sub3A_1687 : i32 to vector<128x128xi32>
    %sub3A_1689 = arith.subi %sub3A_1688, %xor3A_1686 : vector<128x128xi32>
    %le3A_1690 = arith.cmpf ole, %select_n3A_1674, %select_n3A_1680 : vector<128x128xf32>
    %jit3A_1691 = arith.constant 1 : i32
    %jit3A_1692 = arith.constant 0 : i32
    %broadcast_in_dim3A_1693 = vector.broadcast %jit3A_1691 : i32 to vector<128x128xi32>
    %broadcast_in_dim3A_1694 = vector.broadcast %jit3A_1692 : i32 to vector<128x128xi32>
    %select_n3A_1695 = arith.select %le3A_1690, %broadcast_in_dim3A_1693, %broadcast_in_dim3A_1694 : vector<128x128xi1>, vector<128x128xi32>
    %lt3A_1696 = arith.cmpf olt, %select_n3A_1674, %select_n3A_1680 : vector<128x128xf32>
    %jit3A_1697 = arith.constant 1 : i32
    %jit3A_1698 = arith.constant 0 : i32
    %broadcast_in_dim3A_1699 = vector.broadcast %jit3A_1697 : i32 to vector<128x128xi32>
    %broadcast_in_dim3A_1700 = vector.broadcast %jit3A_1698 : i32 to vector<128x128xi32>
    %select_n3A_1701 = arith.select %lt3A_1696, %broadcast_in_dim3A_1699, %broadcast_in_dim3A_1700 : vector<128x128xi1>, vector<128x128xi32>
    %select_n3A_1702 = arith.select %eq3A_153, %select_n3A_1695, %select_n3A_1701 : vector<128x128xi1>, vector<128x128xi32>
    %eq3A_1703 = arith.cmpi eq, %select_n3A_1702, %sub3A_1689 : vector<128x128xi32>
    %select_n3A_1704 = arith.select %eq3A_1703, %select_n3A_1674, %select_n3A_1680 : vector<128x128xi1>, vector<128x128xf32>
    %select_n3A_1705 = arith.select %eq3A_1703, %select_n3A_1675, %select_n3A_1685 : vector<128x128xi1>, vector<128x128xf32>
    %roll3A_1706 = arith.constant 120 : i32
    %roll3A_1707 = tpu.dynamic_rotate %select_n3A_1704 by %roll3A_1706 dim 1 : vector<128x128xf32>, i32 -> vector<128x128xf32>
    %roll3A_1708 = arith.constant 8 : i32
    %roll3A_1709 = tpu.dynamic_rotate %select_n3A_1704 by %roll3A_1708 dim 1 : vector<128x128xf32>, i32 -> vector<128x128xf32>
    %select_n3A_1710 = arith.select %eq3A_150, %roll3A_1707, %roll3A_1709 : vector<128x128xi1>, vector<128x128xf32>
    %roll3A_1711 = arith.constant 120 : i32
    %roll3A_1712 = tpu.dynamic_rotate %select_n3A_1705 by %roll3A_1711 dim 1 : vector<128x128xf32>, i32 -> vector<128x128xf32>
    %roll3A_1713 = arith.constant 8 : i32
    %roll3A_1714 = tpu.dynamic_rotate %select_n3A_1705 by %roll3A_1713 dim 1 : vector<128x128xf32>, i32 -> vector<128x128xf32>
    %select_n3A_1715 = arith.select %eq3A_150, %roll3A_1712, %roll3A_1714 : vector<128x128xi1>, vector<128x128xf32>
    %xor3A_1716 = arith.xori %sub3A_49, %sub3A_112 : vector<128x128xi32>
    %sub3A_1717 = arith.constant 1 : i32
    %sub3A_1718 = vector.broadcast %sub3A_1717 : i32 to vector<128x128xi32>
    %sub3A_1719 = arith.subi %sub3A_1718, %xor3A_1716 : vector<128x128xi32>
    %le3A_1720 = arith.cmpf ole, %select_n3A_1704, %select_n3A_1710 : vector<128x128xf32>
    %jit3A_1721 = arith.constant 1 : i32
    %jit3A_1722 = arith.constant 0 : i32
    %broadcast_in_dim3A_1723 = vector.broadcast %jit3A_1721 : i32 to vector<128x128xi32>
    %broadcast_in_dim3A_1724 = vector.broadcast %jit3A_1722 : i32 to vector<128x128xi32>
    %select_n3A_1725 = arith.select %le3A_1720, %broadcast_in_dim3A_1723, %broadcast_in_dim3A_1724 : vector<128x128xi1>, vector<128x128xi32>
    %lt3A_1726 = arith.cmpf olt, %select_n3A_1704, %select_n3A_1710 : vector<128x128xf32>
    %jit3A_1727 = arith.constant 1 : i32
    %jit3A_1728 = arith.constant 0 : i32
    %broadcast_in_dim3A_1729 = vector.broadcast %jit3A_1727 : i32 to vector<128x128xi32>
    %broadcast_in_dim3A_1730 = vector.broadcast %jit3A_1728 : i32 to vector<128x128xi32>
    %select_n3A_1731 = arith.select %lt3A_1726, %broadcast_in_dim3A_1729, %broadcast_in_dim3A_1730 : vector<128x128xi1>, vector<128x128xi32>
    %select_n3A_1732 = arith.select %eq3A_150, %select_n3A_1725, %select_n3A_1731 : vector<128x128xi1>, vector<128x128xi32>
    %eq3A_1733 = arith.cmpi eq, %select_n3A_1732, %sub3A_1719 : vector<128x128xi32>
    %select_n3A_1734 = arith.select %eq3A_1733, %select_n3A_1704, %select_n3A_1710 : vector<128x128xi1>, vector<128x128xf32>
    %select_n3A_1735 = arith.select %eq3A_1733, %select_n3A_1705, %select_n3A_1715 : vector<128x128xi1>, vector<128x128xf32>
    %roll3A_1736 = arith.constant 124 : i32
    %roll3A_1737 = tpu.dynamic_rotate %select_n3A_1734 by %roll3A_1736 dim 1 : vector<128x128xf32>, i32 -> vector<128x128xf32>
    %roll3A_1738 = arith.constant 4 : i32
    %roll3A_1739 = tpu.dynamic_rotate %select_n3A_1734 by %roll3A_1738 dim 1 : vector<128x128xf32>, i32 -> vector<128x128xf32>
    %select_n3A_1740 = arith.select %eq3A_147, %roll3A_1737, %roll3A_1739 : vector<128x128xi1>, vector<128x128xf32>
    %roll3A_1741 = arith.constant 124 : i32
    %roll3A_1742 = tpu.dynamic_rotate %select_n3A_1735 by %roll3A_1741 dim 1 : vector<128x128xf32>, i32 -> vector<128x128xf32>
    %roll3A_1743 = arith.constant 4 : i32
    %roll3A_1744 = tpu.dynamic_rotate %select_n3A_1735 by %roll3A_1743 dim 1 : vector<128x128xf32>, i32 -> vector<128x128xf32>
    %select_n3A_1745 = arith.select %eq3A_147, %roll3A_1742, %roll3A_1744 : vector<128x128xi1>, vector<128x128xf32>
    %xor3A_1746 = arith.xori %sub3A_40, %sub3A_112 : vector<128x128xi32>
    %sub3A_1747 = arith.constant 1 : i32
    %sub3A_1748 = vector.broadcast %sub3A_1747 : i32 to vector<128x128xi32>
    %sub3A_1749 = arith.subi %sub3A_1748, %xor3A_1746 : vector<128x128xi32>
    %le3A_1750 = arith.cmpf ole, %select_n3A_1734, %select_n3A_1740 : vector<128x128xf32>
    %jit3A_1751 = arith.constant 1 : i32
    %jit3A_1752 = arith.constant 0 : i32
    %broadcast_in_dim3A_1753 = vector.broadcast %jit3A_1751 : i32 to vector<128x128xi32>
    %broadcast_in_dim3A_1754 = vector.broadcast %jit3A_1752 : i32 to vector<128x128xi32>
    %select_n3A_1755 = arith.select %le3A_1750, %broadcast_in_dim3A_1753, %broadcast_in_dim3A_1754 : vector<128x128xi1>, vector<128x128xi32>
    %lt3A_1756 = arith.cmpf olt, %select_n3A_1734, %select_n3A_1740 : vector<128x128xf32>
    %jit3A_1757 = arith.constant 1 : i32
    %jit3A_1758 = arith.constant 0 : i32
    %broadcast_in_dim3A_1759 = vector.broadcast %jit3A_1757 : i32 to vector<128x128xi32>
    %broadcast_in_dim3A_1760 = vector.broadcast %jit3A_1758 : i32 to vector<128x128xi32>
    %select_n3A_1761 = arith.select %lt3A_1756, %broadcast_in_dim3A_1759, %broadcast_in_dim3A_1760 : vector<128x128xi1>, vector<128x128xi32>
    %select_n3A_1762 = arith.select %eq3A_147, %select_n3A_1755, %select_n3A_1761 : vector<128x128xi1>, vector<128x128xi32>
    %eq3A_1763 = arith.cmpi eq, %select_n3A_1762, %sub3A_1749 : vector<128x128xi32>
    %select_n3A_1764 = arith.select %eq3A_1763, %select_n3A_1734, %select_n3A_1740 : vector<128x128xi1>, vector<128x128xf32>
    %select_n3A_1765 = arith.select %eq3A_1763, %select_n3A_1735, %select_n3A_1745 : vector<128x128xi1>, vector<128x128xf32>
    %roll3A_1766 = arith.constant 126 : i32
    %roll3A_1767 = tpu.dynamic_rotate %select_n3A_1764 by %roll3A_1766 dim 1 : vector<128x128xf32>, i32 -> vector<128x128xf32>
    %roll3A_1768 = arith.constant 2 : i32
    %roll3A_1769 = tpu.dynamic_rotate %select_n3A_1764 by %roll3A_1768 dim 1 : vector<128x128xf32>, i32 -> vector<128x128xf32>
    %select_n3A_1770 = arith.select %eq3A_144, %roll3A_1767, %roll3A_1769 : vector<128x128xi1>, vector<128x128xf32>
    %roll3A_1771 = arith.constant 126 : i32
    %roll3A_1772 = tpu.dynamic_rotate %select_n3A_1765 by %roll3A_1771 dim 1 : vector<128x128xf32>, i32 -> vector<128x128xf32>
    %roll3A_1773 = arith.constant 2 : i32
    %roll3A_1774 = tpu.dynamic_rotate %select_n3A_1765 by %roll3A_1773 dim 1 : vector<128x128xf32>, i32 -> vector<128x128xf32>
    %select_n3A_1775 = arith.select %eq3A_144, %roll3A_1772, %roll3A_1774 : vector<128x128xi1>, vector<128x128xf32>
    %xor3A_1776 = arith.xori %sub3A_31, %sub3A_112 : vector<128x128xi32>
    %sub3A_1777 = arith.constant 1 : i32
    %sub3A_1778 = vector.broadcast %sub3A_1777 : i32 to vector<128x128xi32>
    %sub3A_1779 = arith.subi %sub3A_1778, %xor3A_1776 : vector<128x128xi32>
    %le3A_1780 = arith.cmpf ole, %select_n3A_1764, %select_n3A_1770 : vector<128x128xf32>
    %jit3A_1781 = arith.constant 1 : i32
    %jit3A_1782 = arith.constant 0 : i32
    %broadcast_in_dim3A_1783 = vector.broadcast %jit3A_1781 : i32 to vector<128x128xi32>
    %broadcast_in_dim3A_1784 = vector.broadcast %jit3A_1782 : i32 to vector<128x128xi32>
    %select_n3A_1785 = arith.select %le3A_1780, %broadcast_in_dim3A_1783, %broadcast_in_dim3A_1784 : vector<128x128xi1>, vector<128x128xi32>
    %lt3A_1786 = arith.cmpf olt, %select_n3A_1764, %select_n3A_1770 : vector<128x128xf32>
    %jit3A_1787 = arith.constant 1 : i32
    %jit3A_1788 = arith.constant 0 : i32
    %broadcast_in_dim3A_1789 = vector.broadcast %jit3A_1787 : i32 to vector<128x128xi32>
    %broadcast_in_dim3A_1790 = vector.broadcast %jit3A_1788 : i32 to vector<128x128xi32>
    %select_n3A_1791 = arith.select %lt3A_1786, %broadcast_in_dim3A_1789, %broadcast_in_dim3A_1790 : vector<128x128xi1>, vector<128x128xi32>
    %select_n3A_1792 = arith.select %eq3A_144, %select_n3A_1785, %select_n3A_1791 : vector<128x128xi1>, vector<128x128xi32>
    %eq3A_1793 = arith.cmpi eq, %select_n3A_1792, %sub3A_1779 : vector<128x128xi32>
    %select_n3A_1794 = arith.select %eq3A_1793, %select_n3A_1764, %select_n3A_1770 : vector<128x128xi1>, vector<128x128xf32>
    %select_n3A_1795 = arith.select %eq3A_1793, %select_n3A_1765, %select_n3A_1775 : vector<128x128xi1>, vector<128x128xf32>
    %roll3A_1796 = arith.constant 127 : i32
    %roll3A_1797 = tpu.dynamic_rotate %select_n3A_1794 by %roll3A_1796 dim 1 : vector<128x128xf32>, i32 -> vector<128x128xf32>
    %roll3A_1798 = arith.constant 1 : i32
    %roll3A_1799 = tpu.dynamic_rotate %select_n3A_1794 by %roll3A_1798 dim 1 : vector<128x128xf32>, i32 -> vector<128x128xf32>
    %select_n3A_1800 = arith.select %eq3A_141, %roll3A_1797, %roll3A_1799 : vector<128x128xi1>, vector<128x128xf32>
    %roll3A_1801 = arith.constant 127 : i32
    %roll3A_1802 = tpu.dynamic_rotate %select_n3A_1795 by %roll3A_1801 dim 1 : vector<128x128xf32>, i32 -> vector<128x128xf32>
    %roll3A_1803 = arith.constant 1 : i32
    %roll3A_1804 = tpu.dynamic_rotate %select_n3A_1795 by %roll3A_1803 dim 1 : vector<128x128xf32>, i32 -> vector<128x128xf32>
    %select_n3A_1805 = arith.select %eq3A_141, %roll3A_1802, %roll3A_1804 : vector<128x128xi1>, vector<128x128xf32>
    %xor3A_1806 = arith.xori %sub3A_22, %sub3A_112 : vector<128x128xi32>
    %sub3A_1807 = arith.constant 1 : i32
    %sub3A_1808 = vector.broadcast %sub3A_1807 : i32 to vector<128x128xi32>
    %sub3A_1809 = arith.subi %sub3A_1808, %xor3A_1806 : vector<128x128xi32>
    %le3A_1810 = arith.cmpf ole, %select_n3A_1794, %select_n3A_1800 : vector<128x128xf32>
    %jit3A_1811 = arith.constant 1 : i32
    %jit3A_1812 = arith.constant 0 : i32
    %broadcast_in_dim3A_1813 = vector.broadcast %jit3A_1811 : i32 to vector<128x128xi32>
    %broadcast_in_dim3A_1814 = vector.broadcast %jit3A_1812 : i32 to vector<128x128xi32>
    %select_n3A_1815 = arith.select %le3A_1810, %broadcast_in_dim3A_1813, %broadcast_in_dim3A_1814 : vector<128x128xi1>, vector<128x128xi32>
    %lt3A_1816 = arith.cmpf olt, %select_n3A_1794, %select_n3A_1800 : vector<128x128xf32>
    %jit3A_1817 = arith.constant 1 : i32
    %jit3A_1818 = arith.constant 0 : i32
    %broadcast_in_dim3A_1819 = vector.broadcast %jit3A_1817 : i32 to vector<128x128xi32>
    %broadcast_in_dim3A_1820 = vector.broadcast %jit3A_1818 : i32 to vector<128x128xi32>
    %select_n3A_1821 = arith.select %lt3A_1816, %broadcast_in_dim3A_1819, %broadcast_in_dim3A_1820 : vector<128x128xi1>, vector<128x128xi32>
    %select_n3A_1822 = arith.select %eq3A_141, %select_n3A_1815, %select_n3A_1821 : vector<128x128xi1>, vector<128x128xi32>
    %eq3A_1823 = arith.cmpi eq, %select_n3A_1822, %sub3A_1809 : vector<128x128xi32>
    %select_n3A_1824 = arith.select %eq3A_1823, %select_n3A_1794, %select_n3A_1800 : vector<128x128xi1>, vector<128x128xf32>
    %select_n3A_1825 = arith.select %eq3A_1823, %select_n3A_1795, %select_n3A_1805 : vector<128x128xi1>, vector<128x128xf32>
    %roll3A_1826 = arith.constant 120 : i32
    %roll3A_1827 = tpu.dynamic_rotate %select_n3A_1824 by %roll3A_1826 dim 0 : vector<128x128xf32>, i32 -> vector<128x128xf32>
    %roll3A_1828 = arith.constant 8 : i32
    %roll3A_1829 = tpu.dynamic_rotate %select_n3A_1824 by %roll3A_1828 dim 0 : vector<128x128xf32>, i32 -> vector<128x128xf32>
    %select_n3A_1830 = arith.select %eq3A_171, %roll3A_1827, %roll3A_1829 : vector<128x128xi1>, vector<128x128xf32>
    %roll3A_1831 = arith.constant 120 : i32
    %roll3A_1832 = tpu.dynamic_rotate %select_n3A_1825 by %roll3A_1831 dim 0 : vector<128x128xf32>, i32 -> vector<128x128xf32>
    %roll3A_1833 = arith.constant 8 : i32
    %roll3A_1834 = tpu.dynamic_rotate %select_n3A_1825 by %roll3A_1833 dim 0 : vector<128x128xf32>, i32 -> vector<128x128xf32>
    %select_n3A_1835 = arith.select %eq3A_171, %roll3A_1832, %roll3A_1834 : vector<128x128xi1>, vector<128x128xf32>
    %xor3A_1836 = arith.xori %sub3A_112, %sub3A_121 : vector<128x128xi32>
    %sub3A_1837 = arith.constant 1 : i32
    %sub3A_1838 = vector.broadcast %sub3A_1837 : i32 to vector<128x128xi32>
    %sub3A_1839 = arith.subi %sub3A_1838, %xor3A_1836 : vector<128x128xi32>
    %le3A_1840 = arith.cmpf ole, %select_n3A_1824, %select_n3A_1830 : vector<128x128xf32>
    %jit3A_1841 = arith.constant 1 : i32
    %jit3A_1842 = arith.constant 0 : i32
    %broadcast_in_dim3A_1843 = vector.broadcast %jit3A_1841 : i32 to vector<128x128xi32>
    %broadcast_in_dim3A_1844 = vector.broadcast %jit3A_1842 : i32 to vector<128x128xi32>
    %select_n3A_1845 = arith.select %le3A_1840, %broadcast_in_dim3A_1843, %broadcast_in_dim3A_1844 : vector<128x128xi1>, vector<128x128xi32>
    %lt3A_1846 = arith.cmpf olt, %select_n3A_1824, %select_n3A_1830 : vector<128x128xf32>
    %jit3A_1847 = arith.constant 1 : i32
    %jit3A_1848 = arith.constant 0 : i32
    %broadcast_in_dim3A_1849 = vector.broadcast %jit3A_1847 : i32 to vector<128x128xi32>
    %broadcast_in_dim3A_1850 = vector.broadcast %jit3A_1848 : i32 to vector<128x128xi32>
    %select_n3A_1851 = arith.select %lt3A_1846, %broadcast_in_dim3A_1849, %broadcast_in_dim3A_1850 : vector<128x128xi1>, vector<128x128xi32>
    %select_n3A_1852 = arith.select %eq3A_171, %select_n3A_1845, %select_n3A_1851 : vector<128x128xi1>, vector<128x128xi32>
    %eq3A_1853 = arith.cmpi eq, %select_n3A_1852, %sub3A_1839 : vector<128x128xi32>
    %select_n3A_1854 = arith.select %eq3A_1853, %select_n3A_1824, %select_n3A_1830 : vector<128x128xi1>, vector<128x128xf32>
    %select_n3A_1855 = arith.select %eq3A_1853, %select_n3A_1825, %select_n3A_1835 : vector<128x128xi1>, vector<128x128xf32>
    %roll3A_1856 = arith.constant 124 : i32
    %roll3A_1857 = tpu.dynamic_rotate %select_n3A_1854 by %roll3A_1856 dim 0 : vector<128x128xf32>, i32 -> vector<128x128xf32>
    %roll3A_1858 = arith.constant 4 : i32
    %roll3A_1859 = tpu.dynamic_rotate %select_n3A_1854 by %roll3A_1858 dim 0 : vector<128x128xf32>, i32 -> vector<128x128xf32>
    %select_n3A_1860 = arith.select %eq3A_168, %roll3A_1857, %roll3A_1859 : vector<128x128xi1>, vector<128x128xf32>
    %roll3A_1861 = arith.constant 124 : i32
    %roll3A_1862 = tpu.dynamic_rotate %select_n3A_1855 by %roll3A_1861 dim 0 : vector<128x128xf32>, i32 -> vector<128x128xf32>
    %roll3A_1863 = arith.constant 4 : i32
    %roll3A_1864 = tpu.dynamic_rotate %select_n3A_1855 by %roll3A_1863 dim 0 : vector<128x128xf32>, i32 -> vector<128x128xf32>
    %select_n3A_1865 = arith.select %eq3A_168, %roll3A_1862, %roll3A_1864 : vector<128x128xi1>, vector<128x128xf32>
    %xor3A_1866 = arith.xori %sub3A_103, %sub3A_121 : vector<128x128xi32>
    %sub3A_1867 = arith.constant 1 : i32
    %sub3A_1868 = vector.broadcast %sub3A_1867 : i32 to vector<128x128xi32>
    %sub3A_1869 = arith.subi %sub3A_1868, %xor3A_1866 : vector<128x128xi32>
    %le3A_1870 = arith.cmpf ole, %select_n3A_1854, %select_n3A_1860 : vector<128x128xf32>
    %jit3A_1871 = arith.constant 1 : i32
    %jit3A_1872 = arith.constant 0 : i32
    %broadcast_in_dim3A_1873 = vector.broadcast %jit3A_1871 : i32 to vector<128x128xi32>
    %broadcast_in_dim3A_1874 = vector.broadcast %jit3A_1872 : i32 to vector<128x128xi32>
    %select_n3A_1875 = arith.select %le3A_1870, %broadcast_in_dim3A_1873, %broadcast_in_dim3A_1874 : vector<128x128xi1>, vector<128x128xi32>
    %lt3A_1876 = arith.cmpf olt, %select_n3A_1854, %select_n3A_1860 : vector<128x128xf32>
    %jit3A_1877 = arith.constant 1 : i32
    %jit3A_1878 = arith.constant 0 : i32
    %broadcast_in_dim3A_1879 = vector.broadcast %jit3A_1877 : i32 to vector<128x128xi32>
    %broadcast_in_dim3A_1880 = vector.broadcast %jit3A_1878 : i32 to vector<128x128xi32>
    %select_n3A_1881 = arith.select %lt3A_1876, %broadcast_in_dim3A_1879, %broadcast_in_dim3A_1880 : vector<128x128xi1>, vector<128x128xi32>
    %select_n3A_1882 = arith.select %eq3A_168, %select_n3A_1875, %select_n3A_1881 : vector<128x128xi1>, vector<128x128xi32>
    %eq3A_1883 = arith.cmpi eq, %select_n3A_1882, %sub3A_1869 : vector<128x128xi32>
    %select_n3A_1884 = arith.select %eq3A_1883, %select_n3A_1854, %select_n3A_1860 : vector<128x128xi1>, vector<128x128xf32>
    %select_n3A_1885 = arith.select %eq3A_1883, %select_n3A_1855, %select_n3A_1865 : vector<128x128xi1>, vector<128x128xf32>
    %roll3A_1886 = arith.constant 126 : i32
    %roll3A_1887 = tpu.dynamic_rotate %select_n3A_1884 by %roll3A_1886 dim 0 : vector<128x128xf32>, i32 -> vector<128x128xf32>
    %roll3A_1888 = arith.constant 2 : i32
    %roll3A_1889 = tpu.dynamic_rotate %select_n3A_1884 by %roll3A_1888 dim 0 : vector<128x128xf32>, i32 -> vector<128x128xf32>
    %select_n3A_1890 = arith.select %eq3A_165, %roll3A_1887, %roll3A_1889 : vector<128x128xi1>, vector<128x128xf32>
    %roll3A_1891 = arith.constant 126 : i32
    %roll3A_1892 = tpu.dynamic_rotate %select_n3A_1885 by %roll3A_1891 dim 0 : vector<128x128xf32>, i32 -> vector<128x128xf32>
    %roll3A_1893 = arith.constant 2 : i32
    %roll3A_1894 = tpu.dynamic_rotate %select_n3A_1885 by %roll3A_1893 dim 0 : vector<128x128xf32>, i32 -> vector<128x128xf32>
    %select_n3A_1895 = arith.select %eq3A_165, %roll3A_1892, %roll3A_1894 : vector<128x128xi1>, vector<128x128xf32>
    %xor3A_1896 = arith.xori %sub3A_94, %sub3A_121 : vector<128x128xi32>
    %sub3A_1897 = arith.constant 1 : i32
    %sub3A_1898 = vector.broadcast %sub3A_1897 : i32 to vector<128x128xi32>
    %sub3A_1899 = arith.subi %sub3A_1898, %xor3A_1896 : vector<128x128xi32>
    %le3A_1900 = arith.cmpf ole, %select_n3A_1884, %select_n3A_1890 : vector<128x128xf32>
    %jit3A_1901 = arith.constant 1 : i32
    %jit3A_1902 = arith.constant 0 : i32
    %broadcast_in_dim3A_1903 = vector.broadcast %jit3A_1901 : i32 to vector<128x128xi32>
    %broadcast_in_dim3A_1904 = vector.broadcast %jit3A_1902 : i32 to vector<128x128xi32>
    %select_n3A_1905 = arith.select %le3A_1900, %broadcast_in_dim3A_1903, %broadcast_in_dim3A_1904 : vector<128x128xi1>, vector<128x128xi32>
    %lt3A_1906 = arith.cmpf olt, %select_n3A_1884, %select_n3A_1890 : vector<128x128xf32>
    %jit3A_1907 = arith.constant 1 : i32
    %jit3A_1908 = arith.constant 0 : i32
    %broadcast_in_dim3A_1909 = vector.broadcast %jit3A_1907 : i32 to vector<128x128xi32>
    %broadcast_in_dim3A_1910 = vector.broadcast %jit3A_1908 : i32 to vector<128x128xi32>
    %select_n3A_1911 = arith.select %lt3A_1906, %broadcast_in_dim3A_1909, %broadcast_in_dim3A_1910 : vector<128x128xi1>, vector<128x128xi32>
    %select_n3A_1912 = arith.select %eq3A_165, %select_n3A_1905, %select_n3A_1911 : vector<128x128xi1>, vector<128x128xi32>
    %eq3A_1913 = arith.cmpi eq, %select_n3A_1912, %sub3A_1899 : vector<128x128xi32>
    %select_n3A_1914 = arith.select %eq3A_1913, %select_n3A_1884, %select_n3A_1890 : vector<128x128xi1>, vector<128x128xf32>
    %select_n3A_1915 = arith.select %eq3A_1913, %select_n3A_1885, %select_n3A_1895 : vector<128x128xi1>, vector<128x128xf32>
    %roll3A_1916 = arith.constant 127 : i32
    %roll3A_1917 = tpu.dynamic_rotate %select_n3A_1914 by %roll3A_1916 dim 0 : vector<128x128xf32>, i32 -> vector<128x128xf32>
    %roll3A_1918 = arith.constant 1 : i32
    %roll3A_1919 = tpu.dynamic_rotate %select_n3A_1914 by %roll3A_1918 dim 0 : vector<128x128xf32>, i32 -> vector<128x128xf32>
    %select_n3A_1920 = arith.select %eq3A_162, %roll3A_1917, %roll3A_1919 : vector<128x128xi1>, vector<128x128xf32>
    %roll3A_1921 = arith.constant 127 : i32
    %roll3A_1922 = tpu.dynamic_rotate %select_n3A_1915 by %roll3A_1921 dim 0 : vector<128x128xf32>, i32 -> vector<128x128xf32>
    %roll3A_1923 = arith.constant 1 : i32
    %roll3A_1924 = tpu.dynamic_rotate %select_n3A_1915 by %roll3A_1923 dim 0 : vector<128x128xf32>, i32 -> vector<128x128xf32>
    %select_n3A_1925 = arith.select %eq3A_162, %roll3A_1922, %roll3A_1924 : vector<128x128xi1>, vector<128x128xf32>
    %xor3A_1926 = arith.xori %sub3A_85, %sub3A_121 : vector<128x128xi32>
    %sub3A_1927 = arith.constant 1 : i32
    %sub3A_1928 = vector.broadcast %sub3A_1927 : i32 to vector<128x128xi32>
    %sub3A_1929 = arith.subi %sub3A_1928, %xor3A_1926 : vector<128x128xi32>
    %le3A_1930 = arith.cmpf ole, %select_n3A_1914, %select_n3A_1920 : vector<128x128xf32>
    %jit3A_1931 = arith.constant 1 : i32
    %jit3A_1932 = arith.constant 0 : i32
    %broadcast_in_dim3A_1933 = vector.broadcast %jit3A_1931 : i32 to vector<128x128xi32>
    %broadcast_in_dim3A_1934 = vector.broadcast %jit3A_1932 : i32 to vector<128x128xi32>
    %select_n3A_1935 = arith.select %le3A_1930, %broadcast_in_dim3A_1933, %broadcast_in_dim3A_1934 : vector<128x128xi1>, vector<128x128xi32>
    %lt3A_1936 = arith.cmpf olt, %select_n3A_1914, %select_n3A_1920 : vector<128x128xf32>
    %jit3A_1937 = arith.constant 1 : i32
    %jit3A_1938 = arith.constant 0 : i32
    %broadcast_in_dim3A_1939 = vector.broadcast %jit3A_1937 : i32 to vector<128x128xi32>
    %broadcast_in_dim3A_1940 = vector.broadcast %jit3A_1938 : i32 to vector<128x128xi32>
    %select_n3A_1941 = arith.select %lt3A_1936, %broadcast_in_dim3A_1939, %broadcast_in_dim3A_1940 : vector<128x128xi1>, vector<128x128xi32>
    %select_n3A_1942 = arith.select %eq3A_162, %select_n3A_1935, %select_n3A_1941 : vector<128x128xi1>, vector<128x128xi32>
    %eq3A_1943 = arith.cmpi eq, %select_n3A_1942, %sub3A_1929 : vector<128x128xi32>
    %select_n3A_1944 = arith.select %eq3A_1943, %select_n3A_1914, %select_n3A_1920 : vector<128x128xi1>, vector<128x128xf32>
    %select_n3A_1945 = arith.select %eq3A_1943, %select_n3A_1915, %select_n3A_1925 : vector<128x128xi1>, vector<128x128xf32>
    %roll3A_1946 = arith.constant 64 : i32
    %roll3A_1947 = tpu.dynamic_rotate %select_n3A_1944 by %roll3A_1946 dim 1 : vector<128x128xf32>, i32 -> vector<128x128xf32>
    %roll3A_1948 = arith.constant 64 : i32
    %roll3A_1949 = tpu.dynamic_rotate %select_n3A_1944 by %roll3A_1948 dim 1 : vector<128x128xf32>, i32 -> vector<128x128xf32>
    %select_n3A_1950 = arith.select %eq3A_159, %roll3A_1947, %roll3A_1949 : vector<128x128xi1>, vector<128x128xf32>
    %roll3A_1951 = arith.constant 64 : i32
    %roll3A_1952 = tpu.dynamic_rotate %select_n3A_1945 by %roll3A_1951 dim 1 : vector<128x128xf32>, i32 -> vector<128x128xf32>
    %roll3A_1953 = arith.constant 64 : i32
    %roll3A_1954 = tpu.dynamic_rotate %select_n3A_1945 by %roll3A_1953 dim 1 : vector<128x128xf32>, i32 -> vector<128x128xf32>
    %select_n3A_1955 = arith.select %eq3A_159, %roll3A_1952, %roll3A_1954 : vector<128x128xi1>, vector<128x128xf32>
    %xor3A_1956 = arith.xori %sub3A_76, %sub3A_121 : vector<128x128xi32>
    %sub3A_1957 = arith.constant 1 : i32
    %sub3A_1958 = vector.broadcast %sub3A_1957 : i32 to vector<128x128xi32>
    %sub3A_1959 = arith.subi %sub3A_1958, %xor3A_1956 : vector<128x128xi32>
    %le3A_1960 = arith.cmpf ole, %select_n3A_1944, %select_n3A_1950 : vector<128x128xf32>
    %jit3A_1961 = arith.constant 1 : i32
    %jit3A_1962 = arith.constant 0 : i32
    %broadcast_in_dim3A_1963 = vector.broadcast %jit3A_1961 : i32 to vector<128x128xi32>
    %broadcast_in_dim3A_1964 = vector.broadcast %jit3A_1962 : i32 to vector<128x128xi32>
    %select_n3A_1965 = arith.select %le3A_1960, %broadcast_in_dim3A_1963, %broadcast_in_dim3A_1964 : vector<128x128xi1>, vector<128x128xi32>
    %lt3A_1966 = arith.cmpf olt, %select_n3A_1944, %select_n3A_1950 : vector<128x128xf32>
    %jit3A_1967 = arith.constant 1 : i32
    %jit3A_1968 = arith.constant 0 : i32
    %broadcast_in_dim3A_1969 = vector.broadcast %jit3A_1967 : i32 to vector<128x128xi32>
    %broadcast_in_dim3A_1970 = vector.broadcast %jit3A_1968 : i32 to vector<128x128xi32>
    %select_n3A_1971 = arith.select %lt3A_1966, %broadcast_in_dim3A_1969, %broadcast_in_dim3A_1970 : vector<128x128xi1>, vector<128x128xi32>
    %select_n3A_1972 = arith.select %eq3A_159, %select_n3A_1965, %select_n3A_1971 : vector<128x128xi1>, vector<128x128xi32>
    %eq3A_1973 = arith.cmpi eq, %select_n3A_1972, %sub3A_1959 : vector<128x128xi32>
    %select_n3A_1974 = arith.select %eq3A_1973, %select_n3A_1944, %select_n3A_1950 : vector<128x128xi1>, vector<128x128xf32>
    %select_n3A_1975 = arith.select %eq3A_1973, %select_n3A_1945, %select_n3A_1955 : vector<128x128xi1>, vector<128x128xf32>
    %roll3A_1976 = arith.constant 96 : i32
    %roll3A_1977 = tpu.dynamic_rotate %select_n3A_1974 by %roll3A_1976 dim 1 : vector<128x128xf32>, i32 -> vector<128x128xf32>
    %roll3A_1978 = arith.constant 32 : i32
    %roll3A_1979 = tpu.dynamic_rotate %select_n3A_1974 by %roll3A_1978 dim 1 : vector<128x128xf32>, i32 -> vector<128x128xf32>
    %select_n3A_1980 = arith.select %eq3A_156, %roll3A_1977, %roll3A_1979 : vector<128x128xi1>, vector<128x128xf32>
    %roll3A_1981 = arith.constant 96 : i32
    %roll3A_1982 = tpu.dynamic_rotate %select_n3A_1975 by %roll3A_1981 dim 1 : vector<128x128xf32>, i32 -> vector<128x128xf32>
    %roll3A_1983 = arith.constant 32 : i32
    %roll3A_1984 = tpu.dynamic_rotate %select_n3A_1975 by %roll3A_1983 dim 1 : vector<128x128xf32>, i32 -> vector<128x128xf32>
    %select_n3A_1985 = arith.select %eq3A_156, %roll3A_1982, %roll3A_1984 : vector<128x128xi1>, vector<128x128xf32>
    %xor3A_1986 = arith.xori %sub3A_67, %sub3A_121 : vector<128x128xi32>
    %sub3A_1987 = arith.constant 1 : i32
    %sub3A_1988 = vector.broadcast %sub3A_1987 : i32 to vector<128x128xi32>
    %sub3A_1989 = arith.subi %sub3A_1988, %xor3A_1986 : vector<128x128xi32>
    %le3A_1990 = arith.cmpf ole, %select_n3A_1974, %select_n3A_1980 : vector<128x128xf32>
    %jit3A_1991 = arith.constant 1 : i32
    %jit3A_1992 = arith.constant 0 : i32
    %broadcast_in_dim3A_1993 = vector.broadcast %jit3A_1991 : i32 to vector<128x128xi32>
    %broadcast_in_dim3A_1994 = vector.broadcast %jit3A_1992 : i32 to vector<128x128xi32>
    %select_n3A_1995 = arith.select %le3A_1990, %broadcast_in_dim3A_1993, %broadcast_in_dim3A_1994 : vector<128x128xi1>, vector<128x128xi32>
    %lt3A_1996 = arith.cmpf olt, %select_n3A_1974, %select_n3A_1980 : vector<128x128xf32>
    %jit3A_1997 = arith.constant 1 : i32
    %jit3A_1998 = arith.constant 0 : i32
    %broadcast_in_dim3A_1999 = vector.broadcast %jit3A_1997 : i32 to vector<128x128xi32>
    %broadcast_in_dim3A_2000 = vector.broadcast %jit3A_1998 : i32 to vector<128x128xi32>
    %select_n3A_2001 = arith.select %lt3A_1996, %broadcast_in_dim3A_1999, %broadcast_in_dim3A_2000 : vector<128x128xi1>, vector<128x128xi32>
    %select_n3A_2002 = arith.select %eq3A_156, %select_n3A_1995, %select_n3A_2001 : vector<128x128xi1>, vector<128x128xi32>
    %eq3A_2003 = arith.cmpi eq, %select_n3A_2002, %sub3A_1989 : vector<128x128xi32>
    %select_n3A_2004 = arith.select %eq3A_2003, %select_n3A_1974, %select_n3A_1980 : vector<128x128xi1>, vector<128x128xf32>
    %select_n3A_2005 = arith.select %eq3A_2003, %select_n3A_1975, %select_n3A_1985 : vector<128x128xi1>, vector<128x128xf32>
    %roll3A_2006 = arith.constant 112 : i32
    %roll3A_2007 = tpu.dynamic_rotate %select_n3A_2004 by %roll3A_2006 dim 1 : vector<128x128xf32>, i32 -> vector<128x128xf32>
    %roll3A_2008 = arith.constant 16 : i32
    %roll3A_2009 = tpu.dynamic_rotate %select_n3A_2004 by %roll3A_2008 dim 1 : vector<128x128xf32>, i32 -> vector<128x128xf32>
    %select_n3A_2010 = arith.select %eq3A_153, %roll3A_2007, %roll3A_2009 : vector<128x128xi1>, vector<128x128xf32>
    %roll3A_2011 = arith.constant 112 : i32
    %roll3A_2012 = tpu.dynamic_rotate %select_n3A_2005 by %roll3A_2011 dim 1 : vector<128x128xf32>, i32 -> vector<128x128xf32>
    %roll3A_2013 = arith.constant 16 : i32
    %roll3A_2014 = tpu.dynamic_rotate %select_n3A_2005 by %roll3A_2013 dim 1 : vector<128x128xf32>, i32 -> vector<128x128xf32>
    %select_n3A_2015 = arith.select %eq3A_153, %roll3A_2012, %roll3A_2014 : vector<128x128xi1>, vector<128x128xf32>
    %xor3A_2016 = arith.xori %sub3A_58, %sub3A_121 : vector<128x128xi32>
    %sub3A_2017 = arith.constant 1 : i32
    %sub3A_2018 = vector.broadcast %sub3A_2017 : i32 to vector<128x128xi32>
    %sub3A_2019 = arith.subi %sub3A_2018, %xor3A_2016 : vector<128x128xi32>
    %le3A_2020 = arith.cmpf ole, %select_n3A_2004, %select_n3A_2010 : vector<128x128xf32>
    %jit3A_2021 = arith.constant 1 : i32
    %jit3A_2022 = arith.constant 0 : i32
    %broadcast_in_dim3A_2023 = vector.broadcast %jit3A_2021 : i32 to vector<128x128xi32>
    %broadcast_in_dim3A_2024 = vector.broadcast %jit3A_2022 : i32 to vector<128x128xi32>
    %select_n3A_2025 = arith.select %le3A_2020, %broadcast_in_dim3A_2023, %broadcast_in_dim3A_2024 : vector<128x128xi1>, vector<128x128xi32>
    %lt3A_2026 = arith.cmpf olt, %select_n3A_2004, %select_n3A_2010 : vector<128x128xf32>
    %jit3A_2027 = arith.constant 1 : i32
    %jit3A_2028 = arith.constant 0 : i32
    %broadcast_in_dim3A_2029 = vector.broadcast %jit3A_2027 : i32 to vector<128x128xi32>
    %broadcast_in_dim3A_2030 = vector.broadcast %jit3A_2028 : i32 to vector<128x128xi32>
    %select_n3A_2031 = arith.select %lt3A_2026, %broadcast_in_dim3A_2029, %broadcast_in_dim3A_2030 : vector<128x128xi1>, vector<128x128xi32>
    %select_n3A_2032 = arith.select %eq3A_153, %select_n3A_2025, %select_n3A_2031 : vector<128x128xi1>, vector<128x128xi32>
    %eq3A_2033 = arith.cmpi eq, %select_n3A_2032, %sub3A_2019 : vector<128x128xi32>
    %select_n3A_2034 = arith.select %eq3A_2033, %select_n3A_2004, %select_n3A_2010 : vector<128x128xi1>, vector<128x128xf32>
    %select_n3A_2035 = arith.select %eq3A_2033, %select_n3A_2005, %select_n3A_2015 : vector<128x128xi1>, vector<128x128xf32>
    %roll3A_2036 = arith.constant 120 : i32
    %roll3A_2037 = tpu.dynamic_rotate %select_n3A_2034 by %roll3A_2036 dim 1 : vector<128x128xf32>, i32 -> vector<128x128xf32>
    %roll3A_2038 = arith.constant 8 : i32
    %roll3A_2039 = tpu.dynamic_rotate %select_n3A_2034 by %roll3A_2038 dim 1 : vector<128x128xf32>, i32 -> vector<128x128xf32>
    %select_n3A_2040 = arith.select %eq3A_150, %roll3A_2037, %roll3A_2039 : vector<128x128xi1>, vector<128x128xf32>
    %roll3A_2041 = arith.constant 120 : i32
    %roll3A_2042 = tpu.dynamic_rotate %select_n3A_2035 by %roll3A_2041 dim 1 : vector<128x128xf32>, i32 -> vector<128x128xf32>
    %roll3A_2043 = arith.constant 8 : i32
    %roll3A_2044 = tpu.dynamic_rotate %select_n3A_2035 by %roll3A_2043 dim 1 : vector<128x128xf32>, i32 -> vector<128x128xf32>
    %select_n3A_2045 = arith.select %eq3A_150, %roll3A_2042, %roll3A_2044 : vector<128x128xi1>, vector<128x128xf32>
    %xor3A_2046 = arith.xori %sub3A_49, %sub3A_121 : vector<128x128xi32>
    %sub3A_2047 = arith.constant 1 : i32
    %sub3A_2048 = vector.broadcast %sub3A_2047 : i32 to vector<128x128xi32>
    %sub3A_2049 = arith.subi %sub3A_2048, %xor3A_2046 : vector<128x128xi32>
    %le3A_2050 = arith.cmpf ole, %select_n3A_2034, %select_n3A_2040 : vector<128x128xf32>
    %jit3A_2051 = arith.constant 1 : i32
    %jit3A_2052 = arith.constant 0 : i32
    %broadcast_in_dim3A_2053 = vector.broadcast %jit3A_2051 : i32 to vector<128x128xi32>
    %broadcast_in_dim3A_2054 = vector.broadcast %jit3A_2052 : i32 to vector<128x128xi32>
    %select_n3A_2055 = arith.select %le3A_2050, %broadcast_in_dim3A_2053, %broadcast_in_dim3A_2054 : vector<128x128xi1>, vector<128x128xi32>
    %lt3A_2056 = arith.cmpf olt, %select_n3A_2034, %select_n3A_2040 : vector<128x128xf32>
    %jit3A_2057 = arith.constant 1 : i32
    %jit3A_2058 = arith.constant 0 : i32
    %broadcast_in_dim3A_2059 = vector.broadcast %jit3A_2057 : i32 to vector<128x128xi32>
    %broadcast_in_dim3A_2060 = vector.broadcast %jit3A_2058 : i32 to vector<128x128xi32>
    %select_n3A_2061 = arith.select %lt3A_2056, %broadcast_in_dim3A_2059, %broadcast_in_dim3A_2060 : vector<128x128xi1>, vector<128x128xi32>
    %select_n3A_2062 = arith.select %eq3A_150, %select_n3A_2055, %select_n3A_2061 : vector<128x128xi1>, vector<128x128xi32>
    %eq3A_2063 = arith.cmpi eq, %select_n3A_2062, %sub3A_2049 : vector<128x128xi32>
    %select_n3A_2064 = arith.select %eq3A_2063, %select_n3A_2034, %select_n3A_2040 : vector<128x128xi1>, vector<128x128xf32>
    %select_n3A_2065 = arith.select %eq3A_2063, %select_n3A_2035, %select_n3A_2045 : vector<128x128xi1>, vector<128x128xf32>
    %roll3A_2066 = arith.constant 124 : i32
    %roll3A_2067 = tpu.dynamic_rotate %select_n3A_2064 by %roll3A_2066 dim 1 : vector<128x128xf32>, i32 -> vector<128x128xf32>
    %roll3A_2068 = arith.constant 4 : i32
    %roll3A_2069 = tpu.dynamic_rotate %select_n3A_2064 by %roll3A_2068 dim 1 : vector<128x128xf32>, i32 -> vector<128x128xf32>
    %select_n3A_2070 = arith.select %eq3A_147, %roll3A_2067, %roll3A_2069 : vector<128x128xi1>, vector<128x128xf32>
    %roll3A_2071 = arith.constant 124 : i32
    %roll3A_2072 = tpu.dynamic_rotate %select_n3A_2065 by %roll3A_2071 dim 1 : vector<128x128xf32>, i32 -> vector<128x128xf32>
    %roll3A_2073 = arith.constant 4 : i32
    %roll3A_2074 = tpu.dynamic_rotate %select_n3A_2065 by %roll3A_2073 dim 1 : vector<128x128xf32>, i32 -> vector<128x128xf32>
    %select_n3A_2075 = arith.select %eq3A_147, %roll3A_2072, %roll3A_2074 : vector<128x128xi1>, vector<128x128xf32>
    %xor3A_2076 = arith.xori %sub3A_40, %sub3A_121 : vector<128x128xi32>
    %sub3A_2077 = arith.constant 1 : i32
    %sub3A_2078 = vector.broadcast %sub3A_2077 : i32 to vector<128x128xi32>
    %sub3A_2079 = arith.subi %sub3A_2078, %xor3A_2076 : vector<128x128xi32>
    %le3A_2080 = arith.cmpf ole, %select_n3A_2064, %select_n3A_2070 : vector<128x128xf32>
    %jit3A_2081 = arith.constant 1 : i32
    %jit3A_2082 = arith.constant 0 : i32
    %broadcast_in_dim3A_2083 = vector.broadcast %jit3A_2081 : i32 to vector<128x128xi32>
    %broadcast_in_dim3A_2084 = vector.broadcast %jit3A_2082 : i32 to vector<128x128xi32>
    %select_n3A_2085 = arith.select %le3A_2080, %broadcast_in_dim3A_2083, %broadcast_in_dim3A_2084 : vector<128x128xi1>, vector<128x128xi32>
    %lt3A_2086 = arith.cmpf olt, %select_n3A_2064, %select_n3A_2070 : vector<128x128xf32>
    %jit3A_2087 = arith.constant 1 : i32
    %jit3A_2088 = arith.constant 0 : i32
    %broadcast_in_dim3A_2089 = vector.broadcast %jit3A_2087 : i32 to vector<128x128xi32>
    %broadcast_in_dim3A_2090 = vector.broadcast %jit3A_2088 : i32 to vector<128x128xi32>
    %select_n3A_2091 = arith.select %lt3A_2086, %broadcast_in_dim3A_2089, %broadcast_in_dim3A_2090 : vector<128x128xi1>, vector<128x128xi32>
    %select_n3A_2092 = arith.select %eq3A_147, %select_n3A_2085, %select_n3A_2091 : vector<128x128xi1>, vector<128x128xi32>
    %eq3A_2093 = arith.cmpi eq, %select_n3A_2092, %sub3A_2079 : vector<128x128xi32>
    %select_n3A_2094 = arith.select %eq3A_2093, %select_n3A_2064, %select_n3A_2070 : vector<128x128xi1>, vector<128x128xf32>
    %select_n3A_2095 = arith.select %eq3A_2093, %select_n3A_2065, %select_n3A_2075 : vector<128x128xi1>, vector<128x128xf32>
    %roll3A_2096 = arith.constant 126 : i32
    %roll3A_2097 = tpu.dynamic_rotate %select_n3A_2094 by %roll3A_2096 dim 1 : vector<128x128xf32>, i32 -> vector<128x128xf32>
    %roll3A_2098 = arith.constant 2 : i32
    %roll3A_2099 = tpu.dynamic_rotate %select_n3A_2094 by %roll3A_2098 dim 1 : vector<128x128xf32>, i32 -> vector<128x128xf32>
    %select_n3A_2100 = arith.select %eq3A_144, %roll3A_2097, %roll3A_2099 : vector<128x128xi1>, vector<128x128xf32>
    %roll3A_2101 = arith.constant 126 : i32
    %roll3A_2102 = tpu.dynamic_rotate %select_n3A_2095 by %roll3A_2101 dim 1 : vector<128x128xf32>, i32 -> vector<128x128xf32>
    %roll3A_2103 = arith.constant 2 : i32
    %roll3A_2104 = tpu.dynamic_rotate %select_n3A_2095 by %roll3A_2103 dim 1 : vector<128x128xf32>, i32 -> vector<128x128xf32>
    %select_n3A_2105 = arith.select %eq3A_144, %roll3A_2102, %roll3A_2104 : vector<128x128xi1>, vector<128x128xf32>
    %xor3A_2106 = arith.xori %sub3A_31, %sub3A_121 : vector<128x128xi32>
    %sub3A_2107 = arith.constant 1 : i32
    %sub3A_2108 = vector.broadcast %sub3A_2107 : i32 to vector<128x128xi32>
    %sub3A_2109 = arith.subi %sub3A_2108, %xor3A_2106 : vector<128x128xi32>
    %le3A_2110 = arith.cmpf ole, %select_n3A_2094, %select_n3A_2100 : vector<128x128xf32>
    %jit3A_2111 = arith.constant 1 : i32
    %jit3A_2112 = arith.constant 0 : i32
    %broadcast_in_dim3A_2113 = vector.broadcast %jit3A_2111 : i32 to vector<128x128xi32>
    %broadcast_in_dim3A_2114 = vector.broadcast %jit3A_2112 : i32 to vector<128x128xi32>
    %select_n3A_2115 = arith.select %le3A_2110, %broadcast_in_dim3A_2113, %broadcast_in_dim3A_2114 : vector<128x128xi1>, vector<128x128xi32>
    %lt3A_2116 = arith.cmpf olt, %select_n3A_2094, %select_n3A_2100 : vector<128x128xf32>
    %jit3A_2117 = arith.constant 1 : i32
    %jit3A_2118 = arith.constant 0 : i32
    %broadcast_in_dim3A_2119 = vector.broadcast %jit3A_2117 : i32 to vector<128x128xi32>
    %broadcast_in_dim3A_2120 = vector.broadcast %jit3A_2118 : i32 to vector<128x128xi32>
    %select_n3A_2121 = arith.select %lt3A_2116, %broadcast_in_dim3A_2119, %broadcast_in_dim3A_2120 : vector<128x128xi1>, vector<128x128xi32>
    %select_n3A_2122 = arith.select %eq3A_144, %select_n3A_2115, %select_n3A_2121 : vector<128x128xi1>, vector<128x128xi32>
    %eq3A_2123 = arith.cmpi eq, %select_n3A_2122, %sub3A_2109 : vector<128x128xi32>
    %select_n3A_2124 = arith.select %eq3A_2123, %select_n3A_2094, %select_n3A_2100 : vector<128x128xi1>, vector<128x128xf32>
    %select_n3A_2125 = arith.select %eq3A_2123, %select_n3A_2095, %select_n3A_2105 : vector<128x128xi1>, vector<128x128xf32>
    %roll3A_2126 = arith.constant 127 : i32
    %roll3A_2127 = tpu.dynamic_rotate %select_n3A_2124 by %roll3A_2126 dim 1 : vector<128x128xf32>, i32 -> vector<128x128xf32>
    %roll3A_2128 = arith.constant 1 : i32
    %roll3A_2129 = tpu.dynamic_rotate %select_n3A_2124 by %roll3A_2128 dim 1 : vector<128x128xf32>, i32 -> vector<128x128xf32>
    %select_n3A_2130 = arith.select %eq3A_141, %roll3A_2127, %roll3A_2129 : vector<128x128xi1>, vector<128x128xf32>
    %roll3A_2131 = arith.constant 127 : i32
    %roll3A_2132 = tpu.dynamic_rotate %select_n3A_2125 by %roll3A_2131 dim 1 : vector<128x128xf32>, i32 -> vector<128x128xf32>
    %roll3A_2133 = arith.constant 1 : i32
    %roll3A_2134 = tpu.dynamic_rotate %select_n3A_2125 by %roll3A_2133 dim 1 : vector<128x128xf32>, i32 -> vector<128x128xf32>
    %select_n3A_2135 = arith.select %eq3A_141, %roll3A_2132, %roll3A_2134 : vector<128x128xi1>, vector<128x128xf32>
    %xor3A_2136 = arith.xori %sub3A_22, %sub3A_121 : vector<128x128xi32>
    %sub3A_2137 = arith.constant 1 : i32
    %sub3A_2138 = vector.broadcast %sub3A_2137 : i32 to vector<128x128xi32>
    %sub3A_2139 = arith.subi %sub3A_2138, %xor3A_2136 : vector<128x128xi32>
    %le3A_2140 = arith.cmpf ole, %select_n3A_2124, %select_n3A_2130 : vector<128x128xf32>
    %jit3A_2141 = arith.constant 1 : i32
    %jit3A_2142 = arith.constant 0 : i32
    %broadcast_in_dim3A_2143 = vector.broadcast %jit3A_2141 : i32 to vector<128x128xi32>
    %broadcast_in_dim3A_2144 = vector.broadcast %jit3A_2142 : i32 to vector<128x128xi32>
    %select_n3A_2145 = arith.select %le3A_2140, %broadcast_in_dim3A_2143, %broadcast_in_dim3A_2144 : vector<128x128xi1>, vector<128x128xi32>
    %lt3A_2146 = arith.cmpf olt, %select_n3A_2124, %select_n3A_2130 : vector<128x128xf32>
    %jit3A_2147 = arith.constant 1 : i32
    %jit3A_2148 = arith.constant 0 : i32
    %broadcast_in_dim3A_2149 = vector.broadcast %jit3A_2147 : i32 to vector<128x128xi32>
    %broadcast_in_dim3A_2150 = vector.broadcast %jit3A_2148 : i32 to vector<128x128xi32>
    %select_n3A_2151 = arith.select %lt3A_2146, %broadcast_in_dim3A_2149, %broadcast_in_dim3A_2150 : vector<128x128xi1>, vector<128x128xi32>
    %select_n3A_2152 = arith.select %eq3A_141, %select_n3A_2145, %select_n3A_2151 : vector<128x128xi1>, vector<128x128xi32>
    %eq3A_2153 = arith.cmpi eq, %select_n3A_2152, %sub3A_2139 : vector<128x128xi32>
    %select_n3A_2154 = arith.select %eq3A_2153, %select_n3A_2124, %select_n3A_2130 : vector<128x128xi1>, vector<128x128xf32>
    %select_n3A_2155 = arith.select %eq3A_2153, %select_n3A_2125, %select_n3A_2135 : vector<128x128xi1>, vector<128x128xf32>
    %roll3A_2156 = arith.constant 112 : i32
    %roll3A_2157 = tpu.dynamic_rotate %select_n3A_2154 by %roll3A_2156 dim 0 : vector<128x128xf32>, i32 -> vector<128x128xf32>
    %roll3A_2158 = arith.constant 16 : i32
    %roll3A_2159 = tpu.dynamic_rotate %select_n3A_2154 by %roll3A_2158 dim 0 : vector<128x128xf32>, i32 -> vector<128x128xf32>
    %select_n3A_2160 = arith.select %eq3A_174, %roll3A_2157, %roll3A_2159 : vector<128x128xi1>, vector<128x128xf32>
    %roll3A_2161 = arith.constant 112 : i32
    %roll3A_2162 = tpu.dynamic_rotate %select_n3A_2155 by %roll3A_2161 dim 0 : vector<128x128xf32>, i32 -> vector<128x128xf32>
    %roll3A_2163 = arith.constant 16 : i32
    %roll3A_2164 = tpu.dynamic_rotate %select_n3A_2155 by %roll3A_2163 dim 0 : vector<128x128xf32>, i32 -> vector<128x128xf32>
    %select_n3A_2165 = arith.select %eq3A_174, %roll3A_2162, %roll3A_2164 : vector<128x128xi1>, vector<128x128xf32>
    %xor3A_2166 = arith.xori %sub3A_121, %sub3A_130 : vector<128x128xi32>
    %sub3A_2167 = arith.constant 1 : i32
    %sub3A_2168 = vector.broadcast %sub3A_2167 : i32 to vector<128x128xi32>
    %sub3A_2169 = arith.subi %sub3A_2168, %xor3A_2166 : vector<128x128xi32>
    %le3A_2170 = arith.cmpf ole, %select_n3A_2154, %select_n3A_2160 : vector<128x128xf32>
    %jit3A_2171 = arith.constant 1 : i32
    %jit3A_2172 = arith.constant 0 : i32
    %broadcast_in_dim3A_2173 = vector.broadcast %jit3A_2171 : i32 to vector<128x128xi32>
    %broadcast_in_dim3A_2174 = vector.broadcast %jit3A_2172 : i32 to vector<128x128xi32>
    %select_n3A_2175 = arith.select %le3A_2170, %broadcast_in_dim3A_2173, %broadcast_in_dim3A_2174 : vector<128x128xi1>, vector<128x128xi32>
    %lt3A_2176 = arith.cmpf olt, %select_n3A_2154, %select_n3A_2160 : vector<128x128xf32>
    %jit3A_2177 = arith.constant 1 : i32
    %jit3A_2178 = arith.constant 0 : i32
    %broadcast_in_dim3A_2179 = vector.broadcast %jit3A_2177 : i32 to vector<128x128xi32>
    %broadcast_in_dim3A_2180 = vector.broadcast %jit3A_2178 : i32 to vector<128x128xi32>
    %select_n3A_2181 = arith.select %lt3A_2176, %broadcast_in_dim3A_2179, %broadcast_in_dim3A_2180 : vector<128x128xi1>, vector<128x128xi32>
    %select_n3A_2182 = arith.select %eq3A_174, %select_n3A_2175, %select_n3A_2181 : vector<128x128xi1>, vector<128x128xi32>
    %eq3A_2183 = arith.cmpi eq, %select_n3A_2182, %sub3A_2169 : vector<128x128xi32>
    %select_n3A_2184 = arith.select %eq3A_2183, %select_n3A_2154, %select_n3A_2160 : vector<128x128xi1>, vector<128x128xf32>
    %select_n3A_2185 = arith.select %eq3A_2183, %select_n3A_2155, %select_n3A_2165 : vector<128x128xi1>, vector<128x128xf32>
    %roll3A_2186 = arith.constant 120 : i32
    %roll3A_2187 = tpu.dynamic_rotate %select_n3A_2184 by %roll3A_2186 dim 0 : vector<128x128xf32>, i32 -> vector<128x128xf32>
    %roll3A_2188 = arith.constant 8 : i32
    %roll3A_2189 = tpu.dynamic_rotate %select_n3A_2184 by %roll3A_2188 dim 0 : vector<128x128xf32>, i32 -> vector<128x128xf32>
    %select_n3A_2190 = arith.select %eq3A_171, %roll3A_2187, %roll3A_2189 : vector<128x128xi1>, vector<128x128xf32>
    %roll3A_2191 = arith.constant 120 : i32
    %roll3A_2192 = tpu.dynamic_rotate %select_n3A_2185 by %roll3A_2191 dim 0 : vector<128x128xf32>, i32 -> vector<128x128xf32>
    %roll3A_2193 = arith.constant 8 : i32
    %roll3A_2194 = tpu.dynamic_rotate %select_n3A_2185 by %roll3A_2193 dim 0 : vector<128x128xf32>, i32 -> vector<128x128xf32>
    %select_n3A_2195 = arith.select %eq3A_171, %roll3A_2192, %roll3A_2194 : vector<128x128xi1>, vector<128x128xf32>
    %xor3A_2196 = arith.xori %sub3A_112, %sub3A_130 : vector<128x128xi32>
    %sub3A_2197 = arith.constant 1 : i32
    %sub3A_2198 = vector.broadcast %sub3A_2197 : i32 to vector<128x128xi32>
    %sub3A_2199 = arith.subi %sub3A_2198, %xor3A_2196 : vector<128x128xi32>
    %le3A_2200 = arith.cmpf ole, %select_n3A_2184, %select_n3A_2190 : vector<128x128xf32>
    %jit3A_2201 = arith.constant 1 : i32
    %jit3A_2202 = arith.constant 0 : i32
    %broadcast_in_dim3A_2203 = vector.broadcast %jit3A_2201 : i32 to vector<128x128xi32>
    %broadcast_in_dim3A_2204 = vector.broadcast %jit3A_2202 : i32 to vector<128x128xi32>
    %select_n3A_2205 = arith.select %le3A_2200, %broadcast_in_dim3A_2203, %broadcast_in_dim3A_2204 : vector<128x128xi1>, vector<128x128xi32>
    %lt3A_2206 = arith.cmpf olt, %select_n3A_2184, %select_n3A_2190 : vector<128x128xf32>
    %jit3A_2207 = arith.constant 1 : i32
    %jit3A_2208 = arith.constant 0 : i32
    %broadcast_in_dim3A_2209 = vector.broadcast %jit3A_2207 : i32 to vector<128x128xi32>
    %broadcast_in_dim3A_2210 = vector.broadcast %jit3A_2208 : i32 to vector<128x128xi32>
    %select_n3A_2211 = arith.select %lt3A_2206, %broadcast_in_dim3A_2209, %broadcast_in_dim3A_2210 : vector<128x128xi1>, vector<128x128xi32>
    %select_n3A_2212 = arith.select %eq3A_171, %select_n3A_2205, %select_n3A_2211 : vector<128x128xi1>, vector<128x128xi32>
    %eq3A_2213 = arith.cmpi eq, %select_n3A_2212, %sub3A_2199 : vector<128x128xi32>
    %select_n3A_2214 = arith.select %eq3A_2213, %select_n3A_2184, %select_n3A_2190 : vector<128x128xi1>, vector<128x128xf32>
    %select_n3A_2215 = arith.select %eq3A_2213, %select_n3A_2185, %select_n3A_2195 : vector<128x128xi1>, vector<128x128xf32>
    %roll3A_2216 = arith.constant 124 : i32
    %roll3A_2217 = tpu.dynamic_rotate %select_n3A_2214 by %roll3A_2216 dim 0 : vector<128x128xf32>, i32 -> vector<128x128xf32>
    %roll3A_2218 = arith.constant 4 : i32
    %roll3A_2219 = tpu.dynamic_rotate %select_n3A_2214 by %roll3A_2218 dim 0 : vector<128x128xf32>, i32 -> vector<128x128xf32>
    %select_n3A_2220 = arith.select %eq3A_168, %roll3A_2217, %roll3A_2219 : vector<128x128xi1>, vector<128x128xf32>
    %roll3A_2221 = arith.constant 124 : i32
    %roll3A_2222 = tpu.dynamic_rotate %select_n3A_2215 by %roll3A_2221 dim 0 : vector<128x128xf32>, i32 -> vector<128x128xf32>
    %roll3A_2223 = arith.constant 4 : i32
    %roll3A_2224 = tpu.dynamic_rotate %select_n3A_2215 by %roll3A_2223 dim 0 : vector<128x128xf32>, i32 -> vector<128x128xf32>
    %select_n3A_2225 = arith.select %eq3A_168, %roll3A_2222, %roll3A_2224 : vector<128x128xi1>, vector<128x128xf32>
    %xor3A_2226 = arith.xori %sub3A_103, %sub3A_130 : vector<128x128xi32>
    %sub3A_2227 = arith.constant 1 : i32
    %sub3A_2228 = vector.broadcast %sub3A_2227 : i32 to vector<128x128xi32>
    %sub3A_2229 = arith.subi %sub3A_2228, %xor3A_2226 : vector<128x128xi32>
    %le3A_2230 = arith.cmpf ole, %select_n3A_2214, %select_n3A_2220 : vector<128x128xf32>
    %jit3A_2231 = arith.constant 1 : i32
    %jit3A_2232 = arith.constant 0 : i32
    %broadcast_in_dim3A_2233 = vector.broadcast %jit3A_2231 : i32 to vector<128x128xi32>
    %broadcast_in_dim3A_2234 = vector.broadcast %jit3A_2232 : i32 to vector<128x128xi32>
    %select_n3A_2235 = arith.select %le3A_2230, %broadcast_in_dim3A_2233, %broadcast_in_dim3A_2234 : vector<128x128xi1>, vector<128x128xi32>
    %lt3A_2236 = arith.cmpf olt, %select_n3A_2214, %select_n3A_2220 : vector<128x128xf32>
    %jit3A_2237 = arith.constant 1 : i32
    %jit3A_2238 = arith.constant 0 : i32
    %broadcast_in_dim3A_2239 = vector.broadcast %jit3A_2237 : i32 to vector<128x128xi32>
    %broadcast_in_dim3A_2240 = vector.broadcast %jit3A_2238 : i32 to vector<128x128xi32>
    %select_n3A_2241 = arith.select %lt3A_2236, %broadcast_in_dim3A_2239, %broadcast_in_dim3A_2240 : vector<128x128xi1>, vector<128x128xi32>
    %select_n3A_2242 = arith.select %eq3A_168, %select_n3A_2235, %select_n3A_2241 : vector<128x128xi1>, vector<128x128xi32>
    %eq3A_2243 = arith.cmpi eq, %select_n3A_2242, %sub3A_2229 : vector<128x128xi32>
    %select_n3A_2244 = arith.select %eq3A_2243, %select_n3A_2214, %select_n3A_2220 : vector<128x128xi1>, vector<128x128xf32>
    %select_n3A_2245 = arith.select %eq3A_2243, %select_n3A_2215, %select_n3A_2225 : vector<128x128xi1>, vector<128x128xf32>
    %roll3A_2246 = arith.constant 126 : i32
    %roll3A_2247 = tpu.dynamic_rotate %select_n3A_2244 by %roll3A_2246 dim 0 : vector<128x128xf32>, i32 -> vector<128x128xf32>
    %roll3A_2248 = arith.constant 2 : i32
    %roll3A_2249 = tpu.dynamic_rotate %select_n3A_2244 by %roll3A_2248 dim 0 : vector<128x128xf32>, i32 -> vector<128x128xf32>
    %select_n3A_2250 = arith.select %eq3A_165, %roll3A_2247, %roll3A_2249 : vector<128x128xi1>, vector<128x128xf32>
    %roll3A_2251 = arith.constant 126 : i32
    %roll3A_2252 = tpu.dynamic_rotate %select_n3A_2245 by %roll3A_2251 dim 0 : vector<128x128xf32>, i32 -> vector<128x128xf32>
    %roll3A_2253 = arith.constant 2 : i32
    %roll3A_2254 = tpu.dynamic_rotate %select_n3A_2245 by %roll3A_2253 dim 0 : vector<128x128xf32>, i32 -> vector<128x128xf32>
    %select_n3A_2255 = arith.select %eq3A_165, %roll3A_2252, %roll3A_2254 : vector<128x128xi1>, vector<128x128xf32>
    %xor3A_2256 = arith.xori %sub3A_94, %sub3A_130 : vector<128x128xi32>
    %sub3A_2257 = arith.constant 1 : i32
    %sub3A_2258 = vector.broadcast %sub3A_2257 : i32 to vector<128x128xi32>
    %sub3A_2259 = arith.subi %sub3A_2258, %xor3A_2256 : vector<128x128xi32>
    %le3A_2260 = arith.cmpf ole, %select_n3A_2244, %select_n3A_2250 : vector<128x128xf32>
    %jit3A_2261 = arith.constant 1 : i32
    %jit3A_2262 = arith.constant 0 : i32
    %broadcast_in_dim3A_2263 = vector.broadcast %jit3A_2261 : i32 to vector<128x128xi32>
    %broadcast_in_dim3A_2264 = vector.broadcast %jit3A_2262 : i32 to vector<128x128xi32>
    %select_n3A_2265 = arith.select %le3A_2260, %broadcast_in_dim3A_2263, %broadcast_in_dim3A_2264 : vector<128x128xi1>, vector<128x128xi32>
    %lt3A_2266 = arith.cmpf olt, %select_n3A_2244, %select_n3A_2250 : vector<128x128xf32>
    %jit3A_2267 = arith.constant 1 : i32
    %jit3A_2268 = arith.constant 0 : i32
    %broadcast_in_dim3A_2269 = vector.broadcast %jit3A_2267 : i32 to vector<128x128xi32>
    %broadcast_in_dim3A_2270 = vector.broadcast %jit3A_2268 : i32 to vector<128x128xi32>
    %select_n3A_2271 = arith.select %lt3A_2266, %broadcast_in_dim3A_2269, %broadcast_in_dim3A_2270 : vector<128x128xi1>, vector<128x128xi32>
    %select_n3A_2272 = arith.select %eq3A_165, %select_n3A_2265, %select_n3A_2271 : vector<128x128xi1>, vector<128x128xi32>
    %eq3A_2273 = arith.cmpi eq, %select_n3A_2272, %sub3A_2259 : vector<128x128xi32>
    %select_n3A_2274 = arith.select %eq3A_2273, %select_n3A_2244, %select_n3A_2250 : vector<128x128xi1>, vector<128x128xf32>
    %select_n3A_2275 = arith.select %eq3A_2273, %select_n3A_2245, %select_n3A_2255 : vector<128x128xi1>, vector<128x128xf32>
    %roll3A_2276 = arith.constant 127 : i32
    %roll3A_2277 = tpu.dynamic_rotate %select_n3A_2274 by %roll3A_2276 dim 0 : vector<128x128xf32>, i32 -> vector<128x128xf32>
    %roll3A_2278 = arith.constant 1 : i32
    %roll3A_2279 = tpu.dynamic_rotate %select_n3A_2274 by %roll3A_2278 dim 0 : vector<128x128xf32>, i32 -> vector<128x128xf32>
    %select_n3A_2280 = arith.select %eq3A_162, %roll3A_2277, %roll3A_2279 : vector<128x128xi1>, vector<128x128xf32>
    %roll3A_2281 = arith.constant 127 : i32
    %roll3A_2282 = tpu.dynamic_rotate %select_n3A_2275 by %roll3A_2281 dim 0 : vector<128x128xf32>, i32 -> vector<128x128xf32>
    %roll3A_2283 = arith.constant 1 : i32
    %roll3A_2284 = tpu.dynamic_rotate %select_n3A_2275 by %roll3A_2283 dim 0 : vector<128x128xf32>, i32 -> vector<128x128xf32>
    %select_n3A_2285 = arith.select %eq3A_162, %roll3A_2282, %roll3A_2284 : vector<128x128xi1>, vector<128x128xf32>
    %xor3A_2286 = arith.xori %sub3A_85, %sub3A_130 : vector<128x128xi32>
    %sub3A_2287 = arith.constant 1 : i32
    %sub3A_2288 = vector.broadcast %sub3A_2287 : i32 to vector<128x128xi32>
    %sub3A_2289 = arith.subi %sub3A_2288, %xor3A_2286 : vector<128x128xi32>
    %le3A_2290 = arith.cmpf ole, %select_n3A_2274, %select_n3A_2280 : vector<128x128xf32>
    %jit3A_2291 = arith.constant 1 : i32
    %jit3A_2292 = arith.constant 0 : i32
    %broadcast_in_dim3A_2293 = vector.broadcast %jit3A_2291 : i32 to vector<128x128xi32>
    %broadcast_in_dim3A_2294 = vector.broadcast %jit3A_2292 : i32 to vector<128x128xi32>
    %select_n3A_2295 = arith.select %le3A_2290, %broadcast_in_dim3A_2293, %broadcast_in_dim3A_2294 : vector<128x128xi1>, vector<128x128xi32>
    %lt3A_2296 = arith.cmpf olt, %select_n3A_2274, %select_n3A_2280 : vector<128x128xf32>
    %jit3A_2297 = arith.constant 1 : i32
    %jit3A_2298 = arith.constant 0 : i32
    %broadcast_in_dim3A_2299 = vector.broadcast %jit3A_2297 : i32 to vector<128x128xi32>
    %broadcast_in_dim3A_2300 = vector.broadcast %jit3A_2298 : i32 to vector<128x128xi32>
    %select_n3A_2301 = arith.select %lt3A_2296, %broadcast_in_dim3A_2299, %broadcast_in_dim3A_2300 : vector<128x128xi1>, vector<128x128xi32>
    %select_n3A_2302 = arith.select %eq3A_162, %select_n3A_2295, %select_n3A_2301 : vector<128x128xi1>, vector<128x128xi32>
    %eq3A_2303 = arith.cmpi eq, %select_n3A_2302, %sub3A_2289 : vector<128x128xi32>
    %select_n3A_2304 = arith.select %eq3A_2303, %select_n3A_2274, %select_n3A_2280 : vector<128x128xi1>, vector<128x128xf32>
    %select_n3A_2305 = arith.select %eq3A_2303, %select_n3A_2275, %select_n3A_2285 : vector<128x128xi1>, vector<128x128xf32>
    %roll3A_2306 = arith.constant 64 : i32
    %roll3A_2307 = tpu.dynamic_rotate %select_n3A_2304 by %roll3A_2306 dim 1 : vector<128x128xf32>, i32 -> vector<128x128xf32>
    %roll3A_2308 = arith.constant 64 : i32
    %roll3A_2309 = tpu.dynamic_rotate %select_n3A_2304 by %roll3A_2308 dim 1 : vector<128x128xf32>, i32 -> vector<128x128xf32>
    %select_n3A_2310 = arith.select %eq3A_159, %roll3A_2307, %roll3A_2309 : vector<128x128xi1>, vector<128x128xf32>
    %roll3A_2311 = arith.constant 64 : i32
    %roll3A_2312 = tpu.dynamic_rotate %select_n3A_2305 by %roll3A_2311 dim 1 : vector<128x128xf32>, i32 -> vector<128x128xf32>
    %roll3A_2313 = arith.constant 64 : i32
    %roll3A_2314 = tpu.dynamic_rotate %select_n3A_2305 by %roll3A_2313 dim 1 : vector<128x128xf32>, i32 -> vector<128x128xf32>
    %select_n3A_2315 = arith.select %eq3A_159, %roll3A_2312, %roll3A_2314 : vector<128x128xi1>, vector<128x128xf32>
    %xor3A_2316 = arith.xori %sub3A_76, %sub3A_130 : vector<128x128xi32>
    %sub3A_2317 = arith.constant 1 : i32
    %sub3A_2318 = vector.broadcast %sub3A_2317 : i32 to vector<128x128xi32>
    %sub3A_2319 = arith.subi %sub3A_2318, %xor3A_2316 : vector<128x128xi32>
    %le3A_2320 = arith.cmpf ole, %select_n3A_2304, %select_n3A_2310 : vector<128x128xf32>
    %jit3A_2321 = arith.constant 1 : i32
    %jit3A_2322 = arith.constant 0 : i32
    %broadcast_in_dim3A_2323 = vector.broadcast %jit3A_2321 : i32 to vector<128x128xi32>
    %broadcast_in_dim3A_2324 = vector.broadcast %jit3A_2322 : i32 to vector<128x128xi32>
    %select_n3A_2325 = arith.select %le3A_2320, %broadcast_in_dim3A_2323, %broadcast_in_dim3A_2324 : vector<128x128xi1>, vector<128x128xi32>
    %lt3A_2326 = arith.cmpf olt, %select_n3A_2304, %select_n3A_2310 : vector<128x128xf32>
    %jit3A_2327 = arith.constant 1 : i32
    %jit3A_2328 = arith.constant 0 : i32
    %broadcast_in_dim3A_2329 = vector.broadcast %jit3A_2327 : i32 to vector<128x128xi32>
    %broadcast_in_dim3A_2330 = vector.broadcast %jit3A_2328 : i32 to vector<128x128xi32>
    %select_n3A_2331 = arith.select %lt3A_2326, %broadcast_in_dim3A_2329, %broadcast_in_dim3A_2330 : vector<128x128xi1>, vector<128x128xi32>
    %select_n3A_2332 = arith.select %eq3A_159, %select_n3A_2325, %select_n3A_2331 : vector<128x128xi1>, vector<128x128xi32>
    %eq3A_2333 = arith.cmpi eq, %select_n3A_2332, %sub3A_2319 : vector<128x128xi32>
    %select_n3A_2334 = arith.select %eq3A_2333, %select_n3A_2304, %select_n3A_2310 : vector<128x128xi1>, vector<128x128xf32>
    %select_n3A_2335 = arith.select %eq3A_2333, %select_n3A_2305, %select_n3A_2315 : vector<128x128xi1>, vector<128x128xf32>
    %roll3A_2336 = arith.constant 96 : i32
    %roll3A_2337 = tpu.dynamic_rotate %select_n3A_2334 by %roll3A_2336 dim 1 : vector<128x128xf32>, i32 -> vector<128x128xf32>
    %roll3A_2338 = arith.constant 32 : i32
    %roll3A_2339 = tpu.dynamic_rotate %select_n3A_2334 by %roll3A_2338 dim 1 : vector<128x128xf32>, i32 -> vector<128x128xf32>
    %select_n3A_2340 = arith.select %eq3A_156, %roll3A_2337, %roll3A_2339 : vector<128x128xi1>, vector<128x128xf32>
    %roll3A_2341 = arith.constant 96 : i32
    %roll3A_2342 = tpu.dynamic_rotate %select_n3A_2335 by %roll3A_2341 dim 1 : vector<128x128xf32>, i32 -> vector<128x128xf32>
    %roll3A_2343 = arith.constant 32 : i32
    %roll3A_2344 = tpu.dynamic_rotate %select_n3A_2335 by %roll3A_2343 dim 1 : vector<128x128xf32>, i32 -> vector<128x128xf32>
    %select_n3A_2345 = arith.select %eq3A_156, %roll3A_2342, %roll3A_2344 : vector<128x128xi1>, vector<128x128xf32>
    %xor3A_2346 = arith.xori %sub3A_67, %sub3A_130 : vector<128x128xi32>
    %sub3A_2347 = arith.constant 1 : i32
    %sub3A_2348 = vector.broadcast %sub3A_2347 : i32 to vector<128x128xi32>
    %sub3A_2349 = arith.subi %sub3A_2348, %xor3A_2346 : vector<128x128xi32>
    %le3A_2350 = arith.cmpf ole, %select_n3A_2334, %select_n3A_2340 : vector<128x128xf32>
    %jit3A_2351 = arith.constant 1 : i32
    %jit3A_2352 = arith.constant 0 : i32
    %broadcast_in_dim3A_2353 = vector.broadcast %jit3A_2351 : i32 to vector<128x128xi32>
    %broadcast_in_dim3A_2354 = vector.broadcast %jit3A_2352 : i32 to vector<128x128xi32>
    %select_n3A_2355 = arith.select %le3A_2350, %broadcast_in_dim3A_2353, %broadcast_in_dim3A_2354 : vector<128x128xi1>, vector<128x128xi32>
    %lt3A_2356 = arith.cmpf olt, %select_n3A_2334, %select_n3A_2340 : vector<128x128xf32>
    %jit3A_2357 = arith.constant 1 : i32
    %jit3A_2358 = arith.constant 0 : i32
    %broadcast_in_dim3A_2359 = vector.broadcast %jit3A_2357 : i32 to vector<128x128xi32>
    %broadcast_in_dim3A_2360 = vector.broadcast %jit3A_2358 : i32 to vector<128x128xi32>
    %select_n3A_2361 = arith.select %lt3A_2356, %broadcast_in_dim3A_2359, %broadcast_in_dim3A_2360 : vector<128x128xi1>, vector<128x128xi32>
    %select_n3A_2362 = arith.select %eq3A_156, %select_n3A_2355, %select_n3A_2361 : vector<128x128xi1>, vector<128x128xi32>
    %eq3A_2363 = arith.cmpi eq, %select_n3A_2362, %sub3A_2349 : vector<128x128xi32>
    %select_n3A_2364 = arith.select %eq3A_2363, %select_n3A_2334, %select_n3A_2340 : vector<128x128xi1>, vector<128x128xf32>
    %select_n3A_2365 = arith.select %eq3A_2363, %select_n3A_2335, %select_n3A_2345 : vector<128x128xi1>, vector<128x128xf32>
    %roll3A_2366 = arith.constant 112 : i32
    %roll3A_2367 = tpu.dynamic_rotate %select_n3A_2364 by %roll3A_2366 dim 1 : vector<128x128xf32>, i32 -> vector<128x128xf32>
    %roll3A_2368 = arith.constant 16 : i32
    %roll3A_2369 = tpu.dynamic_rotate %select_n3A_2364 by %roll3A_2368 dim 1 : vector<128x128xf32>, i32 -> vector<128x128xf32>
    %select_n3A_2370 = arith.select %eq3A_153, %roll3A_2367, %roll3A_2369 : vector<128x128xi1>, vector<128x128xf32>
    %roll3A_2371 = arith.constant 112 : i32
    %roll3A_2372 = tpu.dynamic_rotate %select_n3A_2365 by %roll3A_2371 dim 1 : vector<128x128xf32>, i32 -> vector<128x128xf32>
    %roll3A_2373 = arith.constant 16 : i32
    %roll3A_2374 = tpu.dynamic_rotate %select_n3A_2365 by %roll3A_2373 dim 1 : vector<128x128xf32>, i32 -> vector<128x128xf32>
    %select_n3A_2375 = arith.select %eq3A_153, %roll3A_2372, %roll3A_2374 : vector<128x128xi1>, vector<128x128xf32>
    %xor3A_2376 = arith.xori %sub3A_58, %sub3A_130 : vector<128x128xi32>
    %sub3A_2377 = arith.constant 1 : i32
    %sub3A_2378 = vector.broadcast %sub3A_2377 : i32 to vector<128x128xi32>
    %sub3A_2379 = arith.subi %sub3A_2378, %xor3A_2376 : vector<128x128xi32>
    %le3A_2380 = arith.cmpf ole, %select_n3A_2364, %select_n3A_2370 : vector<128x128xf32>
    %jit3A_2381 = arith.constant 1 : i32
    %jit3A_2382 = arith.constant 0 : i32
    %broadcast_in_dim3A_2383 = vector.broadcast %jit3A_2381 : i32 to vector<128x128xi32>
    %broadcast_in_dim3A_2384 = vector.broadcast %jit3A_2382 : i32 to vector<128x128xi32>
    %select_n3A_2385 = arith.select %le3A_2380, %broadcast_in_dim3A_2383, %broadcast_in_dim3A_2384 : vector<128x128xi1>, vector<128x128xi32>
    %lt3A_2386 = arith.cmpf olt, %select_n3A_2364, %select_n3A_2370 : vector<128x128xf32>
    %jit3A_2387 = arith.constant 1 : i32
    %jit3A_2388 = arith.constant 0 : i32
    %broadcast_in_dim3A_2389 = vector.broadcast %jit3A_2387 : i32 to vector<128x128xi32>
    %broadcast_in_dim3A_2390 = vector.broadcast %jit3A_2388 : i32 to vector<128x128xi32>
    %select_n3A_2391 = arith.select %lt3A_2386, %broadcast_in_dim3A_2389, %broadcast_in_dim3A_2390 : vector<128x128xi1>, vector<128x128xi32>
    %select_n3A_2392 = arith.select %eq3A_153, %select_n3A_2385, %select_n3A_2391 : vector<128x128xi1>, vector<128x128xi32>
    %eq3A_2393 = arith.cmpi eq, %select_n3A_2392, %sub3A_2379 : vector<128x128xi32>
    %select_n3A_2394 = arith.select %eq3A_2393, %select_n3A_2364, %select_n3A_2370 : vector<128x128xi1>, vector<128x128xf32>
    %select_n3A_2395 = arith.select %eq3A_2393, %select_n3A_2365, %select_n3A_2375 : vector<128x128xi1>, vector<128x128xf32>
    %roll3A_2396 = arith.constant 120 : i32
    %roll3A_2397 = tpu.dynamic_rotate %select_n3A_2394 by %roll3A_2396 dim 1 : vector<128x128xf32>, i32 -> vector<128x128xf32>
    %roll3A_2398 = arith.constant 8 : i32
    %roll3A_2399 = tpu.dynamic_rotate %select_n3A_2394 by %roll3A_2398 dim 1 : vector<128x128xf32>, i32 -> vector<128x128xf32>
    %select_n3A_2400 = arith.select %eq3A_150, %roll3A_2397, %roll3A_2399 : vector<128x128xi1>, vector<128x128xf32>
    %roll3A_2401 = arith.constant 120 : i32
    %roll3A_2402 = tpu.dynamic_rotate %select_n3A_2395 by %roll3A_2401 dim 1 : vector<128x128xf32>, i32 -> vector<128x128xf32>
    %roll3A_2403 = arith.constant 8 : i32
    %roll3A_2404 = tpu.dynamic_rotate %select_n3A_2395 by %roll3A_2403 dim 1 : vector<128x128xf32>, i32 -> vector<128x128xf32>
    %select_n3A_2405 = arith.select %eq3A_150, %roll3A_2402, %roll3A_2404 : vector<128x128xi1>, vector<128x128xf32>
    %xor3A_2406 = arith.xori %sub3A_49, %sub3A_130 : vector<128x128xi32>
    %sub3A_2407 = arith.constant 1 : i32
    %sub3A_2408 = vector.broadcast %sub3A_2407 : i32 to vector<128x128xi32>
    %sub3A_2409 = arith.subi %sub3A_2408, %xor3A_2406 : vector<128x128xi32>
    %le3A_2410 = arith.cmpf ole, %select_n3A_2394, %select_n3A_2400 : vector<128x128xf32>
    %jit3A_2411 = arith.constant 1 : i32
    %jit3A_2412 = arith.constant 0 : i32
    %broadcast_in_dim3A_2413 = vector.broadcast %jit3A_2411 : i32 to vector<128x128xi32>
    %broadcast_in_dim3A_2414 = vector.broadcast %jit3A_2412 : i32 to vector<128x128xi32>
    %select_n3A_2415 = arith.select %le3A_2410, %broadcast_in_dim3A_2413, %broadcast_in_dim3A_2414 : vector<128x128xi1>, vector<128x128xi32>
    %lt3A_2416 = arith.cmpf olt, %select_n3A_2394, %select_n3A_2400 : vector<128x128xf32>
    %jit3A_2417 = arith.constant 1 : i32
    %jit3A_2418 = arith.constant 0 : i32
    %broadcast_in_dim3A_2419 = vector.broadcast %jit3A_2417 : i32 to vector<128x128xi32>
    %broadcast_in_dim3A_2420 = vector.broadcast %jit3A_2418 : i32 to vector<128x128xi32>
    %select_n3A_2421 = arith.select %lt3A_2416, %broadcast_in_dim3A_2419, %broadcast_in_dim3A_2420 : vector<128x128xi1>, vector<128x128xi32>
    %select_n3A_2422 = arith.select %eq3A_150, %select_n3A_2415, %select_n3A_2421 : vector<128x128xi1>, vector<128x128xi32>
    %eq3A_2423 = arith.cmpi eq, %select_n3A_2422, %sub3A_2409 : vector<128x128xi32>
    %select_n3A_2424 = arith.select %eq3A_2423, %select_n3A_2394, %select_n3A_2400 : vector<128x128xi1>, vector<128x128xf32>
    %select_n3A_2425 = arith.select %eq3A_2423, %select_n3A_2395, %select_n3A_2405 : vector<128x128xi1>, vector<128x128xf32>
    %roll3A_2426 = arith.constant 124 : i32
    %roll3A_2427 = tpu.dynamic_rotate %select_n3A_2424 by %roll3A_2426 dim 1 : vector<128x128xf32>, i32 -> vector<128x128xf32>
    %roll3A_2428 = arith.constant 4 : i32
    %roll3A_2429 = tpu.dynamic_rotate %select_n3A_2424 by %roll3A_2428 dim 1 : vector<128x128xf32>, i32 -> vector<128x128xf32>
    %select_n3A_2430 = arith.select %eq3A_147, %roll3A_2427, %roll3A_2429 : vector<128x128xi1>, vector<128x128xf32>
    %roll3A_2431 = arith.constant 124 : i32
    %roll3A_2432 = tpu.dynamic_rotate %select_n3A_2425 by %roll3A_2431 dim 1 : vector<128x128xf32>, i32 -> vector<128x128xf32>
    %roll3A_2433 = arith.constant 4 : i32
    %roll3A_2434 = tpu.dynamic_rotate %select_n3A_2425 by %roll3A_2433 dim 1 : vector<128x128xf32>, i32 -> vector<128x128xf32>
    %select_n3A_2435 = arith.select %eq3A_147, %roll3A_2432, %roll3A_2434 : vector<128x128xi1>, vector<128x128xf32>
    %xor3A_2436 = arith.xori %sub3A_40, %sub3A_130 : vector<128x128xi32>
    %sub3A_2437 = arith.constant 1 : i32
    %sub3A_2438 = vector.broadcast %sub3A_2437 : i32 to vector<128x128xi32>
    %sub3A_2439 = arith.subi %sub3A_2438, %xor3A_2436 : vector<128x128xi32>
    %le3A_2440 = arith.cmpf ole, %select_n3A_2424, %select_n3A_2430 : vector<128x128xf32>
    %jit3A_2441 = arith.constant 1 : i32
    %jit3A_2442 = arith.constant 0 : i32
    %broadcast_in_dim3A_2443 = vector.broadcast %jit3A_2441 : i32 to vector<128x128xi32>
    %broadcast_in_dim3A_2444 = vector.broadcast %jit3A_2442 : i32 to vector<128x128xi32>
    %select_n3A_2445 = arith.select %le3A_2440, %broadcast_in_dim3A_2443, %broadcast_in_dim3A_2444 : vector<128x128xi1>, vector<128x128xi32>
    %lt3A_2446 = arith.cmpf olt, %select_n3A_2424, %select_n3A_2430 : vector<128x128xf32>
    %jit3A_2447 = arith.constant 1 : i32
    %jit3A_2448 = arith.constant 0 : i32
    %broadcast_in_dim3A_2449 = vector.broadcast %jit3A_2447 : i32 to vector<128x128xi32>
    %broadcast_in_dim3A_2450 = vector.broadcast %jit3A_2448 : i32 to vector<128x128xi32>
    %select_n3A_2451 = arith.select %lt3A_2446, %broadcast_in_dim3A_2449, %broadcast_in_dim3A_2450 : vector<128x128xi1>, vector<128x128xi32>
    %select_n3A_2452 = arith.select %eq3A_147, %select_n3A_2445, %select_n3A_2451 : vector<128x128xi1>, vector<128x128xi32>
    %eq3A_2453 = arith.cmpi eq, %select_n3A_2452, %sub3A_2439 : vector<128x128xi32>
    %select_n3A_2454 = arith.select %eq3A_2453, %select_n3A_2424, %select_n3A_2430 : vector<128x128xi1>, vector<128x128xf32>
    %select_n3A_2455 = arith.select %eq3A_2453, %select_n3A_2425, %select_n3A_2435 : vector<128x128xi1>, vector<128x128xf32>
    %roll3A_2456 = arith.constant 126 : i32
    %roll3A_2457 = tpu.dynamic_rotate %select_n3A_2454 by %roll3A_2456 dim 1 : vector<128x128xf32>, i32 -> vector<128x128xf32>
    %roll3A_2458 = arith.constant 2 : i32
    %roll3A_2459 = tpu.dynamic_rotate %select_n3A_2454 by %roll3A_2458 dim 1 : vector<128x128xf32>, i32 -> vector<128x128xf32>
    %select_n3A_2460 = arith.select %eq3A_144, %roll3A_2457, %roll3A_2459 : vector<128x128xi1>, vector<128x128xf32>
    %roll3A_2461 = arith.constant 126 : i32
    %roll3A_2462 = tpu.dynamic_rotate %select_n3A_2455 by %roll3A_2461 dim 1 : vector<128x128xf32>, i32 -> vector<128x128xf32>
    %roll3A_2463 = arith.constant 2 : i32
    %roll3A_2464 = tpu.dynamic_rotate %select_n3A_2455 by %roll3A_2463 dim 1 : vector<128x128xf32>, i32 -> vector<128x128xf32>
    %select_n3A_2465 = arith.select %eq3A_144, %roll3A_2462, %roll3A_2464 : vector<128x128xi1>, vector<128x128xf32>
    %xor3A_2466 = arith.xori %sub3A_31, %sub3A_130 : vector<128x128xi32>
    %sub3A_2467 = arith.constant 1 : i32
    %sub3A_2468 = vector.broadcast %sub3A_2467 : i32 to vector<128x128xi32>
    %sub3A_2469 = arith.subi %sub3A_2468, %xor3A_2466 : vector<128x128xi32>
    %le3A_2470 = arith.cmpf ole, %select_n3A_2454, %select_n3A_2460 : vector<128x128xf32>
    %jit3A_2471 = arith.constant 1 : i32
    %jit3A_2472 = arith.constant 0 : i32
    %broadcast_in_dim3A_2473 = vector.broadcast %jit3A_2471 : i32 to vector<128x128xi32>
    %broadcast_in_dim3A_2474 = vector.broadcast %jit3A_2472 : i32 to vector<128x128xi32>
    %select_n3A_2475 = arith.select %le3A_2470, %broadcast_in_dim3A_2473, %broadcast_in_dim3A_2474 : vector<128x128xi1>, vector<128x128xi32>
    %lt3A_2476 = arith.cmpf olt, %select_n3A_2454, %select_n3A_2460 : vector<128x128xf32>
    %jit3A_2477 = arith.constant 1 : i32
    %jit3A_2478 = arith.constant 0 : i32
    %broadcast_in_dim3A_2479 = vector.broadcast %jit3A_2477 : i32 to vector<128x128xi32>
    %broadcast_in_dim3A_2480 = vector.broadcast %jit3A_2478 : i32 to vector<128x128xi32>
    %select_n3A_2481 = arith.select %lt3A_2476, %broadcast_in_dim3A_2479, %broadcast_in_dim3A_2480 : vector<128x128xi1>, vector<128x128xi32>
    %select_n3A_2482 = arith.select %eq3A_144, %select_n3A_2475, %select_n3A_2481 : vector<128x128xi1>, vector<128x128xi32>
    %eq3A_2483 = arith.cmpi eq, %select_n3A_2482, %sub3A_2469 : vector<128x128xi32>
    %select_n3A_2484 = arith.select %eq3A_2483, %select_n3A_2454, %select_n3A_2460 : vector<128x128xi1>, vector<128x128xf32>
    %select_n3A_2485 = arith.select %eq3A_2483, %select_n3A_2455, %select_n3A_2465 : vector<128x128xi1>, vector<128x128xf32>
    %roll3A_2486 = arith.constant 127 : i32
    %roll3A_2487 = tpu.dynamic_rotate %select_n3A_2484 by %roll3A_2486 dim 1 : vector<128x128xf32>, i32 -> vector<128x128xf32>
    %roll3A_2488 = arith.constant 1 : i32
    %roll3A_2489 = tpu.dynamic_rotate %select_n3A_2484 by %roll3A_2488 dim 1 : vector<128x128xf32>, i32 -> vector<128x128xf32>
    %select_n3A_2490 = arith.select %eq3A_141, %roll3A_2487, %roll3A_2489 : vector<128x128xi1>, vector<128x128xf32>
    %roll3A_2491 = arith.constant 127 : i32
    %roll3A_2492 = tpu.dynamic_rotate %select_n3A_2485 by %roll3A_2491 dim 1 : vector<128x128xf32>, i32 -> vector<128x128xf32>
    %roll3A_2493 = arith.constant 1 : i32
    %roll3A_2494 = tpu.dynamic_rotate %select_n3A_2485 by %roll3A_2493 dim 1 : vector<128x128xf32>, i32 -> vector<128x128xf32>
    %select_n3A_2495 = arith.select %eq3A_141, %roll3A_2492, %roll3A_2494 : vector<128x128xi1>, vector<128x128xf32>
    %xor3A_2496 = arith.xori %sub3A_22, %sub3A_130 : vector<128x128xi32>
    %sub3A_2497 = arith.constant 1 : i32
    %sub3A_2498 = vector.broadcast %sub3A_2497 : i32 to vector<128x128xi32>
    %sub3A_2499 = arith.subi %sub3A_2498, %xor3A_2496 : vector<128x128xi32>
    %le3A_2500 = arith.cmpf ole, %select_n3A_2484, %select_n3A_2490 : vector<128x128xf32>
    %jit3A_2501 = arith.constant 1 : i32
    %jit3A_2502 = arith.constant 0 : i32
    %broadcast_in_dim3A_2503 = vector.broadcast %jit3A_2501 : i32 to vector<128x128xi32>
    %broadcast_in_dim3A_2504 = vector.broadcast %jit3A_2502 : i32 to vector<128x128xi32>
    %select_n3A_2505 = arith.select %le3A_2500, %broadcast_in_dim3A_2503, %broadcast_in_dim3A_2504 : vector<128x128xi1>, vector<128x128xi32>
    %lt3A_2506 = arith.cmpf olt, %select_n3A_2484, %select_n3A_2490 : vector<128x128xf32>
    %jit3A_2507 = arith.constant 1 : i32
    %jit3A_2508 = arith.constant 0 : i32
    %broadcast_in_dim3A_2509 = vector.broadcast %jit3A_2507 : i32 to vector<128x128xi32>
    %broadcast_in_dim3A_2510 = vector.broadcast %jit3A_2508 : i32 to vector<128x128xi32>
    %select_n3A_2511 = arith.select %lt3A_2506, %broadcast_in_dim3A_2509, %broadcast_in_dim3A_2510 : vector<128x128xi1>, vector<128x128xi32>
    %select_n3A_2512 = arith.select %eq3A_141, %select_n3A_2505, %select_n3A_2511 : vector<128x128xi1>, vector<128x128xi32>
    %eq3A_2513 = arith.cmpi eq, %select_n3A_2512, %sub3A_2499 : vector<128x128xi32>
    %select_n3A_2514 = arith.select %eq3A_2513, %select_n3A_2484, %select_n3A_2490 : vector<128x128xi1>, vector<128x128xf32>
    %select_n3A_2515 = arith.select %eq3A_2513, %select_n3A_2485, %select_n3A_2495 : vector<128x128xi1>, vector<128x128xf32>
    %roll3A_2516 = arith.constant 96 : i32
    %roll3A_2517 = tpu.dynamic_rotate %select_n3A_2514 by %roll3A_2516 dim 0 : vector<128x128xf32>, i32 -> vector<128x128xf32>
    %roll3A_2518 = arith.constant 32 : i32
    %roll3A_2519 = tpu.dynamic_rotate %select_n3A_2514 by %roll3A_2518 dim 0 : vector<128x128xf32>, i32 -> vector<128x128xf32>
    %select_n3A_2520 = arith.select %eq3A_177, %roll3A_2517, %roll3A_2519 : vector<128x128xi1>, vector<128x128xf32>
    %roll3A_2521 = arith.constant 96 : i32
    %roll3A_2522 = tpu.dynamic_rotate %select_n3A_2515 by %roll3A_2521 dim 0 : vector<128x128xf32>, i32 -> vector<128x128xf32>
    %roll3A_2523 = arith.constant 32 : i32
    %roll3A_2524 = tpu.dynamic_rotate %select_n3A_2515 by %roll3A_2523 dim 0 : vector<128x128xf32>, i32 -> vector<128x128xf32>
    %select_n3A_2525 = arith.select %eq3A_177, %roll3A_2522, %roll3A_2524 : vector<128x128xi1>, vector<128x128xf32>
    %xor3A_2526 = arith.xori %sub3A_130, %sub3A_139 : vector<128x128xi32>
    %sub3A_2527 = arith.constant 1 : i32
    %sub3A_2528 = vector.broadcast %sub3A_2527 : i32 to vector<128x128xi32>
    %sub3A_2529 = arith.subi %sub3A_2528, %xor3A_2526 : vector<128x128xi32>
    %le3A_2530 = arith.cmpf ole, %select_n3A_2514, %select_n3A_2520 : vector<128x128xf32>
    %jit3A_2531 = arith.constant 1 : i32
    %jit3A_2532 = arith.constant 0 : i32
    %broadcast_in_dim3A_2533 = vector.broadcast %jit3A_2531 : i32 to vector<128x128xi32>
    %broadcast_in_dim3A_2534 = vector.broadcast %jit3A_2532 : i32 to vector<128x128xi32>
    %select_n3A_2535 = arith.select %le3A_2530, %broadcast_in_dim3A_2533, %broadcast_in_dim3A_2534 : vector<128x128xi1>, vector<128x128xi32>
    %lt3A_2536 = arith.cmpf olt, %select_n3A_2514, %select_n3A_2520 : vector<128x128xf32>
    %jit3A_2537 = arith.constant 1 : i32
    %jit3A_2538 = arith.constant 0 : i32
    %broadcast_in_dim3A_2539 = vector.broadcast %jit3A_2537 : i32 to vector<128x128xi32>
    %broadcast_in_dim3A_2540 = vector.broadcast %jit3A_2538 : i32 to vector<128x128xi32>
    %select_n3A_2541 = arith.select %lt3A_2536, %broadcast_in_dim3A_2539, %broadcast_in_dim3A_2540 : vector<128x128xi1>, vector<128x128xi32>
    %select_n3A_2542 = arith.select %eq3A_177, %select_n3A_2535, %select_n3A_2541 : vector<128x128xi1>, vector<128x128xi32>
    %eq3A_2543 = arith.cmpi eq, %select_n3A_2542, %sub3A_2529 : vector<128x128xi32>
    %select_n3A_2544 = arith.select %eq3A_2543, %select_n3A_2514, %select_n3A_2520 : vector<128x128xi1>, vector<128x128xf32>
    %select_n3A_2545 = arith.select %eq3A_2543, %select_n3A_2515, %select_n3A_2525 : vector<128x128xi1>, vector<128x128xf32>
    %roll3A_2546 = arith.constant 112 : i32
    %roll3A_2547 = tpu.dynamic_rotate %select_n3A_2544 by %roll3A_2546 dim 0 : vector<128x128xf32>, i32 -> vector<128x128xf32>
    %roll3A_2548 = arith.constant 16 : i32
    %roll3A_2549 = tpu.dynamic_rotate %select_n3A_2544 by %roll3A_2548 dim 0 : vector<128x128xf32>, i32 -> vector<128x128xf32>
    %select_n3A_2550 = arith.select %eq3A_174, %roll3A_2547, %roll3A_2549 : vector<128x128xi1>, vector<128x128xf32>
    %roll3A_2551 = arith.constant 112 : i32
    %roll3A_2552 = tpu.dynamic_rotate %select_n3A_2545 by %roll3A_2551 dim 0 : vector<128x128xf32>, i32 -> vector<128x128xf32>
    %roll3A_2553 = arith.constant 16 : i32
    %roll3A_2554 = tpu.dynamic_rotate %select_n3A_2545 by %roll3A_2553 dim 0 : vector<128x128xf32>, i32 -> vector<128x128xf32>
    %select_n3A_2555 = arith.select %eq3A_174, %roll3A_2552, %roll3A_2554 : vector<128x128xi1>, vector<128x128xf32>
    %xor3A_2556 = arith.xori %sub3A_121, %sub3A_139 : vector<128x128xi32>
    %sub3A_2557 = arith.constant 1 : i32
    %sub3A_2558 = vector.broadcast %sub3A_2557 : i32 to vector<128x128xi32>
    %sub3A_2559 = arith.subi %sub3A_2558, %xor3A_2556 : vector<128x128xi32>
    %le3A_2560 = arith.cmpf ole, %select_n3A_2544, %select_n3A_2550 : vector<128x128xf32>
    %jit3A_2561 = arith.constant 1 : i32
    %jit3A_2562 = arith.constant 0 : i32
    %broadcast_in_dim3A_2563 = vector.broadcast %jit3A_2561 : i32 to vector<128x128xi32>
    %broadcast_in_dim3A_2564 = vector.broadcast %jit3A_2562 : i32 to vector<128x128xi32>
    %select_n3A_2565 = arith.select %le3A_2560, %broadcast_in_dim3A_2563, %broadcast_in_dim3A_2564 : vector<128x128xi1>, vector<128x128xi32>
    %lt3A_2566 = arith.cmpf olt, %select_n3A_2544, %select_n3A_2550 : vector<128x128xf32>
    %jit3A_2567 = arith.constant 1 : i32
    %jit3A_2568 = arith.constant 0 : i32
    %broadcast_in_dim3A_2569 = vector.broadcast %jit3A_2567 : i32 to vector<128x128xi32>
    %broadcast_in_dim3A_2570 = vector.broadcast %jit3A_2568 : i32 to vector<128x128xi32>
    %select_n3A_2571 = arith.select %lt3A_2566, %broadcast_in_dim3A_2569, %broadcast_in_dim3A_2570 : vector<128x128xi1>, vector<128x128xi32>
    %select_n3A_2572 = arith.select %eq3A_174, %select_n3A_2565, %select_n3A_2571 : vector<128x128xi1>, vector<128x128xi32>
    %eq3A_2573 = arith.cmpi eq, %select_n3A_2572, %sub3A_2559 : vector<128x128xi32>
    %select_n3A_2574 = arith.select %eq3A_2573, %select_n3A_2544, %select_n3A_2550 : vector<128x128xi1>, vector<128x128xf32>
    %select_n3A_2575 = arith.select %eq3A_2573, %select_n3A_2545, %select_n3A_2555 : vector<128x128xi1>, vector<128x128xf32>
    %roll3A_2576 = arith.constant 120 : i32
    %roll3A_2577 = tpu.dynamic_rotate %select_n3A_2574 by %roll3A_2576 dim 0 : vector<128x128xf32>, i32 -> vector<128x128xf32>
    %roll3A_2578 = arith.constant 8 : i32
    %roll3A_2579 = tpu.dynamic_rotate %select_n3A_2574 by %roll3A_2578 dim 0 : vector<128x128xf32>, i32 -> vector<128x128xf32>
    %select_n3A_2580 = arith.select %eq3A_171, %roll3A_2577, %roll3A_2579 : vector<128x128xi1>, vector<128x128xf32>
    %roll3A_2581 = arith.constant 120 : i32
    %roll3A_2582 = tpu.dynamic_rotate %select_n3A_2575 by %roll3A_2581 dim 0 : vector<128x128xf32>, i32 -> vector<128x128xf32>
    %roll3A_2583 = arith.constant 8 : i32
    %roll3A_2584 = tpu.dynamic_rotate %select_n3A_2575 by %roll3A_2583 dim 0 : vector<128x128xf32>, i32 -> vector<128x128xf32>
    %select_n3A_2585 = arith.select %eq3A_171, %roll3A_2582, %roll3A_2584 : vector<128x128xi1>, vector<128x128xf32>
    %xor3A_2586 = arith.xori %sub3A_112, %sub3A_139 : vector<128x128xi32>
    %sub3A_2587 = arith.constant 1 : i32
    %sub3A_2588 = vector.broadcast %sub3A_2587 : i32 to vector<128x128xi32>
    %sub3A_2589 = arith.subi %sub3A_2588, %xor3A_2586 : vector<128x128xi32>
    %le3A_2590 = arith.cmpf ole, %select_n3A_2574, %select_n3A_2580 : vector<128x128xf32>
    %jit3A_2591 = arith.constant 1 : i32
    %jit3A_2592 = arith.constant 0 : i32
    %broadcast_in_dim3A_2593 = vector.broadcast %jit3A_2591 : i32 to vector<128x128xi32>
    %broadcast_in_dim3A_2594 = vector.broadcast %jit3A_2592 : i32 to vector<128x128xi32>
    %select_n3A_2595 = arith.select %le3A_2590, %broadcast_in_dim3A_2593, %broadcast_in_dim3A_2594 : vector<128x128xi1>, vector<128x128xi32>
    %lt3A_2596 = arith.cmpf olt, %select_n3A_2574, %select_n3A_2580 : vector<128x128xf32>
    %jit3A_2597 = arith.constant 1 : i32
    %jit3A_2598 = arith.constant 0 : i32
    %broadcast_in_dim3A_2599 = vector.broadcast %jit3A_2597 : i32 to vector<128x128xi32>
    %broadcast_in_dim3A_2600 = vector.broadcast %jit3A_2598 : i32 to vector<128x128xi32>
    %select_n3A_2601 = arith.select %lt3A_2596, %broadcast_in_dim3A_2599, %broadcast_in_dim3A_2600 : vector<128x128xi1>, vector<128x128xi32>
    %select_n3A_2602 = arith.select %eq3A_171, %select_n3A_2595, %select_n3A_2601 : vector<128x128xi1>, vector<128x128xi32>
    %eq3A_2603 = arith.cmpi eq, %select_n3A_2602, %sub3A_2589 : vector<128x128xi32>
    %select_n3A_2604 = arith.select %eq3A_2603, %select_n3A_2574, %select_n3A_2580 : vector<128x128xi1>, vector<128x128xf32>
    %select_n3A_2605 = arith.select %eq3A_2603, %select_n3A_2575, %select_n3A_2585 : vector<128x128xi1>, vector<128x128xf32>
    %roll3A_2606 = arith.constant 124 : i32
    %roll3A_2607 = tpu.dynamic_rotate %select_n3A_2604 by %roll3A_2606 dim 0 : vector<128x128xf32>, i32 -> vector<128x128xf32>
    %roll3A_2608 = arith.constant 4 : i32
    %roll3A_2609 = tpu.dynamic_rotate %select_n3A_2604 by %roll3A_2608 dim 0 : vector<128x128xf32>, i32 -> vector<128x128xf32>
    %select_n3A_2610 = arith.select %eq3A_168, %roll3A_2607, %roll3A_2609 : vector<128x128xi1>, vector<128x128xf32>
    %roll3A_2611 = arith.constant 124 : i32
    %roll3A_2612 = tpu.dynamic_rotate %select_n3A_2605 by %roll3A_2611 dim 0 : vector<128x128xf32>, i32 -> vector<128x128xf32>
    %roll3A_2613 = arith.constant 4 : i32
    %roll3A_2614 = tpu.dynamic_rotate %select_n3A_2605 by %roll3A_2613 dim 0 : vector<128x128xf32>, i32 -> vector<128x128xf32>
    %select_n3A_2615 = arith.select %eq3A_168, %roll3A_2612, %roll3A_2614 : vector<128x128xi1>, vector<128x128xf32>
    %xor3A_2616 = arith.xori %sub3A_103, %sub3A_139 : vector<128x128xi32>
    %sub3A_2617 = arith.constant 1 : i32
    %sub3A_2618 = vector.broadcast %sub3A_2617 : i32 to vector<128x128xi32>
    %sub3A_2619 = arith.subi %sub3A_2618, %xor3A_2616 : vector<128x128xi32>
    %le3A_2620 = arith.cmpf ole, %select_n3A_2604, %select_n3A_2610 : vector<128x128xf32>
    %jit3A_2621 = arith.constant 1 : i32
    %jit3A_2622 = arith.constant 0 : i32
    %broadcast_in_dim3A_2623 = vector.broadcast %jit3A_2621 : i32 to vector<128x128xi32>
    %broadcast_in_dim3A_2624 = vector.broadcast %jit3A_2622 : i32 to vector<128x128xi32>
    %select_n3A_2625 = arith.select %le3A_2620, %broadcast_in_dim3A_2623, %broadcast_in_dim3A_2624 : vector<128x128xi1>, vector<128x128xi32>
    %lt3A_2626 = arith.cmpf olt, %select_n3A_2604, %select_n3A_2610 : vector<128x128xf32>
    %jit3A_2627 = arith.constant 1 : i32
    %jit3A_2628 = arith.constant 0 : i32
    %broadcast_in_dim3A_2629 = vector.broadcast %jit3A_2627 : i32 to vector<128x128xi32>
    %broadcast_in_dim3A_2630 = vector.broadcast %jit3A_2628 : i32 to vector<128x128xi32>
    %select_n3A_2631 = arith.select %lt3A_2626, %broadcast_in_dim3A_2629, %broadcast_in_dim3A_2630 : vector<128x128xi1>, vector<128x128xi32>
    %select_n3A_2632 = arith.select %eq3A_168, %select_n3A_2625, %select_n3A_2631 : vector<128x128xi1>, vector<128x128xi32>
    %eq3A_2633 = arith.cmpi eq, %select_n3A_2632, %sub3A_2619 : vector<128x128xi32>
    %select_n3A_2634 = arith.select %eq3A_2633, %select_n3A_2604, %select_n3A_2610 : vector<128x128xi1>, vector<128x128xf32>
    %select_n3A_2635 = arith.select %eq3A_2633, %select_n3A_2605, %select_n3A_2615 : vector<128x128xi1>, vector<128x128xf32>
    %roll3A_2636 = arith.constant 126 : i32
    %roll3A_2637 = tpu.dynamic_rotate %select_n3A_2634 by %roll3A_2636 dim 0 : vector<128x128xf32>, i32 -> vector<128x128xf32>
    %roll3A_2638 = arith.constant 2 : i32
    %roll3A_2639 = tpu.dynamic_rotate %select_n3A_2634 by %roll3A_2638 dim 0 : vector<128x128xf32>, i32 -> vector<128x128xf32>
    %select_n3A_2640 = arith.select %eq3A_165, %roll3A_2637, %roll3A_2639 : vector<128x128xi1>, vector<128x128xf32>
    %roll3A_2641 = arith.constant 126 : i32
    %roll3A_2642 = tpu.dynamic_rotate %select_n3A_2635 by %roll3A_2641 dim 0 : vector<128x128xf32>, i32 -> vector<128x128xf32>
    %roll3A_2643 = arith.constant 2 : i32
    %roll3A_2644 = tpu.dynamic_rotate %select_n3A_2635 by %roll3A_2643 dim 0 : vector<128x128xf32>, i32 -> vector<128x128xf32>
    %select_n3A_2645 = arith.select %eq3A_165, %roll3A_2642, %roll3A_2644 : vector<128x128xi1>, vector<128x128xf32>
    %xor3A_2646 = arith.xori %sub3A_94, %sub3A_139 : vector<128x128xi32>
    %sub3A_2647 = arith.constant 1 : i32
    %sub3A_2648 = vector.broadcast %sub3A_2647 : i32 to vector<128x128xi32>
    %sub3A_2649 = arith.subi %sub3A_2648, %xor3A_2646 : vector<128x128xi32>
    %le3A_2650 = arith.cmpf ole, %select_n3A_2634, %select_n3A_2640 : vector<128x128xf32>
    %jit3A_2651 = arith.constant 1 : i32
    %jit3A_2652 = arith.constant 0 : i32
    %broadcast_in_dim3A_2653 = vector.broadcast %jit3A_2651 : i32 to vector<128x128xi32>
    %broadcast_in_dim3A_2654 = vector.broadcast %jit3A_2652 : i32 to vector<128x128xi32>
    %select_n3A_2655 = arith.select %le3A_2650, %broadcast_in_dim3A_2653, %broadcast_in_dim3A_2654 : vector<128x128xi1>, vector<128x128xi32>
    %lt3A_2656 = arith.cmpf olt, %select_n3A_2634, %select_n3A_2640 : vector<128x128xf32>
    %jit3A_2657 = arith.constant 1 : i32
    %jit3A_2658 = arith.constant 0 : i32
    %broadcast_in_dim3A_2659 = vector.broadcast %jit3A_2657 : i32 to vector<128x128xi32>
    %broadcast_in_dim3A_2660 = vector.broadcast %jit3A_2658 : i32 to vector<128x128xi32>
    %select_n3A_2661 = arith.select %lt3A_2656, %broadcast_in_dim3A_2659, %broadcast_in_dim3A_2660 : vector<128x128xi1>, vector<128x128xi32>
    %select_n3A_2662 = arith.select %eq3A_165, %select_n3A_2655, %select_n3A_2661 : vector<128x128xi1>, vector<128x128xi32>
    %eq3A_2663 = arith.cmpi eq, %select_n3A_2662, %sub3A_2649 : vector<128x128xi32>
    %select_n3A_2664 = arith.select %eq3A_2663, %select_n3A_2634, %select_n3A_2640 : vector<128x128xi1>, vector<128x128xf32>
    %select_n3A_2665 = arith.select %eq3A_2663, %select_n3A_2635, %select_n3A_2645 : vector<128x128xi1>, vector<128x128xf32>
    %roll3A_2666 = arith.constant 127 : i32
    %roll3A_2667 = tpu.dynamic_rotate %select_n3A_2664 by %roll3A_2666 dim 0 : vector<128x128xf32>, i32 -> vector<128x128xf32>
    %roll3A_2668 = arith.constant 1 : i32
    %roll3A_2669 = tpu.dynamic_rotate %select_n3A_2664 by %roll3A_2668 dim 0 : vector<128x128xf32>, i32 -> vector<128x128xf32>
    %select_n3A_2670 = arith.select %eq3A_162, %roll3A_2667, %roll3A_2669 : vector<128x128xi1>, vector<128x128xf32>
    %roll3A_2671 = arith.constant 127 : i32
    %roll3A_2672 = tpu.dynamic_rotate %select_n3A_2665 by %roll3A_2671 dim 0 : vector<128x128xf32>, i32 -> vector<128x128xf32>
    %roll3A_2673 = arith.constant 1 : i32
    %roll3A_2674 = tpu.dynamic_rotate %select_n3A_2665 by %roll3A_2673 dim 0 : vector<128x128xf32>, i32 -> vector<128x128xf32>
    %select_n3A_2675 = arith.select %eq3A_162, %roll3A_2672, %roll3A_2674 : vector<128x128xi1>, vector<128x128xf32>
    %xor3A_2676 = arith.xori %sub3A_85, %sub3A_139 : vector<128x128xi32>
    %sub3A_2677 = arith.constant 1 : i32
    %sub3A_2678 = vector.broadcast %sub3A_2677 : i32 to vector<128x128xi32>
    %sub3A_2679 = arith.subi %sub3A_2678, %xor3A_2676 : vector<128x128xi32>
    %le3A_2680 = arith.cmpf ole, %select_n3A_2664, %select_n3A_2670 : vector<128x128xf32>
    %jit3A_2681 = arith.constant 1 : i32
    %jit3A_2682 = arith.constant 0 : i32
    %broadcast_in_dim3A_2683 = vector.broadcast %jit3A_2681 : i32 to vector<128x128xi32>
    %broadcast_in_dim3A_2684 = vector.broadcast %jit3A_2682 : i32 to vector<128x128xi32>
    %select_n3A_2685 = arith.select %le3A_2680, %broadcast_in_dim3A_2683, %broadcast_in_dim3A_2684 : vector<128x128xi1>, vector<128x128xi32>
    %lt3A_2686 = arith.cmpf olt, %select_n3A_2664, %select_n3A_2670 : vector<128x128xf32>
    %jit3A_2687 = arith.constant 1 : i32
    %jit3A_2688 = arith.constant 0 : i32
    %broadcast_in_dim3A_2689 = vector.broadcast %jit3A_2687 : i32 to vector<128x128xi32>
    %broadcast_in_dim3A_2690 = vector.broadcast %jit3A_2688 : i32 to vector<128x128xi32>
    %select_n3A_2691 = arith.select %lt3A_2686, %broadcast_in_dim3A_2689, %broadcast_in_dim3A_2690 : vector<128x128xi1>, vector<128x128xi32>
    %select_n3A_2692 = arith.select %eq3A_162, %select_n3A_2685, %select_n3A_2691 : vector<128x128xi1>, vector<128x128xi32>
    %eq3A_2693 = arith.cmpi eq, %select_n3A_2692, %sub3A_2679 : vector<128x128xi32>
    %select_n3A_2694 = arith.select %eq3A_2693, %select_n3A_2664, %select_n3A_2670 : vector<128x128xi1>, vector<128x128xf32>
    %select_n3A_2695 = arith.select %eq3A_2693, %select_n3A_2665, %select_n3A_2675 : vector<128x128xi1>, vector<128x128xf32>
    %roll3A_2696 = arith.constant 64 : i32
    %roll3A_2697 = tpu.dynamic_rotate %select_n3A_2694 by %roll3A_2696 dim 1 : vector<128x128xf32>, i32 -> vector<128x128xf32>
    %roll3A_2698 = arith.constant 64 : i32
    %roll3A_2699 = tpu.dynamic_rotate %select_n3A_2694 by %roll3A_2698 dim 1 : vector<128x128xf32>, i32 -> vector<128x128xf32>
    %select_n3A_2700 = arith.select %eq3A_159, %roll3A_2697, %roll3A_2699 : vector<128x128xi1>, vector<128x128xf32>
    %roll3A_2701 = arith.constant 64 : i32
    %roll3A_2702 = tpu.dynamic_rotate %select_n3A_2695 by %roll3A_2701 dim 1 : vector<128x128xf32>, i32 -> vector<128x128xf32>
    %roll3A_2703 = arith.constant 64 : i32
    %roll3A_2704 = tpu.dynamic_rotate %select_n3A_2695 by %roll3A_2703 dim 1 : vector<128x128xf32>, i32 -> vector<128x128xf32>
    %select_n3A_2705 = arith.select %eq3A_159, %roll3A_2702, %roll3A_2704 : vector<128x128xi1>, vector<128x128xf32>
    %xor3A_2706 = arith.xori %sub3A_76, %sub3A_139 : vector<128x128xi32>
    %sub3A_2707 = arith.constant 1 : i32
    %sub3A_2708 = vector.broadcast %sub3A_2707 : i32 to vector<128x128xi32>
    %sub3A_2709 = arith.subi %sub3A_2708, %xor3A_2706 : vector<128x128xi32>
    %le3A_2710 = arith.cmpf ole, %select_n3A_2694, %select_n3A_2700 : vector<128x128xf32>
    %jit3A_2711 = arith.constant 1 : i32
    %jit3A_2712 = arith.constant 0 : i32
    %broadcast_in_dim3A_2713 = vector.broadcast %jit3A_2711 : i32 to vector<128x128xi32>
    %broadcast_in_dim3A_2714 = vector.broadcast %jit3A_2712 : i32 to vector<128x128xi32>
    %select_n3A_2715 = arith.select %le3A_2710, %broadcast_in_dim3A_2713, %broadcast_in_dim3A_2714 : vector<128x128xi1>, vector<128x128xi32>
    %lt3A_2716 = arith.cmpf olt, %select_n3A_2694, %select_n3A_2700 : vector<128x128xf32>
    %jit3A_2717 = arith.constant 1 : i32
    %jit3A_2718 = arith.constant 0 : i32
    %broadcast_in_dim3A_2719 = vector.broadcast %jit3A_2717 : i32 to vector<128x128xi32>
    %broadcast_in_dim3A_2720 = vector.broadcast %jit3A_2718 : i32 to vector<128x128xi32>
    %select_n3A_2721 = arith.select %lt3A_2716, %broadcast_in_dim3A_2719, %broadcast_in_dim3A_2720 : vector<128x128xi1>, vector<128x128xi32>
    %select_n3A_2722 = arith.select %eq3A_159, %select_n3A_2715, %select_n3A_2721 : vector<128x128xi1>, vector<128x128xi32>
    %eq3A_2723 = arith.cmpi eq, %select_n3A_2722, %sub3A_2709 : vector<128x128xi32>
    %select_n3A_2724 = arith.select %eq3A_2723, %select_n3A_2694, %select_n3A_2700 : vector<128x128xi1>, vector<128x128xf32>
    %select_n3A_2725 = arith.select %eq3A_2723, %select_n3A_2695, %select_n3A_2705 : vector<128x128xi1>, vector<128x128xf32>
    %roll3A_2726 = arith.constant 96 : i32
    %roll3A_2727 = tpu.dynamic_rotate %select_n3A_2724 by %roll3A_2726 dim 1 : vector<128x128xf32>, i32 -> vector<128x128xf32>
    %roll3A_2728 = arith.constant 32 : i32
    %roll3A_2729 = tpu.dynamic_rotate %select_n3A_2724 by %roll3A_2728 dim 1 : vector<128x128xf32>, i32 -> vector<128x128xf32>
    %select_n3A_2730 = arith.select %eq3A_156, %roll3A_2727, %roll3A_2729 : vector<128x128xi1>, vector<128x128xf32>
    %roll3A_2731 = arith.constant 96 : i32
    %roll3A_2732 = tpu.dynamic_rotate %select_n3A_2725 by %roll3A_2731 dim 1 : vector<128x128xf32>, i32 -> vector<128x128xf32>
    %roll3A_2733 = arith.constant 32 : i32
    %roll3A_2734 = tpu.dynamic_rotate %select_n3A_2725 by %roll3A_2733 dim 1 : vector<128x128xf32>, i32 -> vector<128x128xf32>
    %select_n3A_2735 = arith.select %eq3A_156, %roll3A_2732, %roll3A_2734 : vector<128x128xi1>, vector<128x128xf32>
    %xor3A_2736 = arith.xori %sub3A_67, %sub3A_139 : vector<128x128xi32>
    %sub3A_2737 = arith.constant 1 : i32
    %sub3A_2738 = vector.broadcast %sub3A_2737 : i32 to vector<128x128xi32>
    %sub3A_2739 = arith.subi %sub3A_2738, %xor3A_2736 : vector<128x128xi32>
    %le3A_2740 = arith.cmpf ole, %select_n3A_2724, %select_n3A_2730 : vector<128x128xf32>
    %jit3A_2741 = arith.constant 1 : i32
    %jit3A_2742 = arith.constant 0 : i32
    %broadcast_in_dim3A_2743 = vector.broadcast %jit3A_2741 : i32 to vector<128x128xi32>
    %broadcast_in_dim3A_2744 = vector.broadcast %jit3A_2742 : i32 to vector<128x128xi32>
    %select_n3A_2745 = arith.select %le3A_2740, %broadcast_in_dim3A_2743, %broadcast_in_dim3A_2744 : vector<128x128xi1>, vector<128x128xi32>
    %lt3A_2746 = arith.cmpf olt, %select_n3A_2724, %select_n3A_2730 : vector<128x128xf32>
    %jit3A_2747 = arith.constant 1 : i32
    %jit3A_2748 = arith.constant 0 : i32
    %broadcast_in_dim3A_2749 = vector.broadcast %jit3A_2747 : i32 to vector<128x128xi32>
    %broadcast_in_dim3A_2750 = vector.broadcast %jit3A_2748 : i32 to vector<128x128xi32>
    %select_n3A_2751 = arith.select %lt3A_2746, %broadcast_in_dim3A_2749, %broadcast_in_dim3A_2750 : vector<128x128xi1>, vector<128x128xi32>
    %select_n3A_2752 = arith.select %eq3A_156, %select_n3A_2745, %select_n3A_2751 : vector<128x128xi1>, vector<128x128xi32>
    %eq3A_2753 = arith.cmpi eq, %select_n3A_2752, %sub3A_2739 : vector<128x128xi32>
    %select_n3A_2754 = arith.select %eq3A_2753, %select_n3A_2724, %select_n3A_2730 : vector<128x128xi1>, vector<128x128xf32>
    %select_n3A_2755 = arith.select %eq3A_2753, %select_n3A_2725, %select_n3A_2735 : vector<128x128xi1>, vector<128x128xf32>
    %roll3A_2756 = arith.constant 112 : i32
    %roll3A_2757 = tpu.dynamic_rotate %select_n3A_2754 by %roll3A_2756 dim 1 : vector<128x128xf32>, i32 -> vector<128x128xf32>
    %roll3A_2758 = arith.constant 16 : i32
    %roll3A_2759 = tpu.dynamic_rotate %select_n3A_2754 by %roll3A_2758 dim 1 : vector<128x128xf32>, i32 -> vector<128x128xf32>
    %select_n3A_2760 = arith.select %eq3A_153, %roll3A_2757, %roll3A_2759 : vector<128x128xi1>, vector<128x128xf32>
    %roll3A_2761 = arith.constant 112 : i32
    %roll3A_2762 = tpu.dynamic_rotate %select_n3A_2755 by %roll3A_2761 dim 1 : vector<128x128xf32>, i32 -> vector<128x128xf32>
    %roll3A_2763 = arith.constant 16 : i32
    %roll3A_2764 = tpu.dynamic_rotate %select_n3A_2755 by %roll3A_2763 dim 1 : vector<128x128xf32>, i32 -> vector<128x128xf32>
    %select_n3A_2765 = arith.select %eq3A_153, %roll3A_2762, %roll3A_2764 : vector<128x128xi1>, vector<128x128xf32>
    %xor3A_2766 = arith.xori %sub3A_58, %sub3A_139 : vector<128x128xi32>
    %sub3A_2767 = arith.constant 1 : i32
    %sub3A_2768 = vector.broadcast %sub3A_2767 : i32 to vector<128x128xi32>
    %sub3A_2769 = arith.subi %sub3A_2768, %xor3A_2766 : vector<128x128xi32>
    %le3A_2770 = arith.cmpf ole, %select_n3A_2754, %select_n3A_2760 : vector<128x128xf32>
    %jit3A_2771 = arith.constant 1 : i32
    %jit3A_2772 = arith.constant 0 : i32
    %broadcast_in_dim3A_2773 = vector.broadcast %jit3A_2771 : i32 to vector<128x128xi32>
    %broadcast_in_dim3A_2774 = vector.broadcast %jit3A_2772 : i32 to vector<128x128xi32>
    %select_n3A_2775 = arith.select %le3A_2770, %broadcast_in_dim3A_2773, %broadcast_in_dim3A_2774 : vector<128x128xi1>, vector<128x128xi32>
    %lt3A_2776 = arith.cmpf olt, %select_n3A_2754, %select_n3A_2760 : vector<128x128xf32>
    %jit3A_2777 = arith.constant 1 : i32
    %jit3A_2778 = arith.constant 0 : i32
    %broadcast_in_dim3A_2779 = vector.broadcast %jit3A_2777 : i32 to vector<128x128xi32>
    %broadcast_in_dim3A_2780 = vector.broadcast %jit3A_2778 : i32 to vector<128x128xi32>
    %select_n3A_2781 = arith.select %lt3A_2776, %broadcast_in_dim3A_2779, %broadcast_in_dim3A_2780 : vector<128x128xi1>, vector<128x128xi32>
    %select_n3A_2782 = arith.select %eq3A_153, %select_n3A_2775, %select_n3A_2781 : vector<128x128xi1>, vector<128x128xi32>
    %eq3A_2783 = arith.cmpi eq, %select_n3A_2782, %sub3A_2769 : vector<128x128xi32>
    %select_n3A_2784 = arith.select %eq3A_2783, %select_n3A_2754, %select_n3A_2760 : vector<128x128xi1>, vector<128x128xf32>
    %select_n3A_2785 = arith.select %eq3A_2783, %select_n3A_2755, %select_n3A_2765 : vector<128x128xi1>, vector<128x128xf32>
    %roll3A_2786 = arith.constant 120 : i32
    %roll3A_2787 = tpu.dynamic_rotate %select_n3A_2784 by %roll3A_2786 dim 1 : vector<128x128xf32>, i32 -> vector<128x128xf32>
    %roll3A_2788 = arith.constant 8 : i32
    %roll3A_2789 = tpu.dynamic_rotate %select_n3A_2784 by %roll3A_2788 dim 1 : vector<128x128xf32>, i32 -> vector<128x128xf32>
    %select_n3A_2790 = arith.select %eq3A_150, %roll3A_2787, %roll3A_2789 : vector<128x128xi1>, vector<128x128xf32>
    %roll3A_2791 = arith.constant 120 : i32
    %roll3A_2792 = tpu.dynamic_rotate %select_n3A_2785 by %roll3A_2791 dim 1 : vector<128x128xf32>, i32 -> vector<128x128xf32>
    %roll3A_2793 = arith.constant 8 : i32
    %roll3A_2794 = tpu.dynamic_rotate %select_n3A_2785 by %roll3A_2793 dim 1 : vector<128x128xf32>, i32 -> vector<128x128xf32>
    %select_n3A_2795 = arith.select %eq3A_150, %roll3A_2792, %roll3A_2794 : vector<128x128xi1>, vector<128x128xf32>
    %xor3A_2796 = arith.xori %sub3A_49, %sub3A_139 : vector<128x128xi32>
    %sub3A_2797 = arith.constant 1 : i32
    %sub3A_2798 = vector.broadcast %sub3A_2797 : i32 to vector<128x128xi32>
    %sub3A_2799 = arith.subi %sub3A_2798, %xor3A_2796 : vector<128x128xi32>
    %le3A_2800 = arith.cmpf ole, %select_n3A_2784, %select_n3A_2790 : vector<128x128xf32>
    %jit3A_2801 = arith.constant 1 : i32
    %jit3A_2802 = arith.constant 0 : i32
    %broadcast_in_dim3A_2803 = vector.broadcast %jit3A_2801 : i32 to vector<128x128xi32>
    %broadcast_in_dim3A_2804 = vector.broadcast %jit3A_2802 : i32 to vector<128x128xi32>
    %select_n3A_2805 = arith.select %le3A_2800, %broadcast_in_dim3A_2803, %broadcast_in_dim3A_2804 : vector<128x128xi1>, vector<128x128xi32>
    %lt3A_2806 = arith.cmpf olt, %select_n3A_2784, %select_n3A_2790 : vector<128x128xf32>
    %jit3A_2807 = arith.constant 1 : i32
    %jit3A_2808 = arith.constant 0 : i32
    %broadcast_in_dim3A_2809 = vector.broadcast %jit3A_2807 : i32 to vector<128x128xi32>
    %broadcast_in_dim3A_2810 = vector.broadcast %jit3A_2808 : i32 to vector<128x128xi32>
    %select_n3A_2811 = arith.select %lt3A_2806, %broadcast_in_dim3A_2809, %broadcast_in_dim3A_2810 : vector<128x128xi1>, vector<128x128xi32>
    %select_n3A_2812 = arith.select %eq3A_150, %select_n3A_2805, %select_n3A_2811 : vector<128x128xi1>, vector<128x128xi32>
    %eq3A_2813 = arith.cmpi eq, %select_n3A_2812, %sub3A_2799 : vector<128x128xi32>
    %select_n3A_2814 = arith.select %eq3A_2813, %select_n3A_2784, %select_n3A_2790 : vector<128x128xi1>, vector<128x128xf32>
    %select_n3A_2815 = arith.select %eq3A_2813, %select_n3A_2785, %select_n3A_2795 : vector<128x128xi1>, vector<128x128xf32>
    %roll3A_2816 = arith.constant 124 : i32
    %roll3A_2817 = tpu.dynamic_rotate %select_n3A_2814 by %roll3A_2816 dim 1 : vector<128x128xf32>, i32 -> vector<128x128xf32>
    %roll3A_2818 = arith.constant 4 : i32
    %roll3A_2819 = tpu.dynamic_rotate %select_n3A_2814 by %roll3A_2818 dim 1 : vector<128x128xf32>, i32 -> vector<128x128xf32>
    %select_n3A_2820 = arith.select %eq3A_147, %roll3A_2817, %roll3A_2819 : vector<128x128xi1>, vector<128x128xf32>
    %roll3A_2821 = arith.constant 124 : i32
    %roll3A_2822 = tpu.dynamic_rotate %select_n3A_2815 by %roll3A_2821 dim 1 : vector<128x128xf32>, i32 -> vector<128x128xf32>
    %roll3A_2823 = arith.constant 4 : i32
    %roll3A_2824 = tpu.dynamic_rotate %select_n3A_2815 by %roll3A_2823 dim 1 : vector<128x128xf32>, i32 -> vector<128x128xf32>
    %select_n3A_2825 = arith.select %eq3A_147, %roll3A_2822, %roll3A_2824 : vector<128x128xi1>, vector<128x128xf32>
    %xor3A_2826 = arith.xori %sub3A_40, %sub3A_139 : vector<128x128xi32>
    %sub3A_2827 = arith.constant 1 : i32
    %sub3A_2828 = vector.broadcast %sub3A_2827 : i32 to vector<128x128xi32>
    %sub3A_2829 = arith.subi %sub3A_2828, %xor3A_2826 : vector<128x128xi32>
    %le3A_2830 = arith.cmpf ole, %select_n3A_2814, %select_n3A_2820 : vector<128x128xf32>
    %jit3A_2831 = arith.constant 1 : i32
    %jit3A_2832 = arith.constant 0 : i32
    %broadcast_in_dim3A_2833 = vector.broadcast %jit3A_2831 : i32 to vector<128x128xi32>
    %broadcast_in_dim3A_2834 = vector.broadcast %jit3A_2832 : i32 to vector<128x128xi32>
    %select_n3A_2835 = arith.select %le3A_2830, %broadcast_in_dim3A_2833, %broadcast_in_dim3A_2834 : vector<128x128xi1>, vector<128x128xi32>
    %lt3A_2836 = arith.cmpf olt, %select_n3A_2814, %select_n3A_2820 : vector<128x128xf32>
    %jit3A_2837 = arith.constant 1 : i32
    %jit3A_2838 = arith.constant 0 : i32
    %broadcast_in_dim3A_2839 = vector.broadcast %jit3A_2837 : i32 to vector<128x128xi32>
    %broadcast_in_dim3A_2840 = vector.broadcast %jit3A_2838 : i32 to vector<128x128xi32>
    %select_n3A_2841 = arith.select %lt3A_2836, %broadcast_in_dim3A_2839, %broadcast_in_dim3A_2840 : vector<128x128xi1>, vector<128x128xi32>
    %select_n3A_2842 = arith.select %eq3A_147, %select_n3A_2835, %select_n3A_2841 : vector<128x128xi1>, vector<128x128xi32>
    %eq3A_2843 = arith.cmpi eq, %select_n3A_2842, %sub3A_2829 : vector<128x128xi32>
    %select_n3A_2844 = arith.select %eq3A_2843, %select_n3A_2814, %select_n3A_2820 : vector<128x128xi1>, vector<128x128xf32>
    %select_n3A_2845 = arith.select %eq3A_2843, %select_n3A_2815, %select_n3A_2825 : vector<128x128xi1>, vector<128x128xf32>
    %roll3A_2846 = arith.constant 126 : i32
    %roll3A_2847 = tpu.dynamic_rotate %select_n3A_2844 by %roll3A_2846 dim 1 : vector<128x128xf32>, i32 -> vector<128x128xf32>
    %roll3A_2848 = arith.constant 2 : i32
    %roll3A_2849 = tpu.dynamic_rotate %select_n3A_2844 by %roll3A_2848 dim 1 : vector<128x128xf32>, i32 -> vector<128x128xf32>
    %select_n3A_2850 = arith.select %eq3A_144, %roll3A_2847, %roll3A_2849 : vector<128x128xi1>, vector<128x128xf32>
    %roll3A_2851 = arith.constant 126 : i32
    %roll3A_2852 = tpu.dynamic_rotate %select_n3A_2845 by %roll3A_2851 dim 1 : vector<128x128xf32>, i32 -> vector<128x128xf32>
    %roll3A_2853 = arith.constant 2 : i32
    %roll3A_2854 = tpu.dynamic_rotate %select_n3A_2845 by %roll3A_2853 dim 1 : vector<128x128xf32>, i32 -> vector<128x128xf32>
    %select_n3A_2855 = arith.select %eq3A_144, %roll3A_2852, %roll3A_2854 : vector<128x128xi1>, vector<128x128xf32>
    %xor3A_2856 = arith.xori %sub3A_31, %sub3A_139 : vector<128x128xi32>
    %sub3A_2857 = arith.constant 1 : i32
    %sub3A_2858 = vector.broadcast %sub3A_2857 : i32 to vector<128x128xi32>
    %sub3A_2859 = arith.subi %sub3A_2858, %xor3A_2856 : vector<128x128xi32>
    %le3A_2860 = arith.cmpf ole, %select_n3A_2844, %select_n3A_2850 : vector<128x128xf32>
    %jit3A_2861 = arith.constant 1 : i32
    %jit3A_2862 = arith.constant 0 : i32
    %broadcast_in_dim3A_2863 = vector.broadcast %jit3A_2861 : i32 to vector<128x128xi32>
    %broadcast_in_dim3A_2864 = vector.broadcast %jit3A_2862 : i32 to vector<128x128xi32>
    %select_n3A_2865 = arith.select %le3A_2860, %broadcast_in_dim3A_2863, %broadcast_in_dim3A_2864 : vector<128x128xi1>, vector<128x128xi32>
    %lt3A_2866 = arith.cmpf olt, %select_n3A_2844, %select_n3A_2850 : vector<128x128xf32>
    %jit3A_2867 = arith.constant 1 : i32
    %jit3A_2868 = arith.constant 0 : i32
    %broadcast_in_dim3A_2869 = vector.broadcast %jit3A_2867 : i32 to vector<128x128xi32>
    %broadcast_in_dim3A_2870 = vector.broadcast %jit3A_2868 : i32 to vector<128x128xi32>
    %select_n3A_2871 = arith.select %lt3A_2866, %broadcast_in_dim3A_2869, %broadcast_in_dim3A_2870 : vector<128x128xi1>, vector<128x128xi32>
    %select_n3A_2872 = arith.select %eq3A_144, %select_n3A_2865, %select_n3A_2871 : vector<128x128xi1>, vector<128x128xi32>
    %eq3A_2873 = arith.cmpi eq, %select_n3A_2872, %sub3A_2859 : vector<128x128xi32>
    %select_n3A_2874 = arith.select %eq3A_2873, %select_n3A_2844, %select_n3A_2850 : vector<128x128xi1>, vector<128x128xf32>
    %select_n3A_2875 = arith.select %eq3A_2873, %select_n3A_2845, %select_n3A_2855 : vector<128x128xi1>, vector<128x128xf32>
    %roll3A_2876 = arith.constant 127 : i32
    %roll3A_2877 = tpu.dynamic_rotate %select_n3A_2874 by %roll3A_2876 dim 1 : vector<128x128xf32>, i32 -> vector<128x128xf32>
    %roll3A_2878 = arith.constant 1 : i32
    %roll3A_2879 = tpu.dynamic_rotate %select_n3A_2874 by %roll3A_2878 dim 1 : vector<128x128xf32>, i32 -> vector<128x128xf32>
    %select_n3A_2880 = arith.select %eq3A_141, %roll3A_2877, %roll3A_2879 : vector<128x128xi1>, vector<128x128xf32>
    %roll3A_2881 = arith.constant 127 : i32
    %roll3A_2882 = tpu.dynamic_rotate %select_n3A_2875 by %roll3A_2881 dim 1 : vector<128x128xf32>, i32 -> vector<128x128xf32>
    %roll3A_2883 = arith.constant 1 : i32
    %roll3A_2884 = tpu.dynamic_rotate %select_n3A_2875 by %roll3A_2883 dim 1 : vector<128x128xf32>, i32 -> vector<128x128xf32>
    %select_n3A_2885 = arith.select %eq3A_141, %roll3A_2882, %roll3A_2884 : vector<128x128xi1>, vector<128x128xf32>
    %xor3A_2886 = arith.xori %sub3A_22, %sub3A_139 : vector<128x128xi32>
    %sub3A_2887 = arith.constant 1 : i32
    %sub3A_2888 = vector.broadcast %sub3A_2887 : i32 to vector<128x128xi32>
    %sub3A_2889 = arith.subi %sub3A_2888, %xor3A_2886 : vector<128x128xi32>
    %le3A_2890 = arith.cmpf ole, %select_n3A_2874, %select_n3A_2880 : vector<128x128xf32>
    %jit3A_2891 = arith.constant 1 : i32
    %jit3A_2892 = arith.constant 0 : i32
    %broadcast_in_dim3A_2893 = vector.broadcast %jit3A_2891 : i32 to vector<128x128xi32>
    %broadcast_in_dim3A_2894 = vector.broadcast %jit3A_2892 : i32 to vector<128x128xi32>
    %select_n3A_2895 = arith.select %le3A_2890, %broadcast_in_dim3A_2893, %broadcast_in_dim3A_2894 : vector<128x128xi1>, vector<128x128xi32>
    %lt3A_2896 = arith.cmpf olt, %select_n3A_2874, %select_n3A_2880 : vector<128x128xf32>
    %jit3A_2897 = arith.constant 1 : i32
    %jit3A_2898 = arith.constant 0 : i32
    %broadcast_in_dim3A_2899 = vector.broadcast %jit3A_2897 : i32 to vector<128x128xi32>
    %broadcast_in_dim3A_2900 = vector.broadcast %jit3A_2898 : i32 to vector<128x128xi32>
    %select_n3A_2901 = arith.select %lt3A_2896, %broadcast_in_dim3A_2899, %broadcast_in_dim3A_2900 : vector<128x128xi1>, vector<128x128xi32>
    %select_n3A_2902 = arith.select %eq3A_141, %select_n3A_2895, %select_n3A_2901 : vector<128x128xi1>, vector<128x128xi32>
    %eq3A_2903 = arith.cmpi eq, %select_n3A_2902, %sub3A_2889 : vector<128x128xi32>
    %select_n3A_2904 = arith.select %eq3A_2903, %select_n3A_2874, %select_n3A_2880 : vector<128x128xi1>, vector<128x128xf32>
    %select_n3A_2905 = arith.select %eq3A_2903, %select_n3A_2875, %select_n3A_2885 : vector<128x128xi1>, vector<128x128xf32>
    %roll3A_2906 = arith.constant 64 : i32
    %roll3A_2907 = tpu.dynamic_rotate %select_n3A_2904 by %roll3A_2906 dim 0 : vector<128x128xf32>, i32 -> vector<128x128xf32>
    %roll3A_2908 = arith.constant 64 : i32
    %roll3A_2909 = tpu.dynamic_rotate %select_n3A_2904 by %roll3A_2908 dim 0 : vector<128x128xf32>, i32 -> vector<128x128xf32>
    %select_n3A_2910 = arith.select %eq3A_180, %roll3A_2907, %roll3A_2909 : vector<128x128xi1>, vector<128x128xf32>
    %roll3A_2911 = arith.constant 64 : i32
    %roll3A_2912 = tpu.dynamic_rotate %select_n3A_2905 by %roll3A_2911 dim 0 : vector<128x128xf32>, i32 -> vector<128x128xf32>
    %roll3A_2913 = arith.constant 64 : i32
    %roll3A_2914 = tpu.dynamic_rotate %select_n3A_2905 by %roll3A_2913 dim 0 : vector<128x128xf32>, i32 -> vector<128x128xf32>
    %select_n3A_2915 = arith.select %eq3A_180, %roll3A_2912, %roll3A_2914 : vector<128x128xi1>, vector<128x128xf32>
    %xor3A_2916 = arith.xori %sub3A_139, %broadcast_in_dim3A_181 : vector<128x128xi32>
    %sub3A_2917 = arith.constant 1 : i32
    %sub3A_2918 = vector.broadcast %sub3A_2917 : i32 to vector<128x128xi32>
    %sub3A_2919 = arith.subi %sub3A_2918, %xor3A_2916 : vector<128x128xi32>
    %le3A_2920 = arith.cmpf ole, %select_n3A_2904, %select_n3A_2910 : vector<128x128xf32>
    %jit3A_2921 = arith.constant 1 : i32
    %jit3A_2922 = arith.constant 0 : i32
    %broadcast_in_dim3A_2923 = vector.broadcast %jit3A_2921 : i32 to vector<128x128xi32>
    %broadcast_in_dim3A_2924 = vector.broadcast %jit3A_2922 : i32 to vector<128x128xi32>
    %select_n3A_2925 = arith.select %le3A_2920, %broadcast_in_dim3A_2923, %broadcast_in_dim3A_2924 : vector<128x128xi1>, vector<128x128xi32>
    %lt3A_2926 = arith.cmpf olt, %select_n3A_2904, %select_n3A_2910 : vector<128x128xf32>
    %jit3A_2927 = arith.constant 1 : i32
    %jit3A_2928 = arith.constant 0 : i32
    %broadcast_in_dim3A_2929 = vector.broadcast %jit3A_2927 : i32 to vector<128x128xi32>
    %broadcast_in_dim3A_2930 = vector.broadcast %jit3A_2928 : i32 to vector<128x128xi32>
    %select_n3A_2931 = arith.select %lt3A_2926, %broadcast_in_dim3A_2929, %broadcast_in_dim3A_2930 : vector<128x128xi1>, vector<128x128xi32>
    %select_n3A_2932 = arith.select %eq3A_180, %select_n3A_2925, %select_n3A_2931 : vector<128x128xi1>, vector<128x128xi32>
    %eq3A_2933 = arith.cmpi eq, %select_n3A_2932, %sub3A_2919 : vector<128x128xi32>
    %select_n3A_2934 = arith.select %eq3A_2933, %select_n3A_2904, %select_n3A_2910 : vector<128x128xi1>, vector<128x128xf32>
    %select_n3A_2935 = arith.select %eq3A_2933, %select_n3A_2905, %select_n3A_2915 : vector<128x128xi1>, vector<128x128xf32>
    %roll3A_2936 = arith.constant 96 : i32
    %roll3A_2937 = tpu.dynamic_rotate %select_n3A_2934 by %roll3A_2936 dim 0 : vector<128x128xf32>, i32 -> vector<128x128xf32>
    %roll3A_2938 = arith.constant 32 : i32
    %roll3A_2939 = tpu.dynamic_rotate %select_n3A_2934 by %roll3A_2938 dim 0 : vector<128x128xf32>, i32 -> vector<128x128xf32>
    %select_n3A_2940 = arith.select %eq3A_177, %roll3A_2937, %roll3A_2939 : vector<128x128xi1>, vector<128x128xf32>
    %roll3A_2941 = arith.constant 96 : i32
    %roll3A_2942 = tpu.dynamic_rotate %select_n3A_2935 by %roll3A_2941 dim 0 : vector<128x128xf32>, i32 -> vector<128x128xf32>
    %roll3A_2943 = arith.constant 32 : i32
    %roll3A_2944 = tpu.dynamic_rotate %select_n3A_2935 by %roll3A_2943 dim 0 : vector<128x128xf32>, i32 -> vector<128x128xf32>
    %select_n3A_2945 = arith.select %eq3A_177, %roll3A_2942, %roll3A_2944 : vector<128x128xi1>, vector<128x128xf32>
    %xor3A_2946 = arith.xori %sub3A_130, %broadcast_in_dim3A_181 : vector<128x128xi32>
    %sub3A_2947 = arith.constant 1 : i32
    %sub3A_2948 = vector.broadcast %sub3A_2947 : i32 to vector<128x128xi32>
    %sub3A_2949 = arith.subi %sub3A_2948, %xor3A_2946 : vector<128x128xi32>
    %le3A_2950 = arith.cmpf ole, %select_n3A_2934, %select_n3A_2940 : vector<128x128xf32>
    %jit3A_2951 = arith.constant 1 : i32
    %jit3A_2952 = arith.constant 0 : i32
    %broadcast_in_dim3A_2953 = vector.broadcast %jit3A_2951 : i32 to vector<128x128xi32>
    %broadcast_in_dim3A_2954 = vector.broadcast %jit3A_2952 : i32 to vector<128x128xi32>
    %select_n3A_2955 = arith.select %le3A_2950, %broadcast_in_dim3A_2953, %broadcast_in_dim3A_2954 : vector<128x128xi1>, vector<128x128xi32>
    %lt3A_2956 = arith.cmpf olt, %select_n3A_2934, %select_n3A_2940 : vector<128x128xf32>
    %jit3A_2957 = arith.constant 1 : i32
    %jit3A_2958 = arith.constant 0 : i32
    %broadcast_in_dim3A_2959 = vector.broadcast %jit3A_2957 : i32 to vector<128x128xi32>
    %broadcast_in_dim3A_2960 = vector.broadcast %jit3A_2958 : i32 to vector<128x128xi32>
    %select_n3A_2961 = arith.select %lt3A_2956, %broadcast_in_dim3A_2959, %broadcast_in_dim3A_2960 : vector<128x128xi1>, vector<128x128xi32>
    %select_n3A_2962 = arith.select %eq3A_177, %select_n3A_2955, %select_n3A_2961 : vector<128x128xi1>, vector<128x128xi32>
    %eq3A_2963 = arith.cmpi eq, %select_n3A_2962, %sub3A_2949 : vector<128x128xi32>
    %select_n3A_2964 = arith.select %eq3A_2963, %select_n3A_2934, %select_n3A_2940 : vector<128x128xi1>, vector<128x128xf32>
    %select_n3A_2965 = arith.select %eq3A_2963, %select_n3A_2935, %select_n3A_2945 : vector<128x128xi1>, vector<128x128xf32>
    %roll3A_2966 = arith.constant 112 : i32
    %roll3A_2967 = tpu.dynamic_rotate %select_n3A_2964 by %roll3A_2966 dim 0 : vector<128x128xf32>, i32 -> vector<128x128xf32>
    %roll3A_2968 = arith.constant 16 : i32
    %roll3A_2969 = tpu.dynamic_rotate %select_n3A_2964 by %roll3A_2968 dim 0 : vector<128x128xf32>, i32 -> vector<128x128xf32>
    %select_n3A_2970 = arith.select %eq3A_174, %roll3A_2967, %roll3A_2969 : vector<128x128xi1>, vector<128x128xf32>
    %roll3A_2971 = arith.constant 112 : i32
    %roll3A_2972 = tpu.dynamic_rotate %select_n3A_2965 by %roll3A_2971 dim 0 : vector<128x128xf32>, i32 -> vector<128x128xf32>
    %roll3A_2973 = arith.constant 16 : i32
    %roll3A_2974 = tpu.dynamic_rotate %select_n3A_2965 by %roll3A_2973 dim 0 : vector<128x128xf32>, i32 -> vector<128x128xf32>
    %select_n3A_2975 = arith.select %eq3A_174, %roll3A_2972, %roll3A_2974 : vector<128x128xi1>, vector<128x128xf32>
    %xor3A_2976 = arith.xori %sub3A_121, %broadcast_in_dim3A_181 : vector<128x128xi32>
    %sub3A_2977 = arith.constant 1 : i32
    %sub3A_2978 = vector.broadcast %sub3A_2977 : i32 to vector<128x128xi32>
    %sub3A_2979 = arith.subi %sub3A_2978, %xor3A_2976 : vector<128x128xi32>
    %le3A_2980 = arith.cmpf ole, %select_n3A_2964, %select_n3A_2970 : vector<128x128xf32>
    %jit3A_2981 = arith.constant 1 : i32
    %jit3A_2982 = arith.constant 0 : i32
    %broadcast_in_dim3A_2983 = vector.broadcast %jit3A_2981 : i32 to vector<128x128xi32>
    %broadcast_in_dim3A_2984 = vector.broadcast %jit3A_2982 : i32 to vector<128x128xi32>
    %select_n3A_2985 = arith.select %le3A_2980, %broadcast_in_dim3A_2983, %broadcast_in_dim3A_2984 : vector<128x128xi1>, vector<128x128xi32>
    %lt3A_2986 = arith.cmpf olt, %select_n3A_2964, %select_n3A_2970 : vector<128x128xf32>
    %jit3A_2987 = arith.constant 1 : i32
    %jit3A_2988 = arith.constant 0 : i32
    %broadcast_in_dim3A_2989 = vector.broadcast %jit3A_2987 : i32 to vector<128x128xi32>
    %broadcast_in_dim3A_2990 = vector.broadcast %jit3A_2988 : i32 to vector<128x128xi32>
    %select_n3A_2991 = arith.select %lt3A_2986, %broadcast_in_dim3A_2989, %broadcast_in_dim3A_2990 : vector<128x128xi1>, vector<128x128xi32>
    %select_n3A_2992 = arith.select %eq3A_174, %select_n3A_2985, %select_n3A_2991 : vector<128x128xi1>, vector<128x128xi32>
    %eq3A_2993 = arith.cmpi eq, %select_n3A_2992, %sub3A_2979 : vector<128x128xi32>
    %select_n3A_2994 = arith.select %eq3A_2993, %select_n3A_2964, %select_n3A_2970 : vector<128x128xi1>, vector<128x128xf32>
    %select_n3A_2995 = arith.select %eq3A_2993, %select_n3A_2965, %select_n3A_2975 : vector<128x128xi1>, vector<128x128xf32>
    %roll3A_2996 = arith.constant 120 : i32
    %roll3A_2997 = tpu.dynamic_rotate %select_n3A_2994 by %roll3A_2996 dim 0 : vector<128x128xf32>, i32 -> vector<128x128xf32>
    %roll3A_2998 = arith.constant 8 : i32
    %roll3A_2999 = tpu.dynamic_rotate %select_n3A_2994 by %roll3A_2998 dim 0 : vector<128x128xf32>, i32 -> vector<128x128xf32>
    %select_n3A_3000 = arith.select %eq3A_171, %roll3A_2997, %roll3A_2999 : vector<128x128xi1>, vector<128x128xf32>
    %roll3A_3001 = arith.constant 120 : i32
    %roll3A_3002 = tpu.dynamic_rotate %select_n3A_2995 by %roll3A_3001 dim 0 : vector<128x128xf32>, i32 -> vector<128x128xf32>
    %roll3A_3003 = arith.constant 8 : i32
    %roll3A_3004 = tpu.dynamic_rotate %select_n3A_2995 by %roll3A_3003 dim 0 : vector<128x128xf32>, i32 -> vector<128x128xf32>
    %select_n3A_3005 = arith.select %eq3A_171, %roll3A_3002, %roll3A_3004 : vector<128x128xi1>, vector<128x128xf32>
    %xor3A_3006 = arith.xori %sub3A_112, %broadcast_in_dim3A_181 : vector<128x128xi32>
    %sub3A_3007 = arith.constant 1 : i32
    %sub3A_3008 = vector.broadcast %sub3A_3007 : i32 to vector<128x128xi32>
    %sub3A_3009 = arith.subi %sub3A_3008, %xor3A_3006 : vector<128x128xi32>
    %le3A_3010 = arith.cmpf ole, %select_n3A_2994, %select_n3A_3000 : vector<128x128xf32>
    %jit3A_3011 = arith.constant 1 : i32
    %jit3A_3012 = arith.constant 0 : i32
    %broadcast_in_dim3A_3013 = vector.broadcast %jit3A_3011 : i32 to vector<128x128xi32>
    %broadcast_in_dim3A_3014 = vector.broadcast %jit3A_3012 : i32 to vector<128x128xi32>
    %select_n3A_3015 = arith.select %le3A_3010, %broadcast_in_dim3A_3013, %broadcast_in_dim3A_3014 : vector<128x128xi1>, vector<128x128xi32>
    %lt3A_3016 = arith.cmpf olt, %select_n3A_2994, %select_n3A_3000 : vector<128x128xf32>
    %jit3A_3017 = arith.constant 1 : i32
    %jit3A_3018 = arith.constant 0 : i32
    %broadcast_in_dim3A_3019 = vector.broadcast %jit3A_3017 : i32 to vector<128x128xi32>
    %broadcast_in_dim3A_3020 = vector.broadcast %jit3A_3018 : i32 to vector<128x128xi32>
    %select_n3A_3021 = arith.select %lt3A_3016, %broadcast_in_dim3A_3019, %broadcast_in_dim3A_3020 : vector<128x128xi1>, vector<128x128xi32>
    %select_n3A_3022 = arith.select %eq3A_171, %select_n3A_3015, %select_n3A_3021 : vector<128x128xi1>, vector<128x128xi32>
    %eq3A_3023 = arith.cmpi eq, %select_n3A_3022, %sub3A_3009 : vector<128x128xi32>
    %select_n3A_3024 = arith.select %eq3A_3023, %select_n3A_2994, %select_n3A_3000 : vector<128x128xi1>, vector<128x128xf32>
    %select_n3A_3025 = arith.select %eq3A_3023, %select_n3A_2995, %select_n3A_3005 : vector<128x128xi1>, vector<128x128xf32>
    %roll3A_3026 = arith.constant 124 : i32
    %roll3A_3027 = tpu.dynamic_rotate %select_n3A_3024 by %roll3A_3026 dim 0 : vector<128x128xf32>, i32 -> vector<128x128xf32>
    %roll3A_3028 = arith.constant 4 : i32
    %roll3A_3029 = tpu.dynamic_rotate %select_n3A_3024 by %roll3A_3028 dim 0 : vector<128x128xf32>, i32 -> vector<128x128xf32>
    %select_n3A_3030 = arith.select %eq3A_168, %roll3A_3027, %roll3A_3029 : vector<128x128xi1>, vector<128x128xf32>
    %roll3A_3031 = arith.constant 124 : i32
    %roll3A_3032 = tpu.dynamic_rotate %select_n3A_3025 by %roll3A_3031 dim 0 : vector<128x128xf32>, i32 -> vector<128x128xf32>
    %roll3A_3033 = arith.constant 4 : i32
    %roll3A_3034 = tpu.dynamic_rotate %select_n3A_3025 by %roll3A_3033 dim 0 : vector<128x128xf32>, i32 -> vector<128x128xf32>
    %select_n3A_3035 = arith.select %eq3A_168, %roll3A_3032, %roll3A_3034 : vector<128x128xi1>, vector<128x128xf32>
    %xor3A_3036 = arith.xori %sub3A_103, %broadcast_in_dim3A_181 : vector<128x128xi32>
    %sub3A_3037 = arith.constant 1 : i32
    %sub3A_3038 = vector.broadcast %sub3A_3037 : i32 to vector<128x128xi32>
    %sub3A_3039 = arith.subi %sub3A_3038, %xor3A_3036 : vector<128x128xi32>
    %le3A_3040 = arith.cmpf ole, %select_n3A_3024, %select_n3A_3030 : vector<128x128xf32>
    %jit3A_3041 = arith.constant 1 : i32
    %jit3A_3042 = arith.constant 0 : i32
    %broadcast_in_dim3A_3043 = vector.broadcast %jit3A_3041 : i32 to vector<128x128xi32>
    %broadcast_in_dim3A_3044 = vector.broadcast %jit3A_3042 : i32 to vector<128x128xi32>
    %select_n3A_3045 = arith.select %le3A_3040, %broadcast_in_dim3A_3043, %broadcast_in_dim3A_3044 : vector<128x128xi1>, vector<128x128xi32>
    %lt3A_3046 = arith.cmpf olt, %select_n3A_3024, %select_n3A_3030 : vector<128x128xf32>
    %jit3A_3047 = arith.constant 1 : i32
    %jit3A_3048 = arith.constant 0 : i32
    %broadcast_in_dim3A_3049 = vector.broadcast %jit3A_3047 : i32 to vector<128x128xi32>
    %broadcast_in_dim3A_3050 = vector.broadcast %jit3A_3048 : i32 to vector<128x128xi32>
    %select_n3A_3051 = arith.select %lt3A_3046, %broadcast_in_dim3A_3049, %broadcast_in_dim3A_3050 : vector<128x128xi1>, vector<128x128xi32>
    %select_n3A_3052 = arith.select %eq3A_168, %select_n3A_3045, %select_n3A_3051 : vector<128x128xi1>, vector<128x128xi32>
    %eq3A_3053 = arith.cmpi eq, %select_n3A_3052, %sub3A_3039 : vector<128x128xi32>
    %select_n3A_3054 = arith.select %eq3A_3053, %select_n3A_3024, %select_n3A_3030 : vector<128x128xi1>, vector<128x128xf32>
    %select_n3A_3055 = arith.select %eq3A_3053, %select_n3A_3025, %select_n3A_3035 : vector<128x128xi1>, vector<128x128xf32>
    %roll3A_3056 = arith.constant 126 : i32
    %roll3A_3057 = tpu.dynamic_rotate %select_n3A_3054 by %roll3A_3056 dim 0 : vector<128x128xf32>, i32 -> vector<128x128xf32>
    %roll3A_3058 = arith.constant 2 : i32
    %roll3A_3059 = tpu.dynamic_rotate %select_n3A_3054 by %roll3A_3058 dim 0 : vector<128x128xf32>, i32 -> vector<128x128xf32>
    %select_n3A_3060 = arith.select %eq3A_165, %roll3A_3057, %roll3A_3059 : vector<128x128xi1>, vector<128x128xf32>
    %roll3A_3061 = arith.constant 126 : i32
    %roll3A_3062 = tpu.dynamic_rotate %select_n3A_3055 by %roll3A_3061 dim 0 : vector<128x128xf32>, i32 -> vector<128x128xf32>
    %roll3A_3063 = arith.constant 2 : i32
    %roll3A_3064 = tpu.dynamic_rotate %select_n3A_3055 by %roll3A_3063 dim 0 : vector<128x128xf32>, i32 -> vector<128x128xf32>
    %select_n3A_3065 = arith.select %eq3A_165, %roll3A_3062, %roll3A_3064 : vector<128x128xi1>, vector<128x128xf32>
    %xor3A_3066 = arith.xori %sub3A_94, %broadcast_in_dim3A_181 : vector<128x128xi32>
    %sub3A_3067 = arith.constant 1 : i32
    %sub3A_3068 = vector.broadcast %sub3A_3067 : i32 to vector<128x128xi32>
    %sub3A_3069 = arith.subi %sub3A_3068, %xor3A_3066 : vector<128x128xi32>
    %le3A_3070 = arith.cmpf ole, %select_n3A_3054, %select_n3A_3060 : vector<128x128xf32>
    %jit3A_3071 = arith.constant 1 : i32
    %jit3A_3072 = arith.constant 0 : i32
    %broadcast_in_dim3A_3073 = vector.broadcast %jit3A_3071 : i32 to vector<128x128xi32>
    %broadcast_in_dim3A_3074 = vector.broadcast %jit3A_3072 : i32 to vector<128x128xi32>
    %select_n3A_3075 = arith.select %le3A_3070, %broadcast_in_dim3A_3073, %broadcast_in_dim3A_3074 : vector<128x128xi1>, vector<128x128xi32>
    %lt3A_3076 = arith.cmpf olt, %select_n3A_3054, %select_n3A_3060 : vector<128x128xf32>
    %jit3A_3077 = arith.constant 1 : i32
    %jit3A_3078 = arith.constant 0 : i32
    %broadcast_in_dim3A_3079 = vector.broadcast %jit3A_3077 : i32 to vector<128x128xi32>
    %broadcast_in_dim3A_3080 = vector.broadcast %jit3A_3078 : i32 to vector<128x128xi32>
    %select_n3A_3081 = arith.select %lt3A_3076, %broadcast_in_dim3A_3079, %broadcast_in_dim3A_3080 : vector<128x128xi1>, vector<128x128xi32>
    %select_n3A_3082 = arith.select %eq3A_165, %select_n3A_3075, %select_n3A_3081 : vector<128x128xi1>, vector<128x128xi32>
    %eq3A_3083 = arith.cmpi eq, %select_n3A_3082, %sub3A_3069 : vector<128x128xi32>
    %select_n3A_3084 = arith.select %eq3A_3083, %select_n3A_3054, %select_n3A_3060 : vector<128x128xi1>, vector<128x128xf32>
    %select_n3A_3085 = arith.select %eq3A_3083, %select_n3A_3055, %select_n3A_3065 : vector<128x128xi1>, vector<128x128xf32>
    %roll3A_3086 = arith.constant 127 : i32
    %roll3A_3087 = tpu.dynamic_rotate %select_n3A_3084 by %roll3A_3086 dim 0 : vector<128x128xf32>, i32 -> vector<128x128xf32>
    %roll3A_3088 = arith.constant 1 : i32
    %roll3A_3089 = tpu.dynamic_rotate %select_n3A_3084 by %roll3A_3088 dim 0 : vector<128x128xf32>, i32 -> vector<128x128xf32>
    %select_n3A_3090 = arith.select %eq3A_162, %roll3A_3087, %roll3A_3089 : vector<128x128xi1>, vector<128x128xf32>
    %roll3A_3091 = arith.constant 127 : i32
    %roll3A_3092 = tpu.dynamic_rotate %select_n3A_3085 by %roll3A_3091 dim 0 : vector<128x128xf32>, i32 -> vector<128x128xf32>
    %roll3A_3093 = arith.constant 1 : i32
    %roll3A_3094 = tpu.dynamic_rotate %select_n3A_3085 by %roll3A_3093 dim 0 : vector<128x128xf32>, i32 -> vector<128x128xf32>
    %select_n3A_3095 = arith.select %eq3A_162, %roll3A_3092, %roll3A_3094 : vector<128x128xi1>, vector<128x128xf32>
    %xor3A_3096 = arith.xori %sub3A_85, %broadcast_in_dim3A_181 : vector<128x128xi32>
    %sub3A_3097 = arith.constant 1 : i32
    %sub3A_3098 = vector.broadcast %sub3A_3097 : i32 to vector<128x128xi32>
    %sub3A_3099 = arith.subi %sub3A_3098, %xor3A_3096 : vector<128x128xi32>
    %le3A_3100 = arith.cmpf ole, %select_n3A_3084, %select_n3A_3090 : vector<128x128xf32>
    %jit3A_3101 = arith.constant 1 : i32
    %jit3A_3102 = arith.constant 0 : i32
    %broadcast_in_dim3A_3103 = vector.broadcast %jit3A_3101 : i32 to vector<128x128xi32>
    %broadcast_in_dim3A_3104 = vector.broadcast %jit3A_3102 : i32 to vector<128x128xi32>
    %select_n3A_3105 = arith.select %le3A_3100, %broadcast_in_dim3A_3103, %broadcast_in_dim3A_3104 : vector<128x128xi1>, vector<128x128xi32>
    %lt3A_3106 = arith.cmpf olt, %select_n3A_3084, %select_n3A_3090 : vector<128x128xf32>
    %jit3A_3107 = arith.constant 1 : i32
    %jit3A_3108 = arith.constant 0 : i32
    %broadcast_in_dim3A_3109 = vector.broadcast %jit3A_3107 : i32 to vector<128x128xi32>
    %broadcast_in_dim3A_3110 = vector.broadcast %jit3A_3108 : i32 to vector<128x128xi32>
    %select_n3A_3111 = arith.select %lt3A_3106, %broadcast_in_dim3A_3109, %broadcast_in_dim3A_3110 : vector<128x128xi1>, vector<128x128xi32>
    %select_n3A_3112 = arith.select %eq3A_162, %select_n3A_3105, %select_n3A_3111 : vector<128x128xi1>, vector<128x128xi32>
    %eq3A_3113 = arith.cmpi eq, %select_n3A_3112, %sub3A_3099 : vector<128x128xi32>
    %select_n3A_3114 = arith.select %eq3A_3113, %select_n3A_3084, %select_n3A_3090 : vector<128x128xi1>, vector<128x128xf32>
    %select_n3A_3115 = arith.select %eq3A_3113, %select_n3A_3085, %select_n3A_3095 : vector<128x128xi1>, vector<128x128xf32>
    %roll3A_3116 = arith.constant 64 : i32
    %roll3A_3117 = tpu.dynamic_rotate %select_n3A_3114 by %roll3A_3116 dim 1 : vector<128x128xf32>, i32 -> vector<128x128xf32>
    %roll3A_3118 = arith.constant 64 : i32
    %roll3A_3119 = tpu.dynamic_rotate %select_n3A_3114 by %roll3A_3118 dim 1 : vector<128x128xf32>, i32 -> vector<128x128xf32>
    %select_n3A_3120 = arith.select %eq3A_159, %roll3A_3117, %roll3A_3119 : vector<128x128xi1>, vector<128x128xf32>
    %roll3A_3121 = arith.constant 64 : i32
    %roll3A_3122 = tpu.dynamic_rotate %select_n3A_3115 by %roll3A_3121 dim 1 : vector<128x128xf32>, i32 -> vector<128x128xf32>
    %roll3A_3123 = arith.constant 64 : i32
    %roll3A_3124 = tpu.dynamic_rotate %select_n3A_3115 by %roll3A_3123 dim 1 : vector<128x128xf32>, i32 -> vector<128x128xf32>
    %select_n3A_3125 = arith.select %eq3A_159, %roll3A_3122, %roll3A_3124 : vector<128x128xi1>, vector<128x128xf32>
    %xor3A_3126 = arith.xori %sub3A_76, %broadcast_in_dim3A_181 : vector<128x128xi32>
    %sub3A_3127 = arith.constant 1 : i32
    %sub3A_3128 = vector.broadcast %sub3A_3127 : i32 to vector<128x128xi32>
    %sub3A_3129 = arith.subi %sub3A_3128, %xor3A_3126 : vector<128x128xi32>
    %le3A_3130 = arith.cmpf ole, %select_n3A_3114, %select_n3A_3120 : vector<128x128xf32>
    %jit3A_3131 = arith.constant 1 : i32
    %jit3A_3132 = arith.constant 0 : i32
    %broadcast_in_dim3A_3133 = vector.broadcast %jit3A_3131 : i32 to vector<128x128xi32>
    %broadcast_in_dim3A_3134 = vector.broadcast %jit3A_3132 : i32 to vector<128x128xi32>
    %select_n3A_3135 = arith.select %le3A_3130, %broadcast_in_dim3A_3133, %broadcast_in_dim3A_3134 : vector<128x128xi1>, vector<128x128xi32>
    %lt3A_3136 = arith.cmpf olt, %select_n3A_3114, %select_n3A_3120 : vector<128x128xf32>
    %jit3A_3137 = arith.constant 1 : i32
    %jit3A_3138 = arith.constant 0 : i32
    %broadcast_in_dim3A_3139 = vector.broadcast %jit3A_3137 : i32 to vector<128x128xi32>
    %broadcast_in_dim3A_3140 = vector.broadcast %jit3A_3138 : i32 to vector<128x128xi32>
    %select_n3A_3141 = arith.select %lt3A_3136, %broadcast_in_dim3A_3139, %broadcast_in_dim3A_3140 : vector<128x128xi1>, vector<128x128xi32>
    %select_n3A_3142 = arith.select %eq3A_159, %select_n3A_3135, %select_n3A_3141 : vector<128x128xi1>, vector<128x128xi32>
    %eq3A_3143 = arith.cmpi eq, %select_n3A_3142, %sub3A_3129 : vector<128x128xi32>
    %select_n3A_3144 = arith.select %eq3A_3143, %select_n3A_3114, %select_n3A_3120 : vector<128x128xi1>, vector<128x128xf32>
    %select_n3A_3145 = arith.select %eq3A_3143, %select_n3A_3115, %select_n3A_3125 : vector<128x128xi1>, vector<128x128xf32>
    %roll3A_3146 = arith.constant 96 : i32
    %roll3A_3147 = tpu.dynamic_rotate %select_n3A_3144 by %roll3A_3146 dim 1 : vector<128x128xf32>, i32 -> vector<128x128xf32>
    %roll3A_3148 = arith.constant 32 : i32
    %roll3A_3149 = tpu.dynamic_rotate %select_n3A_3144 by %roll3A_3148 dim 1 : vector<128x128xf32>, i32 -> vector<128x128xf32>
    %select_n3A_3150 = arith.select %eq3A_156, %roll3A_3147, %roll3A_3149 : vector<128x128xi1>, vector<128x128xf32>
    %roll3A_3151 = arith.constant 96 : i32
    %roll3A_3152 = tpu.dynamic_rotate %select_n3A_3145 by %roll3A_3151 dim 1 : vector<128x128xf32>, i32 -> vector<128x128xf32>
    %roll3A_3153 = arith.constant 32 : i32
    %roll3A_3154 = tpu.dynamic_rotate %select_n3A_3145 by %roll3A_3153 dim 1 : vector<128x128xf32>, i32 -> vector<128x128xf32>
    %select_n3A_3155 = arith.select %eq3A_156, %roll3A_3152, %roll3A_3154 : vector<128x128xi1>, vector<128x128xf32>
    %xor3A_3156 = arith.xori %sub3A_67, %broadcast_in_dim3A_181 : vector<128x128xi32>
    %sub3A_3157 = arith.constant 1 : i32
    %sub3A_3158 = vector.broadcast %sub3A_3157 : i32 to vector<128x128xi32>
    %sub3A_3159 = arith.subi %sub3A_3158, %xor3A_3156 : vector<128x128xi32>
    %le3A_3160 = arith.cmpf ole, %select_n3A_3144, %select_n3A_3150 : vector<128x128xf32>
    %jit3A_3161 = arith.constant 1 : i32
    %jit3A_3162 = arith.constant 0 : i32
    %broadcast_in_dim3A_3163 = vector.broadcast %jit3A_3161 : i32 to vector<128x128xi32>
    %broadcast_in_dim3A_3164 = vector.broadcast %jit3A_3162 : i32 to vector<128x128xi32>
    %select_n3A_3165 = arith.select %le3A_3160, %broadcast_in_dim3A_3163, %broadcast_in_dim3A_3164 : vector<128x128xi1>, vector<128x128xi32>
    %lt3A_3166 = arith.cmpf olt, %select_n3A_3144, %select_n3A_3150 : vector<128x128xf32>
    %jit3A_3167 = arith.constant 1 : i32
    %jit3A_3168 = arith.constant 0 : i32
    %broadcast_in_dim3A_3169 = vector.broadcast %jit3A_3167 : i32 to vector<128x128xi32>
    %broadcast_in_dim3A_3170 = vector.broadcast %jit3A_3168 : i32 to vector<128x128xi32>
    %select_n3A_3171 = arith.select %lt3A_3166, %broadcast_in_dim3A_3169, %broadcast_in_dim3A_3170 : vector<128x128xi1>, vector<128x128xi32>
    %select_n3A_3172 = arith.select %eq3A_156, %select_n3A_3165, %select_n3A_3171 : vector<128x128xi1>, vector<128x128xi32>
    %eq3A_3173 = arith.cmpi eq, %select_n3A_3172, %sub3A_3159 : vector<128x128xi32>
    %select_n3A_3174 = arith.select %eq3A_3173, %select_n3A_3144, %select_n3A_3150 : vector<128x128xi1>, vector<128x128xf32>
    %select_n3A_3175 = arith.select %eq3A_3173, %select_n3A_3145, %select_n3A_3155 : vector<128x128xi1>, vector<128x128xf32>
    %roll3A_3176 = arith.constant 112 : i32
    %roll3A_3177 = tpu.dynamic_rotate %select_n3A_3174 by %roll3A_3176 dim 1 : vector<128x128xf32>, i32 -> vector<128x128xf32>
    %roll3A_3178 = arith.constant 16 : i32
    %roll3A_3179 = tpu.dynamic_rotate %select_n3A_3174 by %roll3A_3178 dim 1 : vector<128x128xf32>, i32 -> vector<128x128xf32>
    %select_n3A_3180 = arith.select %eq3A_153, %roll3A_3177, %roll3A_3179 : vector<128x128xi1>, vector<128x128xf32>
    %roll3A_3181 = arith.constant 112 : i32
    %roll3A_3182 = tpu.dynamic_rotate %select_n3A_3175 by %roll3A_3181 dim 1 : vector<128x128xf32>, i32 -> vector<128x128xf32>
    %roll3A_3183 = arith.constant 16 : i32
    %roll3A_3184 = tpu.dynamic_rotate %select_n3A_3175 by %roll3A_3183 dim 1 : vector<128x128xf32>, i32 -> vector<128x128xf32>
    %select_n3A_3185 = arith.select %eq3A_153, %roll3A_3182, %roll3A_3184 : vector<128x128xi1>, vector<128x128xf32>
    %xor3A_3186 = arith.xori %sub3A_58, %broadcast_in_dim3A_181 : vector<128x128xi32>
    %sub3A_3187 = arith.constant 1 : i32
    %sub3A_3188 = vector.broadcast %sub3A_3187 : i32 to vector<128x128xi32>
    %sub3A_3189 = arith.subi %sub3A_3188, %xor3A_3186 : vector<128x128xi32>
    %le3A_3190 = arith.cmpf ole, %select_n3A_3174, %select_n3A_3180 : vector<128x128xf32>
    %jit3A_3191 = arith.constant 1 : i32
    %jit3A_3192 = arith.constant 0 : i32
    %broadcast_in_dim3A_3193 = vector.broadcast %jit3A_3191 : i32 to vector<128x128xi32>
    %broadcast_in_dim3A_3194 = vector.broadcast %jit3A_3192 : i32 to vector<128x128xi32>
    %select_n3A_3195 = arith.select %le3A_3190, %broadcast_in_dim3A_3193, %broadcast_in_dim3A_3194 : vector<128x128xi1>, vector<128x128xi32>
    %lt3A_3196 = arith.cmpf olt, %select_n3A_3174, %select_n3A_3180 : vector<128x128xf32>
    %jit3A_3197 = arith.constant 1 : i32
    %jit3A_3198 = arith.constant 0 : i32
    %broadcast_in_dim3A_3199 = vector.broadcast %jit3A_3197 : i32 to vector<128x128xi32>
    %broadcast_in_dim3A_3200 = vector.broadcast %jit3A_3198 : i32 to vector<128x128xi32>
    %select_n3A_3201 = arith.select %lt3A_3196, %broadcast_in_dim3A_3199, %broadcast_in_dim3A_3200 : vector<128x128xi1>, vector<128x128xi32>
    %select_n3A_3202 = arith.select %eq3A_153, %select_n3A_3195, %select_n3A_3201 : vector<128x128xi1>, vector<128x128xi32>
    %eq3A_3203 = arith.cmpi eq, %select_n3A_3202, %sub3A_3189 : vector<128x128xi32>
    %select_n3A_3204 = arith.select %eq3A_3203, %select_n3A_3174, %select_n3A_3180 : vector<128x128xi1>, vector<128x128xf32>
    %select_n3A_3205 = arith.select %eq3A_3203, %select_n3A_3175, %select_n3A_3185 : vector<128x128xi1>, vector<128x128xf32>
    %roll3A_3206 = arith.constant 120 : i32
    %roll3A_3207 = tpu.dynamic_rotate %select_n3A_3204 by %roll3A_3206 dim 1 : vector<128x128xf32>, i32 -> vector<128x128xf32>
    %roll3A_3208 = arith.constant 8 : i32
    %roll3A_3209 = tpu.dynamic_rotate %select_n3A_3204 by %roll3A_3208 dim 1 : vector<128x128xf32>, i32 -> vector<128x128xf32>
    %select_n3A_3210 = arith.select %eq3A_150, %roll3A_3207, %roll3A_3209 : vector<128x128xi1>, vector<128x128xf32>
    %roll3A_3211 = arith.constant 120 : i32
    %roll3A_3212 = tpu.dynamic_rotate %select_n3A_3205 by %roll3A_3211 dim 1 : vector<128x128xf32>, i32 -> vector<128x128xf32>
    %roll3A_3213 = arith.constant 8 : i32
    %roll3A_3214 = tpu.dynamic_rotate %select_n3A_3205 by %roll3A_3213 dim 1 : vector<128x128xf32>, i32 -> vector<128x128xf32>
    %select_n3A_3215 = arith.select %eq3A_150, %roll3A_3212, %roll3A_3214 : vector<128x128xi1>, vector<128x128xf32>
    %xor3A_3216 = arith.xori %sub3A_49, %broadcast_in_dim3A_181 : vector<128x128xi32>
    %sub3A_3217 = arith.constant 1 : i32
    %sub3A_3218 = vector.broadcast %sub3A_3217 : i32 to vector<128x128xi32>
    %sub3A_3219 = arith.subi %sub3A_3218, %xor3A_3216 : vector<128x128xi32>
    %le3A_3220 = arith.cmpf ole, %select_n3A_3204, %select_n3A_3210 : vector<128x128xf32>
    %jit3A_3221 = arith.constant 1 : i32
    %jit3A_3222 = arith.constant 0 : i32
    %broadcast_in_dim3A_3223 = vector.broadcast %jit3A_3221 : i32 to vector<128x128xi32>
    %broadcast_in_dim3A_3224 = vector.broadcast %jit3A_3222 : i32 to vector<128x128xi32>
    %select_n3A_3225 = arith.select %le3A_3220, %broadcast_in_dim3A_3223, %broadcast_in_dim3A_3224 : vector<128x128xi1>, vector<128x128xi32>
    %lt3A_3226 = arith.cmpf olt, %select_n3A_3204, %select_n3A_3210 : vector<128x128xf32>
    %jit3A_3227 = arith.constant 1 : i32
    %jit3A_3228 = arith.constant 0 : i32
    %broadcast_in_dim3A_3229 = vector.broadcast %jit3A_3227 : i32 to vector<128x128xi32>
    %broadcast_in_dim3A_3230 = vector.broadcast %jit3A_3228 : i32 to vector<128x128xi32>
    %select_n3A_3231 = arith.select %lt3A_3226, %broadcast_in_dim3A_3229, %broadcast_in_dim3A_3230 : vector<128x128xi1>, vector<128x128xi32>
    %select_n3A_3232 = arith.select %eq3A_150, %select_n3A_3225, %select_n3A_3231 : vector<128x128xi1>, vector<128x128xi32>
    %eq3A_3233 = arith.cmpi eq, %select_n3A_3232, %sub3A_3219 : vector<128x128xi32>
    %select_n3A_3234 = arith.select %eq3A_3233, %select_n3A_3204, %select_n3A_3210 : vector<128x128xi1>, vector<128x128xf32>
    %select_n3A_3235 = arith.select %eq3A_3233, %select_n3A_3205, %select_n3A_3215 : vector<128x128xi1>, vector<128x128xf32>
    %roll3A_3236 = arith.constant 124 : i32
    %roll3A_3237 = tpu.dynamic_rotate %select_n3A_3234 by %roll3A_3236 dim 1 : vector<128x128xf32>, i32 -> vector<128x128xf32>
    %roll3A_3238 = arith.constant 4 : i32
    %roll3A_3239 = tpu.dynamic_rotate %select_n3A_3234 by %roll3A_3238 dim 1 : vector<128x128xf32>, i32 -> vector<128x128xf32>
    %select_n3A_3240 = arith.select %eq3A_147, %roll3A_3237, %roll3A_3239 : vector<128x128xi1>, vector<128x128xf32>
    %roll3A_3241 = arith.constant 124 : i32
    %roll3A_3242 = tpu.dynamic_rotate %select_n3A_3235 by %roll3A_3241 dim 1 : vector<128x128xf32>, i32 -> vector<128x128xf32>
    %roll3A_3243 = arith.constant 4 : i32
    %roll3A_3244 = tpu.dynamic_rotate %select_n3A_3235 by %roll3A_3243 dim 1 : vector<128x128xf32>, i32 -> vector<128x128xf32>
    %select_n3A_3245 = arith.select %eq3A_147, %roll3A_3242, %roll3A_3244 : vector<128x128xi1>, vector<128x128xf32>
    %xor3A_3246 = arith.xori %sub3A_40, %broadcast_in_dim3A_181 : vector<128x128xi32>
    %sub3A_3247 = arith.constant 1 : i32
    %sub3A_3248 = vector.broadcast %sub3A_3247 : i32 to vector<128x128xi32>
    %sub3A_3249 = arith.subi %sub3A_3248, %xor3A_3246 : vector<128x128xi32>
    %le3A_3250 = arith.cmpf ole, %select_n3A_3234, %select_n3A_3240 : vector<128x128xf32>
    %jit3A_3251 = arith.constant 1 : i32
    %jit3A_3252 = arith.constant 0 : i32
    %broadcast_in_dim3A_3253 = vector.broadcast %jit3A_3251 : i32 to vector<128x128xi32>
    %broadcast_in_dim3A_3254 = vector.broadcast %jit3A_3252 : i32 to vector<128x128xi32>
    %select_n3A_3255 = arith.select %le3A_3250, %broadcast_in_dim3A_3253, %broadcast_in_dim3A_3254 : vector<128x128xi1>, vector<128x128xi32>
    %lt3A_3256 = arith.cmpf olt, %select_n3A_3234, %select_n3A_3240 : vector<128x128xf32>
    %jit3A_3257 = arith.constant 1 : i32
    %jit3A_3258 = arith.constant 0 : i32
    %broadcast_in_dim3A_3259 = vector.broadcast %jit3A_3257 : i32 to vector<128x128xi32>
    %broadcast_in_dim3A_3260 = vector.broadcast %jit3A_3258 : i32 to vector<128x128xi32>
    %select_n3A_3261 = arith.select %lt3A_3256, %broadcast_in_dim3A_3259, %broadcast_in_dim3A_3260 : vector<128x128xi1>, vector<128x128xi32>
    %select_n3A_3262 = arith.select %eq3A_147, %select_n3A_3255, %select_n3A_3261 : vector<128x128xi1>, vector<128x128xi32>
    %eq3A_3263 = arith.cmpi eq, %select_n3A_3262, %sub3A_3249 : vector<128x128xi32>
    %select_n3A_3264 = arith.select %eq3A_3263, %select_n3A_3234, %select_n3A_3240 : vector<128x128xi1>, vector<128x128xf32>
    %select_n3A_3265 = arith.select %eq3A_3263, %select_n3A_3235, %select_n3A_3245 : vector<128x128xi1>, vector<128x128xf32>
    %roll3A_3266 = arith.constant 126 : i32
    %roll3A_3267 = tpu.dynamic_rotate %select_n3A_3264 by %roll3A_3266 dim 1 : vector<128x128xf32>, i32 -> vector<128x128xf32>
    %roll3A_3268 = arith.constant 2 : i32
    %roll3A_3269 = tpu.dynamic_rotate %select_n3A_3264 by %roll3A_3268 dim 1 : vector<128x128xf32>, i32 -> vector<128x128xf32>
    %select_n3A_3270 = arith.select %eq3A_144, %roll3A_3267, %roll3A_3269 : vector<128x128xi1>, vector<128x128xf32>
    %roll3A_3271 = arith.constant 126 : i32
    %roll3A_3272 = tpu.dynamic_rotate %select_n3A_3265 by %roll3A_3271 dim 1 : vector<128x128xf32>, i32 -> vector<128x128xf32>
    %roll3A_3273 = arith.constant 2 : i32
    %roll3A_3274 = tpu.dynamic_rotate %select_n3A_3265 by %roll3A_3273 dim 1 : vector<128x128xf32>, i32 -> vector<128x128xf32>
    %select_n3A_3275 = arith.select %eq3A_144, %roll3A_3272, %roll3A_3274 : vector<128x128xi1>, vector<128x128xf32>
    %xor3A_3276 = arith.xori %sub3A_31, %broadcast_in_dim3A_181 : vector<128x128xi32>
    %sub3A_3277 = arith.constant 1 : i32
    %sub3A_3278 = vector.broadcast %sub3A_3277 : i32 to vector<128x128xi32>
    %sub3A_3279 = arith.subi %sub3A_3278, %xor3A_3276 : vector<128x128xi32>
    %le3A_3280 = arith.cmpf ole, %select_n3A_3264, %select_n3A_3270 : vector<128x128xf32>
    %jit3A_3281 = arith.constant 1 : i32
    %jit3A_3282 = arith.constant 0 : i32
    %broadcast_in_dim3A_3283 = vector.broadcast %jit3A_3281 : i32 to vector<128x128xi32>
    %broadcast_in_dim3A_3284 = vector.broadcast %jit3A_3282 : i32 to vector<128x128xi32>
    %select_n3A_3285 = arith.select %le3A_3280, %broadcast_in_dim3A_3283, %broadcast_in_dim3A_3284 : vector<128x128xi1>, vector<128x128xi32>
    %lt3A_3286 = arith.cmpf olt, %select_n3A_3264, %select_n3A_3270 : vector<128x128xf32>
    %jit3A_3287 = arith.constant 1 : i32
    %jit3A_3288 = arith.constant 0 : i32
    %broadcast_in_dim3A_3289 = vector.broadcast %jit3A_3287 : i32 to vector<128x128xi32>
    %broadcast_in_dim3A_3290 = vector.broadcast %jit3A_3288 : i32 to vector<128x128xi32>
    %select_n3A_3291 = arith.select %lt3A_3286, %broadcast_in_dim3A_3289, %broadcast_in_dim3A_3290 : vector<128x128xi1>, vector<128x128xi32>
    %select_n3A_3292 = arith.select %eq3A_144, %select_n3A_3285, %select_n3A_3291 : vector<128x128xi1>, vector<128x128xi32>
    %eq3A_3293 = arith.cmpi eq, %select_n3A_3292, %sub3A_3279 : vector<128x128xi32>
    %select_n3A_3294 = arith.select %eq3A_3293, %select_n3A_3264, %select_n3A_3270 : vector<128x128xi1>, vector<128x128xf32>
    %select_n3A_3295 = arith.select %eq3A_3293, %select_n3A_3265, %select_n3A_3275 : vector<128x128xi1>, vector<128x128xf32>
    %roll3A_3296 = arith.constant 127 : i32
    %roll3A_3297 = tpu.dynamic_rotate %select_n3A_3294 by %roll3A_3296 dim 1 : vector<128x128xf32>, i32 -> vector<128x128xf32>
    %roll3A_3298 = arith.constant 1 : i32
    %roll3A_3299 = tpu.dynamic_rotate %select_n3A_3294 by %roll3A_3298 dim 1 : vector<128x128xf32>, i32 -> vector<128x128xf32>
    %select_n3A_3300 = arith.select %eq3A_141, %roll3A_3297, %roll3A_3299 : vector<128x128xi1>, vector<128x128xf32>
    %roll3A_3301 = arith.constant 127 : i32
    %roll3A_3302 = tpu.dynamic_rotate %select_n3A_3295 by %roll3A_3301 dim 1 : vector<128x128xf32>, i32 -> vector<128x128xf32>
    %roll3A_3303 = arith.constant 1 : i32
    %roll3A_3304 = tpu.dynamic_rotate %select_n3A_3295 by %roll3A_3303 dim 1 : vector<128x128xf32>, i32 -> vector<128x128xf32>
    %select_n3A_3305 = arith.select %eq3A_141, %roll3A_3302, %roll3A_3304 : vector<128x128xi1>, vector<128x128xf32>
    %xor3A_3306 = arith.xori %sub3A_22, %broadcast_in_dim3A_181 : vector<128x128xi32>
    %sub3A_3307 = arith.constant 1 : i32
    %sub3A_3308 = vector.broadcast %sub3A_3307 : i32 to vector<128x128xi32>
    %sub3A_3309 = arith.subi %sub3A_3308, %xor3A_3306 : vector<128x128xi32>
    %le3A_3310 = arith.cmpf ole, %select_n3A_3294, %select_n3A_3300 : vector<128x128xf32>
    %jit3A_3311 = arith.constant 1 : i32
    %jit3A_3312 = arith.constant 0 : i32
    %broadcast_in_dim3A_3313 = vector.broadcast %jit3A_3311 : i32 to vector<128x128xi32>
    %broadcast_in_dim3A_3314 = vector.broadcast %jit3A_3312 : i32 to vector<128x128xi32>
    %select_n3A_3315 = arith.select %le3A_3310, %broadcast_in_dim3A_3313, %broadcast_in_dim3A_3314 : vector<128x128xi1>, vector<128x128xi32>
    %lt3A_3316 = arith.cmpf olt, %select_n3A_3294, %select_n3A_3300 : vector<128x128xf32>
    %jit3A_3317 = arith.constant 1 : i32
    %jit3A_3318 = arith.constant 0 : i32
    %broadcast_in_dim3A_3319 = vector.broadcast %jit3A_3317 : i32 to vector<128x128xi32>
    %broadcast_in_dim3A_3320 = vector.broadcast %jit3A_3318 : i32 to vector<128x128xi32>
    %select_n3A_3321 = arith.select %lt3A_3316, %broadcast_in_dim3A_3319, %broadcast_in_dim3A_3320 : vector<128x128xi1>, vector<128x128xi32>
    %select_n3A_3322 = arith.select %eq3A_141, %select_n3A_3315, %select_n3A_3321 : vector<128x128xi1>, vector<128x128xi32>
    %eq3A_3323 = arith.cmpi eq, %select_n3A_3322, %sub3A_3309 : vector<128x128xi32>
    %select_n3A_3324 = arith.select %eq3A_3323, %select_n3A_3294, %select_n3A_3300 : vector<128x128xi1>, vector<128x128xf32>
    %select_n3A_3325 = arith.select %eq3A_3323, %select_n3A_3295, %select_n3A_3305 : vector<128x128xi1>, vector<128x128xf32>
    %add3A_3326 = arith.constant 1.000000e+00 : f32
    %add3A_3327 = arith.addf %reduce_sum3A_13, %add3A_3326 : f32
    %div3A = arith.constant 1.000000e+00 : f32
    %div3A_3328 = arith.divf %div3A, %add3A_3327 : f32
    %mul3A_3329 = vector.broadcast %div3A_3328 : f32 to vector<128x128xf32>
    %mul3A_3330 = arith.mulf %select_n3A_3325, %mul3A_3329 : vector<128x128xf32>
    %roll3A_3331 = arith.constant 1 : i32
    %roll3A_3332 = tpu.dynamic_rotate %mul3A_3330 by %roll3A_3331 dim 1 : vector<128x128xf32>, i32 -> vector<128x128xf32>
    %ge3A = arith.constant 1 : i32
    %ge3A_3333 = vector.broadcast %ge3A : i32 to vector<128x128xi32>
    %ge3A_3334 = arith.cmpi sge, %iota3A_14, %ge3A_3333 : vector<128x128xi32>
    %jit3A_3335 = arith.constant 0.000000e+00 : f32
    %broadcast_in_dim3A_3336 = vector.broadcast %jit3A_3335 : f32 to vector<128x128xf32>
    %select_n3A_3337 = arith.select %ge3A_3334, %roll3A_3332, %broadcast_in_dim3A_3336 : vector<128x128xi1>, vector<128x128xf32>
    %add3A_3338 = arith.addf %mul3A_3330, %select_n3A_3337 : vector<128x128xf32>
    %roll3A_3339 = arith.constant 2 : i32
    %roll3A_3340 = tpu.dynamic_rotate %add3A_3338 by %roll3A_3339 dim 1 : vector<128x128xf32>, i32 -> vector<128x128xf32>
    %ge3A_3341 = arith.constant 2 : i32
    %ge3A_3342 = vector.broadcast %ge3A_3341 : i32 to vector<128x128xi32>
    %ge3A_3343 = arith.cmpi sge, %iota3A_14, %ge3A_3342 : vector<128x128xi32>
    %jit3A_3344 = arith.constant 0.000000e+00 : f32
    %broadcast_in_dim3A_3345 = vector.broadcast %jit3A_3344 : f32 to vector<128x128xf32>
    %select_n3A_3346 = arith.select %ge3A_3343, %roll3A_3340, %broadcast_in_dim3A_3345 : vector<128x128xi1>, vector<128x128xf32>
    %add3A_3347 = arith.addf %add3A_3338, %select_n3A_3346 : vector<128x128xf32>
    %roll3A_3348 = arith.constant 4 : i32
    %roll3A_3349 = tpu.dynamic_rotate %add3A_3347 by %roll3A_3348 dim 1 : vector<128x128xf32>, i32 -> vector<128x128xf32>
    %ge3A_3350 = arith.constant 4 : i32
    %ge3A_3351 = vector.broadcast %ge3A_3350 : i32 to vector<128x128xi32>
    %ge3A_3352 = arith.cmpi sge, %iota3A_14, %ge3A_3351 : vector<128x128xi32>
    %jit3A_3353 = arith.constant 0.000000e+00 : f32
    %broadcast_in_dim3A_3354 = vector.broadcast %jit3A_3353 : f32 to vector<128x128xf32>
    %select_n3A_3355 = arith.select %ge3A_3352, %roll3A_3349, %broadcast_in_dim3A_3354 : vector<128x128xi1>, vector<128x128xf32>
    %add3A_3356 = arith.addf %add3A_3347, %select_n3A_3355 : vector<128x128xf32>
    %roll3A_3357 = arith.constant 8 : i32
    %roll3A_3358 = tpu.dynamic_rotate %add3A_3356 by %roll3A_3357 dim 1 : vector<128x128xf32>, i32 -> vector<128x128xf32>
    %ge3A_3359 = arith.constant 8 : i32
    %ge3A_3360 = vector.broadcast %ge3A_3359 : i32 to vector<128x128xi32>
    %ge3A_3361 = arith.cmpi sge, %iota3A_14, %ge3A_3360 : vector<128x128xi32>
    %jit3A_3362 = arith.constant 0.000000e+00 : f32
    %broadcast_in_dim3A_3363 = vector.broadcast %jit3A_3362 : f32 to vector<128x128xf32>
    %select_n3A_3364 = arith.select %ge3A_3361, %roll3A_3358, %broadcast_in_dim3A_3363 : vector<128x128xi1>, vector<128x128xf32>
    %add3A_3365 = arith.addf %add3A_3356, %select_n3A_3364 : vector<128x128xf32>
    %roll3A_3366 = arith.constant 16 : i32
    %roll3A_3367 = tpu.dynamic_rotate %add3A_3365 by %roll3A_3366 dim 1 : vector<128x128xf32>, i32 -> vector<128x128xf32>
    %ge3A_3368 = arith.constant 16 : i32
    %ge3A_3369 = vector.broadcast %ge3A_3368 : i32 to vector<128x128xi32>
    %ge3A_3370 = arith.cmpi sge, %iota3A_14, %ge3A_3369 : vector<128x128xi32>
    %jit3A_3371 = arith.constant 0.000000e+00 : f32
    %broadcast_in_dim3A_3372 = vector.broadcast %jit3A_3371 : f32 to vector<128x128xf32>
    %select_n3A_3373 = arith.select %ge3A_3370, %roll3A_3367, %broadcast_in_dim3A_3372 : vector<128x128xi1>, vector<128x128xf32>
    %add3A_3374 = arith.addf %add3A_3365, %select_n3A_3373 : vector<128x128xf32>
    %roll3A_3375 = arith.constant 32 : i32
    %roll3A_3376 = tpu.dynamic_rotate %add3A_3374 by %roll3A_3375 dim 1 : vector<128x128xf32>, i32 -> vector<128x128xf32>
    %ge3A_3377 = arith.constant 32 : i32
    %ge3A_3378 = vector.broadcast %ge3A_3377 : i32 to vector<128x128xi32>
    %ge3A_3379 = arith.cmpi sge, %iota3A_14, %ge3A_3378 : vector<128x128xi32>
    %jit3A_3380 = arith.constant 0.000000e+00 : f32
    %broadcast_in_dim3A_3381 = vector.broadcast %jit3A_3380 : f32 to vector<128x128xf32>
    %select_n3A_3382 = arith.select %ge3A_3379, %roll3A_3376, %broadcast_in_dim3A_3381 : vector<128x128xi1>, vector<128x128xf32>
    %add3A_3383 = arith.addf %add3A_3374, %select_n3A_3382 : vector<128x128xf32>
    %roll3A_3384 = arith.constant 64 : i32
    %roll3A_3385 = tpu.dynamic_rotate %add3A_3383 by %roll3A_3384 dim 1 : vector<128x128xf32>, i32 -> vector<128x128xf32>
    %ge3A_3386 = arith.constant 64 : i32
    %ge3A_3387 = vector.broadcast %ge3A_3386 : i32 to vector<128x128xi32>
    %ge3A_3388 = arith.cmpi sge, %iota3A_14, %ge3A_3387 : vector<128x128xi32>
    %jit3A_3389 = arith.constant 0.000000e+00 : f32
    %broadcast_in_dim3A_3390 = vector.broadcast %jit3A_3389 : f32 to vector<128x128xf32>
    %select_n3A_3391 = arith.select %ge3A_3388, %roll3A_3385, %broadcast_in_dim3A_3390 : vector<128x128xi1>, vector<128x128xf32>
    %add3A_3392 = arith.addf %add3A_3383, %select_n3A_3391 : vector<128x128xf32>
    %reduce_sum3A_3393 = arith.constant dense<0.000000e+00> : vector<128xf32>
    %reduce_sum3A_3394 = vector.multi_reduction <add>, %mul3A_3330, %reduce_sum3A_3393 [1] : vector<128x128xf32> to vector<128xf32>
    %broadcast_in_dim3A_3395 = vector.shape_cast %reduce_sum3A_3394 : vector<128xf32> to vector<128x1xf32>
    %iota3A_3396 = tpu.iota {dimensions = array<i32: 0>} : vector<128x1xi32>
    %roll3A_3397 = arith.constant 1 : i32
    %roll3A_3398 = tpu.dynamic_rotate %broadcast_in_dim3A_3395 by %roll3A_3397 dim 0 : vector<128x1xf32>, i32 -> vector<128x1xf32>
    %ge3A_3399 = arith.constant 1 : i32
    %ge3A_3400 = vector.broadcast %ge3A_3399 : i32 to vector<128x1xi32>
    %ge3A_3401 = arith.cmpi sge, %iota3A_3396, %ge3A_3400 : vector<128x1xi32>
    %jit3A_3402 = arith.constant 0.000000e+00 : f32
    %broadcast_in_dim3A_3403 = vector.broadcast %jit3A_3402 : f32 to vector<128x1xf32>
    %select_n3A_3404 = arith.select %ge3A_3401, %roll3A_3398, %broadcast_in_dim3A_3403 : vector<128x1xi1>, vector<128x1xf32>
    %add3A_3405 = arith.addf %broadcast_in_dim3A_3395, %select_n3A_3404 : vector<128x1xf32>
    %roll3A_3406 = arith.constant 2 : i32
    %roll3A_3407 = tpu.dynamic_rotate %add3A_3405 by %roll3A_3406 dim 0 : vector<128x1xf32>, i32 -> vector<128x1xf32>
    %ge3A_3408 = arith.constant 2 : i32
    %ge3A_3409 = vector.broadcast %ge3A_3408 : i32 to vector<128x1xi32>
    %ge3A_3410 = arith.cmpi sge, %iota3A_3396, %ge3A_3409 : vector<128x1xi32>
    %jit3A_3411 = arith.constant 0.000000e+00 : f32
    %broadcast_in_dim3A_3412 = vector.broadcast %jit3A_3411 : f32 to vector<128x1xf32>
    %select_n3A_3413 = arith.select %ge3A_3410, %roll3A_3407, %broadcast_in_dim3A_3412 : vector<128x1xi1>, vector<128x1xf32>
    %add3A_3414 = arith.addf %add3A_3405, %select_n3A_3413 : vector<128x1xf32>
    %roll3A_3415 = arith.constant 4 : i32
    %roll3A_3416 = tpu.dynamic_rotate %add3A_3414 by %roll3A_3415 dim 0 : vector<128x1xf32>, i32 -> vector<128x1xf32>
    %ge3A_3417 = arith.constant 4 : i32
    %ge3A_3418 = vector.broadcast %ge3A_3417 : i32 to vector<128x1xi32>
    %ge3A_3419 = arith.cmpi sge, %iota3A_3396, %ge3A_3418 : vector<128x1xi32>
    %jit3A_3420 = arith.constant 0.000000e+00 : f32
    %broadcast_in_dim3A_3421 = vector.broadcast %jit3A_3420 : f32 to vector<128x1xf32>
    %select_n3A_3422 = arith.select %ge3A_3419, %roll3A_3416, %broadcast_in_dim3A_3421 : vector<128x1xi1>, vector<128x1xf32>
    %add3A_3423 = arith.addf %add3A_3414, %select_n3A_3422 : vector<128x1xf32>
    %roll3A_3424 = arith.constant 8 : i32
    %roll3A_3425 = tpu.dynamic_rotate %add3A_3423 by %roll3A_3424 dim 0 : vector<128x1xf32>, i32 -> vector<128x1xf32>
    %ge3A_3426 = arith.constant 8 : i32
    %ge3A_3427 = vector.broadcast %ge3A_3426 : i32 to vector<128x1xi32>
    %ge3A_3428 = arith.cmpi sge, %iota3A_3396, %ge3A_3427 : vector<128x1xi32>
    %jit3A_3429 = arith.constant 0.000000e+00 : f32
    %broadcast_in_dim3A_3430 = vector.broadcast %jit3A_3429 : f32 to vector<128x1xf32>
    %select_n3A_3431 = arith.select %ge3A_3428, %roll3A_3425, %broadcast_in_dim3A_3430 : vector<128x1xi1>, vector<128x1xf32>
    %add3A_3432 = arith.addf %add3A_3423, %select_n3A_3431 : vector<128x1xf32>
    %roll3A_3433 = arith.constant 16 : i32
    %roll3A_3434 = tpu.dynamic_rotate %add3A_3432 by %roll3A_3433 dim 0 : vector<128x1xf32>, i32 -> vector<128x1xf32>
    %ge3A_3435 = arith.constant 16 : i32
    %ge3A_3436 = vector.broadcast %ge3A_3435 : i32 to vector<128x1xi32>
    %ge3A_3437 = arith.cmpi sge, %iota3A_3396, %ge3A_3436 : vector<128x1xi32>
    %jit3A_3438 = arith.constant 0.000000e+00 : f32
    %broadcast_in_dim3A_3439 = vector.broadcast %jit3A_3438 : f32 to vector<128x1xf32>
    %select_n3A_3440 = arith.select %ge3A_3437, %roll3A_3434, %broadcast_in_dim3A_3439 : vector<128x1xi1>, vector<128x1xf32>
    %add3A_3441 = arith.addf %add3A_3432, %select_n3A_3440 : vector<128x1xf32>
    %roll3A_3442 = arith.constant 32 : i32
    %roll3A_3443 = tpu.dynamic_rotate %add3A_3441 by %roll3A_3442 dim 0 : vector<128x1xf32>, i32 -> vector<128x1xf32>
    %ge3A_3444 = arith.constant 32 : i32
    %ge3A_3445 = vector.broadcast %ge3A_3444 : i32 to vector<128x1xi32>
    %ge3A_3446 = arith.cmpi sge, %iota3A_3396, %ge3A_3445 : vector<128x1xi32>
    %jit3A_3447 = arith.constant 0.000000e+00 : f32
    %broadcast_in_dim3A_3448 = vector.broadcast %jit3A_3447 : f32 to vector<128x1xf32>
    %select_n3A_3449 = arith.select %ge3A_3446, %roll3A_3443, %broadcast_in_dim3A_3448 : vector<128x1xi1>, vector<128x1xf32>
    %add3A_3450 = arith.addf %add3A_3441, %select_n3A_3449 : vector<128x1xf32>
    %roll3A_3451 = arith.constant 64 : i32
    %roll3A_3452 = tpu.dynamic_rotate %add3A_3450 by %roll3A_3451 dim 0 : vector<128x1xf32>, i32 -> vector<128x1xf32>
    %ge3A_3453 = arith.constant 64 : i32
    %ge3A_3454 = vector.broadcast %ge3A_3453 : i32 to vector<128x1xi32>
    %ge3A_3455 = arith.cmpi sge, %iota3A_3396, %ge3A_3454 : vector<128x1xi32>
    %jit3A_3456 = arith.constant 0.000000e+00 : f32
    %broadcast_in_dim3A_3457 = vector.broadcast %jit3A_3456 : f32 to vector<128x1xf32>
    %select_n3A_3458 = arith.select %ge3A_3455, %roll3A_3452, %broadcast_in_dim3A_3457 : vector<128x1xi1>, vector<128x1xf32>
    %add3A_3459 = arith.addf %add3A_3450, %select_n3A_3458 : vector<128x1xf32>
    %sub3A_3460 = arith.subf %add3A_3459, %broadcast_in_dim3A_3395 : vector<128x1xf32>
    %add3A_3461 = vector.broadcast %sub3A_3460 : vector<128x1xf32> to vector<128x128xf32>
    %add3A_3462 = arith.addf %add3A_3392, %add3A_3461 : vector<128x128xf32>
    %sub3A_3463 = arith.constant 0.899999976 : f32
    %sub3A_3464 = vector.broadcast %sub3A_3463 : f32 to vector<128x128xf32>
    %sub3A_3465 = arith.subf %add3A_3462, %sub3A_3464 : vector<128x128xf32>
    %mul3A_3466 = arith.mulf %sub3A_3465, %sub3A_3465 : vector<128x128xf32>
    %neg3A = arith.constant 0.000000e+00 : f32
    %neg3A_3467 = vector.broadcast %neg3A : f32 to vector<128x128xf32>
    %neg3A_3468 = arith.subf %neg3A_3467, %mul3A_3466 : vector<128x128xf32>
    %mul3A_3469 = arith.constant 1.000000e+02 : f32
    %mul3A_3470 = vector.broadcast %mul3A_3469 : f32 to vector<128x128xf32>
    %mul3A_3471 = arith.mulf %neg3A_3468, %mul3A_3470 : vector<128x128xf32>
    %reduce_max3A = vector.shape_cast %mul3A_3471 : vector<128x128xf32> to vector<1x128x128xf32>
    %reduce_max3A_3472 = arith.constant dense<0xFF800000> : vector<1xf32>
    %reduce_max3A_3473 = vector.multi_reduction <maximumf>, %reduce_max3A, %reduce_max3A_3472 [1, 2] : vector<1x128x128xf32> to vector<1xf32>
    %reduce_max3A_3474 = vector.shape_cast %reduce_max3A_3473 : vector<1xf32> to vector<1x1x1xf32>
    %reduce_max3A_3475 = vector.extract %reduce_max3A_3474[0, 0, 0] : f32 from vector<1x1x1xf32>
    %sub3A_3476 = vector.broadcast %reduce_max3A_3475 : f32 to vector<128x128xf32>
    %sub3A_3477 = arith.subf %mul3A_3471, %sub3A_3476 : vector<128x128xf32>
    %exp3A = math.exp %sub3A_3477 : vector<128x128xf32>
    %reduce_sum3A_3478 = vector.shape_cast %exp3A : vector<128x128xf32> to vector<1x128x128xf32>
    %reduce_sum3A_3479 = arith.constant dense<0.000000e+00> : vector<1xf32>
    %reduce_sum3A_3480 = vector.multi_reduction <add>, %reduce_sum3A_3478, %reduce_sum3A_3479 [1, 2] : vector<1x128x128xf32> to vector<1xf32>
    %reduce_sum3A_3481 = vector.shape_cast %reduce_sum3A_3480 : vector<1xf32> to vector<1x1x1xf32>
    %reduce_sum3A_3482 = vector.extract %reduce_sum3A_3481[0, 0, 0] : f32 from vector<1x1x1xf32>
    %mul3A_3483 = arith.mulf %select_n3A_3324, %exp3A : vector<128x128xf32>
    %reduce_sum3A_3484 = vector.shape_cast %mul3A_3483 : vector<128x128xf32> to vector<1x128x128xf32>
    %reduce_sum3A_3485 = arith.constant dense<0.000000e+00> : vector<1xf32>
    %reduce_sum3A_3486 = vector.multi_reduction <add>, %reduce_sum3A_3484, %reduce_sum3A_3485 [1, 2] : vector<1x128x128xf32> to vector<1xf32>
    %reduce_sum3A_3487 = vector.shape_cast %reduce_sum3A_3486 : vector<1xf32> to vector<1x1x1xf32>
    %reduce_sum3A_3488 = vector.extract %reduce_sum3A_3487[0, 0, 0] : f32 from vector<1x1x1xf32>
    %div3A_3489 = arith.divf %reduce_sum3A_3488, %reduce_sum3A_3482 : f32
    %broadcast_in_dim3A_3490 = vector.broadcast %div3A_3489 : f32 to vector<1x1xf32>
    %swap3A = arith.constant 0 : index
    %swap3A_3491 = arith.constant 0 : index
    %swap3A_3492 = vector.load %arg2[%swap3A, %swap3A_3491] : memref<1x1xf32, #tpu.memory_space<vmem>>, vector<1x1xf32>
    tpu.vector_store %arg2[%swap3A, %swap3A_3491], %broadcast_in_dim3A_3490 {strides = array<i32>} : memref<1x1xf32, #tpu.memory_space<vmem>>, vector<1x1xf32>,
    return
  }
}

</mosaic_0001>

<sc_bundles>
// kernel: kernel.4.cloned.1.call-start
scs
__scs_entry_jumppad:
0x0: {  	(pc) =	sbr.rel $0x88, $3  }
0x1: {  	(tag) =	ssettag $0x0;
	lr =	simm.s32 $0x1  }
0x2: {  	[smem:$0x3F9E] =	sst lr;
	_ =	strace $0xD0000000  }
0x3: {  	_ = 	snop  }
0x4: {  	_ = 	snop  }
0x5: {  	_ = 	snop  }
0x6: {  	_ = 	snop  }
0x7: {  	_ = 	snop  }
__scs_overlays_trampoline_lowered:
0x8: {  	[smem:$0x3FAD] =	sst s0  }
0x9: {  	[smem:$0x3FAE] =	sst s1  }
0xa: {  	[smem:$0x3FAF] =	sst s2  }
0xb: {  	[smem:$0x3FB0] =	sst s3  }
0xc: {  	[smem:$0x3FB1] =	sst s4  }
0xd: {  	[smem:$0x3FB2] =	sst s5  }
0xe: {  	[smem:$0x3FB3] =	sst s6  }
0xf: {  	[smem:$0x3FB4] =	sst s7  }
0x10: {  	[smem:$0x3FB5] =	sst s8  }
0x11: {  	[smem:$0x3FB6] =	sst s9;
	s0 =	simm.s32 @!p0 $0x0  }
0x12: {  	s1 =	sld [smem:$0x3F9C];
	s0 =	simm.s32 @p0 $0x1  }
0x13: {  	[smem:$0x3FB7] =	sst s0;
	s0 =	simm.s32 @!p1 $0x0  }
0x14: {  	s2 =	sld [smem:$0x3F9B];
	s0 =	simm.s32 @p1 $0x1  }
0x15: {  	[smem:$0x3FB8] =	sst s0;
	s0 =	simm.s32 @!p2 $0x0  }
0x16: {  	s3 =	sld [smem:$0x3FDB];
	s0 =	simm.s32 @p2 $0x1  }
0x17: {  	s4 =	simm.s32 $0x1BF5;
	[smem:$0x3FBA] =	sst s0  }
0x18: {  	s0 =	sld [smem:$0x3F9D];
	_ =	swait.ge [sflag:s4], $0x0  }
0x19: {  	s7 =	sld [smem:$0x3F9E]  }
0x1a: {  	s8 =	sadd.s32 $0xFFFFE003, lr  }
0x1b: {  	s9 =	sadd.s32 $0xFFFFFEF7, lr;
	s5 =	simm.s32 $0xFFFFFFFF;
	p2 =	slt.u32 s8, $0xFFFFF086  }
0x1c: {  	p1 =	slt.u32 s9, $0xF7A;
	s5 =	simm.s32 @!p2 $0x0  }
0x1d: {  	s5 =	simm.s32 @p1 $0x1;
	p0 =	seq.s32 s7, s2  }
0x1e: {  	s7 =	smul.u32 @!p0 $0xF7A, s2;
	p2 =	seq.s32 @!p0 s5, $0x0  }
0x1f: {  	s9 =	smul.u32 $0xF7A, s1;
	s8 =	simm.s32 @!p0 $0x1BF5;
	p2 =	por !p2, p0  }
0x20: {  	[sflag:s8] =	ssyncset.s32 @!p0 $0xFFFFF086;
	s6 =	sadd.s32 @!p0 s3, s7;
	s7 =	simm.s32 @!p0 $0x108  }
0x21: {  	s3 =	sadd.s32 s3, s9;
	s6 =	sadd.s32 @!p0 $0x88, s6;
	s7 =	simm.s32 @p2 $0x1082  }
0x22: {  	[simem:s7], [sflag:s8] =	dma.local @!p0 [hbm:s6], $0xF7A  }
0x23: {  	s9 =	sor.u32 $0xD0000000, s2;
	s6 =	simm.s32 $0x108;
	_ =	swait.ge @!p0 [sflag:s8], $0x0  }
0x24: {  	s3 =	sadd.s32 $0x88, s3;
	s6 =	simm.s32 @!p1 $0x1082;
	[sflag:s4] =	ssyncset.s32 $0xFFFFF086  }
0x25: {  	[simem:s6], [sflag:s4] =	dma.local [hbm:s3], $0xF7A  }
0x26: {  	[smem:$0x3F9E] =	sst s1;
	(tag) =	ssettag s2;
	_ =	strace s9  }
0x27: {  	s1 =	sld [smem:$0x3FAE]  }
0x28: {  	s2 =	sld [smem:$0x3FAF]  }
0x29: {  	s4 =	sld [smem:$0x3FB1]  }
0x2a: {  	p0 =	seq.s32 s5, $0x0;
	s5 =	sld [smem:$0x3FB2]  }
0x2b: {  	s6 =	sld [smem:$0x3FB3]  }
0x2c: {  	s7 =	sld [smem:$0x3FB4]  }
0x2d: {  	s3 =	simm.s32 $0x108;
	s8 =	sld [smem:$0x3FB5]  }
0x2e: {  	s3 =	simm.s32 @!p0 $0x1082;
	s9 =	sld [smem:$0x3FB6]  }
0x2f: {  	lr =	sadd.s32 s0, s3;
	s0 =	sld [smem:$0x3FAD]  }
0x30: {  	s3 =	sld [smem:$0x3FB0]  }
0x31: {  	[smem:$0x3FB9] =	sst s10  }
0x32: {  	s10 =	sld [smem:$0x3FB7];
	_ =	sdelay $0x3  }
0x33: {  	p0 =	seq.s32 s10, $0x1;
	s10 =	sld [smem:$0x3FB9];
	_ =	sdelay $0x3  }
0x34: {  	[smem:$0x3FB9] =	sst s10  }
0x35: {  	s10 =	sld [smem:$0x3FB8];
	_ =	sdelay $0x3  }
0x36: {  	p1 =	seq.s32 s10, $0x1;
	s10 =	sld [smem:$0x3FB9];
	_ =	sdelay $0x3  }
0x37: {  	[smem:$0x3FB9] =	sst s10  }
0x38: {  	s10 =	sld [smem:$0x3FBA]  }
0x39: {  	_ = 	snop;
	(pc) =	sbr.ind lr, $3  }
0x3a: {  	_ = 	snop  }
0x3b: {  	_ = 	snop  }
0x3c: {  	p2 =	seq.s32 s10, $0x1;
	s10 =	sld [smem:$0x3FB9]  }
0x3d: {  	_ =	shalt  }
0x3e: {  	_ =	shalt  }
0x3f: {  	_ =	shalt  }
0x40: {  	_ =	shalt  }
0x41: {  	_ =	shalt  }
0x42: {  	_ =	shalt  }
0x43: {  	_ =	shalt  }
0x44: {  	_ =	shalt  }
0x45: {  	_ =	shalt  }
0x46: {  	_ =	shalt  }
0x47: {  	_ =	shalt  }
0x48: {  	_ =	shalt  }
0x49: {  	_ =	shalt  }
0x4a: {  	_ =	shalt  }
0x4b: {  	_ =	shalt  }
0x4c: {  	_ =	shalt  }
0x4d: {  	_ =	shalt  }
0x4e: {  	_ =	shalt  }
0x4f: {  	_ =	shalt  }
0x50: {  	_ =	shalt  }
0x51: {  	_ =	shalt  }
0x52: {  	_ =	shalt  }
0x53: {  	_ =	shalt  }
0x54: {  	_ =	shalt  }
0x55: {  	_ =	shalt  }
0x56: {  	_ =	shalt  }
0x57: {  	_ =	shalt  }
0x58: {  	_ =	shalt  }
0x59: {  	_ =	shalt  }
0x5a: {  	_ =	shalt  }
0x5b: {  	_ =	shalt  }
0x5c: {  	_ =	shalt  }
0x5d: {  	_ =	shalt  }
0x5e: {  	_ =	shalt  }
0x5f: {  	_ =	shalt  }
0x60: {  	_ =	shalt  }
0x61: {  	_ =	shalt  }
0x62: {  	_ =	shalt  }
0x63: {  	_ =	shalt  }
0x64: {  	_ =	shalt  }
0x65: {  	_ =	shalt  }
0x66: {  	_ =	shalt  }
0x67: {  	_ =	shalt  }
0x68: {  	_ =	shalt  }
0x69: {  	_ =	shalt  }
0x6a: {  	_ =	shalt  }
0x6b: {  	_ =	shalt  }
0x6c: {  	_ =	shalt  }
0x6d: {  	_ =	shalt  }
0x6e: {  	_ =	shalt  }
0x6f: {  	_ =	shalt  }
0x70: {  	_ =	shalt  }
0x71: {  	_ =	shalt  }
0x72: {  	_ =	shalt  }
0x73: {  	_ =	shalt  }
0x74: {  	_ =	shalt  }
0x75: {  	_ =	shalt  }
0x76: {  	_ =	shalt  }
0x77: {  	_ =	shalt  }
0x78: {  	_ =	shalt  }
0x79: {  	_ =	shalt  }
0x7a: {  	_ =	shalt  }
0x7b: {  	_ =	shalt  }
0x7c: {  	_ =	shalt  }
0x7d: {  	_ =	shalt  }
0x7e: {  	_ =	shalt  }
0x7f: {  	_ =	shalt  }
0x80: {  	_ =	shalt  }
0x81: {  	_ =	shalt  }
0x82: {  	_ =	shalt  }
0x83: {  	_ =	shalt  }
0x84: {  	_ =	shalt  }
0x85: {  	_ =	shalt  }
0x86: {  	_ =	shalt  }
0x87: {  	_ =	shalt  }
.Lfunc_end0:
.L_simem_size_0:
called_computation_lowered:
.L_overlay_start_0:
0x88: {  	s2 =	sld [smem:$0x3FD9]  }
0x89: {  	s3 =	sld [smem:$0x3FFE];
	_ =	sdelay $0x1  }
0x8a: {  	s1 =	srdreg.scid  }
0x8b: {  	s0 =	sand.u32 $0x1, s1  }
0x8c: {  	s17 =	sshll.u32 s0, $0xA;
	s2 =	sadd.s32 s3, s2  }
0x8d: {  	s2 =	sadd.s32 s2, s17  }
0x8e: {  	[smem:$0x3FC5] =	sst s2  }
0x8f: {  	_ = 	snop  }
0x90: {  	s2 =	sld [smem:$0x3FC8];
	(tm) =	ssettm $0x1  }
0x91: {  	s18 =	sld [smem:$0x3FFB];
	_ =	sdelay $0x3  }
0x92: {  	_ =	strace s18  }
0x93: {  	s3 =	sld [smem:$0x3FFC];
	_ =	sdelay $0x3  }
0x94: {  	_ =	strace s3  }
0x95: {  	s3 =	sld [smem:$0x3FFD];
	_ =	sdelay $0x3  }
0x96: {  	_ =	strace s3  }
0x97: {  	_ =	strace $0x8FFFFFFF  }
0x98: {  	s19 =	sld [smem:$0x3FDB];
	_ =	sdelay $0x1  }
0x99: {  	s4 =	simm.s32 $_scs_section_size  }
0x9a: {  	s5 =	simm.s32 $_size__tile_overlayer_lowered;
	s6 =	simm.s32 $_tile_overlayer_lowered  }
0x9b: {  	s22 =	simm.s32 $0x1BFF;
	s21 =	sshll.u32 s6, $0x1;
	s3 =	sadd.s32 s4, s19  }
0x9c: {  	s7 =	simm.s32 $0x0;
	s20 =	sshll.u32 s5, $0x1;
	s5 =	sadd.s32 s21, s3  }
0x9d: {  	[timem:s7], [sflag:s22] =	dma.local [hbm:s5], s20  }
0x9e: {  	_ =	swait.ge [sflag:s22], s20  }
0x9f: {  	s4 =	ssub.s32 $0x0, s20;
	[sflag:s22] =	ssyncset.done $0x0  }
0xa0: {  	[sflag:s22] =	ssyncadd.s32 s4;
	_ =	sdelay $0x1  }
0xa1: {  	s23 =	simm.s32 $0x1B8B  }
0xa2: {  	_ =	swait.ge [sflag:s23], $0x1  }
0xa3: {  	[sflag:s23] =	ssyncset.done $0x0  }
0xa4: {  	s25 =	simm.s32 $0x1B8E;
	s24 =	sld [smem:$0x3FFE];
	[sflag:s23] =	ssyncadd.s32 $0xFFFFFFFF  }
0xa5: {  	s26 =	simm.s32 $execute0_lowered;
	[smem:$0x3FD2] =	sst s25  }
0xa6: {  	s5 =	sshll.u32 s26, $0x1;
	_ =	strace $0x80000046;
	[dreg:$0x1] =	wrdreg $0xFFFFFFFF  }
0xa7: {  	s28 =	simm.s32 $_size_execute0_lowered;
	s3 =	sadd.s32 s3, s5;
	[dreg:$0x0] =	wrdreg $0x0  }
0xa8: {  	s5 =	sshll.u32 s28, $0x1;
	[dreg:$0x2] =	wrdreg s3  }
0xa9: {  	[dreg:$0x3] =	wrdreg s5  }
0xaa: {  	[dreg:$0x4] =	wrdreg $0xC0  }
0xab: {  	_ =	task [dreg:s7], $0x5FFFF  }
0xac: {  	[dreg:$0x1] =	wrdreg $0xFFFFFFFF  }
0xad: {  	[dreg:$0x0] =	wrdreg $0x60  }
0xae: {  	[dreg:$0x2] =	wrdreg s24  }
0xaf: {  	[dreg:$0x3] =	wrdreg s2  }
0xb0: {  	[dreg:$0x4] =	wrdreg $0x9  }
0xb1: {  	_ =	task.clear_ibuf [dreg:s7], $0x5FFFF;
	_ =	strace $0x90000046  }
0xb2: {  	s29 =	simm.s32 $0x9;
	_ =	strace $0x80000048  }
0xb3: {  	_ =	swait.ge [sflag:s29], $0x1  }
0xb4: {  	[sflag:s29] =	ssyncadd.s32 $0xFFFFFFFF  }
0xb5: {  	_ =	strace $0x90000048  }
0xb6: {  	_ =	sfence  }
0xb7: {  	s30 =	sld [smem:$0x0];
	_ =	sdelay $0x2  }
0xb8: {  	s31 =	sshll.u32 s1, $0xD;
	s1 =	sshrl.u32 s1, $0x2  }
0xb9: {  	s3 =	sand.u32 $0x4000, s31;
	s1 =	sadd.s32 s1, s30  }
0xba: {  	s0 =	sor.u32 s3, s0;
	s1 =	sshll.u32 s1, $0x11  }
0xbb: {  	s0 =	sor.u32 s1, s0  }
0xbc: {  	s0 =	sadd.s32 $0x8F2B, s0  }
0xbd: {  	[sflag:s0] =	ssyncadd.remote.s32 $0x1  }
0xbe: {  	_ =	sfence.sel $0xFFFF  }
0xbf: {  	[dreg:$0x0] =	wrdreg $0xFFFFFFFF;
	(pc) =	sbr.abs _section_cstart, $3  }
0xc0: {  	[dreg:$0x1] =	wrdreg $0xFFFFFFFF  }
0xc1: {  	_ =	task.clear_ibuf [dreg:s7], $0x2FFFF;
	_ =	strace $0x9FFFFFFF  }
0xc2: {  	(tm) =	ssettm $0x7FFFFFFF  }
0xc3: {  	_ =	shalt  }
tec
execute0_lowered:
.L_overlay_start_1:
0x0: {  	(tag) =	ssettag $0x1  }
0x1: {  	s4 =	rddreg [dreg:$0x0]  }
0x2: {  	s2 =	rddreg [dreg:$0x1]  }
0x3: {  	s0 =	rddreg [dreg:$0x2]  }
0x4: {  	s5 =	srdreg.scid;
	s3 =	simm.s32 $0x0;
	s1 =	stileid.u32  }
0x5: {  	s10 =	simm.s32 $0x80;
	s11 =	simm.s32 $0x2200;
	s12 =	simm.s32 $0x2400  }
0x6: {  	s13 =	simm.s32 $0x1;
	s14 =	simm.s32 $0x2280;
	s15 =	simm.s32 $0x2480  }
0x7: {  	s16 =	simm.s32 $0x2300;
	s17 =	simm.s32 $0x2500;
	s18 =	simm.s32 $0x2380  }
0x8: {  	s19 =	simm.s32 $0x2580;
	s20 =	simm.s32 $0x2600;
	s5 =	sand.u32 $0x1, s5  }
0x9: {  	[smem:$0x7FF] =	sst s3;
	s6 =	sshll.u32 s1, $0xA;
	s7 =	sshll.u32 s5, $0x9  }
0xa: {  	_ =	strace $0x80000047;
	s5 =	ssub.s32 $0x2, s5;
	s6 =	sor.u32 s7, s6  }
0xb: {  	s31 =	sshrl.u32 s5, $0x1;
	s7 =	sshll.u32 s6, $0x7;
	s6 =	sshrl.u32 s6, $0x3  }
0xc: {  	s9 =	ssub.s32 s5, s31;
	s7 =	sadd.s32 s7, s4;
	s8 =	sadd.s32 s6, s4  }
0xd: {  	s4 =	sadd.s32 s2, s6;
	s5 =	sadd.s32 $0x800, s7;
	s6 =	sadd.s32 $0x200800, s8  }
0xe: {  	v0 =	vlaneseq.u32;
	s7 =	smax.u32 s9, $0x1;
	s8 =	simm.s32 $0x2000;
	s9 =	simm.s32 $0x2  }
.LBB2_1:
0xf: {  	[tilespmem:s8], [sflag:$0x2] =	stream.linear.gather [hbm4b:s4+s3], $0x200, $0x38;
	[tilespmem:$0x2800] =	vst v63  }
0x10: {  	_ =	swait.ge [sflag:s9], $0x200  }
0x11: {  	[sflag:s9] =	ssyncset.done $0x0  }
0x12: {  	[sflag:s9] =	ssyncadd.s32 $0xFFFFFE00  }
0x13: {  	[tilespmem:s3], [sflag:$0x2] =	stream.linear.gather [hbm4b:s5+s3], $0x2000, $0x38;
	[tilespmem:$0x2800] =	vst v63  }
0x14: {  	_ =	swait.ge [sflag:s9], $0x2000  }
0x15: {  	[sflag:s9] =	ssyncset.done $0x0  }
0x16: {  	[sflag:s9] =	ssyncadd.s32 $0xFFFFE000  }
0x17: {  	v1 =	vld [tilespmem:$0x2000]  }
0x18: {  	v2 =	vld [tilespmem:$0x2010]  }
0x19: {  	v3 =	vld [tilespmem:$0x2020]  }
0x1a: {  	v4 =	vld [tilespmem:$0x2030]  }
0x1b: {  	v5 =	vld [tilespmem:$0x2040]  }
0x1c: {  	v6 =	vld [tilespmem:$0x2050];
	v1 =	vadd.s32 v0, v1  }
0x1d: {  	[tilespmem:$0x2200] =	vst v1;
	v1 =	vadd.s32 v0, v2;
	v2 =	vld [tilespmem:$0x2060]  }
0x1e: {  	[tilespmem:$0x2210] =	vst v1;
	v1 =	vadd.s32 v0, v3;
	v3 =	vld [tilespmem:$0x2070]  }
0x1f: {  	v26 =	vld [tilespmem:$0x2080];
	[tilespmem:$0x2220] =	vst v1;
	v1 =	vadd.s32 v0, v4  }
0x20: {  	v27 =	vld [tilespmem:$0x2090];
	[tilespmem:$0x2230] =	vst v1;
	v1 =	vadd.s32 v0, v5  }
0x21: {  	v28 =	vld [tilespmem:$0x20A0];
	[tilespmem:$0x2240] =	vst v1;
	v1 =	vadd.s32 v0, v6  }
0x22: {  	[tilespmem:$0x2250] =	vst v1;
	v1 =	vadd.s32 v0, v2;
	v2 =	vld [tilespmem:$0x20B0]  }
0x23: {  	[tilespmem:$0x2260] =	vst v1;
	v1 =	vadd.s32 v0, v3;
	v3 =	vld [tilespmem:$0x20C0]  }
0x24: {  	v29 =	vld [tilespmem:$0x20D0];
	[tilespmem:$0x2270] =	vst v1;
	v1 =	vadd.s32 v0, v26  }
0x25: {  	v30 =	vld [tilespmem:$0x20E0];
	[tilespmem:$0x2280] =	vst v1;
	v1 =	vadd.s32 v0, v27  }
0x26: {  	v31 =	vld [tilespmem:$0x20F0];
	[tilespmem:$0x2290] =	vst v1;
	v1 =	vadd.s32 v0, v28  }
0x27: {  	[tilespmem:$0x22A0] =	vst v1;
	v1 =	vadd.s32 v0, v2;
	v2 =	vld [tilespmem:$0x2100]  }
0x28: {  	[tilespmem:$0x22B0] =	vst v1;
	v1 =	vadd.s32 v0, v3;
	v3 =	vld [tilespmem:$0x2110]  }
0x29: {  	v32 =	vld [tilespmem:$0x2120];
	[tilespmem:$0x22C0] =	vst v1;
	v1 =	vadd.s32 v0, v29  }
0x2a: {  	v33 =	vld [tilespmem:$0x2130];
	[tilespmem:$0x22D0] =	vst v1;
	v1 =	vadd.s32 v0, v30  }
0x2b: {  	v34 =	vld [tilespmem:$0x2140];
	[tilespmem:$0x22E0] =	vst v1;
	v1 =	vadd.s32 v0, v31  }
0x2c: {  	[tilespmem:$0x22F0] =	vst v1;
	v1 =	vadd.s32 v0, v2;
	v2 =	vld [tilespmem:$0x2150]  }
0x2d: {  	[tilespmem:$0x2300] =	vst v1;
	v1 =	vadd.s32 v0, v3;
	v3 =	vld [tilespmem:$0x2160]  }
0x2e: {  	v35 =	vld [tilespmem:$0x2170];
	[tilespmem:$0x2310] =	vst v1;
	v1 =	vadd.s32 v0, v32  }
0x2f: {  	v36 =	vld [tilespmem:$0x2180];
	[tilespmem:$0x2320] =	vst v1;
	v1 =	vadd.s32 v0, v33  }
0x30: {  	v37 =	vld [tilespmem:$0x2190];
	[tilespmem:$0x2330] =	vst v1;
	v1 =	vadd.s32 v0, v34  }
0x31: {  	[tilespmem:$0x2340] =	vst v1;
	v1 =	vadd.s32 v0, v2;
	v2 =	vld [tilespmem:$0x21A0]  }
0x32: {  	[tilespmem:$0x2350] =	vst v1;
	v1 =	vadd.s32 v0, v3;
	v3 =	vld [tilespmem:$0x21B0]  }
0x33: {  	v38 =	vld [tilespmem:$0x21C0];
	[tilespmem:$0x2360] =	vst v1;
	v1 =	vadd.s32 v0, v35  }
0x34: {  	v39 =	vld [tilespmem:$0x21D0];
	[tilespmem:$0x2370] =	vst v1;
	v1 =	vadd.s32 v0, v36  }
0x35: {  	v40 =	vld [tilespmem:$0x21E0];
	[tilespmem:$0x2380] =	vst v1;
	v1 =	vadd.s32 v0, v37  }
0x36: {  	[tilespmem:$0x2390] =	vst v1;
	v1 =	vadd.s32 v0, v2;
	v2 =	vld [tilespmem:$0x21F0]  }
0x37: {  	[tilespmem:$0x23A0] =	vst v1;
	v1 =	vadd.s32 v0, v3  }
0x38: {  	[tilespmem:$0x23B0] =	vst v1;
	v1 =	vadd.s32 v0, v38  }
0x39: {  	[tilespmem:$0x23C0] =	vst v1;
	v1 =	vadd.s32 v0, v39  }
0x3a: {  	[tilespmem:$0x23D0] =	vst v1;
	v1 =	vadd.s32 v0, v40  }
0x3b: {  	[tilespmem:$0x23E0] =	vst v1;
	v1 =	vadd.s32 v0, v2  }
0x3c: {  	[tilespmem:$0x23F0] =	vst v1  }
0x3d: {  	[tilespmem:s12], [sflag:$0x1] =	stream.indirect.gather [hbm4b:s2+s10], $0x1, s11, s10, $0xb8;
	[tilespmem:$0x2800] =	vst v63  }
0x3e: {  	_ =	swait.ge [sflag:s13], $0x80  }
0x3f: {  	[sflag:s13] =	ssyncset.done $0x0  }
0x40: {  	[sflag:s13] =	ssyncadd.s32 $0xFFFFFF80  }
0x41: {  	[tilespmem:s15], [sflag:$0x1] =	stream.indirect.gather [hbm4b:s2+s10], $0x1, s14, s10, $0xb8;
	[tilespmem:$0x2800] =	vst v63  }
0x42: {  	_ =	swait.ge [sflag:s13], $0x80  }
0x43: {  	[sflag:s13] =	ssyncset.done $0x0  }
0x44: {  	[sflag:s13] =	ssyncadd.s32 $0xFFFFFF80  }
0x45: {  	[tilespmem:s17], [sflag:$0x1] =	stream.indirect.gather [hbm4b:s2+s10], $0x1, s16, s10, $0xb8;
	[tilespmem:$0x2800] =	vst v63  }
0x46: {  	_ =	swait.ge [sflag:s13], $0x80  }
0x47: {  	[sflag:s13] =	ssyncset.done $0x0  }
0x48: {  	[sflag:s13] =	ssyncadd.s32 $0xFFFFFF80  }
0x49: {  	[tilespmem:s19], [sflag:$0x1] =	stream.indirect.gather [hbm4b:s2+s10], $0x1, s18, s10, $0xb8;
	[tilespmem:$0x2800] =	vst v63  }
0x4a: {  	_ =	swait.ge [sflag:s13], $0x80  }
0x4b: {  	[sflag:s13] =	ssyncset.done $0x0  }
0x4c: {  	[sflag:s13] =	ssyncadd.s32 $0xFFFFFF80  }
0x4d: {  	v1 =	vld [tilespmem:$0x2400]  }
0x4e: {  	v2 =	vld [tilespmem:$0x2410]  }
0x4f: {  	v3 =	vld [tilespmem:$0x2420]  }
0x50: {  	v41 =	vld [tilespmem:$0x2430]  }
0x51: {  	v42 =	vld [tilespmem:$0x2440]  }
0x52: {  	v43 =	vld [tilespmem:$0x2450];
	v1 =	vcvt.s32.f32 v1  }
0x53: {  	v7 =	vld [tilespmem:$0x2460];
	v2 =	vcvt.s32.f32 v2  }
0x54: {  	[tilespmem:$0x2600] =	vst v1;
	v1 =	vcvt.s32.f32 v3;
	v3 =	vld [tilespmem:$0x2470]  }
0x55: {  	v44 =	vld [tilespmem:$0x2480];
	[tilespmem:$0x2610] =	vst v2;
	v2 =	vcvt.s32.f32 v41  }
0x56: {  	v45 =	vld [tilespmem:$0x2490];
	[tilespmem:$0x2620] =	vst v1;
	v1 =	vcvt.s32.f32 v42  }
0x57: {  	v46 =	vld [tilespmem:$0x24A0];
	[tilespmem:$0x2630] =	vst v2;
	v2 =	vcvt.s32.f32 v43  }
0x58: {  	v47 =	vld [tilespmem:$0x24B0];
	[tilespmem:$0x2640] =	vst v1;
	v1 =	vcvt.s32.f32 v7  }
0x59: {  	[tilespmem:$0x2650] =	vst v2;
	v2 =	vcvt.s32.f32 v3;
	v3 =	vld [tilespmem:$0x24C0]  }
0x5a: {  	v48 =	vld [tilespmem:$0x24D0];
	[tilespmem:$0x2660] =	vst v1;
	v1 =	vcvt.s32.f32 v44  }
0x5b: {  	v49 =	vld [tilespmem:$0x24E0];
	[tilespmem:$0x2670] =	vst v2;
	v2 =	vcvt.s32.f32 v45  }
0x5c: {  	v50 =	vld [tilespmem:$0x24F0];
	[tilespmem:$0x2680] =	vst v1;
	v1 =	vcvt.s32.f32 v46  }
0x5d: {  	v51 =	vld [tilespmem:$0x2500];
	[tilespmem:$0x2690] =	vst v2;
	v2 =	vcvt.s32.f32 v47  }
0x5e: {  	[tilespmem:$0x26A0] =	vst v1;
	v1 =	vcvt.s32.f32 v3;
	v3 =	vld [tilespmem:$0x2510]  }
0x5f: {  	v52 =	vld [tilespmem:$0x2520];
	[tilespmem:$0x26B0] =	vst v2;
	v2 =	vcvt.s32.f32 v48  }
0x60: {  	v53 =	vld [tilespmem:$0x2530];
	[tilespmem:$0x26C0] =	vst v1;
	v1 =	vcvt.s32.f32 v49  }
0x61: {  	v54 =	vld [tilespmem:$0x2540];
	[tilespmem:$0x26D0] =	vst v2;
	v2 =	vcvt.s32.f32 v50  }
0x62: {  	v55 =	vld [tilespmem:$0x2550];
	[tilespmem:$0x26E0] =	vst v1;
	v1 =	vcvt.s32.f32 v51  }
0x63: {  	[tilespmem:$0x26F0] =	vst v2;
	v2 =	vcvt.s32.f32 v3;
	v3 =	vld [tilespmem:$0x2560]  }
0x64: {  	v56 =	vld [tilespmem:$0x2570];
	[tilespmem:$0x2700] =	vst v1;
	v1 =	vcvt.s32.f32 v52  }
0x65: {  	v57 =	vld [tilespmem:$0x2580];
	[tilespmem:$0x2710] =	vst v2;
	v2 =	vcvt.s32.f32 v53  }
0x66: {  	v58 =	vld [tilespmem:$0x2590];
	[tilespmem:$0x2720] =	vst v1;
	v1 =	vcvt.s32.f32 v54  }
0x67: {  	v59 =	vld [tilespmem:$0x25A0];
	[tilespmem:$0x2730] =	vst v2;
	v2 =	vcvt.s32.f32 v55  }
0x68: {  	[tilespmem:$0x2740] =	vst v1;
	v1 =	vcvt.s32.f32 v3;
	v3 =	vld [tilespmem:$0x25B0]  }
0x69: {  	v60 =	vld [tilespmem:$0x25C0];
	[tilespmem:$0x2750] =	vst v2;
	v2 =	vcvt.s32.f32 v56  }
0x6a: {  	v61 =	vld [tilespmem:$0x25D0];
	[tilespmem:$0x2760] =	vst v1;
	v1 =	vcvt.s32.f32 v57  }
0x6b: {  	v62 =	vld [tilespmem:$0x25E0];
	[tilespmem:$0x2770] =	vst v2;
	v2 =	vcvt.s32.f32 v58  }
0x6c: {  	v63 =	vld [tilespmem:$0x25F0];
	[tilespmem:$0x2780] =	vst v1;
	v1 =	vcvt.s32.f32 v59  }
0x6d: {  	[tilespmem:$0x2790] =	vst v2;
	v2 =	vcvt.s32.f32 v3  }
0x6e: {  	[tilespmem:$0x27A0] =	vst v1;
	v1 =	vcvt.s32.f32 v60  }
0x6f: {  	[tilespmem:$0x27B0] =	vst v2;
	v2 =	vcvt.s32.f32 v61  }
0x70: {  	[tilespmem:$0x27C0] =	vst v1;
	v1 =	vcvt.s32.f32 v62  }
0x71: {  	[tilespmem:$0x27D0] =	vst v2;
	v2 =	vcvt.s32.f32 v63  }
0x72: {  	p0 =	sne.s32 s7, $0x1;
	[tilespmem:$0x27E0] =	vst v1  }
.Ltmp0:
0x73: {  	[tilespmem:$0x27F0] =	vst v2;
	(pc) =	sbr.rel @p0 .LBB2_1-.Ltmp0, $4  }
0x74: {  	[hbm4b:s6+s3] =	stream.linear.scatter [tilespmem:s20], [sflag:$0x2], $0x200, $0x38;
	[tilespmem:$0x2800] =	vst v63  }
0x75: {  	_ =	swait.ge [sflag:s9], $0x200  }
0x76: {  	[sflag:s9] =	ssyncset.done $0x0  }
0x77: {  	s7 =	sadd.s32 $0xFFFFFFFF, s7;
	[sflag:s9] =	ssyncadd.s32 $0xFFFFFE00  }
0x78: {  	_ =	sfence.sel $0x180000  }
0x79: {  	[bflag:$0x0] =	sbarrier.arrive $0xFFFF  }
0x7a: {  	p0 =	sne.s32 s1, $0x0;
	_ =	strace $0x90000047  }
0x7b: {  	s0 =	sadd.s32 @!p0 $0x100000, s0;
	[bflag:$0x2] =	sbarrier.arrive $0xFFFF  }
0x7c: {  	[sflag:s0] =	ssyncadd.tile.s32 @!p0 $0x1;
	_ =	shalt  }
.Lfunc_end2:
_tile_overlayer_lowered:
.L_overlay_start_2:
0x7d: {  	(tag) =	ssettag $0x2  }
0x7e: {  	s0 =	rddreg [dreg:$0x0];
	s2 =	stileid.u32  }
0x7f: {  	s1 =	rddreg [dreg:$0x1];
	p0 =	sne.s32 s2, $0x0  }
0x80: {  	s3 =	rddreg [dreg:$0x2];
	[bflag:$0x3] =	sbarrier.arrive $0xFFFF;
	s2 =	simm.s32 @!p0 $0x1C02  }
0x81: {  	[timem:s3], [sflag:s2] =	dma.local @!p0 [hbm:s0], s1  }
0x82: {  	s0 =	simm.s32 @!p0 $0x2  }
0x83: {  	_ =	swait.ge @!p0 [sflag:s0], s1  }
0x84: {  	s1 =	ssub.s32 @!p0 $0x0, s1;
	[sflag:s0] =	ssyncset.done @!p0 $0x0  }
0x85: {  	[sflag:s0] =	ssyncadd.s32 @!p0 s1  }
0x86: {  	[bflag:$0x3] =	sbarrier.arrive $0xFFFF  }
0x87: {  	_ =	shalt  }

</sc_bundles>
